<compile_context>
chip_gen: v7x
topology: tpu7x:2x2x1
jax: 0.10.2.dev20260603
libtpu: 0.0.44.dev20260713+nightly
codegen_flags: <defaults>
</compile_context>

<pallas_src>
import jax
import jax.numpy as jnp
from jax import lax
from jax.experimental import pallas as pl
from jax.experimental.pallas import tpu as pltpu
from jax.experimental.pallas import tpu_sc as plsc

_B, _L, _D, _M = 1024, 50, 64, 10
_BL = _B * _L
_NW = 32
_NS = _BL // _NW
_NI = _NS * _M
_CQ = 80
_NQC = _NS // _CQ
_CI = 128
_NIC = _NI // _CI
_PAD = 0


def _q_body(sample_ref, map_query_ref, map_items_flat_ref, query_table_ref,
            out_q_ref, out_m_ref, out_iid_ref,
            sids_v, qids_v, eidx_v, iids_v, mask_v, pad_v,
            qb0, qb1,
            sem_q, sem_i, sem_m, sem_w,
            g0, g1, w0, w1):
  wid = lax.axis_index("s") * 2 + lax.axis_index("c")
  base = wid * _NS
  iota = lax.iota(jnp.int32, 16)
  ten = jnp.full((16,), _M, jnp.int32)
  zrow = jnp.zeros((16,), jnp.float32)
  ones = jnp.full((16,), 1, jnp.int32)
  zeros_i = jnp.full((16,), 0, jnp.int32)
  qbufs = (qb0, qb1)
  gsems = (g0, g1)
  wsems = (w0, w1)

  pltpu.sync_copy(sample_ref.at[pl.ds(base, _NS)], sids_v)

  @pl.loop(0, 12)
  def _qid_fire(k):
    o = k * 128
    pltpu.async_copy(map_query_ref.at[sids_v.at[pl.ds(o, 128)]],
                     qids_v.at[pl.ds(o, 128)], sem_q)
  pltpu.async_copy(map_query_ref.at[sids_v.at[pl.ds(1536, 64)]],
                   qids_v.at[pl.ds(1536, 64)], sem_q)

  pad_v[...] = zeros_i

  @pl.loop(0, _NI // 128)
  def _eidx(k):
    for g in range(8):
      j = k * 128 + g * 16 + iota
      srow = lax.div(j, ten)
      col = j - srow * _M
      sid = plsc.load_gather(sids_v, [srow])
      eidx_v[pl.ds(k * 128 + g * 16, 16)] = sid * _M + col
      pad_v[...] = pad_v[...] | jnp.where(sid == _PAD, ones, zeros_i)

  has_pad = jnp.max(pad_v[...]) != 0

  @pl.loop(0, _NIC)
  def _iid_fire(k):
    o = k * _CI
    pltpu.async_copy(map_items_flat_ref.at[eidx_v.at[pl.ds(o, _CI)]],
                     iids_v.at[pl.ds(o, _CI)], sem_i)

  pltpu.make_async_copy(map_query_ref.at[pl.ds(0, _NS)], qids_v, sem_q).wait()

  pltpu.async_copy(query_table_ref.at[qids_v.at[pl.ds(0, _CQ)]], qb0, g0)
  pltpu.async_copy(query_table_ref.at[qids_v.at[pl.ds(_CQ, _CQ)]], qb1, g1)

  @pl.loop(0, _NQC // 2)
  def _q_ring(k):
    for b in range(2):
      c = k * 2 + b
      o = c * _CQ
      buf, gs, ws = qbufs[b], gsems[b], wsems[b]
      pltpu.make_async_copy(
          query_table_ref.at[qids_v.at[pl.ds(0, _CQ)]], buf, gs).wait()

      @pl.when(has_pad)
      def _fixup():
        for gq in range(_CQ // 16):
          m = sids_v[pl.ds(o + gq * 16, 16)] == _PAD

          @pl.when(jnp.any(m))
          def _zero():
            rows = gq * 16 + iota

            @pl.loop(0, _D)
            def _zc(cc):
              ccol = jnp.full((16,), cc, jnp.int32)
              plsc.store_scatter(buf, [rows, ccol], zrow, mask=m)

      pltpu.async_copy(buf, out_q_ref.at[pl.ds(base + o, _CQ), :], ws)

      @pl.when(c < _NQC - 2)
      def _next():
        pltpu.make_async_copy(
            buf, out_q_ref.at[pl.ds(base, _CQ), :], ws).wait()
        pltpu.async_copy(
            query_table_ref.at[qids_v.at[pl.ds(o + 2 * _CQ, _CQ)]], buf, gs)

  pltpu.make_async_copy(
      map_items_flat_ref.at[pl.ds(0, _NI)], iids_v, sem_i).wait()

  @pl.loop(0, _NI // 16)
  def _mask(k):
    iid = iids_v[pl.ds(k * 16, 16)]
    mask_v[pl.ds(k * 16, 16)] = jnp.where(iid != _PAD, ones, zeros_i)

  @pl.when(has_pad)
  def _mask_fix():
    @pl.loop(0, _NS // 16)
    def _mfix(g):
      sid = sids_v[pl.ds(g * 16, 16)]
      m = sid == _PAD

      @pl.when(jnp.any(m))
      def _zero():
        srow = g * 16 + iota
        for mm in range(_M):
          plsc.store_scatter(mask_v, [srow * _M + mm], zeros_i, mask=m)

  pltpu.async_copy(mask_v, out_m_ref.at[pl.ds(base * _M, _NI)], sem_m)
  pltpu.async_copy(iids_v, out_iid_ref.at[pl.ds(base * _M, _NI)], sem_w)

  pltpu.make_async_copy(qb0, out_q_ref.at[pl.ds(base, _CQ), :], w0).wait()
  pltpu.make_async_copy(qb1, out_q_ref.at[pl.ds(base, _CQ), :], w1).wait()
  pltpu.make_async_copy(
      mask_v, out_m_ref.at[pl.ds(base * _M, _NI)], sem_m).wait()
  pltpu.make_async_copy(
      iids_v, out_iid_ref.at[pl.ds(base * _M, _NI)], sem_w).wait()


def _i_body(sample_ref, iid_ref, item_table_ref,
            out_i_ref,
            sids_v, iids_v, pad_v,
            ib0, ib1, ib2, ib3,
            g0, g1, g2, g3, w0, w1, w2, w3):
  wid = lax.axis_index("s") * 2 + lax.axis_index("c")
  base = wid * _NS
  iota = lax.iota(jnp.int32, 16)
  ten = jnp.full((16,), _M, jnp.int32)
  zrow = jnp.zeros((16,), jnp.float32)
  ones = jnp.full((16,), 1, jnp.int32)
  zeros_i = jnp.full((16,), 0, jnp.int32)
  ibufs = (ib0, ib1, ib2, ib3)
  gsems = (g0, g1, g2, g3)
  wsems = (w0, w1, w2, w3)

  pltpu.sync_copy(sample_ref.at[pl.ds(base, _NS)], sids_v)
  pltpu.sync_copy(iid_ref.at[pl.ds(base * _M, _NI)], iids_v)

  pad_v[...] = zeros_i

  @pl.loop(0, _NS // 16)
  def _pscan(g):
    sid = sids_v[pl.ds(g * 16, 16)]
    pad_v[...] = pad_v[...] | jnp.where(sid == _PAD, ones, zeros_i)

  has_pad = jnp.max(pad_v[...]) != 0

  for b in range(4):
    pltpu.async_copy(
        item_table_ref.at[iids_v.at[pl.ds(b * _CI, _CI)]], ibufs[b], gsems[b])

  @pl.loop(0, (_NIC + 3) // 4)
  def _i_ring(k):
    for b in range(4):
      c = k * 4 + b

      @pl.when(c < _NIC)
      def _chunk():
        o = c * _CI
        buf, gs, ws = ibufs[b], gsems[b], wsems[b]
        pltpu.make_async_copy(
            item_table_ref.at[iids_v.at[pl.ds(0, _CI)]], buf, gs).wait()

        @pl.when(has_pad)
        def _fixup():
          for gq in range(_CI // 16):
            j = o + gq * 16 + iota
            srow = lax.div(j, ten)
            sid = plsc.load_gather(sids_v, [srow])
            m = sid == _PAD

            @pl.when(jnp.any(m))
            def _zero():
              rows = gq * 16 + iota

              @pl.loop(0, _D)
              def _zc(cc):
                ccol = jnp.full((16,), cc, jnp.int32)
                plsc.store_scatter(buf, [rows, ccol], zrow, mask=m)

        pltpu.async_copy(buf, out_i_ref.at[pl.ds(base * _M + o, _CI), :], ws)

        @pl.when(c + 4 < _NIC)
        def _next():
          pltpu.make_async_copy(
              buf, out_i_ref.at[pl.ds(base * _M, _CI), :], ws).wait()
          pltpu.async_copy(
              item_table_ref.at[iids_v.at[pl.ds(o + 4 * _CI, _CI)]], buf, gs)

  for b in range(4):
    pltpu.make_async_copy(
        ibufs[b], out_i_ref.at[pl.ds(base * _M, _CI), :], wsems[b]).wait()


@jax.jit
def _sc_call(sample_flat, map_query, map_items_flat, query_table, item_table):
  mesh = plsc.VectorSubcoreMesh(core_axis_name="c", subcore_axis_name="s")
  fq = pl.kernel(
      _q_body,
      out_type=(
          jax.ShapeDtypeStruct((_BL, _D), jnp.float32),
          jax.ShapeDtypeStruct((_BL * _M,), jnp.int32),
          jax.ShapeDtypeStruct((_BL * _M,), jnp.int32),
      ),
      mesh=mesh,
      compiler_params=pltpu.CompilerParams(
          needs_layout_passes=False, use_tc_tiling_on_sc=False),
      scratch_types=[
          pltpu.VMEM((_NS,), jnp.int32),
          pltpu.VMEM((_NS,), jnp.int32),
          pltpu.VMEM((_NI,), jnp.int32),
          pltpu.VMEM((_NI,), jnp.int32),
          pltpu.VMEM((_NI,), jnp.int32),
          pltpu.VMEM((16,), jnp.int32),
          pltpu.VMEM((_CQ, _D), jnp.float32),
          pltpu.VMEM((_CQ, _D), jnp.float32),
          pltpu.SemaphoreType.DMA,
          pltpu.SemaphoreType.DMA,
          pltpu.SemaphoreType.DMA,
          pltpu.SemaphoreType.DMA,
          pltpu.SemaphoreType.DMA,
          pltpu.SemaphoreType.DMA,
          pltpu.SemaphoreType.DMA,
          pltpu.SemaphoreType.DMA,
      ],
  )
  out_q, out_m, out_iid = fq(sample_flat, map_query, map_items_flat,
                             query_table)

  fi = pl.kernel(
      _i_body,
      out_type=jax.ShapeDtypeStruct((_BL * _M, _D), jnp.float32),
      mesh=mesh,
      compiler_params=pltpu.CompilerParams(
          needs_layout_passes=False, use_tc_tiling_on_sc=False),
      scratch_types=[
          pltpu.VMEM((_NS,), jnp.int32),
          pltpu.VMEM((_NI,), jnp.int32),
          pltpu.VMEM((16,), jnp.int32),
          pltpu.VMEM((_CI, _D), jnp.float32),
          pltpu.VMEM((_CI, _D), jnp.float32),
          pltpu.VMEM((_CI, _D), jnp.float32),
          pltpu.VMEM((_CI, _D), jnp.float32),
          pltpu.SemaphoreType.DMA,
          pltpu.SemaphoreType.DMA,
          pltpu.SemaphoreType.DMA,
          pltpu.SemaphoreType.DMA,
          pltpu.SemaphoreType.DMA,
          pltpu.SemaphoreType.DMA,
          pltpu.SemaphoreType.DMA,
          pltpu.SemaphoreType.DMA,
      ],
  )
  out_i = fi(sample_flat, out_iid, item_table)
  return out_q, out_i, out_m


def kernel(sample, map_query, map_pos_items, query_table, item_table):
  out_q, out_i, out_m = _sc_call(
      sample.reshape(-1), map_query, map_pos_items.reshape(-1),
      query_table, item_table)
  return (
      out_q.reshape(_B, _L, _D),
      out_i.reshape(_B, _L, _M, _D),
      out_m.reshape(_B, _L, _M).astype(jnp.bool_),
  )

# --- scband reference (transcript-rebuilt; emitter-appended) ---
"""Pipeline reference for scband-src-session-feat-89936615178781 (READ-ONLY COPY).

The authoritative reference and input builder live on the scoring server;
editing this copy changes nothing except your own understanding.
"""

import jax, jax.numpy as jnp
import numpy as np

B, L = 1024, 50
N_SESSIONS = 100000
NUM_QUERIES = 100000
NUM_ITEMS = 1000000
D = 64          # const.final_emb_size
M = 10          # const.max_session_item_len
PAD_SESSION = 0 # const.PAD_SEARCH_SESSION_ID
PAD_ITEM = 0    # const.PAD_ITEM_ID


def setup_inputs(seed: int = 0) -> dict:
    key = jax.random.key(seed)
    k0, k1, k2, k3, k4 = jax.random.split(key, 5)
    sample = jax.random.randint(k0, (B, L), 0, N_SESSIONS, dtype=jnp.int32)
    # map_vocab['query']: session id -> query id
    map_query = jax.random.randint(k1, (N_SESSIONS,), 0, NUM_QUERIES, dtype=jnp.int32)
    # map_vocab['pos_items']: session id -> clicked item id list (with pads)
    map_pos_items = jax.random.randint(k2, (N_SESSIONS, M), 0, NUM_ITEMS, dtype=jnp.int32)
    # learned embedding tables (query_feat / item_feat modeled as embedding lookups)
    query_table = jax.random.normal(k3, (NUM_QUERIES, D), dtype=jnp.float32) * 0.02
    item_table = jax.random.normal(k4, (NUM_ITEMS, D), dtype=jnp.float32) * 0.02
    return {
        "sample": sample,
        "map_query": map_query,
        "map_pos_items": map_pos_items,
        "query_table": query_table,
        "item_table": item_table,
    }


def reference(sample, map_query, map_pos_items, query_table, item_table):
    flat = sample.reshape(-1)                      # [B*L]
    sess_mask = (flat != PAD_SESSION)              # [B*L]
    # map session id -> query id / pos item ids
    qids = jnp.take(map_query, flat, axis=0)       # [B*L]
    iids = jnp.take(map_pos_items, flat, axis=0)   # [B*L, M]
    # gather embeddings; masked (pad) entries are zeroed, matching the torch
    # code that only writes embeddings where sub_mask is true
    q_emb = jnp.take(query_table, qids, axis=0)    # [B*L, D]
    q_emb = q_emb * sess_mask[:, None].astype(jnp.float32)
    item_mask = (iids != PAD_ITEM) & sess_mask[:, None]   # [B*L, M]
    i_emb = jnp.take(item_table, iids, axis=0)     # [B*L, M, D]
    i_emb = i_emb * sess_mask[:, None, None].astype(jnp.float32)
    result_query_emb = q_emb.reshape(B, L, D)
    result_item_emb = i_emb.reshape(B, L, M, D)
    result_item_mask = item_mask.reshape(B, L, M)
    return (result_query_emb, result_item_emb, result_item_mask)

if __name__ == "__main__":
    import jax
    _d = setup_inputs()
    print(jax.jit(kernel)(*tuple(_d.values())))

</pallas_src>

<mosaic_0001>
#map = affine_map<(d0, d1) -> (0)>
#map1 = affine_map<(d0, d1) -> (0, 0)>
module attributes {stable_mosaic.version = 14 : i64} {
  func.func @_q_body(%arg0: i32, %arg1: i32, %arg2: memref<51200xi32, #tpu.memory_space<hbm>>, %arg3: memref<100000xi32, #tpu.memory_space<hbm>>, %arg4: memref<1000000xi32, #tpu.memory_space<hbm>>, %arg5: memref<100000x64xf32, #tpu.memory_space<hbm>>, %arg6: memref<51200x64xf32, #tpu.memory_space<hbm>>, %arg7: memref<512000xi32, #tpu.memory_space<hbm>>, %arg8: memref<512000xi32, #tpu.memory_space<hbm>>, %arg9: memref<1600xi32, #tpu.memory_space<vmem>>, %arg10: memref<1600xi32, #tpu.memory_space<vmem>>, %arg11: memref<16000xi32, #tpu.memory_space<vmem>>, %arg12: memref<16000xi32, #tpu.memory_space<vmem>>, %arg13: memref<16000xi32, #tpu.memory_space<vmem>>, %arg14: memref<16xi32, #tpu.memory_space<vmem>>, %arg15: memref<80x64xf32, #tpu.memory_space<vmem>>, %arg16: memref<80x64xf32, #tpu.memory_space<vmem>>, %arg17: memref<!tpu.dma_semaphore, #tpu.memory_space<semaphore_mem>>, %arg18: memref<!tpu.dma_semaphore, #tpu.memory_space<semaphore_mem>>, %arg19: memref<!tpu.dma_semaphore, #tpu.memory_space<semaphore_mem>>, %arg20: memref<!tpu.dma_semaphore, #tpu.memory_space<semaphore_mem>>, %arg21: memref<!tpu.dma_semaphore, #tpu.memory_space<semaphore_mem>>, %arg22: memref<!tpu.dma_semaphore, #tpu.memory_space<semaphore_mem>>, %arg23: memref<!tpu.dma_semaphore, #tpu.memory_space<semaphore_mem>>, %arg24: memref<!tpu.dma_semaphore, #tpu.memory_space<semaphore_mem>>) attributes {dimension_semantics = [#tpu.dimension_semantics<core_parallel>, #tpu.dimension_semantics<subcore_parallel>], iteration_bounds = array<i64: 2, 16>, scalar_prefetch = 0 : i64, scratch_operands = 16 : i64, tpu.core_type = #tpu.core_type<sc_vector_subcore>, window_params = [{transform_indices = #map}, {transform_indices = #map}, {transform_indices = #map}, {transform_indices = #map1}, {transform_indices = #map1}, {transform_indices = #map}, {transform_indices = #map}]} {
    %mul3A = arith.constant 2 : i32
    %mul3A_0 = arith.muli %arg1, %mul3A : i32
    %add3A = arith.addi %mul3A_0, %arg0 : i32
    %mul3A_1 = arith.constant 1600 : i32
    %mul3A_2 = arith.muli %add3A, %mul3A_1 : i32
    %iota3A = tpu.iota {dimensions = array<i32: 0>} : vector<16xi32>
    %broadcast_in_dim3A = arith.constant 10 : i32
    %broadcast_in_dim3A_3 = vector.broadcast %broadcast_in_dim3A : i32 to vector<16xi32>
    %broadcast_in_dim3A_4 = arith.constant 0.000000e+00 : f32
    %broadcast_in_dim3A_5 = vector.broadcast %broadcast_in_dim3A_4 : f32 to vector<16xf32>
    %broadcast_in_dim3A_6 = arith.constant 1 : i32
    %broadcast_in_dim3A_7 = vector.broadcast %broadcast_in_dim3A_6 : i32 to vector<16xi32>
    %broadcast_in_dim3A_8 = arith.constant 0 : i32
    %broadcast_in_dim3A_9 = vector.broadcast %broadcast_in_dim3A_8 : i32 to vector<16xi32>
    "tpu.region"() ({
      %run_scoped3A = tpu.sem_alloc : memref<!tpu.dma_semaphore, #tpu.memory_space<semaphore_mem>>
      %dma_start3A_91 = tpu.memref_slice %arg2[%mul3A_2] : memref<51200xi32, #tpu.memory_space<hbm>> -> memref<1600xi32, #tpu.memory_space<hbm>>
      %dma_start3A_92 = tpu.memref_slice %arg2[%mul3A_2] : memref<51200xi32, #tpu.memory_space<hbm>> -> memref<1600xi32, #tpu.memory_space<hbm>>
      tpu.enqueue_dma source(%dma_start3A_92 : memref<1600xi32, #tpu.memory_space<hbm>>) target(%arg9 : memref<1600xi32, #tpu.memory_space<vmem>>) target_semaphore(%run_scoped3A : memref<!tpu.dma_semaphore, #tpu.memory_space<semaphore_mem>>)
      %dma_wait3A_93 = tpu.memref_slice %arg2[%mul3A_2] : memref<51200xi32, #tpu.memory_space<hbm>> -> memref<1600xi32, #tpu.memory_space<hbm>>
      %dma_wait3A_94 = tpu.memref_slice %arg2[%mul3A_2] : memref<51200xi32, #tpu.memory_space<hbm>> -> memref<1600xi32, #tpu.memory_space<hbm>>
      tpu.wait_dma2 semaphore(%run_scoped3A : memref<!tpu.dma_semaphore, #tpu.memory_space<semaphore_mem>>) src(%dma_wait3A_94 : memref<1600xi32, #tpu.memory_space<hbm>>) dst(%arg9 : memref<1600xi32, #tpu.memory_space<vmem>>)
      tpu.yield
    }) : () -> ()
    %scan3A = arith.constant 0 : i32
    %scan3A_10 = arith.constant 12 : i32
    %scan3A_11 = arith.addi %scan3A, %scan3A_10 : i32
    %scan3A_12 = arith.constant 1 : i32
    scf.for %scan3A_91 = %scan3A to %scan3A_11 step %scan3A_12  : i32 {
      %mul3A_92 = arith.constant 1 : i32
      %mul3A_93 = arith.muli %scan3A_91, %mul3A_92 : i32
      %add3A_94 = arith.constant 0 : i32
      %add3A_95 = arith.addi %add3A_94, %mul3A_93 : i32
      %mul3A_96 = arith.constant 128 : i32
      %mul3A_97 = arith.muli %add3A_95, %mul3A_96 : i32
      %dma_start3A_98 = tpu.memref_slice %arg10[%mul3A_97] : memref<1600xi32, #tpu.memory_space<vmem>> -> memref<128xi32, #tpu.memory_space<vmem>>
      %dma_start3A_99 = tpu.memref_slice %arg9[%mul3A_97] : memref<1600xi32, #tpu.memory_space<vmem>> -> memref<128xi32, #tpu.memory_space<vmem>>
      %dma_start3A_100 = arith.constant 0 : i32
      %dma_start3A_101 = tpu.memref_slice %arg3[%dma_start3A_100] : memref<100000xi32, #tpu.memory_space<hbm>> -> memref<100000xi32, #tpu.memory_space<hbm>>
      tpu.enqueue_indirect_dma source(%dma_start3A_101 : memref<100000xi32, #tpu.memory_space<hbm>>) target(%dma_start3A_98 : memref<128xi32, #tpu.memory_space<vmem>>) offsets(%dma_start3A_99 : memref<128xi32, #tpu.memory_space<vmem>>) semaphore(%arg17 : memref<!tpu.dma_semaphore, #tpu.memory_space<semaphore_mem>>)
    }
    %scan3A_13 = arith.constant 12 : i32
    %dma_start3A = arith.constant 1536 : i32
    %dma_start3A_14 = tpu.memref_slice %arg10[%dma_start3A] : memref<1600xi32, #tpu.memory_space<vmem>> -> memref<64xi32, #tpu.memory_space<vmem>>
    %dma_start3A_15 = arith.constant 1536 : i32
    %dma_start3A_16 = tpu.memref_slice %arg9[%dma_start3A_15] : memref<1600xi32, #tpu.memory_space<vmem>> -> memref<64xi32, #tpu.memory_space<vmem>>
    %dma_start3A_17 = arith.constant 0 : i32
    %dma_start3A_18 = tpu.memref_slice %arg3[%dma_start3A_17] : memref<100000xi32, #tpu.memory_space<hbm>> -> memref<100000xi32, #tpu.memory_space<hbm>>
    tpu.enqueue_indirect_dma source(%dma_start3A_18 : memref<100000xi32, #tpu.memory_space<hbm>>) target(%dma_start3A_14 : memref<64xi32, #tpu.memory_space<vmem>>) offsets(%dma_start3A_16 : memref<64xi32, #tpu.memory_space<vmem>>) semaphore(%arg17 : memref<!tpu.dma_semaphore, #tpu.memory_space<semaphore_mem>>)
    %swap3A = arith.constant 0 : index
    %swap3A_19 = tpu.vector_load %arg14[%swap3A] {strides = array<i32>} : memref<16xi32, #tpu.memory_space<vmem>>, vector<16xi32>,
    tpu.vector_store %arg14[%swap3A], %broadcast_in_dim3A_9 {strides = array<i32>} : memref<16xi32, #tpu.memory_space<vmem>>, vector<16xi32>,
    %scan3A_20 = arith.constant 0 : i32
    %scan3A_21 = arith.constant 125 : i32
    %scan3A_22 = arith.addi %scan3A_20, %scan3A_21 : i32
    %scan3A_23 = arith.constant 1 : i32
    scf.for %scan3A_91 = %scan3A_20 to %scan3A_22 step %scan3A_23  : i32 {
      %mul3A_92 = arith.constant 1 : i32
      %mul3A_93 = arith.muli %scan3A_91, %mul3A_92 : i32
      %add3A_94 = arith.constant 0 : i32
      %add3A_95 = arith.addi %add3A_94, %mul3A_93 : i32
      %mul3A_96 = arith.constant 128 : i32
      %mul3A_97 = arith.muli %add3A_95, %mul3A_96 : i32
      %add3A_98 = arith.constant 0 : i32
      %add3A_99 = arith.addi %mul3A_97, %add3A_98 : i32
      %add3A_100 = vector.broadcast %add3A_99 : i32 to vector<16xi32>
      %add3A_101 = arith.addi %add3A_100, %iota3A : vector<16xi32>
      %div3A = arith.divsi %add3A_101, %broadcast_in_dim3A_3 : vector<16xi32>
      %mul3A_102 = arith.constant 10 : i32
      %mul3A_103 = vector.broadcast %mul3A_102 : i32 to vector<16xi32>
      %mul3A_104 = arith.muli %div3A, %mul3A_103 : vector<16xi32>
      %sub3A = arith.subi %add3A_101, %mul3A_104 : vector<16xi32>
      %gather3A = tpu.vector_load_idx %arg9[%div3A] : memref<1600xi32, #tpu.memory_space<vmem>>[vector<16xi32>], vector<16xi32>,
      %mul3A_105 = arith.constant 10 : i32
      %mul3A_106 = vector.broadcast %mul3A_105 : i32 to vector<16xi32>
      %mul3A_107 = arith.muli %gather3A, %mul3A_106 : vector<16xi32>
      %add3A_108 = arith.addi %mul3A_107, %sub3A : vector<16xi32>
      %mul3A_109 = arith.constant 128 : i32
      %mul3A_110 = arith.muli %add3A_95, %mul3A_109 : i32
      %add3A_111 = arith.constant 0 : i32
      %add3A_112 = arith.addi %mul3A_110, %add3A_111 : i32
      %swap3A_113 = arith.index_cast %add3A_112 : i32 to index
      %swap3A_114 = tpu.vector_load %arg11[%swap3A_113] {strides = array<i32>} : memref<16000xi32, #tpu.memory_space<vmem>>, vector<16xi32>,
      tpu.vector_store %arg11[%swap3A_113], %add3A_108 {strides = array<i32>} : memref<16000xi32, #tpu.memory_space<vmem>>, vector<16xi32>,
      %get3A_115 = arith.constant 0 : index
      %get3A_116 = tpu.vector_load %arg14[%get3A_115] {strides = array<i32>} : memref<16xi32, #tpu.memory_space<vmem>>, vector<16xi32>,
      %eq3A = arith.constant 0 : i32
      %eq3A_117 = vector.broadcast %eq3A : i32 to vector<16xi32>
      %eq3A_118 = arith.cmpi eq, %gather3A, %eq3A_117 : vector<16xi32>
      %select_n3A = arith.select %eq3A_118, %broadcast_in_dim3A_7, %broadcast_in_dim3A_9 : vector<16xi1>, vector<16xi32>
      %or3A = arith.ori %get3A_116, %select_n3A : vector<16xi32>
      %swap3A_119 = arith.constant 0 : index
      %swap3A_120 = tpu.vector_load %arg14[%swap3A_119] {strides = array<i32>} : memref<16xi32, #tpu.memory_space<vmem>>, vector<16xi32>,
      tpu.vector_store %arg14[%swap3A_119], %or3A {strides = array<i32>} : memref<16xi32, #tpu.memory_space<vmem>>, vector<16xi32>,
      %mul3A_121 = arith.constant 128 : i32
      %mul3A_122 = arith.muli %add3A_95, %mul3A_121 : i32
      %add3A_123 = arith.constant 16 : i32
      %add3A_124 = arith.addi %mul3A_122, %add3A_123 : i32
      %add3A_125 = vector.broadcast %add3A_124 : i32 to vector<16xi32>
      %add3A_126 = arith.addi %add3A_125, %iota3A : vector<16xi32>
      %div3A_127 = arith.divsi %add3A_126, %broadcast_in_dim3A_3 : vector<16xi32>
      %mul3A_128 = arith.constant 10 : i32
      %mul3A_129 = vector.broadcast %mul3A_128 : i32 to vector<16xi32>
      %mul3A_130 = arith.muli %div3A_127, %mul3A_129 : vector<16xi32>
      %sub3A_131 = arith.subi %add3A_126, %mul3A_130 : vector<16xi32>
      %gather3A_132 = tpu.vector_load_idx %arg9[%div3A_127] : memref<1600xi32, #tpu.memory_space<vmem>>[vector<16xi32>], vector<16xi32>,
      %mul3A_133 = arith.constant 10 : i32
      %mul3A_134 = vector.broadcast %mul3A_133 : i32 to vector<16xi32>
      %mul3A_135 = arith.muli %gather3A_132, %mul3A_134 : vector<16xi32>
      %add3A_136 = arith.addi %mul3A_135, %sub3A_131 : vector<16xi32>
      %mul3A_137 = arith.constant 128 : i32
      %mul3A_138 = arith.muli %add3A_95, %mul3A_137 : i32
      %add3A_139 = arith.constant 16 : i32
      %add3A_140 = arith.addi %mul3A_138, %add3A_139 : i32
      %swap3A_141 = arith.index_cast %add3A_140 : i32 to index
      %swap3A_142 = tpu.vector_load %arg11[%swap3A_141] {strides = array<i32>} : memref<16000xi32, #tpu.memory_space<vmem>>, vector<16xi32>,
      tpu.vector_store %arg11[%swap3A_141], %add3A_136 {strides = array<i32>} : memref<16000xi32, #tpu.memory_space<vmem>>, vector<16xi32>,
      %get3A_143 = arith.constant 0 : index
      %get3A_144 = tpu.vector_load %arg14[%get3A_143] {strides = array<i32>} : memref<16xi32, #tpu.memory_space<vmem>>, vector<16xi32>,
      %eq3A_145 = arith.constant 0 : i32
      %eq3A_146 = vector.broadcast %eq3A_145 : i32 to vector<16xi32>
      %eq3A_147 = arith.cmpi eq, %gather3A_132, %eq3A_146 : vector<16xi32>
      %select_n3A_148 = arith.select %eq3A_147, %broadcast_in_dim3A_7, %broadcast_in_dim3A_9 : vector<16xi1>, vector<16xi32>
      %or3A_149 = arith.ori %get3A_144, %select_n3A_148 : vector<16xi32>
      %swap3A_150 = arith.constant 0 : index
      %swap3A_151 = tpu.vector_load %arg14[%swap3A_150] {strides = array<i32>} : memref<16xi32, #tpu.memory_space<vmem>>, vector<16xi32>,
      tpu.vector_store %arg14[%swap3A_150], %or3A_149 {strides = array<i32>} : memref<16xi32, #tpu.memory_space<vmem>>, vector<16xi32>,
      %mul3A_152 = arith.constant 128 : i32
      %mul3A_153 = arith.muli %add3A_95, %mul3A_152 : i32
      %add3A_154 = arith.constant 32 : i32
      %add3A_155 = arith.addi %mul3A_153, %add3A_154 : i32
      %add3A_156 = vector.broadcast %add3A_155 : i32 to vector<16xi32>
      %add3A_157 = arith.addi %add3A_156, %iota3A : vector<16xi32>
      %div3A_158 = arith.divsi %add3A_157, %broadcast_in_dim3A_3 : vector<16xi32>
      %mul3A_159 = arith.constant 10 : i32
      %mul3A_160 = vector.broadcast %mul3A_159 : i32 to vector<16xi32>
      %mul3A_161 = arith.muli %div3A_158, %mul3A_160 : vector<16xi32>
      %sub3A_162 = arith.subi %add3A_157, %mul3A_161 : vector<16xi32>
      %gather3A_163 = tpu.vector_load_idx %arg9[%div3A_158] : memref<1600xi32, #tpu.memory_space<vmem>>[vector<16xi32>], vector<16xi32>,
      %mul3A_164 = arith.constant 10 : i32
      %mul3A_165 = vector.broadcast %mul3A_164 : i32 to vector<16xi32>
      %mul3A_166 = arith.muli %gather3A_163, %mul3A_165 : vector<16xi32>
      %add3A_167 = arith.addi %mul3A_166, %sub3A_162 : vector<16xi32>
      %mul3A_168 = arith.constant 128 : i32
      %mul3A_169 = arith.muli %add3A_95, %mul3A_168 : i32
      %add3A_170 = arith.constant 32 : i32
      %add3A_171 = arith.addi %mul3A_169, %add3A_170 : i32
      %swap3A_172 = arith.index_cast %add3A_171 : i32 to index
      %swap3A_173 = tpu.vector_load %arg11[%swap3A_172] {strides = array<i32>} : memref<16000xi32, #tpu.memory_space<vmem>>, vector<16xi32>,
      tpu.vector_store %arg11[%swap3A_172], %add3A_167 {strides = array<i32>} : memref<16000xi32, #tpu.memory_space<vmem>>, vector<16xi32>,
      %get3A_174 = arith.constant 0 : index
      %get3A_175 = tpu.vector_load %arg14[%get3A_174] {strides = array<i32>} : memref<16xi32, #tpu.memory_space<vmem>>, vector<16xi32>,
      %eq3A_176 = arith.constant 0 : i32
      %eq3A_177 = vector.broadcast %eq3A_176 : i32 to vector<16xi32>
      %eq3A_178 = arith.cmpi eq, %gather3A_163, %eq3A_177 : vector<16xi32>
      %select_n3A_179 = arith.select %eq3A_178, %broadcast_in_dim3A_7, %broadcast_in_dim3A_9 : vector<16xi1>, vector<16xi32>
      %or3A_180 = arith.ori %get3A_175, %select_n3A_179 : vector<16xi32>
      %swap3A_181 = arith.constant 0 : index
      %swap3A_182 = tpu.vector_load %arg14[%swap3A_181] {strides = array<i32>} : memref<16xi32, #tpu.memory_space<vmem>>, vector<16xi32>,
      tpu.vector_store %arg14[%swap3A_181], %or3A_180 {strides = array<i32>} : memref<16xi32, #tpu.memory_space<vmem>>, vector<16xi32>,
      %mul3A_183 = arith.constant 128 : i32
      %mul3A_184 = arith.muli %add3A_95, %mul3A_183 : i32
      %add3A_185 = arith.constant 48 : i32
      %add3A_186 = arith.addi %mul3A_184, %add3A_185 : i32
      %add3A_187 = vector.broadcast %add3A_186 : i32 to vector<16xi32>
      %add3A_188 = arith.addi %add3A_187, %iota3A : vector<16xi32>
      %div3A_189 = arith.divsi %add3A_188, %broadcast_in_dim3A_3 : vector<16xi32>
      %mul3A_190 = arith.constant 10 : i32
      %mul3A_191 = vector.broadcast %mul3A_190 : i32 to vector<16xi32>
      %mul3A_192 = arith.muli %div3A_189, %mul3A_191 : vector<16xi32>
      %sub3A_193 = arith.subi %add3A_188, %mul3A_192 : vector<16xi32>
      %gather3A_194 = tpu.vector_load_idx %arg9[%div3A_189] : memref<1600xi32, #tpu.memory_space<vmem>>[vector<16xi32>], vector<16xi32>,
      %mul3A_195 = arith.constant 10 : i32
      %mul3A_196 = vector.broadcast %mul3A_195 : i32 to vector<16xi32>
      %mul3A_197 = arith.muli %gather3A_194, %mul3A_196 : vector<16xi32>
      %add3A_198 = arith.addi %mul3A_197, %sub3A_193 : vector<16xi32>
      %mul3A_199 = arith.constant 128 : i32
      %mul3A_200 = arith.muli %add3A_95, %mul3A_199 : i32
      %add3A_201 = arith.constant 48 : i32
      %add3A_202 = arith.addi %mul3A_200, %add3A_201 : i32
      %swap3A_203 = arith.index_cast %add3A_202 : i32 to index
      %swap3A_204 = tpu.vector_load %arg11[%swap3A_203] {strides = array<i32>} : memref<16000xi32, #tpu.memory_space<vmem>>, vector<16xi32>,
      tpu.vector_store %arg11[%swap3A_203], %add3A_198 {strides = array<i32>} : memref<16000xi32, #tpu.memory_space<vmem>>, vector<16xi32>,
      %get3A_205 = arith.constant 0 : index
      %get3A_206 = tpu.vector_load %arg14[%get3A_205] {strides = array<i32>} : memref<16xi32, #tpu.memory_space<vmem>>, vector<16xi32>,
      %eq3A_207 = arith.constant 0 : i32
      %eq3A_208 = vector.broadcast %eq3A_207 : i32 to vector<16xi32>
      %eq3A_209 = arith.cmpi eq, %gather3A_194, %eq3A_208 : vector<16xi32>
      %select_n3A_210 = arith.select %eq3A_209, %broadcast_in_dim3A_7, %broadcast_in_dim3A_9 : vector<16xi1>, vector<16xi32>
      %or3A_211 = arith.ori %get3A_206, %select_n3A_210 : vector<16xi32>
      %swap3A_212 = arith.constant 0 : index
      %swap3A_213 = tpu.vector_load %arg14[%swap3A_212] {strides = array<i32>} : memref<16xi32, #tpu.memory_space<vmem>>, vector<16xi32>,
      tpu.vector_store %arg14[%swap3A_212], %or3A_211 {strides = array<i32>} : memref<16xi32, #tpu.memory_space<vmem>>, vector<16xi32>,
      %mul3A_214 = arith.constant 128 : i32
      %mul3A_215 = arith.muli %add3A_95, %mul3A_214 : i32
      %add3A_216 = arith.constant 64 : i32
      %add3A_217 = arith.addi %mul3A_215, %add3A_216 : i32
      %add3A_218 = vector.broadcast %add3A_217 : i32 to vector<16xi32>
      %add3A_219 = arith.addi %add3A_218, %iota3A : vector<16xi32>
      %div3A_220 = arith.divsi %add3A_219, %broadcast_in_dim3A_3 : vector<16xi32>
      %mul3A_221 = arith.constant 10 : i32
      %mul3A_222 = vector.broadcast %mul3A_221 : i32 to vector<16xi32>
      %mul3A_223 = arith.muli %div3A_220, %mul3A_222 : vector<16xi32>
      %sub3A_224 = arith.subi %add3A_219, %mul3A_223 : vector<16xi32>
      %gather3A_225 = tpu.vector_load_idx %arg9[%div3A_220] : memref<1600xi32, #tpu.memory_space<vmem>>[vector<16xi32>], vector<16xi32>,
      %mul3A_226 = arith.constant 10 : i32
      %mul3A_227 = vector.broadcast %mul3A_226 : i32 to vector<16xi32>
      %mul3A_228 = arith.muli %gather3A_225, %mul3A_227 : vector<16xi32>
      %add3A_229 = arith.addi %mul3A_228, %sub3A_224 : vector<16xi32>
      %mul3A_230 = arith.constant 128 : i32
      %mul3A_231 = arith.muli %add3A_95, %mul3A_230 : i32
      %add3A_232 = arith.constant 64 : i32
      %add3A_233 = arith.addi %mul3A_231, %add3A_232 : i32
      %swap3A_234 = arith.index_cast %add3A_233 : i32 to index
      %swap3A_235 = tpu.vector_load %arg11[%swap3A_234] {strides = array<i32>} : memref<16000xi32, #tpu.memory_space<vmem>>, vector<16xi32>,
      tpu.vector_store %arg11[%swap3A_234], %add3A_229 {strides = array<i32>} : memref<16000xi32, #tpu.memory_space<vmem>>, vector<16xi32>,
      %get3A_236 = arith.constant 0 : index
      %get3A_237 = tpu.vector_load %arg14[%get3A_236] {strides = array<i32>} : memref<16xi32, #tpu.memory_space<vmem>>, vector<16xi32>,
      %eq3A_238 = arith.constant 0 : i32
      %eq3A_239 = vector.broadcast %eq3A_238 : i32 to vector<16xi32>
      %eq3A_240 = arith.cmpi eq, %gather3A_225, %eq3A_239 : vector<16xi32>
      %select_n3A_241 = arith.select %eq3A_240, %broadcast_in_dim3A_7, %broadcast_in_dim3A_9 : vector<16xi1>, vector<16xi32>
      %or3A_242 = arith.ori %get3A_237, %select_n3A_241 : vector<16xi32>
      %swap3A_243 = arith.constant 0 : index
      %swap3A_244 = tpu.vector_load %arg14[%swap3A_243] {strides = array<i32>} : memref<16xi32, #tpu.memory_space<vmem>>, vector<16xi32>,
      tpu.vector_store %arg14[%swap3A_243], %or3A_242 {strides = array<i32>} : memref<16xi32, #tpu.memory_space<vmem>>, vector<16xi32>,
      %mul3A_245 = arith.constant 128 : i32
      %mul3A_246 = arith.muli %add3A_95, %mul3A_245 : i32
      %add3A_247 = arith.constant 80 : i32
      %add3A_248 = arith.addi %mul3A_246, %add3A_247 : i32
      %add3A_249 = vector.broadcast %add3A_248 : i32 to vector<16xi32>
      %add3A_250 = arith.addi %add3A_249, %iota3A : vector<16xi32>
      %div3A_251 = arith.divsi %add3A_250, %broadcast_in_dim3A_3 : vector<16xi32>
      %mul3A_252 = arith.constant 10 : i32
      %mul3A_253 = vector.broadcast %mul3A_252 : i32 to vector<16xi32>
      %mul3A_254 = arith.muli %div3A_251, %mul3A_253 : vector<16xi32>
      %sub3A_255 = arith.subi %add3A_250, %mul3A_254 : vector<16xi32>
      %gather3A_256 = tpu.vector_load_idx %arg9[%div3A_251] : memref<1600xi32, #tpu.memory_space<vmem>>[vector<16xi32>], vector<16xi32>,
      %mul3A_257 = arith.constant 10 : i32
      %mul3A_258 = vector.broadcast %mul3A_257 : i32 to vector<16xi32>
      %mul3A_259 = arith.muli %gather3A_256, %mul3A_258 : vector<16xi32>
      %add3A_260 = arith.addi %mul3A_259, %sub3A_255 : vector<16xi32>
      %mul3A_261 = arith.constant 128 : i32
      %mul3A_262 = arith.muli %add3A_95, %mul3A_261 : i32
      %add3A_263 = arith.constant 80 : i32
      %add3A_264 = arith.addi %mul3A_262, %add3A_263 : i32
      %swap3A_265 = arith.index_cast %add3A_264 : i32 to index
      %swap3A_266 = tpu.vector_load %arg11[%swap3A_265] {strides = array<i32>} : memref<16000xi32, #tpu.memory_space<vmem>>, vector<16xi32>,
      tpu.vector_store %arg11[%swap3A_265], %add3A_260 {strides = array<i32>} : memref<16000xi32, #tpu.memory_space<vmem>>, vector<16xi32>,
      %get3A_267 = arith.constant 0 : index
      %get3A_268 = tpu.vector_load %arg14[%get3A_267] {strides = array<i32>} : memref<16xi32, #tpu.memory_space<vmem>>, vector<16xi32>,
      %eq3A_269 = arith.constant 0 : i32
      %eq3A_270 = vector.broadcast %eq3A_269 : i32 to vector<16xi32>
      %eq3A_271 = arith.cmpi eq, %gather3A_256, %eq3A_270 : vector<16xi32>
      %select_n3A_272 = arith.select %eq3A_271, %broadcast_in_dim3A_7, %broadcast_in_dim3A_9 : vector<16xi1>, vector<16xi32>
      %or3A_273 = arith.ori %get3A_268, %select_n3A_272 : vector<16xi32>
      %swap3A_274 = arith.constant 0 : index
      %swap3A_275 = tpu.vector_load %arg14[%swap3A_274] {strides = array<i32>} : memref<16xi32, #tpu.memory_space<vmem>>, vector<16xi32>,
      tpu.vector_store %arg14[%swap3A_274], %or3A_273 {strides = array<i32>} : memref<16xi32, #tpu.memory_space<vmem>>, vector<16xi32>,
      %mul3A_276 = arith.constant 128 : i32
      %mul3A_277 = arith.muli %add3A_95, %mul3A_276 : i32
      %add3A_278 = arith.constant 96 : i32
      %add3A_279 = arith.addi %mul3A_277, %add3A_278 : i32
      %add3A_280 = vector.broadcast %add3A_279 : i32 to vector<16xi32>
      %add3A_281 = arith.addi %add3A_280, %iota3A : vector<16xi32>
      %div3A_282 = arith.divsi %add3A_281, %broadcast_in_dim3A_3 : vector<16xi32>
      %mul3A_283 = arith.constant 10 : i32
      %mul3A_284 = vector.broadcast %mul3A_283 : i32 to vector<16xi32>
      %mul3A_285 = arith.muli %div3A_282, %mul3A_284 : vector<16xi32>
      %sub3A_286 = arith.subi %add3A_281, %mul3A_285 : vector<16xi32>
      %gather3A_287 = tpu.vector_load_idx %arg9[%div3A_282] : memref<1600xi32, #tpu.memory_space<vmem>>[vector<16xi32>], vector<16xi32>,
      %mul3A_288 = arith.constant 10 : i32
      %mul3A_289 = vector.broadcast %mul3A_288 : i32 to vector<16xi32>
      %mul3A_290 = arith.muli %gather3A_287, %mul3A_289 : vector<16xi32>
      %add3A_291 = arith.addi %mul3A_290, %sub3A_286 : vector<16xi32>
      %mul3A_292 = arith.constant 128 : i32
      %mul3A_293 = arith.muli %add3A_95, %mul3A_292 : i32
      %add3A_294 = arith.constant 96 : i32
      %add3A_295 = arith.addi %mul3A_293, %add3A_294 : i32
      %swap3A_296 = arith.index_cast %add3A_295 : i32 to index
      %swap3A_297 = tpu.vector_load %arg11[%swap3A_296] {strides = array<i32>} : memref<16000xi32, #tpu.memory_space<vmem>>, vector<16xi32>,
      tpu.vector_store %arg11[%swap3A_296], %add3A_291 {strides = array<i32>} : memref<16000xi32, #tpu.memory_space<vmem>>, vector<16xi32>,
      %get3A_298 = arith.constant 0 : index
      %get3A_299 = tpu.vector_load %arg14[%get3A_298] {strides = array<i32>} : memref<16xi32, #tpu.memory_space<vmem>>, vector<16xi32>,
      %eq3A_300 = arith.constant 0 : i32
      %eq3A_301 = vector.broadcast %eq3A_300 : i32 to vector<16xi32>
      %eq3A_302 = arith.cmpi eq, %gather3A_287, %eq3A_301 : vector<16xi32>
      %select_n3A_303 = arith.select %eq3A_302, %broadcast_in_dim3A_7, %broadcast_in_dim3A_9 : vector<16xi1>, vector<16xi32>
      %or3A_304 = arith.ori %get3A_299, %select_n3A_303 : vector<16xi32>
      %swap3A_305 = arith.constant 0 : index
      %swap3A_306 = tpu.vector_load %arg14[%swap3A_305] {strides = array<i32>} : memref<16xi32, #tpu.memory_space<vmem>>, vector<16xi32>,
      tpu.vector_store %arg14[%swap3A_305], %or3A_304 {strides = array<i32>} : memref<16xi32, #tpu.memory_space<vmem>>, vector<16xi32>,
      %mul3A_307 = arith.constant 128 : i32
      %mul3A_308 = arith.muli %add3A_95, %mul3A_307 : i32
      %add3A_309 = arith.constant 112 : i32
      %add3A_310 = arith.addi %mul3A_308, %add3A_309 : i32
      %add3A_311 = vector.broadcast %add3A_310 : i32 to vector<16xi32>
      %add3A_312 = arith.addi %add3A_311, %iota3A : vector<16xi32>
      %div3A_313 = arith.divsi %add3A_312, %broadcast_in_dim3A_3 : vector<16xi32>
      %mul3A_314 = arith.constant 10 : i32
      %mul3A_315 = vector.broadcast %mul3A_314 : i32 to vector<16xi32>
      %mul3A_316 = arith.muli %div3A_313, %mul3A_315 : vector<16xi32>
      %sub3A_317 = arith.subi %add3A_312, %mul3A_316 : vector<16xi32>
      %gather3A_318 = tpu.vector_load_idx %arg9[%div3A_313] : memref<1600xi32, #tpu.memory_space<vmem>>[vector<16xi32>], vector<16xi32>,
      %mul3A_319 = arith.constant 10 : i32
      %mul3A_320 = vector.broadcast %mul3A_319 : i32 to vector<16xi32>
      %mul3A_321 = arith.muli %gather3A_318, %mul3A_320 : vector<16xi32>
      %add3A_322 = arith.addi %mul3A_321, %sub3A_317 : vector<16xi32>
      %mul3A_323 = arith.constant 128 : i32
      %mul3A_324 = arith.muli %add3A_95, %mul3A_323 : i32
      %add3A_325 = arith.constant 112 : i32
      %add3A_326 = arith.addi %mul3A_324, %add3A_325 : i32
      %swap3A_327 = arith.index_cast %add3A_326 : i32 to index
      %swap3A_328 = tpu.vector_load %arg11[%swap3A_327] {strides = array<i32>} : memref<16000xi32, #tpu.memory_space<vmem>>, vector<16xi32>,
      tpu.vector_store %arg11[%swap3A_327], %add3A_322 {strides = array<i32>} : memref<16000xi32, #tpu.memory_space<vmem>>, vector<16xi32>,
      %get3A_329 = arith.constant 0 : index
      %get3A_330 = tpu.vector_load %arg14[%get3A_329] {strides = array<i32>} : memref<16xi32, #tpu.memory_space<vmem>>, vector<16xi32>,
      %eq3A_331 = arith.constant 0 : i32
      %eq3A_332 = vector.broadcast %eq3A_331 : i32 to vector<16xi32>
      %eq3A_333 = arith.cmpi eq, %gather3A_318, %eq3A_332 : vector<16xi32>
      %select_n3A_334 = arith.select %eq3A_333, %broadcast_in_dim3A_7, %broadcast_in_dim3A_9 : vector<16xi1>, vector<16xi32>
      %or3A_335 = arith.ori %get3A_330, %select_n3A_334 : vector<16xi32>
      %swap3A_336 = arith.constant 0 : index
      %swap3A_337 = tpu.vector_load %arg14[%swap3A_336] {strides = array<i32>} : memref<16xi32, #tpu.memory_space<vmem>>, vector<16xi32>,
      tpu.vector_store %arg14[%swap3A_336], %or3A_335 {strides = array<i32>} : memref<16xi32, #tpu.memory_space<vmem>>, vector<16xi32>,
    }
    %scan3A_24 = arith.constant 125 : i32
    %get3A = arith.constant 0 : index
    %get3A_25 = tpu.vector_load %arg14[%get3A] {strides = array<i32>} : memref<16xi32, #tpu.memory_space<vmem>>, vector<16xi32>,
    %reduce_max3A = arith.constant true
    %reduce_max3A_26 = vector.broadcast %reduce_max3A : i1 to vector<16xi1>
    %reduce_max3A_27 = arith.constant -2147483648 : i32
    %reduce_max3A_28 = vector.broadcast %reduce_max3A_27 : i32 to vector<16xi32>
    %reduce_max3A_29 = arith.xori %get3A_25, %reduce_max3A_28 : vector<16xi32>
    %reduce_max3A_30 = tpu.scan <max>, %reduce_max3A_29 masked %reduce_max3A_26 : vector<16xi32>, vector<16xi1> -> vector<16xi32>
    %reduce_max3A_31 = arith.xori %reduce_max3A_30, %reduce_max3A_28 : vector<16xi32>
    %reduce_max3A_32 = vector.extract %reduce_max3A_31[15] : i32 from vector<16xi32>
    %ne3A = arith.constant 0 : i32
    %ne3A_33 = arith.cmpi ne, %reduce_max3A_32, %ne3A : i32
    %scan3A_34 = arith.constant 0 : i32
    %scan3A_35 = arith.constant 125 : i32
    %scan3A_36 = arith.addi %scan3A_34, %scan3A_35 : i32
    %scan3A_37 = arith.constant 1 : i32
    scf.for %scan3A_91 = %scan3A_34 to %scan3A_36 step %scan3A_37  : i32 {
      %mul3A_92 = arith.constant 1 : i32
      %mul3A_93 = arith.muli %scan3A_91, %mul3A_92 : i32
      %add3A_94 = arith.constant 0 : i32
      %add3A_95 = arith.addi %add3A_94, %mul3A_93 : i32
      %mul3A_96 = arith.constant 128 : i32
      %mul3A_97 = arith.muli %add3A_95, %mul3A_96 : i32
      %dma_start3A_98 = tpu.memref_slice %arg12[%mul3A_97] : memref<16000xi32, #tpu.memory_space<vmem>> -> memref<128xi32, #tpu.memory_space<vmem>>
      %dma_start3A_99 = tpu.memref_slice %arg11[%mul3A_97] : memref<16000xi32, #tpu.memory_space<vmem>> -> memref<128xi32, #tpu.memory_space<vmem>>
      %dma_start3A_100 = arith.constant 0 : i32
      %dma_start3A_101 = tpu.memref_slice %arg4[%dma_start3A_100] : memref<1000000xi32, #tpu.memory_space<hbm>> -> memref<1000000xi32, #tpu.memory_space<hbm>>
      tpu.enqueue_indirect_dma source(%dma_start3A_101 : memref<1000000xi32, #tpu.memory_space<hbm>>) target(%dma_start3A_98 : memref<128xi32, #tpu.memory_space<vmem>>) offsets(%dma_start3A_99 : memref<128xi32, #tpu.memory_space<vmem>>) semaphore(%arg18 : memref<!tpu.dma_semaphore, #tpu.memory_space<semaphore_mem>>)
    }
    %scan3A_38 = arith.constant 125 : i32
    %dma_wait3A = arith.constant 0 : i32
    %dma_wait3A_39 = tpu.memref_slice %arg3[%dma_wait3A] : memref<100000xi32, #tpu.memory_space<hbm>> -> memref<1600xi32, #tpu.memory_space<hbm>>
    %dma_wait3A_40 = arith.constant 0 : i32
    %dma_wait3A_41 = tpu.memref_slice %arg3[%dma_wait3A_40] : memref<100000xi32, #tpu.memory_space<hbm>> -> memref<1600xi32, #tpu.memory_space<hbm>>
    tpu.wait_dma2 semaphore(%arg17 : memref<!tpu.dma_semaphore, #tpu.memory_space<semaphore_mem>>) src(%dma_wait3A_41 : memref<1600xi32, #tpu.memory_space<hbm>>) dst(%arg10 : memref<1600xi32, #tpu.memory_space<vmem>>)
    %dma_start3A_42 = arith.constant 0 : i32
    %dma_start3A_43 = tpu.memref_slice %arg10[%dma_start3A_42] : memref<1600xi32, #tpu.memory_space<vmem>> -> memref<80xi32, #tpu.memory_space<vmem>>
    %dma_start3A_44 = arith.constant 0 : i32
    %dma_start3A_45 = arith.constant 0 : i32
    %dma_start3A_46 = tpu.memref_slice %arg5[%dma_start3A_44, %dma_start3A_45] : memref<100000x64xf32, #tpu.memory_space<hbm>> -> memref<100000x64xf32, #tpu.memory_space<hbm>>
    tpu.enqueue_indirect_dma source(%dma_start3A_46 : memref<100000x64xf32, #tpu.memory_space<hbm>>) target(%arg15 : memref<80x64xf32, #tpu.memory_space<vmem>>) offsets(%dma_start3A_43 : memref<80xi32, #tpu.memory_space<vmem>>) semaphore(%arg21 : memref<!tpu.dma_semaphore, #tpu.memory_space<semaphore_mem>>)
    %dma_start3A_47 = arith.constant 80 : i32
    %dma_start3A_48 = tpu.memref_slice %arg10[%dma_start3A_47] : memref<1600xi32, #tpu.memory_space<vmem>> -> memref<80xi32, #tpu.memory_space<vmem>>
    %dma_start3A_49 = arith.constant 0 : i32
    %dma_start3A_50 = arith.constant 0 : i32
    %dma_start3A_51 = tpu.memref_slice %arg5[%dma_start3A_49, %dma_start3A_50] : memref<100000x64xf32, #tpu.memory_space<hbm>> -> memref<100000x64xf32, #tpu.memory_space<hbm>>
    tpu.enqueue_indirect_dma source(%dma_start3A_51 : memref<100000x64xf32, #tpu.memory_space<hbm>>) target(%arg16 : memref<80x64xf32, #tpu.memory_space<vmem>>) offsets(%dma_start3A_48 : memref<80xi32, #tpu.memory_space<vmem>>) semaphore(%arg22 : memref<!tpu.dma_semaphore, #tpu.memory_space<semaphore_mem>>)
    %scan3A_52 = arith.constant 0 : i32
    %scan3A_53 = arith.constant 10 : i32
    %scan3A_54 = arith.addi %scan3A_52, %scan3A_53 : i32
    %scan3A_55 = arith.constant 1 : i32
    scf.for %scan3A_91 = %scan3A_52 to %scan3A_54 step %scan3A_55  : i32 {
      %mul3A_92 = arith.constant 1 : i32
      %mul3A_93 = arith.muli %scan3A_91, %mul3A_92 : i32
      %add3A_94 = arith.constant 0 : i32
      %add3A_95 = arith.addi %add3A_94, %mul3A_93 : i32
      %mul3A_96 = arith.constant 2 : i32
      %mul3A_97 = arith.muli %add3A_95, %mul3A_96 : i32
      %add3A_98 = arith.constant 0 : i32
      %add3A_99 = arith.addi %mul3A_97, %add3A_98 : i32
      %mul3A_100 = arith.constant 80 : i32
      %mul3A_101 = arith.muli %add3A_99, %mul3A_100 : i32
      %dma_wait3A_102 = arith.constant 0 : i32
      %dma_wait3A_103 = tpu.memref_slice %arg10[%dma_wait3A_102] : memref<1600xi32, #tpu.memory_space<vmem>> -> memref<80xi32, #tpu.memory_space<vmem>>
      %dma_wait3A_104 = arith.constant 0 : i32
      %dma_wait3A_105 = arith.constant 0 : i32
      %dma_wait3A_106 = tpu.memref_slice %arg5[%dma_wait3A_104, %dma_wait3A_105] : memref<100000x64xf32, #tpu.memory_space<hbm>> -> memref<100000x64xf32, #tpu.memory_space<hbm>>
      tpu.wait_indirect_dma semaphore(%arg21 : memref<!tpu.dma_semaphore, #tpu.memory_space<semaphore_mem>>) src(%dma_wait3A_106 : memref<100000x64xf32, #tpu.memory_space<hbm>>) dst(%arg15 : memref<80x64xf32, #tpu.memory_space<vmem>>)
      %convert_element_type3A_107 = arith.extui %ne3A_33 : i1 to i32
      %cond3A_108 = arith.constant 0 : i32
      %cond3A_109 = arith.cmpi ne, %convert_element_type3A_107, %cond3A_108 : i32
      scf.if %cond3A_109 {
        %add3A_143 = arith.constant 0 : i32
        %add3A_144 = arith.addi %mul3A_101, %add3A_143 : i32
        %get3A_145 = arith.index_cast %add3A_144 : i32 to index
        %get3A_146 = tpu.vector_load %arg9[%get3A_145] {strides = array<i32>} : memref<1600xi32, #tpu.memory_space<vmem>>, vector<16xi32>,
        %eq3A = arith.constant 0 : i32
        %eq3A_147 = vector.broadcast %eq3A : i32 to vector<16xi32>
        %eq3A_148 = arith.cmpi eq, %get3A_146, %eq3A_147 : vector<16xi32>
        %reduce_or3A = arith.constant 1.000000e+00 : f32
        %reduce_or3A_149 = arith.constant 0.000000e+00 : f32
        %reduce_or3A_150 = vector.broadcast %reduce_or3A : f32 to vector<16xf32>
        %reduce_or3A_151 = vector.broadcast %reduce_or3A_149 : f32 to vector<16xf32>
        %reduce_or3A_152 = arith.select %eq3A_148, %reduce_or3A_150, %reduce_or3A_151 : vector<16xi1>, vector<16xf32>
        %reduce_or3A_153 = arith.constant true
        %reduce_or3A_154 = vector.broadcast %reduce_or3A_153 : i1 to vector<16xi1>
        %reduce_or3A_155 = tpu.scan <max>, %reduce_or3A_152 masked %reduce_or3A_154 : vector<16xf32>, vector<16xi1> -> vector<16xf32>
        %reduce_or3A_156 = vector.extract %reduce_or3A_155[15] : f32 from vector<16xf32>
        %reduce_or3A_157 = arith.constant 0.000000e+00 : f32
        %reduce_or3A_158 = arith.cmpf ogt, %reduce_or3A_156, %reduce_or3A_157 : f32
        %convert_element_type3A_159 = arith.extui %reduce_or3A_158 : i1 to i32
        %cond3A_160 = arith.constant 0 : i32
        %cond3A_161 = arith.cmpi ne, %convert_element_type3A_159, %cond3A_160 : i32
        scf.if %cond3A_161 {
          %add3A_246 = arith.constant 0 : i32
          %add3A_247 = vector.broadcast %add3A_246 : i32 to vector<16xi32>
          %add3A_248 = arith.addi %add3A_247, %iota3A : vector<16xi32>
          %scan3A_249 = arith.constant 0 : i32
          %scan3A_250 = arith.constant 64 : i32
          %scan3A_251 = arith.addi %scan3A_249, %scan3A_250 : i32
          %scan3A_252 = arith.constant 1 : i32
          scf.for %scan3A_254 = %scan3A_249 to %scan3A_251 step %scan3A_252  : i32 {
            %mul3A_255 = arith.constant 1 : i32
            %mul3A_256 = arith.muli %scan3A_254, %mul3A_255 : i32
            %add3A_257 = arith.constant 0 : i32
            %add3A_258 = arith.addi %add3A_257, %mul3A_256 : i32
            %broadcast_in_dim3A_259 = vector.broadcast %add3A_258 : i32 to vector<16xi32>
            tpu.vector_store_idx %arg15[%add3A_248, %broadcast_in_dim3A_259], %broadcast_in_dim3A_5 masked %eq3A_148 : memref<80x64xf32, #tpu.memory_space<vmem>>[vector<16xi32>, vector<16xi32>], vector<16xf32>, vector<16xi1>
          }
          %scan3A_253 = arith.constant 64 : i32
        } else {
        }
        %add3A_162 = arith.constant 16 : i32
        %add3A_163 = arith.addi %mul3A_101, %add3A_162 : i32
        %get3A_164 = arith.index_cast %add3A_163 : i32 to index
        %get3A_165 = tpu.vector_load %arg9[%get3A_164] {strides = array<i32>} : memref<1600xi32, #tpu.memory_space<vmem>>, vector<16xi32>,
        %eq3A_166 = arith.constant 0 : i32
        %eq3A_167 = vector.broadcast %eq3A_166 : i32 to vector<16xi32>
        %eq3A_168 = arith.cmpi eq, %get3A_165, %eq3A_167 : vector<16xi32>
        %reduce_or3A_169 = arith.constant 1.000000e+00 : f32
        %reduce_or3A_170 = arith.constant 0.000000e+00 : f32
        %reduce_or3A_171 = vector.broadcast %reduce_or3A_169 : f32 to vector<16xf32>
        %reduce_or3A_172 = vector.broadcast %reduce_or3A_170 : f32 to vector<16xf32>
        %reduce_or3A_173 = arith.select %eq3A_168, %reduce_or3A_171, %reduce_or3A_172 : vector<16xi1>, vector<16xf32>
        %reduce_or3A_174 = arith.constant true
        %reduce_or3A_175 = vector.broadcast %reduce_or3A_174 : i1 to vector<16xi1>
        %reduce_or3A_176 = tpu.scan <max>, %reduce_or3A_173 masked %reduce_or3A_175 : vector<16xf32>, vector<16xi1> -> vector<16xf32>
        %reduce_or3A_177 = vector.extract %reduce_or3A_176[15] : f32 from vector<16xf32>
        %reduce_or3A_178 = arith.constant 0.000000e+00 : f32
        %reduce_or3A_179 = arith.cmpf ogt, %reduce_or3A_177, %reduce_or3A_178 : f32
        %convert_element_type3A_180 = arith.extui %reduce_or3A_179 : i1 to i32
        %cond3A_181 = arith.constant 0 : i32
        %cond3A_182 = arith.cmpi ne, %convert_element_type3A_180, %cond3A_181 : i32
        scf.if %cond3A_182 {
          %add3A_246 = arith.constant 16 : i32
          %add3A_247 = vector.broadcast %add3A_246 : i32 to vector<16xi32>
          %add3A_248 = arith.addi %add3A_247, %iota3A : vector<16xi32>
          %scan3A_249 = arith.constant 0 : i32
          %scan3A_250 = arith.constant 64 : i32
          %scan3A_251 = arith.addi %scan3A_249, %scan3A_250 : i32
          %scan3A_252 = arith.constant 1 : i32
          scf.for %scan3A_254 = %scan3A_249 to %scan3A_251 step %scan3A_252  : i32 {
            %mul3A_255 = arith.constant 1 : i32
            %mul3A_256 = arith.muli %scan3A_254, %mul3A_255 : i32
            %add3A_257 = arith.constant 0 : i32
            %add3A_258 = arith.addi %add3A_257, %mul3A_256 : i32
            %broadcast_in_dim3A_259 = vector.broadcast %add3A_258 : i32 to vector<16xi32>
            tpu.vector_store_idx %arg15[%add3A_248, %broadcast_in_dim3A_259], %broadcast_in_dim3A_5 masked %eq3A_168 : memref<80x64xf32, #tpu.memory_space<vmem>>[vector<16xi32>, vector<16xi32>], vector<16xf32>, vector<16xi1>
          }
          %scan3A_253 = arith.constant 64 : i32
        } else {
        }
        %add3A_183 = arith.constant 32 : i32
        %add3A_184 = arith.addi %mul3A_101, %add3A_183 : i32
        %get3A_185 = arith.index_cast %add3A_184 : i32 to index
        %get3A_186 = tpu.vector_load %arg9[%get3A_185] {strides = array<i32>} : memref<1600xi32, #tpu.memory_space<vmem>>, vector<16xi32>,
        %eq3A_187 = arith.constant 0 : i32
        %eq3A_188 = vector.broadcast %eq3A_187 : i32 to vector<16xi32>
        %eq3A_189 = arith.cmpi eq, %get3A_186, %eq3A_188 : vector<16xi32>
        %reduce_or3A_190 = arith.constant 1.000000e+00 : f32
        %reduce_or3A_191 = arith.constant 0.000000e+00 : f32
        %reduce_or3A_192 = vector.broadcast %reduce_or3A_190 : f32 to vector<16xf32>
        %reduce_or3A_193 = vector.broadcast %reduce_or3A_191 : f32 to vector<16xf32>
        %reduce_or3A_194 = arith.select %eq3A_189, %reduce_or3A_192, %reduce_or3A_193 : vector<16xi1>, vector<16xf32>
        %reduce_or3A_195 = arith.constant true
        %reduce_or3A_196 = vector.broadcast %reduce_or3A_195 : i1 to vector<16xi1>
        %reduce_or3A_197 = tpu.scan <max>, %reduce_or3A_194 masked %reduce_or3A_196 : vector<16xf32>, vector<16xi1> -> vector<16xf32>
        %reduce_or3A_198 = vector.extract %reduce_or3A_197[15] : f32 from vector<16xf32>
        %reduce_or3A_199 = arith.constant 0.000000e+00 : f32
        %reduce_or3A_200 = arith.cmpf ogt, %reduce_or3A_198, %reduce_or3A_199 : f32
        %convert_element_type3A_201 = arith.extui %reduce_or3A_200 : i1 to i32
        %cond3A_202 = arith.constant 0 : i32
        %cond3A_203 = arith.cmpi ne, %convert_element_type3A_201, %cond3A_202 : i32
        scf.if %cond3A_203 {
          %add3A_246 = arith.constant 32 : i32
          %add3A_247 = vector.broadcast %add3A_246 : i32 to vector<16xi32>
          %add3A_248 = arith.addi %add3A_247, %iota3A : vector<16xi32>
          %scan3A_249 = arith.constant 0 : i32
          %scan3A_250 = arith.constant 64 : i32
          %scan3A_251 = arith.addi %scan3A_249, %scan3A_250 : i32
          %scan3A_252 = arith.constant 1 : i32
          scf.for %scan3A_254 = %scan3A_249 to %scan3A_251 step %scan3A_252  : i32 {
            %mul3A_255 = arith.constant 1 : i32
            %mul3A_256 = arith.muli %scan3A_254, %mul3A_255 : i32
            %add3A_257 = arith.constant 0 : i32
            %add3A_258 = arith.addi %add3A_257, %mul3A_256 : i32
            %broadcast_in_dim3A_259 = vector.broadcast %add3A_258 : i32 to vector<16xi32>
            tpu.vector_store_idx %arg15[%add3A_248, %broadcast_in_dim3A_259], %broadcast_in_dim3A_5 masked %eq3A_189 : memref<80x64xf32, #tpu.memory_space<vmem>>[vector<16xi32>, vector<16xi32>], vector<16xf32>, vector<16xi1>
          }
          %scan3A_253 = arith.constant 64 : i32
        } else {
        }
        %add3A_204 = arith.constant 48 : i32
        %add3A_205 = arith.addi %mul3A_101, %add3A_204 : i32
        %get3A_206 = arith.index_cast %add3A_205 : i32 to index
        %get3A_207 = tpu.vector_load %arg9[%get3A_206] {strides = array<i32>} : memref<1600xi32, #tpu.memory_space<vmem>>, vector<16xi32>,
        %eq3A_208 = arith.constant 0 : i32
        %eq3A_209 = vector.broadcast %eq3A_208 : i32 to vector<16xi32>
        %eq3A_210 = arith.cmpi eq, %get3A_207, %eq3A_209 : vector<16xi32>
        %reduce_or3A_211 = arith.constant 1.000000e+00 : f32
        %reduce_or3A_212 = arith.constant 0.000000e+00 : f32
        %reduce_or3A_213 = vector.broadcast %reduce_or3A_211 : f32 to vector<16xf32>
        %reduce_or3A_214 = vector.broadcast %reduce_or3A_212 : f32 to vector<16xf32>
        %reduce_or3A_215 = arith.select %eq3A_210, %reduce_or3A_213, %reduce_or3A_214 : vector<16xi1>, vector<16xf32>
        %reduce_or3A_216 = arith.constant true
        %reduce_or3A_217 = vector.broadcast %reduce_or3A_216 : i1 to vector<16xi1>
        %reduce_or3A_218 = tpu.scan <max>, %reduce_or3A_215 masked %reduce_or3A_217 : vector<16xf32>, vector<16xi1> -> vector<16xf32>
        %reduce_or3A_219 = vector.extract %reduce_or3A_218[15] : f32 from vector<16xf32>
        %reduce_or3A_220 = arith.constant 0.000000e+00 : f32
        %reduce_or3A_221 = arith.cmpf ogt, %reduce_or3A_219, %reduce_or3A_220 : f32
        %convert_element_type3A_222 = arith.extui %reduce_or3A_221 : i1 to i32
        %cond3A_223 = arith.constant 0 : i32
        %cond3A_224 = arith.cmpi ne, %convert_element_type3A_222, %cond3A_223 : i32
        scf.if %cond3A_224 {
          %add3A_246 = arith.constant 48 : i32
          %add3A_247 = vector.broadcast %add3A_246 : i32 to vector<16xi32>
          %add3A_248 = arith.addi %add3A_247, %iota3A : vector<16xi32>
          %scan3A_249 = arith.constant 0 : i32
          %scan3A_250 = arith.constant 64 : i32
          %scan3A_251 = arith.addi %scan3A_249, %scan3A_250 : i32
          %scan3A_252 = arith.constant 1 : i32
          scf.for %scan3A_254 = %scan3A_249 to %scan3A_251 step %scan3A_252  : i32 {
            %mul3A_255 = arith.constant 1 : i32
            %mul3A_256 = arith.muli %scan3A_254, %mul3A_255 : i32
            %add3A_257 = arith.constant 0 : i32
            %add3A_258 = arith.addi %add3A_257, %mul3A_256 : i32
            %broadcast_in_dim3A_259 = vector.broadcast %add3A_258 : i32 to vector<16xi32>
            tpu.vector_store_idx %arg15[%add3A_248, %broadcast_in_dim3A_259], %broadcast_in_dim3A_5 masked %eq3A_210 : memref<80x64xf32, #tpu.memory_space<vmem>>[vector<16xi32>, vector<16xi32>], vector<16xf32>, vector<16xi1>
          }
          %scan3A_253 = arith.constant 64 : i32
        } else {
        }
        %add3A_225 = arith.constant 64 : i32
        %add3A_226 = arith.addi %mul3A_101, %add3A_225 : i32
        %get3A_227 = arith.index_cast %add3A_226 : i32 to index
        %get3A_228 = tpu.vector_load %arg9[%get3A_227] {strides = array<i32>} : memref<1600xi32, #tpu.memory_space<vmem>>, vector<16xi32>,
        %eq3A_229 = arith.constant 0 : i32
        %eq3A_230 = vector.broadcast %eq3A_229 : i32 to vector<16xi32>
        %eq3A_231 = arith.cmpi eq, %get3A_228, %eq3A_230 : vector<16xi32>
        %reduce_or3A_232 = arith.constant 1.000000e+00 : f32
        %reduce_or3A_233 = arith.constant 0.000000e+00 : f32
        %reduce_or3A_234 = vector.broadcast %reduce_or3A_232 : f32 to vector<16xf32>
        %reduce_or3A_235 = vector.broadcast %reduce_or3A_233 : f32 to vector<16xf32>
        %reduce_or3A_236 = arith.select %eq3A_231, %reduce_or3A_234, %reduce_or3A_235 : vector<16xi1>, vector<16xf32>
        %reduce_or3A_237 = arith.constant true
        %reduce_or3A_238 = vector.broadcast %reduce_or3A_237 : i1 to vector<16xi1>
        %reduce_or3A_239 = tpu.scan <max>, %reduce_or3A_236 masked %reduce_or3A_238 : vector<16xf32>, vector<16xi1> -> vector<16xf32>
        %reduce_or3A_240 = vector.extract %reduce_or3A_239[15] : f32 from vector<16xf32>
        %reduce_or3A_241 = arith.constant 0.000000e+00 : f32
        %reduce_or3A_242 = arith.cmpf ogt, %reduce_or3A_240, %reduce_or3A_241 : f32
        %convert_element_type3A_243 = arith.extui %reduce_or3A_242 : i1 to i32
        %cond3A_244 = arith.constant 0 : i32
        %cond3A_245 = arith.cmpi ne, %convert_element_type3A_243, %cond3A_244 : i32
        scf.if %cond3A_245 {
          %add3A_246 = arith.constant 64 : i32
          %add3A_247 = vector.broadcast %add3A_246 : i32 to vector<16xi32>
          %add3A_248 = arith.addi %add3A_247, %iota3A : vector<16xi32>
          %scan3A_249 = arith.constant 0 : i32
          %scan3A_250 = arith.constant 64 : i32
          %scan3A_251 = arith.addi %scan3A_249, %scan3A_250 : i32
          %scan3A_252 = arith.constant 1 : i32
          scf.for %scan3A_254 = %scan3A_249 to %scan3A_251 step %scan3A_252  : i32 {
            %mul3A_255 = arith.constant 1 : i32
            %mul3A_256 = arith.muli %scan3A_254, %mul3A_255 : i32
            %add3A_257 = arith.constant 0 : i32
            %add3A_258 = arith.addi %add3A_257, %mul3A_256 : i32
            %broadcast_in_dim3A_259 = vector.broadcast %add3A_258 : i32 to vector<16xi32>
            tpu.vector_store_idx %arg15[%add3A_248, %broadcast_in_dim3A_259], %broadcast_in_dim3A_5 masked %eq3A_231 : memref<80x64xf32, #tpu.memory_space<vmem>>[vector<16xi32>, vector<16xi32>], vector<16xf32>, vector<16xi1>
          }
          %scan3A_253 = arith.constant 64 : i32
        } else {
        }
      } else {
      }
      %add3A_110 = arith.addi %mul3A_2, %mul3A_101 : i32
      %dma_start3A_111 = arith.constant 0 : i32
      %dma_start3A_112 = tpu.memref_slice %arg6[%add3A_110, %dma_start3A_111] : memref<51200x64xf32, #tpu.memory_space<hbm>> -> memref<80x64xf32, #tpu.memory_space<hbm>>
      %dma_start3A_113 = arith.constant 0 : i32
      %dma_start3A_114 = tpu.memref_slice %arg6[%add3A_110, %dma_start3A_113] : memref<51200x64xf32, #tpu.memory_space<hbm>> -> memref<80x64xf32, #tpu.memory_space<hbm>>
      tpu.enqueue_dma source(%arg15 : memref<80x64xf32, #tpu.memory_space<vmem>>) target(%dma_start3A_114 : memref<80x64xf32, #tpu.memory_space<hbm>>) target_semaphore(%arg23 : memref<!tpu.dma_semaphore, #tpu.memory_space<semaphore_mem>>)
      %lt3A = arith.constant 18 : i32
      %lt3A_115 = arith.cmpi slt, %add3A_99, %lt3A : i32
      %convert_element_type3A_116 = arith.extui %lt3A_115 : i1 to i32
      %cond3A_117 = arith.constant 0 : i32
      %cond3A_118 = arith.cmpi ne, %convert_element_type3A_116, %cond3A_117 : i32
      scf.if %cond3A_118 {
        %dma_wait3A_143 = arith.constant 0 : i32
        %dma_wait3A_144 = tpu.memref_slice %arg6[%mul3A_2, %dma_wait3A_143] : memref<51200x64xf32, #tpu.memory_space<hbm>> -> memref<80x64xf32, #tpu.memory_space<hbm>>
        %dma_wait3A_145 = arith.constant 0 : i32
        %dma_wait3A_146 = tpu.memref_slice %arg6[%mul3A_2, %dma_wait3A_145] : memref<51200x64xf32, #tpu.memory_space<hbm>> -> memref<80x64xf32, #tpu.memory_space<hbm>>
        tpu.wait_dma2 semaphore(%arg23 : memref<!tpu.dma_semaphore, #tpu.memory_space<semaphore_mem>>) src(%arg15 : memref<80x64xf32, #tpu.memory_space<vmem>>) dst(%dma_wait3A_146 : memref<80x64xf32, #tpu.memory_space<hbm>>)
        %add3A_147 = arith.constant 160 : i32
        %add3A_148 = arith.addi %mul3A_101, %add3A_147 : i32
        %dma_start3A_149 = tpu.memref_slice %arg10[%add3A_148] : memref<1600xi32, #tpu.memory_space<vmem>> -> memref<80xi32, #tpu.memory_space<vmem>>
        %dma_start3A_150 = arith.constant 0 : i32
        %dma_start3A_151 = arith.constant 0 : i32
        %dma_start3A_152 = tpu.memref_slice %arg5[%dma_start3A_150, %dma_start3A_151] : memref<100000x64xf32, #tpu.memory_space<hbm>> -> memref<100000x64xf32, #tpu.memory_space<hbm>>
        tpu.enqueue_indirect_dma source(%dma_start3A_152 : memref<100000x64xf32, #tpu.memory_space<hbm>>) target(%arg15 : memref<80x64xf32, #tpu.memory_space<vmem>>) offsets(%dma_start3A_149 : memref<80xi32, #tpu.memory_space<vmem>>) semaphore(%arg21 : memref<!tpu.dma_semaphore, #tpu.memory_space<semaphore_mem>>)
      } else {
      }
      %mul3A_119 = arith.constant 2 : i32
      %mul3A_120 = arith.muli %add3A_95, %mul3A_119 : i32
      %add3A_121 = arith.constant 1 : i32
      %add3A_122 = arith.addi %mul3A_120, %add3A_121 : i32
      %mul3A_123 = arith.constant 80 : i32
      %mul3A_124 = arith.muli %add3A_122, %mul3A_123 : i32
      %dma_wait3A_125 = arith.constant 0 : i32
      %dma_wait3A_126 = tpu.memref_slice %arg10[%dma_wait3A_125] : memref<1600xi32, #tpu.memory_space<vmem>> -> memref<80xi32, #tpu.memory_space<vmem>>
      %dma_wait3A_127 = arith.constant 0 : i32
      %dma_wait3A_128 = arith.constant 0 : i32
      %dma_wait3A_129 = tpu.memref_slice %arg5[%dma_wait3A_127, %dma_wait3A_128] : memref<100000x64xf32, #tpu.memory_space<hbm>> -> memref<100000x64xf32, #tpu.memory_space<hbm>>
      tpu.wait_indirect_dma semaphore(%arg22 : memref<!tpu.dma_semaphore, #tpu.memory_space<semaphore_mem>>) src(%dma_wait3A_129 : memref<100000x64xf32, #tpu.memory_space<hbm>>) dst(%arg16 : memref<80x64xf32, #tpu.memory_space<vmem>>)
      %convert_element_type3A_130 = arith.extui %ne3A_33 : i1 to i32
      %cond3A_131 = arith.constant 0 : i32
      %cond3A_132 = arith.cmpi ne, %convert_element_type3A_130, %cond3A_131 : i32
      scf.if %cond3A_132 {
        %add3A_143 = arith.constant 0 : i32
        %add3A_144 = arith.addi %mul3A_124, %add3A_143 : i32
        %get3A_145 = arith.index_cast %add3A_144 : i32 to index
        %get3A_146 = tpu.vector_load %arg9[%get3A_145] {strides = array<i32>} : memref<1600xi32, #tpu.memory_space<vmem>>, vector<16xi32>,
        %eq3A = arith.constant 0 : i32
        %eq3A_147 = vector.broadcast %eq3A : i32 to vector<16xi32>
        %eq3A_148 = arith.cmpi eq, %get3A_146, %eq3A_147 : vector<16xi32>
        %reduce_or3A = arith.constant 1.000000e+00 : f32
        %reduce_or3A_149 = arith.constant 0.000000e+00 : f32
        %reduce_or3A_150 = vector.broadcast %reduce_or3A : f32 to vector<16xf32>
        %reduce_or3A_151 = vector.broadcast %reduce_or3A_149 : f32 to vector<16xf32>
        %reduce_or3A_152 = arith.select %eq3A_148, %reduce_or3A_150, %reduce_or3A_151 : vector<16xi1>, vector<16xf32>
        %reduce_or3A_153 = arith.constant true
        %reduce_or3A_154 = vector.broadcast %reduce_or3A_153 : i1 to vector<16xi1>
        %reduce_or3A_155 = tpu.scan <max>, %reduce_or3A_152 masked %reduce_or3A_154 : vector<16xf32>, vector<16xi1> -> vector<16xf32>
        %reduce_or3A_156 = vector.extract %reduce_or3A_155[15] : f32 from vector<16xf32>
        %reduce_or3A_157 = arith.constant 0.000000e+00 : f32
        %reduce_or3A_158 = arith.cmpf ogt, %reduce_or3A_156, %reduce_or3A_157 : f32
        %convert_element_type3A_159 = arith.extui %reduce_or3A_158 : i1 to i32
        %cond3A_160 = arith.constant 0 : i32
        %cond3A_161 = arith.cmpi ne, %convert_element_type3A_159, %cond3A_160 : i32
        scf.if %cond3A_161 {
          %add3A_246 = arith.constant 0 : i32
          %add3A_247 = vector.broadcast %add3A_246 : i32 to vector<16xi32>
          %add3A_248 = arith.addi %add3A_247, %iota3A : vector<16xi32>
          %scan3A_249 = arith.constant 0 : i32
          %scan3A_250 = arith.constant 64 : i32
          %scan3A_251 = arith.addi %scan3A_249, %scan3A_250 : i32
          %scan3A_252 = arith.constant 1 : i32
          scf.for %scan3A_254 = %scan3A_249 to %scan3A_251 step %scan3A_252  : i32 {
            %mul3A_255 = arith.constant 1 : i32
            %mul3A_256 = arith.muli %scan3A_254, %mul3A_255 : i32
            %add3A_257 = arith.constant 0 : i32
            %add3A_258 = arith.addi %add3A_257, %mul3A_256 : i32
            %broadcast_in_dim3A_259 = vector.broadcast %add3A_258 : i32 to vector<16xi32>
            tpu.vector_store_idx %arg16[%add3A_248, %broadcast_in_dim3A_259], %broadcast_in_dim3A_5 masked %eq3A_148 : memref<80x64xf32, #tpu.memory_space<vmem>>[vector<16xi32>, vector<16xi32>], vector<16xf32>, vector<16xi1>
          }
          %scan3A_253 = arith.constant 64 : i32
        } else {
        }
        %add3A_162 = arith.constant 16 : i32
        %add3A_163 = arith.addi %mul3A_124, %add3A_162 : i32
        %get3A_164 = arith.index_cast %add3A_163 : i32 to index
        %get3A_165 = tpu.vector_load %arg9[%get3A_164] {strides = array<i32>} : memref<1600xi32, #tpu.memory_space<vmem>>, vector<16xi32>,
        %eq3A_166 = arith.constant 0 : i32
        %eq3A_167 = vector.broadcast %eq3A_166 : i32 to vector<16xi32>
        %eq3A_168 = arith.cmpi eq, %get3A_165, %eq3A_167 : vector<16xi32>
        %reduce_or3A_169 = arith.constant 1.000000e+00 : f32
        %reduce_or3A_170 = arith.constant 0.000000e+00 : f32
        %reduce_or3A_171 = vector.broadcast %reduce_or3A_169 : f32 to vector<16xf32>
        %reduce_or3A_172 = vector.broadcast %reduce_or3A_170 : f32 to vector<16xf32>
        %reduce_or3A_173 = arith.select %eq3A_168, %reduce_or3A_171, %reduce_or3A_172 : vector<16xi1>, vector<16xf32>
        %reduce_or3A_174 = arith.constant true
        %reduce_or3A_175 = vector.broadcast %reduce_or3A_174 : i1 to vector<16xi1>
        %reduce_or3A_176 = tpu.scan <max>, %reduce_or3A_173 masked %reduce_or3A_175 : vector<16xf32>, vector<16xi1> -> vector<16xf32>
        %reduce_or3A_177 = vector.extract %reduce_or3A_176[15] : f32 from vector<16xf32>
        %reduce_or3A_178 = arith.constant 0.000000e+00 : f32
        %reduce_or3A_179 = arith.cmpf ogt, %reduce_or3A_177, %reduce_or3A_178 : f32
        %convert_element_type3A_180 = arith.extui %reduce_or3A_179 : i1 to i32
        %cond3A_181 = arith.constant 0 : i32
        %cond3A_182 = arith.cmpi ne, %convert_element_type3A_180, %cond3A_181 : i32
        scf.if %cond3A_182 {
          %add3A_246 = arith.constant 16 : i32
          %add3A_247 = vector.broadcast %add3A_246 : i32 to vector<16xi32>
          %add3A_248 = arith.addi %add3A_247, %iota3A : vector<16xi32>
          %scan3A_249 = arith.constant 0 : i32
          %scan3A_250 = arith.constant 64 : i32
          %scan3A_251 = arith.addi %scan3A_249, %scan3A_250 : i32
          %scan3A_252 = arith.constant 1 : i32
          scf.for %scan3A_254 = %scan3A_249 to %scan3A_251 step %scan3A_252  : i32 {
            %mul3A_255 = arith.constant 1 : i32
            %mul3A_256 = arith.muli %scan3A_254, %mul3A_255 : i32
            %add3A_257 = arith.constant 0 : i32
            %add3A_258 = arith.addi %add3A_257, %mul3A_256 : i32
            %broadcast_in_dim3A_259 = vector.broadcast %add3A_258 : i32 to vector<16xi32>
            tpu.vector_store_idx %arg16[%add3A_248, %broadcast_in_dim3A_259], %broadcast_in_dim3A_5 masked %eq3A_168 : memref<80x64xf32, #tpu.memory_space<vmem>>[vector<16xi32>, vector<16xi32>], vector<16xf32>, vector<16xi1>
          }
          %scan3A_253 = arith.constant 64 : i32
        } else {
        }
        %add3A_183 = arith.constant 32 : i32
        %add3A_184 = arith.addi %mul3A_124, %add3A_183 : i32
        %get3A_185 = arith.index_cast %add3A_184 : i32 to index
        %get3A_186 = tpu.vector_load %arg9[%get3A_185] {strides = array<i32>} : memref<1600xi32, #tpu.memory_space<vmem>>, vector<16xi32>,
        %eq3A_187 = arith.constant 0 : i32
        %eq3A_188 = vector.broadcast %eq3A_187 : i32 to vector<16xi32>
        %eq3A_189 = arith.cmpi eq, %get3A_186, %eq3A_188 : vector<16xi32>
        %reduce_or3A_190 = arith.constant 1.000000e+00 : f32
        %reduce_or3A_191 = arith.constant 0.000000e+00 : f32
        %reduce_or3A_192 = vector.broadcast %reduce_or3A_190 : f32 to vector<16xf32>
        %reduce_or3A_193 = vector.broadcast %reduce_or3A_191 : f32 to vector<16xf32>
        %reduce_or3A_194 = arith.select %eq3A_189, %reduce_or3A_192, %reduce_or3A_193 : vector<16xi1>, vector<16xf32>
        %reduce_or3A_195 = arith.constant true
        %reduce_or3A_196 = vector.broadcast %reduce_or3A_195 : i1 to vector<16xi1>
        %reduce_or3A_197 = tpu.scan <max>, %reduce_or3A_194 masked %reduce_or3A_196 : vector<16xf32>, vector<16xi1> -> vector<16xf32>
        %reduce_or3A_198 = vector.extract %reduce_or3A_197[15] : f32 from vector<16xf32>
        %reduce_or3A_199 = arith.constant 0.000000e+00 : f32
        %reduce_or3A_200 = arith.cmpf ogt, %reduce_or3A_198, %reduce_or3A_199 : f32
        %convert_element_type3A_201 = arith.extui %reduce_or3A_200 : i1 to i32
        %cond3A_202 = arith.constant 0 : i32
        %cond3A_203 = arith.cmpi ne, %convert_element_type3A_201, %cond3A_202 : i32
        scf.if %cond3A_203 {
          %add3A_246 = arith.constant 32 : i32
          %add3A_247 = vector.broadcast %add3A_246 : i32 to vector<16xi32>
          %add3A_248 = arith.addi %add3A_247, %iota3A : vector<16xi32>
          %scan3A_249 = arith.constant 0 : i32
          %scan3A_250 = arith.constant 64 : i32
          %scan3A_251 = arith.addi %scan3A_249, %scan3A_250 : i32
          %scan3A_252 = arith.constant 1 : i32
          scf.for %scan3A_254 = %scan3A_249 to %scan3A_251 step %scan3A_252  : i32 {
            %mul3A_255 = arith.constant 1 : i32
            %mul3A_256 = arith.muli %scan3A_254, %mul3A_255 : i32
            %add3A_257 = arith.constant 0 : i32
            %add3A_258 = arith.addi %add3A_257, %mul3A_256 : i32
            %broadcast_in_dim3A_259 = vector.broadcast %add3A_258 : i32 to vector<16xi32>
            tpu.vector_store_idx %arg16[%add3A_248, %broadcast_in_dim3A_259], %broadcast_in_dim3A_5 masked %eq3A_189 : memref<80x64xf32, #tpu.memory_space<vmem>>[vector<16xi32>, vector<16xi32>], vector<16xf32>, vector<16xi1>
          }
          %scan3A_253 = arith.constant 64 : i32
        } else {
        }
        %add3A_204 = arith.constant 48 : i32
        %add3A_205 = arith.addi %mul3A_124, %add3A_204 : i32
        %get3A_206 = arith.index_cast %add3A_205 : i32 to index
        %get3A_207 = tpu.vector_load %arg9[%get3A_206] {strides = array<i32>} : memref<1600xi32, #tpu.memory_space<vmem>>, vector<16xi32>,
        %eq3A_208 = arith.constant 0 : i32
        %eq3A_209 = vector.broadcast %eq3A_208 : i32 to vector<16xi32>
        %eq3A_210 = arith.cmpi eq, %get3A_207, %eq3A_209 : vector<16xi32>
        %reduce_or3A_211 = arith.constant 1.000000e+00 : f32
        %reduce_or3A_212 = arith.constant 0.000000e+00 : f32
        %reduce_or3A_213 = vector.broadcast %reduce_or3A_211 : f32 to vector<16xf32>
        %reduce_or3A_214 = vector.broadcast %reduce_or3A_212 : f32 to vector<16xf32>
        %reduce_or3A_215 = arith.select %eq3A_210, %reduce_or3A_213, %reduce_or3A_214 : vector<16xi1>, vector<16xf32>
        %reduce_or3A_216 = arith.constant true
        %reduce_or3A_217 = vector.broadcast %reduce_or3A_216 : i1 to vector<16xi1>
        %reduce_or3A_218 = tpu.scan <max>, %reduce_or3A_215 masked %reduce_or3A_217 : vector<16xf32>, vector<16xi1> -> vector<16xf32>
        %reduce_or3A_219 = vector.extract %reduce_or3A_218[15] : f32 from vector<16xf32>
        %reduce_or3A_220 = arith.constant 0.000000e+00 : f32
        %reduce_or3A_221 = arith.cmpf ogt, %reduce_or3A_219, %reduce_or3A_220 : f32
        %convert_element_type3A_222 = arith.extui %reduce_or3A_221 : i1 to i32
        %cond3A_223 = arith.constant 0 : i32
        %cond3A_224 = arith.cmpi ne, %convert_element_type3A_222, %cond3A_223 : i32
        scf.if %cond3A_224 {
          %add3A_246 = arith.constant 48 : i32
          %add3A_247 = vector.broadcast %add3A_246 : i32 to vector<16xi32>
          %add3A_248 = arith.addi %add3A_247, %iota3A : vector<16xi32>
          %scan3A_249 = arith.constant 0 : i32
          %scan3A_250 = arith.constant 64 : i32
          %scan3A_251 = arith.addi %scan3A_249, %scan3A_250 : i32
          %scan3A_252 = arith.constant 1 : i32
          scf.for %scan3A_254 = %scan3A_249 to %scan3A_251 step %scan3A_252  : i32 {
            %mul3A_255 = arith.constant 1 : i32
            %mul3A_256 = arith.muli %scan3A_254, %mul3A_255 : i32
            %add3A_257 = arith.constant 0 : i32
            %add3A_258 = arith.addi %add3A_257, %mul3A_256 : i32
            %broadcast_in_dim3A_259 = vector.broadcast %add3A_258 : i32 to vector<16xi32>
            tpu.vector_store_idx %arg16[%add3A_248, %broadcast_in_dim3A_259], %broadcast_in_dim3A_5 masked %eq3A_210 : memref<80x64xf32, #tpu.memory_space<vmem>>[vector<16xi32>, vector<16xi32>], vector<16xf32>, vector<16xi1>
          }
          %scan3A_253 = arith.constant 64 : i32
        } else {
        }
        %add3A_225 = arith.constant 64 : i32
        %add3A_226 = arith.addi %mul3A_124, %add3A_225 : i32
        %get3A_227 = arith.index_cast %add3A_226 : i32 to index
        %get3A_228 = tpu.vector_load %arg9[%get3A_227] {strides = array<i32>} : memref<1600xi32, #tpu.memory_space<vmem>>, vector<16xi32>,
        %eq3A_229 = arith.constant 0 : i32
        %eq3A_230 = vector.broadcast %eq3A_229 : i32 to vector<16xi32>
        %eq3A_231 = arith.cmpi eq, %get3A_228, %eq3A_230 : vector<16xi32>
        %reduce_or3A_232 = arith.constant 1.000000e+00 : f32
        %reduce_or3A_233 = arith.constant 0.000000e+00 : f32
        %reduce_or3A_234 = vector.broadcast %reduce_or3A_232 : f32 to vector<16xf32>
        %reduce_or3A_235 = vector.broadcast %reduce_or3A_233 : f32 to vector<16xf32>
        %reduce_or3A_236 = arith.select %eq3A_231, %reduce_or3A_234, %reduce_or3A_235 : vector<16xi1>, vector<16xf32>
        %reduce_or3A_237 = arith.constant true
        %reduce_or3A_238 = vector.broadcast %reduce_or3A_237 : i1 to vector<16xi1>
        %reduce_or3A_239 = tpu.scan <max>, %reduce_or3A_236 masked %reduce_or3A_238 : vector<16xf32>, vector<16xi1> -> vector<16xf32>
        %reduce_or3A_240 = vector.extract %reduce_or3A_239[15] : f32 from vector<16xf32>
        %reduce_or3A_241 = arith.constant 0.000000e+00 : f32
        %reduce_or3A_242 = arith.cmpf ogt, %reduce_or3A_240, %reduce_or3A_241 : f32
        %convert_element_type3A_243 = arith.extui %reduce_or3A_242 : i1 to i32
        %cond3A_244 = arith.constant 0 : i32
        %cond3A_245 = arith.cmpi ne, %convert_element_type3A_243, %cond3A_244 : i32
        scf.if %cond3A_245 {
          %add3A_246 = arith.constant 64 : i32
          %add3A_247 = vector.broadcast %add3A_246 : i32 to vector<16xi32>
          %add3A_248 = arith.addi %add3A_247, %iota3A : vector<16xi32>
          %scan3A_249 = arith.constant 0 : i32
          %scan3A_250 = arith.constant 64 : i32
          %scan3A_251 = arith.addi %scan3A_249, %scan3A_250 : i32
          %scan3A_252 = arith.constant 1 : i32
          scf.for %scan3A_254 = %scan3A_249 to %scan3A_251 step %scan3A_252  : i32 {
            %mul3A_255 = arith.constant 1 : i32
            %mul3A_256 = arith.muli %scan3A_254, %mul3A_255 : i32
            %add3A_257 = arith.constant 0 : i32
            %add3A_258 = arith.addi %add3A_257, %mul3A_256 : i32
            %broadcast_in_dim3A_259 = vector.broadcast %add3A_258 : i32 to vector<16xi32>
            tpu.vector_store_idx %arg16[%add3A_248, %broadcast_in_dim3A_259], %broadcast_in_dim3A_5 masked %eq3A_231 : memref<80x64xf32, #tpu.memory_space<vmem>>[vector<16xi32>, vector<16xi32>], vector<16xf32>, vector<16xi1>
          }
          %scan3A_253 = arith.constant 64 : i32
        } else {
        }
      } else {
      }
      %add3A_133 = arith.addi %mul3A_2, %mul3A_124 : i32
      %dma_start3A_134 = arith.constant 0 : i32
      %dma_start3A_135 = tpu.memref_slice %arg6[%add3A_133, %dma_start3A_134] : memref<51200x64xf32, #tpu.memory_space<hbm>> -> memref<80x64xf32, #tpu.memory_space<hbm>>
      %dma_start3A_136 = arith.constant 0 : i32
      %dma_start3A_137 = tpu.memref_slice %arg6[%add3A_133, %dma_start3A_136] : memref<51200x64xf32, #tpu.memory_space<hbm>> -> memref<80x64xf32, #tpu.memory_space<hbm>>
      tpu.enqueue_dma source(%arg16 : memref<80x64xf32, #tpu.memory_space<vmem>>) target(%dma_start3A_137 : memref<80x64xf32, #tpu.memory_space<hbm>>) target_semaphore(%arg24 : memref<!tpu.dma_semaphore, #tpu.memory_space<semaphore_mem>>)
      %lt3A_138 = arith.constant 18 : i32
      %lt3A_139 = arith.cmpi slt, %add3A_122, %lt3A_138 : i32
      %convert_element_type3A_140 = arith.extui %lt3A_139 : i1 to i32
      %cond3A_141 = arith.constant 0 : i32
      %cond3A_142 = arith.cmpi ne, %convert_element_type3A_140, %cond3A_141 : i32
      scf.if %cond3A_142 {
        %dma_wait3A_143 = arith.constant 0 : i32
        %dma_wait3A_144 = tpu.memref_slice %arg6[%mul3A_2, %dma_wait3A_143] : memref<51200x64xf32, #tpu.memory_space<hbm>> -> memref<80x64xf32, #tpu.memory_space<hbm>>
        %dma_wait3A_145 = arith.constant 0 : i32
        %dma_wait3A_146 = tpu.memref_slice %arg6[%mul3A_2, %dma_wait3A_145] : memref<51200x64xf32, #tpu.memory_space<hbm>> -> memref<80x64xf32, #tpu.memory_space<hbm>>
        tpu.wait_dma2 semaphore(%arg24 : memref<!tpu.dma_semaphore, #tpu.memory_space<semaphore_mem>>) src(%arg16 : memref<80x64xf32, #tpu.memory_space<vmem>>) dst(%dma_wait3A_146 : memref<80x64xf32, #tpu.memory_space<hbm>>)
        %add3A_147 = arith.constant 160 : i32
        %add3A_148 = arith.addi %mul3A_124, %add3A_147 : i32
        %dma_start3A_149 = tpu.memref_slice %arg10[%add3A_148] : memref<1600xi32, #tpu.memory_space<vmem>> -> memref<80xi32, #tpu.memory_space<vmem>>
        %dma_start3A_150 = arith.constant 0 : i32
        %dma_start3A_151 = arith.constant 0 : i32
        %dma_start3A_152 = tpu.memref_slice %arg5[%dma_start3A_150, %dma_start3A_151] : memref<100000x64xf32, #tpu.memory_space<hbm>> -> memref<100000x64xf32, #tpu.memory_space<hbm>>
        tpu.enqueue_indirect_dma source(%dma_start3A_152 : memref<100000x64xf32, #tpu.memory_space<hbm>>) target(%arg16 : memref<80x64xf32, #tpu.memory_space<vmem>>) offsets(%dma_start3A_149 : memref<80xi32, #tpu.memory_space<vmem>>) semaphore(%arg22 : memref<!tpu.dma_semaphore, #tpu.memory_space<semaphore_mem>>)
      } else {
      }
    }
    %scan3A_56 = arith.constant 10 : i32
    %dma_wait3A_57 = arith.constant 0 : i32
    %dma_wait3A_58 = tpu.memref_slice %arg4[%dma_wait3A_57] : memref<1000000xi32, #tpu.memory_space<hbm>> -> memref<16000xi32, #tpu.memory_space<hbm>>
    %dma_wait3A_59 = arith.constant 0 : i32
    %dma_wait3A_60 = tpu.memref_slice %arg4[%dma_wait3A_59] : memref<1000000xi32, #tpu.memory_space<hbm>> -> memref<16000xi32, #tpu.memory_space<hbm>>
    tpu.wait_dma2 semaphore(%arg18 : memref<!tpu.dma_semaphore, #tpu.memory_space<semaphore_mem>>) src(%dma_wait3A_60 : memref<16000xi32, #tpu.memory_space<hbm>>) dst(%arg12 : memref<16000xi32, #tpu.memory_space<vmem>>)
    %scan3A_61 = arith.constant 0 : i32
    %scan3A_62 = arith.constant 1000 : i32
    %scan3A_63 = arith.addi %scan3A_61, %scan3A_62 : i32
    %scan3A_64 = arith.constant 1 : i32
    scf.for %scan3A_91 = %scan3A_61 to %scan3A_63 step %scan3A_64  : i32 {
      %mul3A_92 = arith.constant 1 : i32
      %mul3A_93 = arith.muli %scan3A_91, %mul3A_92 : i32
      %add3A_94 = arith.constant 0 : i32
      %add3A_95 = arith.addi %add3A_94, %mul3A_93 : i32
      %mul3A_96 = arith.constant 16 : i32
      %mul3A_97 = arith.muli %add3A_95, %mul3A_96 : i32
      %get3A_98 = arith.index_cast %mul3A_97 : i32 to index
      %get3A_99 = tpu.vector_load %arg12[%get3A_98] {strides = array<i32>} : memref<16000xi32, #tpu.memory_space<vmem>>, vector<16xi32>,
      %ne3A_100 = arith.constant 0 : i32
      %ne3A_101 = vector.broadcast %ne3A_100 : i32 to vector<16xi32>
      %ne3A_102 = arith.cmpi ne, %get3A_99, %ne3A_101 : vector<16xi32>
      %select_n3A = arith.select %ne3A_102, %broadcast_in_dim3A_7, %broadcast_in_dim3A_9 : vector<16xi1>, vector<16xi32>
      %mul3A_103 = arith.constant 16 : i32
      %mul3A_104 = arith.muli %add3A_95, %mul3A_103 : i32
      %swap3A_105 = arith.index_cast %mul3A_104 : i32 to index
      %swap3A_106 = tpu.vector_load %arg13[%swap3A_105] {strides = array<i32>} : memref<16000xi32, #tpu.memory_space<vmem>>, vector<16xi32>,
      tpu.vector_store %arg13[%swap3A_105], %select_n3A {strides = array<i32>} : memref<16000xi32, #tpu.memory_space<vmem>>, vector<16xi32>,
    }
    %scan3A_65 = arith.constant 1000 : i32
    %convert_element_type3A = arith.extui %ne3A_33 : i1 to i32
    %cond3A = arith.constant 0 : i32
    %cond3A_66 = arith.cmpi ne, %convert_element_type3A, %cond3A : i32
    scf.if %cond3A_66 {
      %scan3A_91 = arith.constant 0 : i32
      %scan3A_92 = arith.constant 100 : i32
      %scan3A_93 = arith.addi %scan3A_91, %scan3A_92 : i32
      %scan3A_94 = arith.constant 1 : i32
      scf.for %scan3A_96 = %scan3A_91 to %scan3A_93 step %scan3A_94  : i32 {
        %mul3A_97 = arith.constant 1 : i32
        %mul3A_98 = arith.muli %scan3A_96, %mul3A_97 : i32
        %add3A_99 = arith.constant 0 : i32
        %add3A_100 = arith.addi %add3A_99, %mul3A_98 : i32
        %mul3A_101 = arith.constant 16 : i32
        %mul3A_102 = arith.muli %add3A_100, %mul3A_101 : i32
        %get3A_103 = arith.index_cast %mul3A_102 : i32 to index
        %get3A_104 = tpu.vector_load %arg9[%get3A_103] {strides = array<i32>} : memref<1600xi32, #tpu.memory_space<vmem>>, vector<16xi32>,
        %eq3A = arith.constant 0 : i32
        %eq3A_105 = vector.broadcast %eq3A : i32 to vector<16xi32>
        %eq3A_106 = arith.cmpi eq, %get3A_104, %eq3A_105 : vector<16xi32>
        %reduce_or3A = arith.constant 1.000000e+00 : f32
        %reduce_or3A_107 = arith.constant 0.000000e+00 : f32
        %reduce_or3A_108 = vector.broadcast %reduce_or3A : f32 to vector<16xf32>
        %reduce_or3A_109 = vector.broadcast %reduce_or3A_107 : f32 to vector<16xf32>
        %reduce_or3A_110 = arith.select %eq3A_106, %reduce_or3A_108, %reduce_or3A_109 : vector<16xi1>, vector<16xf32>
        %reduce_or3A_111 = arith.constant true
        %reduce_or3A_112 = vector.broadcast %reduce_or3A_111 : i1 to vector<16xi1>
        %reduce_or3A_113 = tpu.scan <max>, %reduce_or3A_110 masked %reduce_or3A_112 : vector<16xf32>, vector<16xi1> -> vector<16xf32>
        %reduce_or3A_114 = vector.extract %reduce_or3A_113[15] : f32 from vector<16xf32>
        %reduce_or3A_115 = arith.constant 0.000000e+00 : f32
        %reduce_or3A_116 = arith.cmpf ogt, %reduce_or3A_114, %reduce_or3A_115 : f32
        %convert_element_type3A_117 = arith.extui %reduce_or3A_116 : i1 to i32
        %cond3A_118 = arith.constant 0 : i32
        %cond3A_119 = arith.cmpi ne, %convert_element_type3A_117, %cond3A_118 : i32
        scf.if %cond3A_119 {
          %mul3A_120 = arith.constant 16 : i32
          %mul3A_121 = arith.muli %add3A_100, %mul3A_120 : i32
          %add3A_122 = vector.broadcast %mul3A_121 : i32 to vector<16xi32>
          %add3A_123 = arith.addi %add3A_122, %iota3A : vector<16xi32>
          %mul3A_124 = arith.constant 10 : i32
          %mul3A_125 = vector.broadcast %mul3A_124 : i32 to vector<16xi32>
          %mul3A_126 = arith.muli %add3A_123, %mul3A_125 : vector<16xi32>
          %add3A_127 = arith.constant 0 : i32
          %add3A_128 = vector.broadcast %add3A_127 : i32 to vector<16xi32>
          %add3A_129 = arith.addi %mul3A_126, %add3A_128 : vector<16xi32>
          tpu.vector_store_idx %arg13[%add3A_129], %broadcast_in_dim3A_9 masked %eq3A_106 : memref<16000xi32, #tpu.memory_space<vmem>>[vector<16xi32>], vector<16xi32>, vector<16xi1>
          %mul3A_130 = arith.constant 10 : i32
          %mul3A_131 = vector.broadcast %mul3A_130 : i32 to vector<16xi32>
          %mul3A_132 = arith.muli %add3A_123, %mul3A_131 : vector<16xi32>
          %add3A_133 = arith.constant 1 : i32
          %add3A_134 = vector.broadcast %add3A_133 : i32 to vector<16xi32>
          %add3A_135 = arith.addi %mul3A_132, %add3A_134 : vector<16xi32>
          tpu.vector_store_idx %arg13[%add3A_135], %broadcast_in_dim3A_9 masked %eq3A_106 : memref<16000xi32, #tpu.memory_space<vmem>>[vector<16xi32>], vector<16xi32>, vector<16xi1>
          %mul3A_136 = arith.constant 10 : i32
          %mul3A_137 = vector.broadcast %mul3A_136 : i32 to vector<16xi32>
          %mul3A_138 = arith.muli %add3A_123, %mul3A_137 : vector<16xi32>
          %add3A_139 = arith.constant 2 : i32
          %add3A_140 = vector.broadcast %add3A_139 : i32 to vector<16xi32>
          %add3A_141 = arith.addi %mul3A_138, %add3A_140 : vector<16xi32>
          tpu.vector_store_idx %arg13[%add3A_141], %broadcast_in_dim3A_9 masked %eq3A_106 : memref<16000xi32, #tpu.memory_space<vmem>>[vector<16xi32>], vector<16xi32>, vector<16xi1>
          %mul3A_142 = arith.constant 10 : i32
          %mul3A_143 = vector.broadcast %mul3A_142 : i32 to vector<16xi32>
          %mul3A_144 = arith.muli %add3A_123, %mul3A_143 : vector<16xi32>
          %add3A_145 = arith.constant 3 : i32
          %add3A_146 = vector.broadcast %add3A_145 : i32 to vector<16xi32>
          %add3A_147 = arith.addi %mul3A_144, %add3A_146 : vector<16xi32>
          tpu.vector_store_idx %arg13[%add3A_147], %broadcast_in_dim3A_9 masked %eq3A_106 : memref<16000xi32, #tpu.memory_space<vmem>>[vector<16xi32>], vector<16xi32>, vector<16xi1>
          %mul3A_148 = arith.constant 10 : i32
          %mul3A_149 = vector.broadcast %mul3A_148 : i32 to vector<16xi32>
          %mul3A_150 = arith.muli %add3A_123, %mul3A_149 : vector<16xi32>
          %add3A_151 = arith.constant 4 : i32
          %add3A_152 = vector.broadcast %add3A_151 : i32 to vector<16xi32>
          %add3A_153 = arith.addi %mul3A_150, %add3A_152 : vector<16xi32>
          tpu.vector_store_idx %arg13[%add3A_153], %broadcast_in_dim3A_9 masked %eq3A_106 : memref<16000xi32, #tpu.memory_space<vmem>>[vector<16xi32>], vector<16xi32>, vector<16xi1>
          %mul3A_154 = arith.constant 10 : i32
          %mul3A_155 = vector.broadcast %mul3A_154 : i32 to vector<16xi32>
          %mul3A_156 = arith.muli %add3A_123, %mul3A_155 : vector<16xi32>
          %add3A_157 = arith.constant 5 : i32
          %add3A_158 = vector.broadcast %add3A_157 : i32 to vector<16xi32>
          %add3A_159 = arith.addi %mul3A_156, %add3A_158 : vector<16xi32>
          tpu.vector_store_idx %arg13[%add3A_159], %broadcast_in_dim3A_9 masked %eq3A_106 : memref<16000xi32, #tpu.memory_space<vmem>>[vector<16xi32>], vector<16xi32>, vector<16xi1>
          %mul3A_160 = arith.constant 10 : i32
          %mul3A_161 = vector.broadcast %mul3A_160 : i32 to vector<16xi32>
          %mul3A_162 = arith.muli %add3A_123, %mul3A_161 : vector<16xi32>
          %add3A_163 = arith.constant 6 : i32
          %add3A_164 = vector.broadcast %add3A_163 : i32 to vector<16xi32>
          %add3A_165 = arith.addi %mul3A_162, %add3A_164 : vector<16xi32>
          tpu.vector_store_idx %arg13[%add3A_165], %broadcast_in_dim3A_9 masked %eq3A_106 : memref<16000xi32, #tpu.memory_space<vmem>>[vector<16xi32>], vector<16xi32>, vector<16xi1>
          %mul3A_166 = arith.constant 10 : i32
          %mul3A_167 = vector.broadcast %mul3A_166 : i32 to vector<16xi32>
          %mul3A_168 = arith.muli %add3A_123, %mul3A_167 : vector<16xi32>
          %add3A_169 = arith.constant 7 : i32
          %add3A_170 = vector.broadcast %add3A_169 : i32 to vector<16xi32>
          %add3A_171 = arith.addi %mul3A_168, %add3A_170 : vector<16xi32>
          tpu.vector_store_idx %arg13[%add3A_171], %broadcast_in_dim3A_9 masked %eq3A_106 : memref<16000xi32, #tpu.memory_space<vmem>>[vector<16xi32>], vector<16xi32>, vector<16xi1>
          %mul3A_172 = arith.constant 10 : i32
          %mul3A_173 = vector.broadcast %mul3A_172 : i32 to vector<16xi32>
          %mul3A_174 = arith.muli %add3A_123, %mul3A_173 : vector<16xi32>
          %add3A_175 = arith.constant 8 : i32
          %add3A_176 = vector.broadcast %add3A_175 : i32 to vector<16xi32>
          %add3A_177 = arith.addi %mul3A_174, %add3A_176 : vector<16xi32>
          tpu.vector_store_idx %arg13[%add3A_177], %broadcast_in_dim3A_9 masked %eq3A_106 : memref<16000xi32, #tpu.memory_space<vmem>>[vector<16xi32>], vector<16xi32>, vector<16xi1>
          %mul3A_178 = arith.constant 10 : i32
          %mul3A_179 = vector.broadcast %mul3A_178 : i32 to vector<16xi32>
          %mul3A_180 = arith.muli %add3A_123, %mul3A_179 : vector<16xi32>
          %add3A_181 = arith.constant 9 : i32
          %add3A_182 = vector.broadcast %add3A_181 : i32 to vector<16xi32>
          %add3A_183 = arith.addi %mul3A_180, %add3A_182 : vector<16xi32>
          tpu.vector_store_idx %arg13[%add3A_183], %broadcast_in_dim3A_9 masked %eq3A_106 : memref<16000xi32, #tpu.memory_space<vmem>>[vector<16xi32>], vector<16xi32>, vector<16xi1>
        } else {
        }
      }
      %scan3A_95 = arith.constant 100 : i32
    } else {
    }
    %mul3A_67 = arith.constant 10 : i32
    %mul3A_68 = arith.muli %mul3A_2, %mul3A_67 : i32
    %dma_start3A_69 = tpu.memref_slice %arg7[%mul3A_68] : memref<512000xi32, #tpu.memory_space<hbm>> -> memref<16000xi32, #tpu.memory_space<hbm>>
    %dma_start3A_70 = tpu.memref_slice %arg7[%mul3A_68] : memref<512000xi32, #tpu.memory_space<hbm>> -> memref<16000xi32, #tpu.memory_space<hbm>>
    tpu.enqueue_dma source(%arg13 : memref<16000xi32, #tpu.memory_space<vmem>>) target(%dma_start3A_70 : memref<16000xi32, #tpu.memory_space<hbm>>) target_semaphore(%arg19 : memref<!tpu.dma_semaphore, #tpu.memory_space<semaphore_mem>>)
    %mul3A_71 = arith.constant 10 : i32
    %mul3A_72 = arith.muli %mul3A_2, %mul3A_71 : i32
    %dma_start3A_73 = tpu.memref_slice %arg8[%mul3A_72] : memref<512000xi32, #tpu.memory_space<hbm>> -> memref<16000xi32, #tpu.memory_space<hbm>>
    %dma_start3A_74 = tpu.memref_slice %arg8[%mul3A_72] : memref<512000xi32, #tpu.memory_space<hbm>> -> memref<16000xi32, #tpu.memory_space<hbm>>
    tpu.enqueue_dma source(%arg12 : memref<16000xi32, #tpu.memory_space<vmem>>) target(%dma_start3A_74 : memref<16000xi32, #tpu.memory_space<hbm>>) target_semaphore(%arg20 : memref<!tpu.dma_semaphore, #tpu.memory_space<semaphore_mem>>)
    %dma_wait3A_75 = arith.constant 0 : i32
    %dma_wait3A_76 = tpu.memref_slice %arg6[%mul3A_2, %dma_wait3A_75] : memref<51200x64xf32, #tpu.memory_space<hbm>> -> memref<80x64xf32, #tpu.memory_space<hbm>>
    %dma_wait3A_77 = arith.constant 0 : i32
    %dma_wait3A_78 = tpu.memref_slice %arg6[%mul3A_2, %dma_wait3A_77] : memref<51200x64xf32, #tpu.memory_space<hbm>> -> memref<80x64xf32, #tpu.memory_space<hbm>>
    tpu.wait_dma2 semaphore(%arg23 : memref<!tpu.dma_semaphore, #tpu.memory_space<semaphore_mem>>) src(%arg15 : memref<80x64xf32, #tpu.memory_space<vmem>>) dst(%dma_wait3A_78 : memref<80x64xf32, #tpu.memory_space<hbm>>)
    %dma_wait3A_79 = arith.constant 0 : i32
    %dma_wait3A_80 = tpu.memref_slice %arg6[%mul3A_2, %dma_wait3A_79] : memref<51200x64xf32, #tpu.memory_space<hbm>> -> memref<80x64xf32, #tpu.memory_space<hbm>>
    %dma_wait3A_81 = arith.constant 0 : i32
    %dma_wait3A_82 = tpu.memref_slice %arg6[%mul3A_2, %dma_wait3A_81] : memref<51200x64xf32, #tpu.memory_space<hbm>> -> memref<80x64xf32, #tpu.memory_space<hbm>>
    tpu.wait_dma2 semaphore(%arg24 : memref<!tpu.dma_semaphore, #tpu.memory_space<semaphore_mem>>) src(%arg16 : memref<80x64xf32, #tpu.memory_space<vmem>>) dst(%dma_wait3A_82 : memref<80x64xf32, #tpu.memory_space<hbm>>)
    %mul3A_83 = arith.constant 10 : i32
    %mul3A_84 = arith.muli %mul3A_2, %mul3A_83 : i32
    %dma_wait3A_85 = tpu.memref_slice %arg7[%mul3A_84] : memref<512000xi32, #tpu.memory_space<hbm>> -> memref<16000xi32, #tpu.memory_space<hbm>>
    %dma_wait3A_86 = tpu.memref_slice %arg7[%mul3A_84] : memref<512000xi32, #tpu.memory_space<hbm>> -> memref<16000xi32, #tpu.memory_space<hbm>>
    tpu.wait_dma2 semaphore(%arg19 : memref<!tpu.dma_semaphore, #tpu.memory_space<semaphore_mem>>) src(%arg13 : memref<16000xi32, #tpu.memory_space<vmem>>) dst(%dma_wait3A_86 : memref<16000xi32, #tpu.memory_space<hbm>>)
    %mul3A_87 = arith.constant 10 : i32
    %mul3A_88 = arith.muli %mul3A_2, %mul3A_87 : i32
    %dma_wait3A_89 = tpu.memref_slice %arg8[%mul3A_88] : memref<512000xi32, #tpu.memory_space<hbm>> -> memref<16000xi32, #tpu.memory_space<hbm>>
    %dma_wait3A_90 = tpu.memref_slice %arg8[%mul3A_88] : memref<512000xi32, #tpu.memory_space<hbm>> -> memref<16000xi32, #tpu.memory_space<hbm>>
    tpu.wait_dma2 semaphore(%arg20 : memref<!tpu.dma_semaphore, #tpu.memory_space<semaphore_mem>>) src(%arg12 : memref<16000xi32, #tpu.memory_space<vmem>>) dst(%dma_wait3A_90 : memref<16000xi32, #tpu.memory_space<hbm>>)
    return
  }
}

#map = affine_map<(d0, d1) -> (0)>
#map1 = affine_map<(d0, d1) -> (0, 0)>
module attributes {stable_mosaic.version = 14 : i64} {
  func.func @_i_body(%arg0: i32, %arg1: i32, %arg2: memref<51200xi32, #tpu.memory_space<hbm>>, %arg3: memref<512000xi32, #tpu.memory_space<hbm>>, %arg4: memref<1000000x64xf32, #tpu.memory_space<hbm>>, %arg5: memref<512000x64xf32, #tpu.memory_space<hbm>>, %arg6: memref<1600xi32, #tpu.memory_space<vmem>>, %arg7: memref<16000xi32, #tpu.memory_space<vmem>>, %arg8: memref<16xi32, #tpu.memory_space<vmem>>, %arg9: memref<128x64xf32, #tpu.memory_space<vmem>>, %arg10: memref<128x64xf32, #tpu.memory_space<vmem>>, %arg11: memref<128x64xf32, #tpu.memory_space<vmem>>, %arg12: memref<128x64xf32, #tpu.memory_space<vmem>>, %arg13: memref<!tpu.dma_semaphore, #tpu.memory_space<semaphore_mem>>, %arg14: memref<!tpu.dma_semaphore, #tpu.memory_space<semaphore_mem>>, %arg15: memref<!tpu.dma_semaphore, #tpu.memory_space<semaphore_mem>>, %arg16: memref<!tpu.dma_semaphore, #tpu.memory_space<semaphore_mem>>, %arg17: memref<!tpu.dma_semaphore, #tpu.memory_space<semaphore_mem>>, %arg18: memref<!tpu.dma_semaphore, #tpu.memory_space<semaphore_mem>>, %arg19: memref<!tpu.dma_semaphore, #tpu.memory_space<semaphore_mem>>, %arg20: memref<!tpu.dma_semaphore, #tpu.memory_space<semaphore_mem>>) attributes {dimension_semantics = [#tpu.dimension_semantics<core_parallel>, #tpu.dimension_semantics<subcore_parallel>], iteration_bounds = array<i64: 2, 16>, scalar_prefetch = 0 : i64, scratch_operands = 15 : i64, tpu.core_type = #tpu.core_type<sc_vector_subcore>, window_params = [{transform_indices = #map}, {transform_indices = #map}, {transform_indices = #map1}, {transform_indices = #map1}]} {
    %mul3A = arith.constant 2 : i32
    %mul3A_0 = arith.muli %arg1, %mul3A : i32
    %add3A = arith.addi %mul3A_0, %arg0 : i32
    %mul3A_1 = arith.constant 1600 : i32
    %mul3A_2 = arith.muli %add3A, %mul3A_1 : i32
    %iota3A = tpu.iota {dimensions = array<i32: 0>} : vector<16xi32>
    %broadcast_in_dim3A = arith.constant 10 : i32
    %broadcast_in_dim3A_3 = vector.broadcast %broadcast_in_dim3A : i32 to vector<16xi32>
    %broadcast_in_dim3A_4 = arith.constant 0.000000e+00 : f32
    %broadcast_in_dim3A_5 = vector.broadcast %broadcast_in_dim3A_4 : f32 to vector<16xf32>
    %broadcast_in_dim3A_6 = arith.constant 1 : i32
    %broadcast_in_dim3A_7 = vector.broadcast %broadcast_in_dim3A_6 : i32 to vector<16xi32>
    %broadcast_in_dim3A_8 = arith.constant 0 : i32
    %broadcast_in_dim3A_9 = vector.broadcast %broadcast_in_dim3A_8 : i32 to vector<16xi32>
    "tpu.region"() ({
      %run_scoped3A = tpu.sem_alloc : memref<!tpu.dma_semaphore, #tpu.memory_space<semaphore_mem>>
      %dma_start3A_73 = tpu.memref_slice %arg2[%mul3A_2] : memref<51200xi32, #tpu.memory_space<hbm>> -> memref<1600xi32, #tpu.memory_space<hbm>>
      %dma_start3A_74 = tpu.memref_slice %arg2[%mul3A_2] : memref<51200xi32, #tpu.memory_space<hbm>> -> memref<1600xi32, #tpu.memory_space<hbm>>
      tpu.enqueue_dma source(%dma_start3A_74 : memref<1600xi32, #tpu.memory_space<hbm>>) target(%arg6 : memref<1600xi32, #tpu.memory_space<vmem>>) target_semaphore(%run_scoped3A : memref<!tpu.dma_semaphore, #tpu.memory_space<semaphore_mem>>)
      %dma_wait3A_75 = tpu.memref_slice %arg2[%mul3A_2] : memref<51200xi32, #tpu.memory_space<hbm>> -> memref<1600xi32, #tpu.memory_space<hbm>>
      %dma_wait3A_76 = tpu.memref_slice %arg2[%mul3A_2] : memref<51200xi32, #tpu.memory_space<hbm>> -> memref<1600xi32, #tpu.memory_space<hbm>>
      tpu.wait_dma2 semaphore(%run_scoped3A : memref<!tpu.dma_semaphore, #tpu.memory_space<semaphore_mem>>) src(%dma_wait3A_76 : memref<1600xi32, #tpu.memory_space<hbm>>) dst(%arg6 : memref<1600xi32, #tpu.memory_space<vmem>>)
      tpu.yield
    }) : () -> ()
    %mul3A_10 = arith.constant 10 : i32
    %mul3A_11 = arith.muli %mul3A_2, %mul3A_10 : i32
    "tpu.region"() ({
      %run_scoped3A = tpu.sem_alloc : memref<!tpu.dma_semaphore, #tpu.memory_space<semaphore_mem>>
      %dma_start3A_73 = tpu.memref_slice %arg3[%mul3A_11] : memref<512000xi32, #tpu.memory_space<hbm>> -> memref<16000xi32, #tpu.memory_space<hbm>>
      %dma_start3A_74 = tpu.memref_slice %arg3[%mul3A_11] : memref<512000xi32, #tpu.memory_space<hbm>> -> memref<16000xi32, #tpu.memory_space<hbm>>
      tpu.enqueue_dma source(%dma_start3A_74 : memref<16000xi32, #tpu.memory_space<hbm>>) target(%arg7 : memref<16000xi32, #tpu.memory_space<vmem>>) target_semaphore(%run_scoped3A : memref<!tpu.dma_semaphore, #tpu.memory_space<semaphore_mem>>)
      %dma_wait3A_75 = tpu.memref_slice %arg3[%mul3A_11] : memref<512000xi32, #tpu.memory_space<hbm>> -> memref<16000xi32, #tpu.memory_space<hbm>>
      %dma_wait3A_76 = tpu.memref_slice %arg3[%mul3A_11] : memref<512000xi32, #tpu.memory_space<hbm>> -> memref<16000xi32, #tpu.memory_space<hbm>>
      tpu.wait_dma2 semaphore(%run_scoped3A : memref<!tpu.dma_semaphore, #tpu.memory_space<semaphore_mem>>) src(%dma_wait3A_76 : memref<16000xi32, #tpu.memory_space<hbm>>) dst(%arg7 : memref<16000xi32, #tpu.memory_space<vmem>>)
      tpu.yield
    }) : () -> ()
    %swap3A = arith.constant 0 : index
    %swap3A_12 = tpu.vector_load %arg8[%swap3A] {strides = array<i32>} : memref<16xi32, #tpu.memory_space<vmem>>, vector<16xi32>,
    tpu.vector_store %arg8[%swap3A], %broadcast_in_dim3A_9 {strides = array<i32>} : memref<16xi32, #tpu.memory_space<vmem>>, vector<16xi32>,
    %scan3A = arith.constant 0 : i32
    %scan3A_13 = arith.constant 100 : i32
    %scan3A_14 = arith.addi %scan3A, %scan3A_13 : i32
    %scan3A_15 = arith.constant 1 : i32
    scf.for %scan3A_73 = %scan3A to %scan3A_14 step %scan3A_15  : i32 {
      %mul3A_74 = arith.constant 1 : i32
      %mul3A_75 = arith.muli %scan3A_73, %mul3A_74 : i32
      %add3A_76 = arith.constant 0 : i32
      %add3A_77 = arith.addi %add3A_76, %mul3A_75 : i32
      %mul3A_78 = arith.constant 16 : i32
      %mul3A_79 = arith.muli %add3A_77, %mul3A_78 : i32
      %get3A_80 = arith.index_cast %mul3A_79 : i32 to index
      %get3A_81 = tpu.vector_load %arg6[%get3A_80] {strides = array<i32>} : memref<1600xi32, #tpu.memory_space<vmem>>, vector<16xi32>,
      %get3A_82 = arith.constant 0 : index
      %get3A_83 = tpu.vector_load %arg8[%get3A_82] {strides = array<i32>} : memref<16xi32, #tpu.memory_space<vmem>>, vector<16xi32>,
      %eq3A = arith.constant 0 : i32
      %eq3A_84 = vector.broadcast %eq3A : i32 to vector<16xi32>
      %eq3A_85 = arith.cmpi eq, %get3A_81, %eq3A_84 : vector<16xi32>
      %select_n3A = arith.select %eq3A_85, %broadcast_in_dim3A_7, %broadcast_in_dim3A_9 : vector<16xi1>, vector<16xi32>
      %or3A = arith.ori %get3A_83, %select_n3A : vector<16xi32>
      %swap3A_86 = arith.constant 0 : index
      %swap3A_87 = tpu.vector_load %arg8[%swap3A_86] {strides = array<i32>} : memref<16xi32, #tpu.memory_space<vmem>>, vector<16xi32>,
      tpu.vector_store %arg8[%swap3A_86], %or3A {strides = array<i32>} : memref<16xi32, #tpu.memory_space<vmem>>, vector<16xi32>,
    }
    %scan3A_16 = arith.constant 100 : i32
    %get3A = arith.constant 0 : index
    %get3A_17 = tpu.vector_load %arg8[%get3A] {strides = array<i32>} : memref<16xi32, #tpu.memory_space<vmem>>, vector<16xi32>,
    %reduce_max3A = arith.constant true
    %reduce_max3A_18 = vector.broadcast %reduce_max3A : i1 to vector<16xi1>
    %reduce_max3A_19 = arith.constant -2147483648 : i32
    %reduce_max3A_20 = vector.broadcast %reduce_max3A_19 : i32 to vector<16xi32>
    %reduce_max3A_21 = arith.xori %get3A_17, %reduce_max3A_20 : vector<16xi32>
    %reduce_max3A_22 = tpu.scan <max>, %reduce_max3A_21 masked %reduce_max3A_18 : vector<16xi32>, vector<16xi1> -> vector<16xi32>
    %reduce_max3A_23 = arith.xori %reduce_max3A_22, %reduce_max3A_20 : vector<16xi32>
    %reduce_max3A_24 = vector.extract %reduce_max3A_23[15] : i32 from vector<16xi32>
    %ne3A = arith.constant 0 : i32
    %ne3A_25 = arith.cmpi ne, %reduce_max3A_24, %ne3A : i32
    %dma_start3A = arith.constant 0 : i32
    %dma_start3A_26 = tpu.memref_slice %arg7[%dma_start3A] : memref<16000xi32, #tpu.memory_space<vmem>> -> memref<128xi32, #tpu.memory_space<vmem>>
    %dma_start3A_27 = arith.constant 0 : i32
    %dma_start3A_28 = arith.constant 0 : i32
    %dma_start3A_29 = tpu.memref_slice %arg4[%dma_start3A_27, %dma_start3A_28] : memref<1000000x64xf32, #tpu.memory_space<hbm>> -> memref<1000000x64xf32, #tpu.memory_space<hbm>>
    tpu.enqueue_indirect_dma source(%dma_start3A_29 : memref<1000000x64xf32, #tpu.memory_space<hbm>>) target(%arg9 : memref<128x64xf32, #tpu.memory_space<vmem>>) offsets(%dma_start3A_26 : memref<128xi32, #tpu.memory_space<vmem>>) semaphore(%arg13 : memref<!tpu.dma_semaphore, #tpu.memory_space<semaphore_mem>>)
    %dma_start3A_30 = arith.constant 128 : i32
    %dma_start3A_31 = tpu.memref_slice %arg7[%dma_start3A_30] : memref<16000xi32, #tpu.memory_space<vmem>> -> memref<128xi32, #tpu.memory_space<vmem>>
    %dma_start3A_32 = arith.constant 0 : i32
    %dma_start3A_33 = arith.constant 0 : i32
    %dma_start3A_34 = tpu.memref_slice %arg4[%dma_start3A_32, %dma_start3A_33] : memref<1000000x64xf32, #tpu.memory_space<hbm>> -> memref<1000000x64xf32, #tpu.memory_space<hbm>>
    tpu.enqueue_indirect_dma source(%dma_start3A_34 : memref<1000000x64xf32, #tpu.memory_space<hbm>>) target(%arg10 : memref<128x64xf32, #tpu.memory_space<vmem>>) offsets(%dma_start3A_31 : memref<128xi32, #tpu.memory_space<vmem>>) semaphore(%arg14 : memref<!tpu.dma_semaphore, #tpu.memory_space<semaphore_mem>>)
    %dma_start3A_35 = arith.constant 256 : i32
    %dma_start3A_36 = tpu.memref_slice %arg7[%dma_start3A_35] : memref<16000xi32, #tpu.memory_space<vmem>> -> memref<128xi32, #tpu.memory_space<vmem>>
    %dma_start3A_37 = arith.constant 0 : i32
    %dma_start3A_38 = arith.constant 0 : i32
    %dma_start3A_39 = tpu.memref_slice %arg4[%dma_start3A_37, %dma_start3A_38] : memref<1000000x64xf32, #tpu.memory_space<hbm>> -> memref<1000000x64xf32, #tpu.memory_space<hbm>>
    tpu.enqueue_indirect_dma source(%dma_start3A_39 : memref<1000000x64xf32, #tpu.memory_space<hbm>>) target(%arg11 : memref<128x64xf32, #tpu.memory_space<vmem>>) offsets(%dma_start3A_36 : memref<128xi32, #tpu.memory_space<vmem>>) semaphore(%arg15 : memref<!tpu.dma_semaphore, #tpu.memory_space<semaphore_mem>>)
    %dma_start3A_40 = arith.constant 384 : i32
    %dma_start3A_41 = tpu.memref_slice %arg7[%dma_start3A_40] : memref<16000xi32, #tpu.memory_space<vmem>> -> memref<128xi32, #tpu.memory_space<vmem>>
    %dma_start3A_42 = arith.constant 0 : i32
    %dma_start3A_43 = arith.constant 0 : i32
    %dma_start3A_44 = tpu.memref_slice %arg4[%dma_start3A_42, %dma_start3A_43] : memref<1000000x64xf32, #tpu.memory_space<hbm>> -> memref<1000000x64xf32, #tpu.memory_space<hbm>>
    tpu.enqueue_indirect_dma source(%dma_start3A_44 : memref<1000000x64xf32, #tpu.memory_space<hbm>>) target(%arg12 : memref<128x64xf32, #tpu.memory_space<vmem>>) offsets(%dma_start3A_41 : memref<128xi32, #tpu.memory_space<vmem>>) semaphore(%arg16 : memref<!tpu.dma_semaphore, #tpu.memory_space<semaphore_mem>>)
    %scan3A_45 = arith.constant 0 : i32
    %scan3A_46 = arith.constant 32 : i32
    %scan3A_47 = arith.addi %scan3A_45, %scan3A_46 : i32
    %scan3A_48 = arith.constant 1 : i32
    scf.for %scan3A_73 = %scan3A_45 to %scan3A_47 step %scan3A_48  : i32 {
      %mul3A_74 = arith.constant 1 : i32
      %mul3A_75 = arith.muli %scan3A_73, %mul3A_74 : i32
      %add3A_76 = arith.constant 0 : i32
      %add3A_77 = arith.addi %add3A_76, %mul3A_75 : i32
      %mul3A_78 = arith.constant 4 : i32
      %mul3A_79 = arith.muli %add3A_77, %mul3A_78 : i32
      %add3A_80 = arith.constant 0 : i32
      %add3A_81 = arith.addi %mul3A_79, %add3A_80 : i32
      %lt3A = arith.constant 125 : i32
      %lt3A_82 = arith.cmpi slt, %add3A_81, %lt3A : i32
      %convert_element_type3A = arith.extui %lt3A_82 : i1 to i32
      %cond3A = arith.constant 0 : i32
      %cond3A_83 = arith.cmpi ne, %convert_element_type3A, %cond3A : i32
      scf.if %cond3A_83 {
        %mul3A_111 = arith.constant 128 : i32
        %mul3A_112 = arith.muli %add3A_81, %mul3A_111 : i32
        %dma_wait3A_113 = arith.constant 0 : i32
        %dma_wait3A_114 = tpu.memref_slice %arg7[%dma_wait3A_113] : memref<16000xi32, #tpu.memory_space<vmem>> -> memref<128xi32, #tpu.memory_space<vmem>>
        %dma_wait3A_115 = arith.constant 0 : i32
        %dma_wait3A_116 = arith.constant 0 : i32
        %dma_wait3A_117 = tpu.memref_slice %arg4[%dma_wait3A_115, %dma_wait3A_116] : memref<1000000x64xf32, #tpu.memory_space<hbm>> -> memref<1000000x64xf32, #tpu.memory_space<hbm>>
        tpu.wait_indirect_dma semaphore(%arg13 : memref<!tpu.dma_semaphore, #tpu.memory_space<semaphore_mem>>) src(%dma_wait3A_117 : memref<1000000x64xf32, #tpu.memory_space<hbm>>) dst(%arg9 : memref<128x64xf32, #tpu.memory_space<vmem>>)
        %convert_element_type3A_118 = arith.extui %ne3A_25 : i1 to i32
        %cond3A_119 = arith.constant 0 : i32
        %cond3A_120 = arith.cmpi ne, %convert_element_type3A_118, %cond3A_119 : i32
        scf.if %cond3A_120 {
          %add3A_135 = arith.constant 0 : i32
          %add3A_136 = arith.addi %mul3A_112, %add3A_135 : i32
          %add3A_137 = vector.broadcast %add3A_136 : i32 to vector<16xi32>
          %add3A_138 = arith.addi %add3A_137, %iota3A : vector<16xi32>
          %div3A = arith.divsi %add3A_138, %broadcast_in_dim3A_3 : vector<16xi32>
          %gather3A = tpu.vector_load_idx %arg6[%div3A] : memref<1600xi32, #tpu.memory_space<vmem>>[vector<16xi32>], vector<16xi32>,
          %eq3A = arith.constant 0 : i32
          %eq3A_139 = vector.broadcast %eq3A : i32 to vector<16xi32>
          %eq3A_140 = arith.cmpi eq, %gather3A, %eq3A_139 : vector<16xi32>
          %reduce_or3A = arith.constant 1.000000e+00 : f32
          %reduce_or3A_141 = arith.constant 0.000000e+00 : f32
          %reduce_or3A_142 = vector.broadcast %reduce_or3A : f32 to vector<16xf32>
          %reduce_or3A_143 = vector.broadcast %reduce_or3A_141 : f32 to vector<16xf32>
          %reduce_or3A_144 = arith.select %eq3A_140, %reduce_or3A_142, %reduce_or3A_143 : vector<16xi1>, vector<16xf32>
          %reduce_or3A_145 = arith.constant true
          %reduce_or3A_146 = vector.broadcast %reduce_or3A_145 : i1 to vector<16xi1>
          %reduce_or3A_147 = tpu.scan <max>, %reduce_or3A_144 masked %reduce_or3A_146 : vector<16xf32>, vector<16xi1> -> vector<16xf32>
          %reduce_or3A_148 = vector.extract %reduce_or3A_147[15] : f32 from vector<16xf32>
          %reduce_or3A_149 = arith.constant 0.000000e+00 : f32
          %reduce_or3A_150 = arith.cmpf ogt, %reduce_or3A_148, %reduce_or3A_149 : f32
          %convert_element_type3A_151 = arith.extui %reduce_or3A_150 : i1 to i32
          %cond3A_152 = arith.constant 0 : i32
          %cond3A_153 = arith.cmpi ne, %convert_element_type3A_151, %cond3A_152 : i32
          scf.if %cond3A_153 {
            %add3A_315 = arith.constant 0 : i32
            %add3A_316 = vector.broadcast %add3A_315 : i32 to vector<16xi32>
            %add3A_317 = arith.addi %add3A_316, %iota3A : vector<16xi32>
            %scan3A_318 = arith.constant 0 : i32
            %scan3A_319 = arith.constant 64 : i32
            %scan3A_320 = arith.addi %scan3A_318, %scan3A_319 : i32
            %scan3A_321 = arith.constant 1 : i32
            scf.for %scan3A_323 = %scan3A_318 to %scan3A_320 step %scan3A_321  : i32 {
              %mul3A_324 = arith.constant 1 : i32
              %mul3A_325 = arith.muli %scan3A_323, %mul3A_324 : i32
              %add3A_326 = arith.constant 0 : i32
              %add3A_327 = arith.addi %add3A_326, %mul3A_325 : i32
              %broadcast_in_dim3A_328 = vector.broadcast %add3A_327 : i32 to vector<16xi32>
              tpu.vector_store_idx %arg9[%add3A_317, %broadcast_in_dim3A_328], %broadcast_in_dim3A_5 masked %eq3A_140 : memref<128x64xf32, #tpu.memory_space<vmem>>[vector<16xi32>, vector<16xi32>], vector<16xf32>, vector<16xi1>
            }
            %scan3A_322 = arith.constant 64 : i32
          } else {
          }
          %add3A_154 = arith.constant 16 : i32
          %add3A_155 = arith.addi %mul3A_112, %add3A_154 : i32
          %add3A_156 = vector.broadcast %add3A_155 : i32 to vector<16xi32>
          %add3A_157 = arith.addi %add3A_156, %iota3A : vector<16xi32>
          %div3A_158 = arith.divsi %add3A_157, %broadcast_in_dim3A_3 : vector<16xi32>
          %gather3A_159 = tpu.vector_load_idx %arg6[%div3A_158] : memref<1600xi32, #tpu.memory_space<vmem>>[vector<16xi32>], vector<16xi32>,
          %eq3A_160 = arith.constant 0 : i32
          %eq3A_161 = vector.broadcast %eq3A_160 : i32 to vector<16xi32>
          %eq3A_162 = arith.cmpi eq, %gather3A_159, %eq3A_161 : vector<16xi32>
          %reduce_or3A_163 = arith.constant 1.000000e+00 : f32
          %reduce_or3A_164 = arith.constant 0.000000e+00 : f32
          %reduce_or3A_165 = vector.broadcast %reduce_or3A_163 : f32 to vector<16xf32>
          %reduce_or3A_166 = vector.broadcast %reduce_or3A_164 : f32 to vector<16xf32>
          %reduce_or3A_167 = arith.select %eq3A_162, %reduce_or3A_165, %reduce_or3A_166 : vector<16xi1>, vector<16xf32>
          %reduce_or3A_168 = arith.constant true
          %reduce_or3A_169 = vector.broadcast %reduce_or3A_168 : i1 to vector<16xi1>
          %reduce_or3A_170 = tpu.scan <max>, %reduce_or3A_167 masked %reduce_or3A_169 : vector<16xf32>, vector<16xi1> -> vector<16xf32>
          %reduce_or3A_171 = vector.extract %reduce_or3A_170[15] : f32 from vector<16xf32>
          %reduce_or3A_172 = arith.constant 0.000000e+00 : f32
          %reduce_or3A_173 = arith.cmpf ogt, %reduce_or3A_171, %reduce_or3A_172 : f32
          %convert_element_type3A_174 = arith.extui %reduce_or3A_173 : i1 to i32
          %cond3A_175 = arith.constant 0 : i32
          %cond3A_176 = arith.cmpi ne, %convert_element_type3A_174, %cond3A_175 : i32
          scf.if %cond3A_176 {
            %add3A_315 = arith.constant 16 : i32
            %add3A_316 = vector.broadcast %add3A_315 : i32 to vector<16xi32>
            %add3A_317 = arith.addi %add3A_316, %iota3A : vector<16xi32>
            %scan3A_318 = arith.constant 0 : i32
            %scan3A_319 = arith.constant 64 : i32
            %scan3A_320 = arith.addi %scan3A_318, %scan3A_319 : i32
            %scan3A_321 = arith.constant 1 : i32
            scf.for %scan3A_323 = %scan3A_318 to %scan3A_320 step %scan3A_321  : i32 {
              %mul3A_324 = arith.constant 1 : i32
              %mul3A_325 = arith.muli %scan3A_323, %mul3A_324 : i32
              %add3A_326 = arith.constant 0 : i32
              %add3A_327 = arith.addi %add3A_326, %mul3A_325 : i32
              %broadcast_in_dim3A_328 = vector.broadcast %add3A_327 : i32 to vector<16xi32>
              tpu.vector_store_idx %arg9[%add3A_317, %broadcast_in_dim3A_328], %broadcast_in_dim3A_5 masked %eq3A_162 : memref<128x64xf32, #tpu.memory_space<vmem>>[vector<16xi32>, vector<16xi32>], vector<16xf32>, vector<16xi1>
            }
            %scan3A_322 = arith.constant 64 : i32
          } else {
          }
          %add3A_177 = arith.constant 32 : i32
          %add3A_178 = arith.addi %mul3A_112, %add3A_177 : i32
          %add3A_179 = vector.broadcast %add3A_178 : i32 to vector<16xi32>
          %add3A_180 = arith.addi %add3A_179, %iota3A : vector<16xi32>
          %div3A_181 = arith.divsi %add3A_180, %broadcast_in_dim3A_3 : vector<16xi32>
          %gather3A_182 = tpu.vector_load_idx %arg6[%div3A_181] : memref<1600xi32, #tpu.memory_space<vmem>>[vector<16xi32>], vector<16xi32>,
          %eq3A_183 = arith.constant 0 : i32
          %eq3A_184 = vector.broadcast %eq3A_183 : i32 to vector<16xi32>
          %eq3A_185 = arith.cmpi eq, %gather3A_182, %eq3A_184 : vector<16xi32>
          %reduce_or3A_186 = arith.constant 1.000000e+00 : f32
          %reduce_or3A_187 = arith.constant 0.000000e+00 : f32
          %reduce_or3A_188 = vector.broadcast %reduce_or3A_186 : f32 to vector<16xf32>
          %reduce_or3A_189 = vector.broadcast %reduce_or3A_187 : f32 to vector<16xf32>
          %reduce_or3A_190 = arith.select %eq3A_185, %reduce_or3A_188, %reduce_or3A_189 : vector<16xi1>, vector<16xf32>
          %reduce_or3A_191 = arith.constant true
          %reduce_or3A_192 = vector.broadcast %reduce_or3A_191 : i1 to vector<16xi1>
          %reduce_or3A_193 = tpu.scan <max>, %reduce_or3A_190 masked %reduce_or3A_192 : vector<16xf32>, vector<16xi1> -> vector<16xf32>
          %reduce_or3A_194 = vector.extract %reduce_or3A_193[15] : f32 from vector<16xf32>
          %reduce_or3A_195 = arith.constant 0.000000e+00 : f32
          %reduce_or3A_196 = arith.cmpf ogt, %reduce_or3A_194, %reduce_or3A_195 : f32
          %convert_element_type3A_197 = arith.extui %reduce_or3A_196 : i1 to i32
          %cond3A_198 = arith.constant 0 : i32
          %cond3A_199 = arith.cmpi ne, %convert_element_type3A_197, %cond3A_198 : i32
          scf.if %cond3A_199 {
            %add3A_315 = arith.constant 32 : i32
            %add3A_316 = vector.broadcast %add3A_315 : i32 to vector<16xi32>
            %add3A_317 = arith.addi %add3A_316, %iota3A : vector<16xi32>
            %scan3A_318 = arith.constant 0 : i32
            %scan3A_319 = arith.constant 64 : i32
            %scan3A_320 = arith.addi %scan3A_318, %scan3A_319 : i32
            %scan3A_321 = arith.constant 1 : i32
            scf.for %scan3A_323 = %scan3A_318 to %scan3A_320 step %scan3A_321  : i32 {
              %mul3A_324 = arith.constant 1 : i32
              %mul3A_325 = arith.muli %scan3A_323, %mul3A_324 : i32
              %add3A_326 = arith.constant 0 : i32
              %add3A_327 = arith.addi %add3A_326, %mul3A_325 : i32
              %broadcast_in_dim3A_328 = vector.broadcast %add3A_327 : i32 to vector<16xi32>
              tpu.vector_store_idx %arg9[%add3A_317, %broadcast_in_dim3A_328], %broadcast_in_dim3A_5 masked %eq3A_185 : memref<128x64xf32, #tpu.memory_space<vmem>>[vector<16xi32>, vector<16xi32>], vector<16xf32>, vector<16xi1>
            }
            %scan3A_322 = arith.constant 64 : i32
          } else {
          }
          %add3A_200 = arith.constant 48 : i32
          %add3A_201 = arith.addi %mul3A_112, %add3A_200 : i32
          %add3A_202 = vector.broadcast %add3A_201 : i32 to vector<16xi32>
          %add3A_203 = arith.addi %add3A_202, %iota3A : vector<16xi32>
          %div3A_204 = arith.divsi %add3A_203, %broadcast_in_dim3A_3 : vector<16xi32>
          %gather3A_205 = tpu.vector_load_idx %arg6[%div3A_204] : memref<1600xi32, #tpu.memory_space<vmem>>[vector<16xi32>], vector<16xi32>,
          %eq3A_206 = arith.constant 0 : i32
          %eq3A_207 = vector.broadcast %eq3A_206 : i32 to vector<16xi32>
          %eq3A_208 = arith.cmpi eq, %gather3A_205, %eq3A_207 : vector<16xi32>
          %reduce_or3A_209 = arith.constant 1.000000e+00 : f32
          %reduce_or3A_210 = arith.constant 0.000000e+00 : f32
          %reduce_or3A_211 = vector.broadcast %reduce_or3A_209 : f32 to vector<16xf32>
          %reduce_or3A_212 = vector.broadcast %reduce_or3A_210 : f32 to vector<16xf32>
          %reduce_or3A_213 = arith.select %eq3A_208, %reduce_or3A_211, %reduce_or3A_212 : vector<16xi1>, vector<16xf32>
          %reduce_or3A_214 = arith.constant true
          %reduce_or3A_215 = vector.broadcast %reduce_or3A_214 : i1 to vector<16xi1>
          %reduce_or3A_216 = tpu.scan <max>, %reduce_or3A_213 masked %reduce_or3A_215 : vector<16xf32>, vector<16xi1> -> vector<16xf32>
          %reduce_or3A_217 = vector.extract %reduce_or3A_216[15] : f32 from vector<16xf32>
          %reduce_or3A_218 = arith.constant 0.000000e+00 : f32
          %reduce_or3A_219 = arith.cmpf ogt, %reduce_or3A_217, %reduce_or3A_218 : f32
          %convert_element_type3A_220 = arith.extui %reduce_or3A_219 : i1 to i32
          %cond3A_221 = arith.constant 0 : i32
          %cond3A_222 = arith.cmpi ne, %convert_element_type3A_220, %cond3A_221 : i32
          scf.if %cond3A_222 {
            %add3A_315 = arith.constant 48 : i32
            %add3A_316 = vector.broadcast %add3A_315 : i32 to vector<16xi32>
            %add3A_317 = arith.addi %add3A_316, %iota3A : vector<16xi32>
            %scan3A_318 = arith.constant 0 : i32
            %scan3A_319 = arith.constant 64 : i32
            %scan3A_320 = arith.addi %scan3A_318, %scan3A_319 : i32
            %scan3A_321 = arith.constant 1 : i32
            scf.for %scan3A_323 = %scan3A_318 to %scan3A_320 step %scan3A_321  : i32 {
              %mul3A_324 = arith.constant 1 : i32
              %mul3A_325 = arith.muli %scan3A_323, %mul3A_324 : i32
              %add3A_326 = arith.constant 0 : i32
              %add3A_327 = arith.addi %add3A_326, %mul3A_325 : i32
              %broadcast_in_dim3A_328 = vector.broadcast %add3A_327 : i32 to vector<16xi32>
              tpu.vector_store_idx %arg9[%add3A_317, %broadcast_in_dim3A_328], %broadcast_in_dim3A_5 masked %eq3A_208 : memref<128x64xf32, #tpu.memory_space<vmem>>[vector<16xi32>, vector<16xi32>], vector<16xf32>, vector<16xi1>
            }
            %scan3A_322 = arith.constant 64 : i32
          } else {
          }
          %add3A_223 = arith.constant 64 : i32
          %add3A_224 = arith.addi %mul3A_112, %add3A_223 : i32
          %add3A_225 = vector.broadcast %add3A_224 : i32 to vector<16xi32>
          %add3A_226 = arith.addi %add3A_225, %iota3A : vector<16xi32>
          %div3A_227 = arith.divsi %add3A_226, %broadcast_in_dim3A_3 : vector<16xi32>
          %gather3A_228 = tpu.vector_load_idx %arg6[%div3A_227] : memref<1600xi32, #tpu.memory_space<vmem>>[vector<16xi32>], vector<16xi32>,
          %eq3A_229 = arith.constant 0 : i32
          %eq3A_230 = vector.broadcast %eq3A_229 : i32 to vector<16xi32>
          %eq3A_231 = arith.cmpi eq, %gather3A_228, %eq3A_230 : vector<16xi32>
          %reduce_or3A_232 = arith.constant 1.000000e+00 : f32
          %reduce_or3A_233 = arith.constant 0.000000e+00 : f32
          %reduce_or3A_234 = vector.broadcast %reduce_or3A_232 : f32 to vector<16xf32>
          %reduce_or3A_235 = vector.broadcast %reduce_or3A_233 : f32 to vector<16xf32>
          %reduce_or3A_236 = arith.select %eq3A_231, %reduce_or3A_234, %reduce_or3A_235 : vector<16xi1>, vector<16xf32>
          %reduce_or3A_237 = arith.constant true
          %reduce_or3A_238 = vector.broadcast %reduce_or3A_237 : i1 to vector<16xi1>
          %reduce_or3A_239 = tpu.scan <max>, %reduce_or3A_236 masked %reduce_or3A_238 : vector<16xf32>, vector<16xi1> -> vector<16xf32>
          %reduce_or3A_240 = vector.extract %reduce_or3A_239[15] : f32 from vector<16xf32>
          %reduce_or3A_241 = arith.constant 0.000000e+00 : f32
          %reduce_or3A_242 = arith.cmpf ogt, %reduce_or3A_240, %reduce_or3A_241 : f32
          %convert_element_type3A_243 = arith.extui %reduce_or3A_242 : i1 to i32
          %cond3A_244 = arith.constant 0 : i32
          %cond3A_245 = arith.cmpi ne, %convert_element_type3A_243, %cond3A_244 : i32
          scf.if %cond3A_245 {
            %add3A_315 = arith.constant 64 : i32
            %add3A_316 = vector.broadcast %add3A_315 : i32 to vector<16xi32>
            %add3A_317 = arith.addi %add3A_316, %iota3A : vector<16xi32>
            %scan3A_318 = arith.constant 0 : i32
            %scan3A_319 = arith.constant 64 : i32
            %scan3A_320 = arith.addi %scan3A_318, %scan3A_319 : i32
            %scan3A_321 = arith.constant 1 : i32
            scf.for %scan3A_323 = %scan3A_318 to %scan3A_320 step %scan3A_321  : i32 {
              %mul3A_324 = arith.constant 1 : i32
              %mul3A_325 = arith.muli %scan3A_323, %mul3A_324 : i32
              %add3A_326 = arith.constant 0 : i32
              %add3A_327 = arith.addi %add3A_326, %mul3A_325 : i32
              %broadcast_in_dim3A_328 = vector.broadcast %add3A_327 : i32 to vector<16xi32>
              tpu.vector_store_idx %arg9[%add3A_317, %broadcast_in_dim3A_328], %broadcast_in_dim3A_5 masked %eq3A_231 : memref<128x64xf32, #tpu.memory_space<vmem>>[vector<16xi32>, vector<16xi32>], vector<16xf32>, vector<16xi1>
            }
            %scan3A_322 = arith.constant 64 : i32
          } else {
          }
          %add3A_246 = arith.constant 80 : i32
          %add3A_247 = arith.addi %mul3A_112, %add3A_246 : i32
          %add3A_248 = vector.broadcast %add3A_247 : i32 to vector<16xi32>
          %add3A_249 = arith.addi %add3A_248, %iota3A : vector<16xi32>
          %div3A_250 = arith.divsi %add3A_249, %broadcast_in_dim3A_3 : vector<16xi32>
          %gather3A_251 = tpu.vector_load_idx %arg6[%div3A_250] : memref<1600xi32, #tpu.memory_space<vmem>>[vector<16xi32>], vector<16xi32>,
          %eq3A_252 = arith.constant 0 : i32
          %eq3A_253 = vector.broadcast %eq3A_252 : i32 to vector<16xi32>
          %eq3A_254 = arith.cmpi eq, %gather3A_251, %eq3A_253 : vector<16xi32>
          %reduce_or3A_255 = arith.constant 1.000000e+00 : f32
          %reduce_or3A_256 = arith.constant 0.000000e+00 : f32
          %reduce_or3A_257 = vector.broadcast %reduce_or3A_255 : f32 to vector<16xf32>
          %reduce_or3A_258 = vector.broadcast %reduce_or3A_256 : f32 to vector<16xf32>
          %reduce_or3A_259 = arith.select %eq3A_254, %reduce_or3A_257, %reduce_or3A_258 : vector<16xi1>, vector<16xf32>
          %reduce_or3A_260 = arith.constant true
          %reduce_or3A_261 = vector.broadcast %reduce_or3A_260 : i1 to vector<16xi1>
          %reduce_or3A_262 = tpu.scan <max>, %reduce_or3A_259 masked %reduce_or3A_261 : vector<16xf32>, vector<16xi1> -> vector<16xf32>
          %reduce_or3A_263 = vector.extract %reduce_or3A_262[15] : f32 from vector<16xf32>
          %reduce_or3A_264 = arith.constant 0.000000e+00 : f32
          %reduce_or3A_265 = arith.cmpf ogt, %reduce_or3A_263, %reduce_or3A_264 : f32
          %convert_element_type3A_266 = arith.extui %reduce_or3A_265 : i1 to i32
          %cond3A_267 = arith.constant 0 : i32
          %cond3A_268 = arith.cmpi ne, %convert_element_type3A_266, %cond3A_267 : i32
          scf.if %cond3A_268 {
            %add3A_315 = arith.constant 80 : i32
            %add3A_316 = vector.broadcast %add3A_315 : i32 to vector<16xi32>
            %add3A_317 = arith.addi %add3A_316, %iota3A : vector<16xi32>
            %scan3A_318 = arith.constant 0 : i32
            %scan3A_319 = arith.constant 64 : i32
            %scan3A_320 = arith.addi %scan3A_318, %scan3A_319 : i32
            %scan3A_321 = arith.constant 1 : i32
            scf.for %scan3A_323 = %scan3A_318 to %scan3A_320 step %scan3A_321  : i32 {
              %mul3A_324 = arith.constant 1 : i32
              %mul3A_325 = arith.muli %scan3A_323, %mul3A_324 : i32
              %add3A_326 = arith.constant 0 : i32
              %add3A_327 = arith.addi %add3A_326, %mul3A_325 : i32
              %broadcast_in_dim3A_328 = vector.broadcast %add3A_327 : i32 to vector<16xi32>
              tpu.vector_store_idx %arg9[%add3A_317, %broadcast_in_dim3A_328], %broadcast_in_dim3A_5 masked %eq3A_254 : memref<128x64xf32, #tpu.memory_space<vmem>>[vector<16xi32>, vector<16xi32>], vector<16xf32>, vector<16xi1>
            }
            %scan3A_322 = arith.constant 64 : i32
          } else {
          }
          %add3A_269 = arith.constant 96 : i32
          %add3A_270 = arith.addi %mul3A_112, %add3A_269 : i32
          %add3A_271 = vector.broadcast %add3A_270 : i32 to vector<16xi32>
          %add3A_272 = arith.addi %add3A_271, %iota3A : vector<16xi32>
          %div3A_273 = arith.divsi %add3A_272, %broadcast_in_dim3A_3 : vector<16xi32>
          %gather3A_274 = tpu.vector_load_idx %arg6[%div3A_273] : memref<1600xi32, #tpu.memory_space<vmem>>[vector<16xi32>], vector<16xi32>,
          %eq3A_275 = arith.constant 0 : i32
          %eq3A_276 = vector.broadcast %eq3A_275 : i32 to vector<16xi32>
          %eq3A_277 = arith.cmpi eq, %gather3A_274, %eq3A_276 : vector<16xi32>
          %reduce_or3A_278 = arith.constant 1.000000e+00 : f32
          %reduce_or3A_279 = arith.constant 0.000000e+00 : f32
          %reduce_or3A_280 = vector.broadcast %reduce_or3A_278 : f32 to vector<16xf32>
          %reduce_or3A_281 = vector.broadcast %reduce_or3A_279 : f32 to vector<16xf32>
          %reduce_or3A_282 = arith.select %eq3A_277, %reduce_or3A_280, %reduce_or3A_281 : vector<16xi1>, vector<16xf32>
          %reduce_or3A_283 = arith.constant true
          %reduce_or3A_284 = vector.broadcast %reduce_or3A_283 : i1 to vector<16xi1>
          %reduce_or3A_285 = tpu.scan <max>, %reduce_or3A_282 masked %reduce_or3A_284 : vector<16xf32>, vector<16xi1> -> vector<16xf32>
          %reduce_or3A_286 = vector.extract %reduce_or3A_285[15] : f32 from vector<16xf32>
          %reduce_or3A_287 = arith.constant 0.000000e+00 : f32
          %reduce_or3A_288 = arith.cmpf ogt, %reduce_or3A_286, %reduce_or3A_287 : f32
          %convert_element_type3A_289 = arith.extui %reduce_or3A_288 : i1 to i32
          %cond3A_290 = arith.constant 0 : i32
          %cond3A_291 = arith.cmpi ne, %convert_element_type3A_289, %cond3A_290 : i32
          scf.if %cond3A_291 {
            %add3A_315 = arith.constant 96 : i32
            %add3A_316 = vector.broadcast %add3A_315 : i32 to vector<16xi32>
            %add3A_317 = arith.addi %add3A_316, %iota3A : vector<16xi32>
            %scan3A_318 = arith.constant 0 : i32
            %scan3A_319 = arith.constant 64 : i32
            %scan3A_320 = arith.addi %scan3A_318, %scan3A_319 : i32
            %scan3A_321 = arith.constant 1 : i32
            scf.for %scan3A_323 = %scan3A_318 to %scan3A_320 step %scan3A_321  : i32 {
              %mul3A_324 = arith.constant 1 : i32
              %mul3A_325 = arith.muli %scan3A_323, %mul3A_324 : i32
              %add3A_326 = arith.constant 0 : i32
              %add3A_327 = arith.addi %add3A_326, %mul3A_325 : i32
              %broadcast_in_dim3A_328 = vector.broadcast %add3A_327 : i32 to vector<16xi32>
              tpu.vector_store_idx %arg9[%add3A_317, %broadcast_in_dim3A_328], %broadcast_in_dim3A_5 masked %eq3A_277 : memref<128x64xf32, #tpu.memory_space<vmem>>[vector<16xi32>, vector<16xi32>], vector<16xf32>, vector<16xi1>
            }
            %scan3A_322 = arith.constant 64 : i32
          } else {
          }
          %add3A_292 = arith.constant 112 : i32
          %add3A_293 = arith.addi %mul3A_112, %add3A_292 : i32
          %add3A_294 = vector.broadcast %add3A_293 : i32 to vector<16xi32>
          %add3A_295 = arith.addi %add3A_294, %iota3A : vector<16xi32>
          %div3A_296 = arith.divsi %add3A_295, %broadcast_in_dim3A_3 : vector<16xi32>
          %gather3A_297 = tpu.vector_load_idx %arg6[%div3A_296] : memref<1600xi32, #tpu.memory_space<vmem>>[vector<16xi32>], vector<16xi32>,
          %eq3A_298 = arith.constant 0 : i32
          %eq3A_299 = vector.broadcast %eq3A_298 : i32 to vector<16xi32>
          %eq3A_300 = arith.cmpi eq, %gather3A_297, %eq3A_299 : vector<16xi32>
          %reduce_or3A_301 = arith.constant 1.000000e+00 : f32
          %reduce_or3A_302 = arith.constant 0.000000e+00 : f32
          %reduce_or3A_303 = vector.broadcast %reduce_or3A_301 : f32 to vector<16xf32>
          %reduce_or3A_304 = vector.broadcast %reduce_or3A_302 : f32 to vector<16xf32>
          %reduce_or3A_305 = arith.select %eq3A_300, %reduce_or3A_303, %reduce_or3A_304 : vector<16xi1>, vector<16xf32>
          %reduce_or3A_306 = arith.constant true
          %reduce_or3A_307 = vector.broadcast %reduce_or3A_306 : i1 to vector<16xi1>
          %reduce_or3A_308 = tpu.scan <max>, %reduce_or3A_305 masked %reduce_or3A_307 : vector<16xf32>, vector<16xi1> -> vector<16xf32>
          %reduce_or3A_309 = vector.extract %reduce_or3A_308[15] : f32 from vector<16xf32>
          %reduce_or3A_310 = arith.constant 0.000000e+00 : f32
          %reduce_or3A_311 = arith.cmpf ogt, %reduce_or3A_309, %reduce_or3A_310 : f32
          %convert_element_type3A_312 = arith.extui %reduce_or3A_311 : i1 to i32
          %cond3A_313 = arith.constant 0 : i32
          %cond3A_314 = arith.cmpi ne, %convert_element_type3A_312, %cond3A_313 : i32
          scf.if %cond3A_314 {
            %add3A_315 = arith.constant 112 : i32
            %add3A_316 = vector.broadcast %add3A_315 : i32 to vector<16xi32>
            %add3A_317 = arith.addi %add3A_316, %iota3A : vector<16xi32>
            %scan3A_318 = arith.constant 0 : i32
            %scan3A_319 = arith.constant 64 : i32
            %scan3A_320 = arith.addi %scan3A_318, %scan3A_319 : i32
            %scan3A_321 = arith.constant 1 : i32
            scf.for %scan3A_323 = %scan3A_318 to %scan3A_320 step %scan3A_321  : i32 {
              %mul3A_324 = arith.constant 1 : i32
              %mul3A_325 = arith.muli %scan3A_323, %mul3A_324 : i32
              %add3A_326 = arith.constant 0 : i32
              %add3A_327 = arith.addi %add3A_326, %mul3A_325 : i32
              %broadcast_in_dim3A_328 = vector.broadcast %add3A_327 : i32 to vector<16xi32>
              tpu.vector_store_idx %arg9[%add3A_317, %broadcast_in_dim3A_328], %broadcast_in_dim3A_5 masked %eq3A_300 : memref<128x64xf32, #tpu.memory_space<vmem>>[vector<16xi32>, vector<16xi32>], vector<16xf32>, vector<16xi1>
            }
            %scan3A_322 = arith.constant 64 : i32
          } else {
          }
        } else {
        }
        %mul3A_121 = arith.constant 10 : i32
        %mul3A_122 = arith.muli %mul3A_2, %mul3A_121 : i32
        %add3A_123 = arith.addi %mul3A_122, %mul3A_112 : i32
        %dma_start3A_124 = arith.constant 0 : i32
        %dma_start3A_125 = tpu.memref_slice %arg5[%add3A_123, %dma_start3A_124] : memref<512000x64xf32, #tpu.memory_space<hbm>> -> memref<128x64xf32, #tpu.memory_space<hbm>>
        %dma_start3A_126 = arith.constant 0 : i32
        %dma_start3A_127 = tpu.memref_slice %arg5[%add3A_123, %dma_start3A_126] : memref<512000x64xf32, #tpu.memory_space<hbm>> -> memref<128x64xf32, #tpu.memory_space<hbm>>
        tpu.enqueue_dma source(%arg9 : memref<128x64xf32, #tpu.memory_space<vmem>>) target(%dma_start3A_127 : memref<128x64xf32, #tpu.memory_space<hbm>>) target_semaphore(%arg17 : memref<!tpu.dma_semaphore, #tpu.memory_space<semaphore_mem>>)
        %add3A_128 = arith.constant 4 : i32
        %add3A_129 = arith.addi %add3A_81, %add3A_128 : i32
        %lt3A_130 = arith.constant 125 : i32
        %lt3A_131 = arith.cmpi slt, %add3A_129, %lt3A_130 : i32
        %convert_element_type3A_132 = arith.extui %lt3A_131 : i1 to i32
        %cond3A_133 = arith.constant 0 : i32
        %cond3A_134 = arith.cmpi ne, %convert_element_type3A_132, %cond3A_133 : i32
        scf.if %cond3A_134 {
          %mul3A_135 = arith.constant 10 : i32
          %mul3A_136 = arith.muli %mul3A_2, %mul3A_135 : i32
          %dma_wait3A_137 = arith.constant 0 : i32
          %dma_wait3A_138 = tpu.memref_slice %arg5[%mul3A_136, %dma_wait3A_137] : memref<512000x64xf32, #tpu.memory_space<hbm>> -> memref<128x64xf32, #tpu.memory_space<hbm>>
          %dma_wait3A_139 = arith.constant 0 : i32
          %dma_wait3A_140 = tpu.memref_slice %arg5[%mul3A_136, %dma_wait3A_139] : memref<512000x64xf32, #tpu.memory_space<hbm>> -> memref<128x64xf32, #tpu.memory_space<hbm>>
          tpu.wait_dma2 semaphore(%arg17 : memref<!tpu.dma_semaphore, #tpu.memory_space<semaphore_mem>>) src(%arg9 : memref<128x64xf32, #tpu.memory_space<vmem>>) dst(%dma_wait3A_140 : memref<128x64xf32, #tpu.memory_space<hbm>>)
          %add3A_141 = arith.constant 512 : i32
          %add3A_142 = arith.addi %mul3A_112, %add3A_141 : i32
          %dma_start3A_143 = tpu.memref_slice %arg7[%add3A_142] : memref<16000xi32, #tpu.memory_space<vmem>> -> memref<128xi32, #tpu.memory_space<vmem>>
          %dma_start3A_144 = arith.constant 0 : i32
          %dma_start3A_145 = arith.constant 0 : i32
          %dma_start3A_146 = tpu.memref_slice %arg4[%dma_start3A_144, %dma_start3A_145] : memref<1000000x64xf32, #tpu.memory_space<hbm>> -> memref<1000000x64xf32, #tpu.memory_space<hbm>>
          tpu.enqueue_indirect_dma source(%dma_start3A_146 : memref<1000000x64xf32, #tpu.memory_space<hbm>>) target(%arg9 : memref<128x64xf32, #tpu.memory_space<vmem>>) offsets(%dma_start3A_143 : memref<128xi32, #tpu.memory_space<vmem>>) semaphore(%arg13 : memref<!tpu.dma_semaphore, #tpu.memory_space<semaphore_mem>>)
        } else {
        }
      } else {
      }
      %mul3A_84 = arith.constant 4 : i32
      %mul3A_85 = arith.muli %add3A_77, %mul3A_84 : i32
      %add3A_86 = arith.constant 1 : i32
      %add3A_87 = arith.addi %mul3A_85, %add3A_86 : i32
      %lt3A_88 = arith.constant 125 : i32
      %lt3A_89 = arith.cmpi slt, %add3A_87, %lt3A_88 : i32
      %convert_element_type3A_90 = arith.extui %lt3A_89 : i1 to i32
      %cond3A_91 = arith.constant 0 : i32
      %cond3A_92 = arith.cmpi ne, %convert_element_type3A_90, %cond3A_91 : i32
      scf.if %cond3A_92 {
        %mul3A_111 = arith.constant 128 : i32
        %mul3A_112 = arith.muli %add3A_87, %mul3A_111 : i32
        %dma_wait3A_113 = arith.constant 0 : i32
        %dma_wait3A_114 = tpu.memref_slice %arg7[%dma_wait3A_113] : memref<16000xi32, #tpu.memory_space<vmem>> -> memref<128xi32, #tpu.memory_space<vmem>>
        %dma_wait3A_115 = arith.constant 0 : i32
        %dma_wait3A_116 = arith.constant 0 : i32
        %dma_wait3A_117 = tpu.memref_slice %arg4[%dma_wait3A_115, %dma_wait3A_116] : memref<1000000x64xf32, #tpu.memory_space<hbm>> -> memref<1000000x64xf32, #tpu.memory_space<hbm>>
        tpu.wait_indirect_dma semaphore(%arg14 : memref<!tpu.dma_semaphore, #tpu.memory_space<semaphore_mem>>) src(%dma_wait3A_117 : memref<1000000x64xf32, #tpu.memory_space<hbm>>) dst(%arg10 : memref<128x64xf32, #tpu.memory_space<vmem>>)
        %convert_element_type3A_118 = arith.extui %ne3A_25 : i1 to i32
        %cond3A_119 = arith.constant 0 : i32
        %cond3A_120 = arith.cmpi ne, %convert_element_type3A_118, %cond3A_119 : i32
        scf.if %cond3A_120 {
          %add3A_135 = arith.constant 0 : i32
          %add3A_136 = arith.addi %mul3A_112, %add3A_135 : i32
          %add3A_137 = vector.broadcast %add3A_136 : i32 to vector<16xi32>
          %add3A_138 = arith.addi %add3A_137, %iota3A : vector<16xi32>
          %div3A = arith.divsi %add3A_138, %broadcast_in_dim3A_3 : vector<16xi32>
          %gather3A = tpu.vector_load_idx %arg6[%div3A] : memref<1600xi32, #tpu.memory_space<vmem>>[vector<16xi32>], vector<16xi32>,
          %eq3A = arith.constant 0 : i32
          %eq3A_139 = vector.broadcast %eq3A : i32 to vector<16xi32>
          %eq3A_140 = arith.cmpi eq, %gather3A, %eq3A_139 : vector<16xi32>
          %reduce_or3A = arith.constant 1.000000e+00 : f32
          %reduce_or3A_141 = arith.constant 0.000000e+00 : f32
          %reduce_or3A_142 = vector.broadcast %reduce_or3A : f32 to vector<16xf32>
          %reduce_or3A_143 = vector.broadcast %reduce_or3A_141 : f32 to vector<16xf32>
          %reduce_or3A_144 = arith.select %eq3A_140, %reduce_or3A_142, %reduce_or3A_143 : vector<16xi1>, vector<16xf32>
          %reduce_or3A_145 = arith.constant true
          %reduce_or3A_146 = vector.broadcast %reduce_or3A_145 : i1 to vector<16xi1>
          %reduce_or3A_147 = tpu.scan <max>, %reduce_or3A_144 masked %reduce_or3A_146 : vector<16xf32>, vector<16xi1> -> vector<16xf32>
          %reduce_or3A_148 = vector.extract %reduce_or3A_147[15] : f32 from vector<16xf32>
          %reduce_or3A_149 = arith.constant 0.000000e+00 : f32
          %reduce_or3A_150 = arith.cmpf ogt, %reduce_or3A_148, %reduce_or3A_149 : f32
          %convert_element_type3A_151 = arith.extui %reduce_or3A_150 : i1 to i32
          %cond3A_152 = arith.constant 0 : i32
          %cond3A_153 = arith.cmpi ne, %convert_element_type3A_151, %cond3A_152 : i32
          scf.if %cond3A_153 {
            %add3A_315 = arith.constant 0 : i32
            %add3A_316 = vector.broadcast %add3A_315 : i32 to vector<16xi32>
            %add3A_317 = arith.addi %add3A_316, %iota3A : vector<16xi32>
            %scan3A_318 = arith.constant 0 : i32
            %scan3A_319 = arith.constant 64 : i32
            %scan3A_320 = arith.addi %scan3A_318, %scan3A_319 : i32
            %scan3A_321 = arith.constant 1 : i32
            scf.for %scan3A_323 = %scan3A_318 to %scan3A_320 step %scan3A_321  : i32 {
              %mul3A_324 = arith.constant 1 : i32
              %mul3A_325 = arith.muli %scan3A_323, %mul3A_324 : i32
              %add3A_326 = arith.constant 0 : i32
              %add3A_327 = arith.addi %add3A_326, %mul3A_325 : i32
              %broadcast_in_dim3A_328 = vector.broadcast %add3A_327 : i32 to vector<16xi32>
              tpu.vector_store_idx %arg10[%add3A_317, %broadcast_in_dim3A_328], %broadcast_in_dim3A_5 masked %eq3A_140 : memref<128x64xf32, #tpu.memory_space<vmem>>[vector<16xi32>, vector<16xi32>], vector<16xf32>, vector<16xi1>
            }
            %scan3A_322 = arith.constant 64 : i32
          } else {
          }
          %add3A_154 = arith.constant 16 : i32
          %add3A_155 = arith.addi %mul3A_112, %add3A_154 : i32
          %add3A_156 = vector.broadcast %add3A_155 : i32 to vector<16xi32>
          %add3A_157 = arith.addi %add3A_156, %iota3A : vector<16xi32>
          %div3A_158 = arith.divsi %add3A_157, %broadcast_in_dim3A_3 : vector<16xi32>
          %gather3A_159 = tpu.vector_load_idx %arg6[%div3A_158] : memref<1600xi32, #tpu.memory_space<vmem>>[vector<16xi32>], vector<16xi32>,
          %eq3A_160 = arith.constant 0 : i32
          %eq3A_161 = vector.broadcast %eq3A_160 : i32 to vector<16xi32>
          %eq3A_162 = arith.cmpi eq, %gather3A_159, %eq3A_161 : vector<16xi32>
          %reduce_or3A_163 = arith.constant 1.000000e+00 : f32
          %reduce_or3A_164 = arith.constant 0.000000e+00 : f32
          %reduce_or3A_165 = vector.broadcast %reduce_or3A_163 : f32 to vector<16xf32>
          %reduce_or3A_166 = vector.broadcast %reduce_or3A_164 : f32 to vector<16xf32>
          %reduce_or3A_167 = arith.select %eq3A_162, %reduce_or3A_165, %reduce_or3A_166 : vector<16xi1>, vector<16xf32>
          %reduce_or3A_168 = arith.constant true
          %reduce_or3A_169 = vector.broadcast %reduce_or3A_168 : i1 to vector<16xi1>
          %reduce_or3A_170 = tpu.scan <max>, %reduce_or3A_167 masked %reduce_or3A_169 : vector<16xf32>, vector<16xi1> -> vector<16xf32>
          %reduce_or3A_171 = vector.extract %reduce_or3A_170[15] : f32 from vector<16xf32>
          %reduce_or3A_172 = arith.constant 0.000000e+00 : f32
          %reduce_or3A_173 = arith.cmpf ogt, %reduce_or3A_171, %reduce_or3A_172 : f32
          %convert_element_type3A_174 = arith.extui %reduce_or3A_173 : i1 to i32
          %cond3A_175 = arith.constant 0 : i32
          %cond3A_176 = arith.cmpi ne, %convert_element_type3A_174, %cond3A_175 : i32
          scf.if %cond3A_176 {
            %add3A_315 = arith.constant 16 : i32
            %add3A_316 = vector.broadcast %add3A_315 : i32 to vector<16xi32>
            %add3A_317 = arith.addi %add3A_316, %iota3A : vector<16xi32>
            %scan3A_318 = arith.constant 0 : i32
            %scan3A_319 = arith.constant 64 : i32
            %scan3A_320 = arith.addi %scan3A_318, %scan3A_319 : i32
            %scan3A_321 = arith.constant 1 : i32
            scf.for %scan3A_323 = %scan3A_318 to %scan3A_320 step %scan3A_321  : i32 {
              %mul3A_324 = arith.constant 1 : i32
              %mul3A_325 = arith.muli %scan3A_323, %mul3A_324 : i32
              %add3A_326 = arith.constant 0 : i32
              %add3A_327 = arith.addi %add3A_326, %mul3A_325 : i32
              %broadcast_in_dim3A_328 = vector.broadcast %add3A_327 : i32 to vector<16xi32>
              tpu.vector_store_idx %arg10[%add3A_317, %broadcast_in_dim3A_328], %broadcast_in_dim3A_5 masked %eq3A_162 : memref<128x64xf32, #tpu.memory_space<vmem>>[vector<16xi32>, vector<16xi32>], vector<16xf32>, vector<16xi1>
            }
            %scan3A_322 = arith.constant 64 : i32
          } else {
          }
          %add3A_177 = arith.constant 32 : i32
          %add3A_178 = arith.addi %mul3A_112, %add3A_177 : i32
          %add3A_179 = vector.broadcast %add3A_178 : i32 to vector<16xi32>
          %add3A_180 = arith.addi %add3A_179, %iota3A : vector<16xi32>
          %div3A_181 = arith.divsi %add3A_180, %broadcast_in_dim3A_3 : vector<16xi32>
          %gather3A_182 = tpu.vector_load_idx %arg6[%div3A_181] : memref<1600xi32, #tpu.memory_space<vmem>>[vector<16xi32>], vector<16xi32>,
          %eq3A_183 = arith.constant 0 : i32
          %eq3A_184 = vector.broadcast %eq3A_183 : i32 to vector<16xi32>
          %eq3A_185 = arith.cmpi eq, %gather3A_182, %eq3A_184 : vector<16xi32>
          %reduce_or3A_186 = arith.constant 1.000000e+00 : f32
          %reduce_or3A_187 = arith.constant 0.000000e+00 : f32
          %reduce_or3A_188 = vector.broadcast %reduce_or3A_186 : f32 to vector<16xf32>
          %reduce_or3A_189 = vector.broadcast %reduce_or3A_187 : f32 to vector<16xf32>
          %reduce_or3A_190 = arith.select %eq3A_185, %reduce_or3A_188, %reduce_or3A_189 : vector<16xi1>, vector<16xf32>
          %reduce_or3A_191 = arith.constant true
          %reduce_or3A_192 = vector.broadcast %reduce_or3A_191 : i1 to vector<16xi1>
          %reduce_or3A_193 = tpu.scan <max>, %reduce_or3A_190 masked %reduce_or3A_192 : vector<16xf32>, vector<16xi1> -> vector<16xf32>
          %reduce_or3A_194 = vector.extract %reduce_or3A_193[15] : f32 from vector<16xf32>
          %reduce_or3A_195 = arith.constant 0.000000e+00 : f32
          %reduce_or3A_196 = arith.cmpf ogt, %reduce_or3A_194, %reduce_or3A_195 : f32
          %convert_element_type3A_197 = arith.extui %reduce_or3A_196 : i1 to i32
          %cond3A_198 = arith.constant 0 : i32
          %cond3A_199 = arith.cmpi ne, %convert_element_type3A_197, %cond3A_198 : i32
          scf.if %cond3A_199 {
            %add3A_315 = arith.constant 32 : i32
            %add3A_316 = vector.broadcast %add3A_315 : i32 to vector<16xi32>
            %add3A_317 = arith.addi %add3A_316, %iota3A : vector<16xi32>
            %scan3A_318 = arith.constant 0 : i32
            %scan3A_319 = arith.constant 64 : i32
            %scan3A_320 = arith.addi %scan3A_318, %scan3A_319 : i32
            %scan3A_321 = arith.constant 1 : i32
            scf.for %scan3A_323 = %scan3A_318 to %scan3A_320 step %scan3A_321  : i32 {
              %mul3A_324 = arith.constant 1 : i32
              %mul3A_325 = arith.muli %scan3A_323, %mul3A_324 : i32
              %add3A_326 = arith.constant 0 : i32
              %add3A_327 = arith.addi %add3A_326, %mul3A_325 : i32
              %broadcast_in_dim3A_328 = vector.broadcast %add3A_327 : i32 to vector<16xi32>
              tpu.vector_store_idx %arg10[%add3A_317, %broadcast_in_dim3A_328], %broadcast_in_dim3A_5 masked %eq3A_185 : memref<128x64xf32, #tpu.memory_space<vmem>>[vector<16xi32>, vector<16xi32>], vector<16xf32>, vector<16xi1>
            }
            %scan3A_322 = arith.constant 64 : i32
          } else {
          }
          %add3A_200 = arith.constant 48 : i32
          %add3A_201 = arith.addi %mul3A_112, %add3A_200 : i32
          %add3A_202 = vector.broadcast %add3A_201 : i32 to vector<16xi32>
          %add3A_203 = arith.addi %add3A_202, %iota3A : vector<16xi32>
          %div3A_204 = arith.divsi %add3A_203, %broadcast_in_dim3A_3 : vector<16xi32>
          %gather3A_205 = tpu.vector_load_idx %arg6[%div3A_204] : memref<1600xi32, #tpu.memory_space<vmem>>[vector<16xi32>], vector<16xi32>,
          %eq3A_206 = arith.constant 0 : i32
          %eq3A_207 = vector.broadcast %eq3A_206 : i32 to vector<16xi32>
          %eq3A_208 = arith.cmpi eq, %gather3A_205, %eq3A_207 : vector<16xi32>
          %reduce_or3A_209 = arith.constant 1.000000e+00 : f32
          %reduce_or3A_210 = arith.constant 0.000000e+00 : f32
          %reduce_or3A_211 = vector.broadcast %reduce_or3A_209 : f32 to vector<16xf32>
          %reduce_or3A_212 = vector.broadcast %reduce_or3A_210 : f32 to vector<16xf32>
          %reduce_or3A_213 = arith.select %eq3A_208, %reduce_or3A_211, %reduce_or3A_212 : vector<16xi1>, vector<16xf32>
          %reduce_or3A_214 = arith.constant true
          %reduce_or3A_215 = vector.broadcast %reduce_or3A_214 : i1 to vector<16xi1>
          %reduce_or3A_216 = tpu.scan <max>, %reduce_or3A_213 masked %reduce_or3A_215 : vector<16xf32>, vector<16xi1> -> vector<16xf32>
          %reduce_or3A_217 = vector.extract %reduce_or3A_216[15] : f32 from vector<16xf32>
          %reduce_or3A_218 = arith.constant 0.000000e+00 : f32
          %reduce_or3A_219 = arith.cmpf ogt, %reduce_or3A_217, %reduce_or3A_218 : f32
          %convert_element_type3A_220 = arith.extui %reduce_or3A_219 : i1 to i32
          %cond3A_221 = arith.constant 0 : i32
          %cond3A_222 = arith.cmpi ne, %convert_element_type3A_220, %cond3A_221 : i32
          scf.if %cond3A_222 {
            %add3A_315 = arith.constant 48 : i32
            %add3A_316 = vector.broadcast %add3A_315 : i32 to vector<16xi32>
            %add3A_317 = arith.addi %add3A_316, %iota3A : vector<16xi32>
            %scan3A_318 = arith.constant 0 : i32
            %scan3A_319 = arith.constant 64 : i32
            %scan3A_320 = arith.addi %scan3A_318, %scan3A_319 : i32
            %scan3A_321 = arith.constant 1 : i32
            scf.for %scan3A_323 = %scan3A_318 to %scan3A_320 step %scan3A_321  : i32 {
              %mul3A_324 = arith.constant 1 : i32
              %mul3A_325 = arith.muli %scan3A_323, %mul3A_324 : i32
              %add3A_326 = arith.constant 0 : i32
              %add3A_327 = arith.addi %add3A_326, %mul3A_325 : i32
              %broadcast_in_dim3A_328 = vector.broadcast %add3A_327 : i32 to vector<16xi32>
              tpu.vector_store_idx %arg10[%add3A_317, %broadcast_in_dim3A_328], %broadcast_in_dim3A_5 masked %eq3A_208 : memref<128x64xf32, #tpu.memory_space<vmem>>[vector<16xi32>, vector<16xi32>], vector<16xf32>, vector<16xi1>
            }
            %scan3A_322 = arith.constant 64 : i32
          } else {
          }
          %add3A_223 = arith.constant 64 : i32
          %add3A_224 = arith.addi %mul3A_112, %add3A_223 : i32
          %add3A_225 = vector.broadcast %add3A_224 : i32 to vector<16xi32>
          %add3A_226 = arith.addi %add3A_225, %iota3A : vector<16xi32>
          %div3A_227 = arith.divsi %add3A_226, %broadcast_in_dim3A_3 : vector<16xi32>
          %gather3A_228 = tpu.vector_load_idx %arg6[%div3A_227] : memref<1600xi32, #tpu.memory_space<vmem>>[vector<16xi32>], vector<16xi32>,
          %eq3A_229 = arith.constant 0 : i32
          %eq3A_230 = vector.broadcast %eq3A_229 : i32 to vector<16xi32>
          %eq3A_231 = arith.cmpi eq, %gather3A_228, %eq3A_230 : vector<16xi32>
          %reduce_or3A_232 = arith.constant 1.000000e+00 : f32
          %reduce_or3A_233 = arith.constant 0.000000e+00 : f32
          %reduce_or3A_234 = vector.broadcast %reduce_or3A_232 : f32 to vector<16xf32>
          %reduce_or3A_235 = vector.broadcast %reduce_or3A_233 : f32 to vector<16xf32>
          %reduce_or3A_236 = arith.select %eq3A_231, %reduce_or3A_234, %reduce_or3A_235 : vector<16xi1>, vector<16xf32>
          %reduce_or3A_237 = arith.constant true
          %reduce_or3A_238 = vector.broadcast %reduce_or3A_237 : i1 to vector<16xi1>
          %reduce_or3A_239 = tpu.scan <max>, %reduce_or3A_236 masked %reduce_or3A_238 : vector<16xf32>, vector<16xi1> -> vector<16xf32>
          %reduce_or3A_240 = vector.extract %reduce_or3A_239[15] : f32 from vector<16xf32>
          %reduce_or3A_241 = arith.constant 0.000000e+00 : f32
          %reduce_or3A_242 = arith.cmpf ogt, %reduce_or3A_240, %reduce_or3A_241 : f32
          %convert_element_type3A_243 = arith.extui %reduce_or3A_242 : i1 to i32
          %cond3A_244 = arith.constant 0 : i32
          %cond3A_245 = arith.cmpi ne, %convert_element_type3A_243, %cond3A_244 : i32
          scf.if %cond3A_245 {
            %add3A_315 = arith.constant 64 : i32
            %add3A_316 = vector.broadcast %add3A_315 : i32 to vector<16xi32>
            %add3A_317 = arith.addi %add3A_316, %iota3A : vector<16xi32>
            %scan3A_318 = arith.constant 0 : i32
            %scan3A_319 = arith.constant 64 : i32
            %scan3A_320 = arith.addi %scan3A_318, %scan3A_319 : i32
            %scan3A_321 = arith.constant 1 : i32
            scf.for %scan3A_323 = %scan3A_318 to %scan3A_320 step %scan3A_321  : i32 {
              %mul3A_324 = arith.constant 1 : i32
              %mul3A_325 = arith.muli %scan3A_323, %mul3A_324 : i32
              %add3A_326 = arith.constant 0 : i32
              %add3A_327 = arith.addi %add3A_326, %mul3A_325 : i32
              %broadcast_in_dim3A_328 = vector.broadcast %add3A_327 : i32 to vector<16xi32>
              tpu.vector_store_idx %arg10[%add3A_317, %broadcast_in_dim3A_328], %broadcast_in_dim3A_5 masked %eq3A_231 : memref<128x64xf32, #tpu.memory_space<vmem>>[vector<16xi32>, vector<16xi32>], vector<16xf32>, vector<16xi1>
            }
            %scan3A_322 = arith.constant 64 : i32
          } else {
          }
          %add3A_246 = arith.constant 80 : i32
          %add3A_247 = arith.addi %mul3A_112, %add3A_246 : i32
          %add3A_248 = vector.broadcast %add3A_247 : i32 to vector<16xi32>
          %add3A_249 = arith.addi %add3A_248, %iota3A : vector<16xi32>
          %div3A_250 = arith.divsi %add3A_249, %broadcast_in_dim3A_3 : vector<16xi32>
          %gather3A_251 = tpu.vector_load_idx %arg6[%div3A_250] : memref<1600xi32, #tpu.memory_space<vmem>>[vector<16xi32>], vector<16xi32>,
          %eq3A_252 = arith.constant 0 : i32
          %eq3A_253 = vector.broadcast %eq3A_252 : i32 to vector<16xi32>
          %eq3A_254 = arith.cmpi eq, %gather3A_251, %eq3A_253 : vector<16xi32>
          %reduce_or3A_255 = arith.constant 1.000000e+00 : f32
          %reduce_or3A_256 = arith.constant 0.000000e+00 : f32
          %reduce_or3A_257 = vector.broadcast %reduce_or3A_255 : f32 to vector<16xf32>
          %reduce_or3A_258 = vector.broadcast %reduce_or3A_256 : f32 to vector<16xf32>
          %reduce_or3A_259 = arith.select %eq3A_254, %reduce_or3A_257, %reduce_or3A_258 : vector<16xi1>, vector<16xf32>
          %reduce_or3A_260 = arith.constant true
          %reduce_or3A_261 = vector.broadcast %reduce_or3A_260 : i1 to vector<16xi1>
          %reduce_or3A_262 = tpu.scan <max>, %reduce_or3A_259 masked %reduce_or3A_261 : vector<16xf32>, vector<16xi1> -> vector<16xf32>
          %reduce_or3A_263 = vector.extract %reduce_or3A_262[15] : f32 from vector<16xf32>
          %reduce_or3A_264 = arith.constant 0.000000e+00 : f32
          %reduce_or3A_265 = arith.cmpf ogt, %reduce_or3A_263, %reduce_or3A_264 : f32
          %convert_element_type3A_266 = arith.extui %reduce_or3A_265 : i1 to i32
          %cond3A_267 = arith.constant 0 : i32
          %cond3A_268 = arith.cmpi ne, %convert_element_type3A_266, %cond3A_267 : i32
          scf.if %cond3A_268 {
            %add3A_315 = arith.constant 80 : i32
            %add3A_316 = vector.broadcast %add3A_315 : i32 to vector<16xi32>
            %add3A_317 = arith.addi %add3A_316, %iota3A : vector<16xi32>
            %scan3A_318 = arith.constant 0 : i32
            %scan3A_319 = arith.constant 64 : i32
            %scan3A_320 = arith.addi %scan3A_318, %scan3A_319 : i32
            %scan3A_321 = arith.constant 1 : i32
            scf.for %scan3A_323 = %scan3A_318 to %scan3A_320 step %scan3A_321  : i32 {
              %mul3A_324 = arith.constant 1 : i32
              %mul3A_325 = arith.muli %scan3A_323, %mul3A_324 : i32
              %add3A_326 = arith.constant 0 : i32
              %add3A_327 = arith.addi %add3A_326, %mul3A_325 : i32
              %broadcast_in_dim3A_328 = vector.broadcast %add3A_327 : i32 to vector<16xi32>
              tpu.vector_store_idx %arg10[%add3A_317, %broadcast_in_dim3A_328], %broadcast_in_dim3A_5 masked %eq3A_254 : memref<128x64xf32, #tpu.memory_space<vmem>>[vector<16xi32>, vector<16xi32>], vector<16xf32>, vector<16xi1>
            }
            %scan3A_322 = arith.constant 64 : i32
          } else {
          }
          %add3A_269 = arith.constant 96 : i32
          %add3A_270 = arith.addi %mul3A_112, %add3A_269 : i32
          %add3A_271 = vector.broadcast %add3A_270 : i32 to vector<16xi32>
          %add3A_272 = arith.addi %add3A_271, %iota3A : vector<16xi32>
          %div3A_273 = arith.divsi %add3A_272, %broadcast_in_dim3A_3 : vector<16xi32>
          %gather3A_274 = tpu.vector_load_idx %arg6[%div3A_273] : memref<1600xi32, #tpu.memory_space<vmem>>[vector<16xi32>], vector<16xi32>,
          %eq3A_275 = arith.constant 0 : i32
          %eq3A_276 = vector.broadcast %eq3A_275 : i32 to vector<16xi32>
          %eq3A_277 = arith.cmpi eq, %gather3A_274, %eq3A_276 : vector<16xi32>
          %reduce_or3A_278 = arith.constant 1.000000e+00 : f32
          %reduce_or3A_279 = arith.constant 0.000000e+00 : f32
          %reduce_or3A_280 = vector.broadcast %reduce_or3A_278 : f32 to vector<16xf32>
          %reduce_or3A_281 = vector.broadcast %reduce_or3A_279 : f32 to vector<16xf32>
          %reduce_or3A_282 = arith.select %eq3A_277, %reduce_or3A_280, %reduce_or3A_281 : vector<16xi1>, vector<16xf32>
          %reduce_or3A_283 = arith.constant true
          %reduce_or3A_284 = vector.broadcast %reduce_or3A_283 : i1 to vector<16xi1>
          %reduce_or3A_285 = tpu.scan <max>, %reduce_or3A_282 masked %reduce_or3A_284 : vector<16xf32>, vector<16xi1> -> vector<16xf32>
          %reduce_or3A_286 = vector.extract %reduce_or3A_285[15] : f32 from vector<16xf32>
          %reduce_or3A_287 = arith.constant 0.000000e+00 : f32
          %reduce_or3A_288 = arith.cmpf ogt, %reduce_or3A_286, %reduce_or3A_287 : f32
          %convert_element_type3A_289 = arith.extui %reduce_or3A_288 : i1 to i32
          %cond3A_290 = arith.constant 0 : i32
          %cond3A_291 = arith.cmpi ne, %convert_element_type3A_289, %cond3A_290 : i32
          scf.if %cond3A_291 {
            %add3A_315 = arith.constant 96 : i32
            %add3A_316 = vector.broadcast %add3A_315 : i32 to vector<16xi32>
            %add3A_317 = arith.addi %add3A_316, %iota3A : vector<16xi32>
            %scan3A_318 = arith.constant 0 : i32
            %scan3A_319 = arith.constant 64 : i32
            %scan3A_320 = arith.addi %scan3A_318, %scan3A_319 : i32
            %scan3A_321 = arith.constant 1 : i32
            scf.for %scan3A_323 = %scan3A_318 to %scan3A_320 step %scan3A_321  : i32 {
              %mul3A_324 = arith.constant 1 : i32
              %mul3A_325 = arith.muli %scan3A_323, %mul3A_324 : i32
              %add3A_326 = arith.constant 0 : i32
              %add3A_327 = arith.addi %add3A_326, %mul3A_325 : i32
              %broadcast_in_dim3A_328 = vector.broadcast %add3A_327 : i32 to vector<16xi32>
              tpu.vector_store_idx %arg10[%add3A_317, %broadcast_in_dim3A_328], %broadcast_in_dim3A_5 masked %eq3A_277 : memref<128x64xf32, #tpu.memory_space<vmem>>[vector<16xi32>, vector<16xi32>], vector<16xf32>, vector<16xi1>
            }
            %scan3A_322 = arith.constant 64 : i32
          } else {
          }
          %add3A_292 = arith.constant 112 : i32
          %add3A_293 = arith.addi %mul3A_112, %add3A_292 : i32
          %add3A_294 = vector.broadcast %add3A_293 : i32 to vector<16xi32>
          %add3A_295 = arith.addi %add3A_294, %iota3A : vector<16xi32>
          %div3A_296 = arith.divsi %add3A_295, %broadcast_in_dim3A_3 : vector<16xi32>
          %gather3A_297 = tpu.vector_load_idx %arg6[%div3A_296] : memref<1600xi32, #tpu.memory_space<vmem>>[vector<16xi32>], vector<16xi32>,
          %eq3A_298 = arith.constant 0 : i32
          %eq3A_299 = vector.broadcast %eq3A_298 : i32 to vector<16xi32>
          %eq3A_300 = arith.cmpi eq, %gather3A_297, %eq3A_299 : vector<16xi32>
          %reduce_or3A_301 = arith.constant 1.000000e+00 : f32
          %reduce_or3A_302 = arith.constant 0.000000e+00 : f32
          %reduce_or3A_303 = vector.broadcast %reduce_or3A_301 : f32 to vector<16xf32>
          %reduce_or3A_304 = vector.broadcast %reduce_or3A_302 : f32 to vector<16xf32>
          %reduce_or3A_305 = arith.select %eq3A_300, %reduce_or3A_303, %reduce_or3A_304 : vector<16xi1>, vector<16xf32>
          %reduce_or3A_306 = arith.constant true
          %reduce_or3A_307 = vector.broadcast %reduce_or3A_306 : i1 to vector<16xi1>
          %reduce_or3A_308 = tpu.scan <max>, %reduce_or3A_305 masked %reduce_or3A_307 : vector<16xf32>, vector<16xi1> -> vector<16xf32>
          %reduce_or3A_309 = vector.extract %reduce_or3A_308[15] : f32 from vector<16xf32>
          %reduce_or3A_310 = arith.constant 0.000000e+00 : f32
          %reduce_or3A_311 = arith.cmpf ogt, %reduce_or3A_309, %reduce_or3A_310 : f32
          %convert_element_type3A_312 = arith.extui %reduce_or3A_311 : i1 to i32
          %cond3A_313 = arith.constant 0 : i32
          %cond3A_314 = arith.cmpi ne, %convert_element_type3A_312, %cond3A_313 : i32
          scf.if %cond3A_314 {
            %add3A_315 = arith.constant 112 : i32
            %add3A_316 = vector.broadcast %add3A_315 : i32 to vector<16xi32>
            %add3A_317 = arith.addi %add3A_316, %iota3A : vector<16xi32>
            %scan3A_318 = arith.constant 0 : i32
            %scan3A_319 = arith.constant 64 : i32
            %scan3A_320 = arith.addi %scan3A_318, %scan3A_319 : i32
            %scan3A_321 = arith.constant 1 : i32
            scf.for %scan3A_323 = %scan3A_318 to %scan3A_320 step %scan3A_321  : i32 {
              %mul3A_324 = arith.constant 1 : i32
              %mul3A_325 = arith.muli %scan3A_323, %mul3A_324 : i32
              %add3A_326 = arith.constant 0 : i32
              %add3A_327 = arith.addi %add3A_326, %mul3A_325 : i32
              %broadcast_in_dim3A_328 = vector.broadcast %add3A_327 : i32 to vector<16xi32>
              tpu.vector_store_idx %arg10[%add3A_317, %broadcast_in_dim3A_328], %broadcast_in_dim3A_5 masked %eq3A_300 : memref<128x64xf32, #tpu.memory_space<vmem>>[vector<16xi32>, vector<16xi32>], vector<16xf32>, vector<16xi1>
            }
            %scan3A_322 = arith.constant 64 : i32
          } else {
          }
        } else {
        }
        %mul3A_121 = arith.constant 10 : i32
        %mul3A_122 = arith.muli %mul3A_2, %mul3A_121 : i32
        %add3A_123 = arith.addi %mul3A_122, %mul3A_112 : i32
        %dma_start3A_124 = arith.constant 0 : i32
        %dma_start3A_125 = tpu.memref_slice %arg5[%add3A_123, %dma_start3A_124] : memref<512000x64xf32, #tpu.memory_space<hbm>> -> memref<128x64xf32, #tpu.memory_space<hbm>>
        %dma_start3A_126 = arith.constant 0 : i32
        %dma_start3A_127 = tpu.memref_slice %arg5[%add3A_123, %dma_start3A_126] : memref<512000x64xf32, #tpu.memory_space<hbm>> -> memref<128x64xf32, #tpu.memory_space<hbm>>
        tpu.enqueue_dma source(%arg10 : memref<128x64xf32, #tpu.memory_space<vmem>>) target(%dma_start3A_127 : memref<128x64xf32, #tpu.memory_space<hbm>>) target_semaphore(%arg18 : memref<!tpu.dma_semaphore, #tpu.memory_space<semaphore_mem>>)
        %add3A_128 = arith.constant 4 : i32
        %add3A_129 = arith.addi %add3A_87, %add3A_128 : i32
        %lt3A_130 = arith.constant 125 : i32
        %lt3A_131 = arith.cmpi slt, %add3A_129, %lt3A_130 : i32
        %convert_element_type3A_132 = arith.extui %lt3A_131 : i1 to i32
        %cond3A_133 = arith.constant 0 : i32
        %cond3A_134 = arith.cmpi ne, %convert_element_type3A_132, %cond3A_133 : i32
        scf.if %cond3A_134 {
          %mul3A_135 = arith.constant 10 : i32
          %mul3A_136 = arith.muli %mul3A_2, %mul3A_135 : i32
          %dma_wait3A_137 = arith.constant 0 : i32
          %dma_wait3A_138 = tpu.memref_slice %arg5[%mul3A_136, %dma_wait3A_137] : memref<512000x64xf32, #tpu.memory_space<hbm>> -> memref<128x64xf32, #tpu.memory_space<hbm>>
          %dma_wait3A_139 = arith.constant 0 : i32
          %dma_wait3A_140 = tpu.memref_slice %arg5[%mul3A_136, %dma_wait3A_139] : memref<512000x64xf32, #tpu.memory_space<hbm>> -> memref<128x64xf32, #tpu.memory_space<hbm>>
          tpu.wait_dma2 semaphore(%arg18 : memref<!tpu.dma_semaphore, #tpu.memory_space<semaphore_mem>>) src(%arg10 : memref<128x64xf32, #tpu.memory_space<vmem>>) dst(%dma_wait3A_140 : memref<128x64xf32, #tpu.memory_space<hbm>>)
          %add3A_141 = arith.constant 512 : i32
          %add3A_142 = arith.addi %mul3A_112, %add3A_141 : i32
          %dma_start3A_143 = tpu.memref_slice %arg7[%add3A_142] : memref<16000xi32, #tpu.memory_space<vmem>> -> memref<128xi32, #tpu.memory_space<vmem>>
          %dma_start3A_144 = arith.constant 0 : i32
          %dma_start3A_145 = arith.constant 0 : i32
          %dma_start3A_146 = tpu.memref_slice %arg4[%dma_start3A_144, %dma_start3A_145] : memref<1000000x64xf32, #tpu.memory_space<hbm>> -> memref<1000000x64xf32, #tpu.memory_space<hbm>>
          tpu.enqueue_indirect_dma source(%dma_start3A_146 : memref<1000000x64xf32, #tpu.memory_space<hbm>>) target(%arg10 : memref<128x64xf32, #tpu.memory_space<vmem>>) offsets(%dma_start3A_143 : memref<128xi32, #tpu.memory_space<vmem>>) semaphore(%arg14 : memref<!tpu.dma_semaphore, #tpu.memory_space<semaphore_mem>>)
        } else {
        }
      } else {
      }
      %mul3A_93 = arith.constant 4 : i32
      %mul3A_94 = arith.muli %add3A_77, %mul3A_93 : i32
      %add3A_95 = arith.constant 2 : i32
      %add3A_96 = arith.addi %mul3A_94, %add3A_95 : i32
      %lt3A_97 = arith.constant 125 : i32
      %lt3A_98 = arith.cmpi slt, %add3A_96, %lt3A_97 : i32
      %convert_element_type3A_99 = arith.extui %lt3A_98 : i1 to i32
      %cond3A_100 = arith.constant 0 : i32
      %cond3A_101 = arith.cmpi ne, %convert_element_type3A_99, %cond3A_100 : i32
      scf.if %cond3A_101 {
        %mul3A_111 = arith.constant 128 : i32
        %mul3A_112 = arith.muli %add3A_96, %mul3A_111 : i32
        %dma_wait3A_113 = arith.constant 0 : i32
        %dma_wait3A_114 = tpu.memref_slice %arg7[%dma_wait3A_113] : memref<16000xi32, #tpu.memory_space<vmem>> -> memref<128xi32, #tpu.memory_space<vmem>>
        %dma_wait3A_115 = arith.constant 0 : i32
        %dma_wait3A_116 = arith.constant 0 : i32
        %dma_wait3A_117 = tpu.memref_slice %arg4[%dma_wait3A_115, %dma_wait3A_116] : memref<1000000x64xf32, #tpu.memory_space<hbm>> -> memref<1000000x64xf32, #tpu.memory_space<hbm>>
        tpu.wait_indirect_dma semaphore(%arg15 : memref<!tpu.dma_semaphore, #tpu.memory_space<semaphore_mem>>) src(%dma_wait3A_117 : memref<1000000x64xf32, #tpu.memory_space<hbm>>) dst(%arg11 : memref<128x64xf32, #tpu.memory_space<vmem>>)
        %convert_element_type3A_118 = arith.extui %ne3A_25 : i1 to i32
        %cond3A_119 = arith.constant 0 : i32
        %cond3A_120 = arith.cmpi ne, %convert_element_type3A_118, %cond3A_119 : i32
        scf.if %cond3A_120 {
          %add3A_135 = arith.constant 0 : i32
          %add3A_136 = arith.addi %mul3A_112, %add3A_135 : i32
          %add3A_137 = vector.broadcast %add3A_136 : i32 to vector<16xi32>
          %add3A_138 = arith.addi %add3A_137, %iota3A : vector<16xi32>
          %div3A = arith.divsi %add3A_138, %broadcast_in_dim3A_3 : vector<16xi32>
          %gather3A = tpu.vector_load_idx %arg6[%div3A] : memref<1600xi32, #tpu.memory_space<vmem>>[vector<16xi32>], vector<16xi32>,
          %eq3A = arith.constant 0 : i32
          %eq3A_139 = vector.broadcast %eq3A : i32 to vector<16xi32>
          %eq3A_140 = arith.cmpi eq, %gather3A, %eq3A_139 : vector<16xi32>
          %reduce_or3A = arith.constant 1.000000e+00 : f32
          %reduce_or3A_141 = arith.constant 0.000000e+00 : f32
          %reduce_or3A_142 = vector.broadcast %reduce_or3A : f32 to vector<16xf32>
          %reduce_or3A_143 = vector.broadcast %reduce_or3A_141 : f32 to vector<16xf32>
          %reduce_or3A_144 = arith.select %eq3A_140, %reduce_or3A_142, %reduce_or3A_143 : vector<16xi1>, vector<16xf32>
          %reduce_or3A_145 = arith.constant true
          %reduce_or3A_146 = vector.broadcast %reduce_or3A_145 : i1 to vector<16xi1>
          %reduce_or3A_147 = tpu.scan <max>, %reduce_or3A_144 masked %reduce_or3A_146 : vector<16xf32>, vector<16xi1> -> vector<16xf32>
          %reduce_or3A_148 = vector.extract %reduce_or3A_147[15] : f32 from vector<16xf32>
          %reduce_or3A_149 = arith.constant 0.000000e+00 : f32
          %reduce_or3A_150 = arith.cmpf ogt, %reduce_or3A_148, %reduce_or3A_149 : f32
          %convert_element_type3A_151 = arith.extui %reduce_or3A_150 : i1 to i32
          %cond3A_152 = arith.constant 0 : i32
          %cond3A_153 = arith.cmpi ne, %convert_element_type3A_151, %cond3A_152 : i32
          scf.if %cond3A_153 {
            %add3A_315 = arith.constant 0 : i32
            %add3A_316 = vector.broadcast %add3A_315 : i32 to vector<16xi32>
            %add3A_317 = arith.addi %add3A_316, %iota3A : vector<16xi32>
            %scan3A_318 = arith.constant 0 : i32
            %scan3A_319 = arith.constant 64 : i32
            %scan3A_320 = arith.addi %scan3A_318, %scan3A_319 : i32
            %scan3A_321 = arith.constant 1 : i32
            scf.for %scan3A_323 = %scan3A_318 to %scan3A_320 step %scan3A_321  : i32 {
              %mul3A_324 = arith.constant 1 : i32
              %mul3A_325 = arith.muli %scan3A_323, %mul3A_324 : i32
              %add3A_326 = arith.constant 0 : i32
              %add3A_327 = arith.addi %add3A_326, %mul3A_325 : i32
              %broadcast_in_dim3A_328 = vector.broadcast %add3A_327 : i32 to vector<16xi32>
              tpu.vector_store_idx %arg11[%add3A_317, %broadcast_in_dim3A_328], %broadcast_in_dim3A_5 masked %eq3A_140 : memref<128x64xf32, #tpu.memory_space<vmem>>[vector<16xi32>, vector<16xi32>], vector<16xf32>, vector<16xi1>
            }
            %scan3A_322 = arith.constant 64 : i32
          } else {
          }
          %add3A_154 = arith.constant 16 : i32
          %add3A_155 = arith.addi %mul3A_112, %add3A_154 : i32
          %add3A_156 = vector.broadcast %add3A_155 : i32 to vector<16xi32>
          %add3A_157 = arith.addi %add3A_156, %iota3A : vector<16xi32>
          %div3A_158 = arith.divsi %add3A_157, %broadcast_in_dim3A_3 : vector<16xi32>
          %gather3A_159 = tpu.vector_load_idx %arg6[%div3A_158] : memref<1600xi32, #tpu.memory_space<vmem>>[vector<16xi32>], vector<16xi32>,
          %eq3A_160 = arith.constant 0 : i32
          %eq3A_161 = vector.broadcast %eq3A_160 : i32 to vector<16xi32>
          %eq3A_162 = arith.cmpi eq, %gather3A_159, %eq3A_161 : vector<16xi32>
          %reduce_or3A_163 = arith.constant 1.000000e+00 : f32
          %reduce_or3A_164 = arith.constant 0.000000e+00 : f32
          %reduce_or3A_165 = vector.broadcast %reduce_or3A_163 : f32 to vector<16xf32>
          %reduce_or3A_166 = vector.broadcast %reduce_or3A_164 : f32 to vector<16xf32>
          %reduce_or3A_167 = arith.select %eq3A_162, %reduce_or3A_165, %reduce_or3A_166 : vector<16xi1>, vector<16xf32>
          %reduce_or3A_168 = arith.constant true
          %reduce_or3A_169 = vector.broadcast %reduce_or3A_168 : i1 to vector<16xi1>
          %reduce_or3A_170 = tpu.scan <max>, %reduce_or3A_167 masked %reduce_or3A_169 : vector<16xf32>, vector<16xi1> -> vector<16xf32>
          %reduce_or3A_171 = vector.extract %reduce_or3A_170[15] : f32 from vector<16xf32>
          %reduce_or3A_172 = arith.constant 0.000000e+00 : f32
          %reduce_or3A_173 = arith.cmpf ogt, %reduce_or3A_171, %reduce_or3A_172 : f32
          %convert_element_type3A_174 = arith.extui %reduce_or3A_173 : i1 to i32
          %cond3A_175 = arith.constant 0 : i32
          %cond3A_176 = arith.cmpi ne, %convert_element_type3A_174, %cond3A_175 : i32
          scf.if %cond3A_176 {
            %add3A_315 = arith.constant 16 : i32
            %add3A_316 = vector.broadcast %add3A_315 : i32 to vector<16xi32>
            %add3A_317 = arith.addi %add3A_316, %iota3A : vector<16xi32>
            %scan3A_318 = arith.constant 0 : i32
            %scan3A_319 = arith.constant 64 : i32
            %scan3A_320 = arith.addi %scan3A_318, %scan3A_319 : i32
            %scan3A_321 = arith.constant 1 : i32
            scf.for %scan3A_323 = %scan3A_318 to %scan3A_320 step %scan3A_321  : i32 {
              %mul3A_324 = arith.constant 1 : i32
              %mul3A_325 = arith.muli %scan3A_323, %mul3A_324 : i32
              %add3A_326 = arith.constant 0 : i32
              %add3A_327 = arith.addi %add3A_326, %mul3A_325 : i32
              %broadcast_in_dim3A_328 = vector.broadcast %add3A_327 : i32 to vector<16xi32>
              tpu.vector_store_idx %arg11[%add3A_317, %broadcast_in_dim3A_328], %broadcast_in_dim3A_5 masked %eq3A_162 : memref<128x64xf32, #tpu.memory_space<vmem>>[vector<16xi32>, vector<16xi32>], vector<16xf32>, vector<16xi1>
            }
            %scan3A_322 = arith.constant 64 : i32
          } else {
          }
          %add3A_177 = arith.constant 32 : i32
          %add3A_178 = arith.addi %mul3A_112, %add3A_177 : i32
          %add3A_179 = vector.broadcast %add3A_178 : i32 to vector<16xi32>
          %add3A_180 = arith.addi %add3A_179, %iota3A : vector<16xi32>
          %div3A_181 = arith.divsi %add3A_180, %broadcast_in_dim3A_3 : vector<16xi32>
          %gather3A_182 = tpu.vector_load_idx %arg6[%div3A_181] : memref<1600xi32, #tpu.memory_space<vmem>>[vector<16xi32>], vector<16xi32>,
          %eq3A_183 = arith.constant 0 : i32
          %eq3A_184 = vector.broadcast %eq3A_183 : i32 to vector<16xi32>
          %eq3A_185 = arith.cmpi eq, %gather3A_182, %eq3A_184 : vector<16xi32>
          %reduce_or3A_186 = arith.constant 1.000000e+00 : f32
          %reduce_or3A_187 = arith.constant 0.000000e+00 : f32
          %reduce_or3A_188 = vector.broadcast %reduce_or3A_186 : f32 to vector<16xf32>
          %reduce_or3A_189 = vector.broadcast %reduce_or3A_187 : f32 to vector<16xf32>
          %reduce_or3A_190 = arith.select %eq3A_185, %reduce_or3A_188, %reduce_or3A_189 : vector<16xi1>, vector<16xf32>
          %reduce_or3A_191 = arith.constant true
          %reduce_or3A_192 = vector.broadcast %reduce_or3A_191 : i1 to vector<16xi1>
          %reduce_or3A_193 = tpu.scan <max>, %reduce_or3A_190 masked %reduce_or3A_192 : vector<16xf32>, vector<16xi1> -> vector<16xf32>
          %reduce_or3A_194 = vector.extract %reduce_or3A_193[15] : f32 from vector<16xf32>
          %reduce_or3A_195 = arith.constant 0.000000e+00 : f32
          %reduce_or3A_196 = arith.cmpf ogt, %reduce_or3A_194, %reduce_or3A_195 : f32
          %convert_element_type3A_197 = arith.extui %reduce_or3A_196 : i1 to i32
          %cond3A_198 = arith.constant 0 : i32
          %cond3A_199 = arith.cmpi ne, %convert_element_type3A_197, %cond3A_198 : i32
          scf.if %cond3A_199 {
            %add3A_315 = arith.constant 32 : i32
            %add3A_316 = vector.broadcast %add3A_315 : i32 to vector<16xi32>
            %add3A_317 = arith.addi %add3A_316, %iota3A : vector<16xi32>
            %scan3A_318 = arith.constant 0 : i32
            %scan3A_319 = arith.constant 64 : i32
            %scan3A_320 = arith.addi %scan3A_318, %scan3A_319 : i32
            %scan3A_321 = arith.constant 1 : i32
            scf.for %scan3A_323 = %scan3A_318 to %scan3A_320 step %scan3A_321  : i32 {
              %mul3A_324 = arith.constant 1 : i32
              %mul3A_325 = arith.muli %scan3A_323, %mul3A_324 : i32
              %add3A_326 = arith.constant 0 : i32
              %add3A_327 = arith.addi %add3A_326, %mul3A_325 : i32
              %broadcast_in_dim3A_328 = vector.broadcast %add3A_327 : i32 to vector<16xi32>
              tpu.vector_store_idx %arg11[%add3A_317, %broadcast_in_dim3A_328], %broadcast_in_dim3A_5 masked %eq3A_185 : memref<128x64xf32, #tpu.memory_space<vmem>>[vector<16xi32>, vector<16xi32>], vector<16xf32>, vector<16xi1>
            }
            %scan3A_322 = arith.constant 64 : i32
          } else {
          }
          %add3A_200 = arith.constant 48 : i32
          %add3A_201 = arith.addi %mul3A_112, %add3A_200 : i32
          %add3A_202 = vector.broadcast %add3A_201 : i32 to vector<16xi32>
          %add3A_203 = arith.addi %add3A_202, %iota3A : vector<16xi32>
          %div3A_204 = arith.divsi %add3A_203, %broadcast_in_dim3A_3 : vector<16xi32>
          %gather3A_205 = tpu.vector_load_idx %arg6[%div3A_204] : memref<1600xi32, #tpu.memory_space<vmem>>[vector<16xi32>], vector<16xi32>,
          %eq3A_206 = arith.constant 0 : i32
          %eq3A_207 = vector.broadcast %eq3A_206 : i32 to vector<16xi32>
          %eq3A_208 = arith.cmpi eq, %gather3A_205, %eq3A_207 : vector<16xi32>
          %reduce_or3A_209 = arith.constant 1.000000e+00 : f32
          %reduce_or3A_210 = arith.constant 0.000000e+00 : f32
          %reduce_or3A_211 = vector.broadcast %reduce_or3A_209 : f32 to vector<16xf32>
          %reduce_or3A_212 = vector.broadcast %reduce_or3A_210 : f32 to vector<16xf32>
          %reduce_or3A_213 = arith.select %eq3A_208, %reduce_or3A_211, %reduce_or3A_212 : vector<16xi1>, vector<16xf32>
          %reduce_or3A_214 = arith.constant true
          %reduce_or3A_215 = vector.broadcast %reduce_or3A_214 : i1 to vector<16xi1>
          %reduce_or3A_216 = tpu.scan <max>, %reduce_or3A_213 masked %reduce_or3A_215 : vector<16xf32>, vector<16xi1> -> vector<16xf32>
          %reduce_or3A_217 = vector.extract %reduce_or3A_216[15] : f32 from vector<16xf32>
          %reduce_or3A_218 = arith.constant 0.000000e+00 : f32
          %reduce_or3A_219 = arith.cmpf ogt, %reduce_or3A_217, %reduce_or3A_218 : f32
          %convert_element_type3A_220 = arith.extui %reduce_or3A_219 : i1 to i32
          %cond3A_221 = arith.constant 0 : i32
          %cond3A_222 = arith.cmpi ne, %convert_element_type3A_220, %cond3A_221 : i32
          scf.if %cond3A_222 {
            %add3A_315 = arith.constant 48 : i32
            %add3A_316 = vector.broadcast %add3A_315 : i32 to vector<16xi32>
            %add3A_317 = arith.addi %add3A_316, %iota3A : vector<16xi32>
            %scan3A_318 = arith.constant 0 : i32
            %scan3A_319 = arith.constant 64 : i32
            %scan3A_320 = arith.addi %scan3A_318, %scan3A_319 : i32
            %scan3A_321 = arith.constant 1 : i32
            scf.for %scan3A_323 = %scan3A_318 to %scan3A_320 step %scan3A_321  : i32 {
              %mul3A_324 = arith.constant 1 : i32
              %mul3A_325 = arith.muli %scan3A_323, %mul3A_324 : i32
              %add3A_326 = arith.constant 0 : i32
              %add3A_327 = arith.addi %add3A_326, %mul3A_325 : i32
              %broadcast_in_dim3A_328 = vector.broadcast %add3A_327 : i32 to vector<16xi32>
              tpu.vector_store_idx %arg11[%add3A_317, %broadcast_in_dim3A_328], %broadcast_in_dim3A_5 masked %eq3A_208 : memref<128x64xf32, #tpu.memory_space<vmem>>[vector<16xi32>, vector<16xi32>], vector<16xf32>, vector<16xi1>
            }
            %scan3A_322 = arith.constant 64 : i32
          } else {
          }
          %add3A_223 = arith.constant 64 : i32
          %add3A_224 = arith.addi %mul3A_112, %add3A_223 : i32
          %add3A_225 = vector.broadcast %add3A_224 : i32 to vector<16xi32>
          %add3A_226 = arith.addi %add3A_225, %iota3A : vector<16xi32>
          %div3A_227 = arith.divsi %add3A_226, %broadcast_in_dim3A_3 : vector<16xi32>
          %gather3A_228 = tpu.vector_load_idx %arg6[%div3A_227] : memref<1600xi32, #tpu.memory_space<vmem>>[vector<16xi32>], vector<16xi32>,
          %eq3A_229 = arith.constant 0 : i32
          %eq3A_230 = vector.broadcast %eq3A_229 : i32 to vector<16xi32>
          %eq3A_231 = arith.cmpi eq, %gather3A_228, %eq3A_230 : vector<16xi32>
          %reduce_or3A_232 = arith.constant 1.000000e+00 : f32
          %reduce_or3A_233 = arith.constant 0.000000e+00 : f32
          %reduce_or3A_234 = vector.broadcast %reduce_or3A_232 : f32 to vector<16xf32>
          %reduce_or3A_235 = vector.broadcast %reduce_or3A_233 : f32 to vector<16xf32>
          %reduce_or3A_236 = arith.select %eq3A_231, %reduce_or3A_234, %reduce_or3A_235 : vector<16xi1>, vector<16xf32>
          %reduce_or3A_237 = arith.constant true
          %reduce_or3A_238 = vector.broadcast %reduce_or3A_237 : i1 to vector<16xi1>
          %reduce_or3A_239 = tpu.scan <max>, %reduce_or3A_236 masked %reduce_or3A_238 : vector<16xf32>, vector<16xi1> -> vector<16xf32>
          %reduce_or3A_240 = vector.extract %reduce_or3A_239[15] : f32 from vector<16xf32>
          %reduce_or3A_241 = arith.constant 0.000000e+00 : f32
          %reduce_or3A_242 = arith.cmpf ogt, %reduce_or3A_240, %reduce_or3A_241 : f32
          %convert_element_type3A_243 = arith.extui %reduce_or3A_242 : i1 to i32
          %cond3A_244 = arith.constant 0 : i32
          %cond3A_245 = arith.cmpi ne, %convert_element_type3A_243, %cond3A_244 : i32
          scf.if %cond3A_245 {
            %add3A_315 = arith.constant 64 : i32
            %add3A_316 = vector.broadcast %add3A_315 : i32 to vector<16xi32>
            %add3A_317 = arith.addi %add3A_316, %iota3A : vector<16xi32>
            %scan3A_318 = arith.constant 0 : i32
            %scan3A_319 = arith.constant 64 : i32
            %scan3A_320 = arith.addi %scan3A_318, %scan3A_319 : i32
            %scan3A_321 = arith.constant 1 : i32
            scf.for %scan3A_323 = %scan3A_318 to %scan3A_320 step %scan3A_321  : i32 {
              %mul3A_324 = arith.constant 1 : i32
              %mul3A_325 = arith.muli %scan3A_323, %mul3A_324 : i32
              %add3A_326 = arith.constant 0 : i32
              %add3A_327 = arith.addi %add3A_326, %mul3A_325 : i32
              %broadcast_in_dim3A_328 = vector.broadcast %add3A_327 : i32 to vector<16xi32>
              tpu.vector_store_idx %arg11[%add3A_317, %broadcast_in_dim3A_328], %broadcast_in_dim3A_5 masked %eq3A_231 : memref<128x64xf32, #tpu.memory_space<vmem>>[vector<16xi32>, vector<16xi32>], vector<16xf32>, vector<16xi1>
            }
            %scan3A_322 = arith.constant 64 : i32
          } else {
          }
          %add3A_246 = arith.constant 80 : i32
          %add3A_247 = arith.addi %mul3A_112, %add3A_246 : i32
          %add3A_248 = vector.broadcast %add3A_247 : i32 to vector<16xi32>
          %add3A_249 = arith.addi %add3A_248, %iota3A : vector<16xi32>
          %div3A_250 = arith.divsi %add3A_249, %broadcast_in_dim3A_3 : vector<16xi32>
          %gather3A_251 = tpu.vector_load_idx %arg6[%div3A_250] : memref<1600xi32, #tpu.memory_space<vmem>>[vector<16xi32>], vector<16xi32>,
          %eq3A_252 = arith.constant 0 : i32
          %eq3A_253 = vector.broadcast %eq3A_252 : i32 to vector<16xi32>
          %eq3A_254 = arith.cmpi eq, %gather3A_251, %eq3A_253 : vector<16xi32>
          %reduce_or3A_255 = arith.constant 1.000000e+00 : f32
          %reduce_or3A_256 = arith.constant 0.000000e+00 : f32
          %reduce_or3A_257 = vector.broadcast %reduce_or3A_255 : f32 to vector<16xf32>
          %reduce_or3A_258 = vector.broadcast %reduce_or3A_256 : f32 to vector<16xf32>
          %reduce_or3A_259 = arith.select %eq3A_254, %reduce_or3A_257, %reduce_or3A_258 : vector<16xi1>, vector<16xf32>
          %reduce_or3A_260 = arith.constant true
          %reduce_or3A_261 = vector.broadcast %reduce_or3A_260 : i1 to vector<16xi1>
          %reduce_or3A_262 = tpu.scan <max>, %reduce_or3A_259 masked %reduce_or3A_261 : vector<16xf32>, vector<16xi1> -> vector<16xf32>
          %reduce_or3A_263 = vector.extract %reduce_or3A_262[15] : f32 from vector<16xf32>
          %reduce_or3A_264 = arith.constant 0.000000e+00 : f32
          %reduce_or3A_265 = arith.cmpf ogt, %reduce_or3A_263, %reduce_or3A_264 : f32
          %convert_element_type3A_266 = arith.extui %reduce_or3A_265 : i1 to i32
          %cond3A_267 = arith.constant 0 : i32
          %cond3A_268 = arith.cmpi ne, %convert_element_type3A_266, %cond3A_267 : i32
          scf.if %cond3A_268 {
            %add3A_315 = arith.constant 80 : i32
            %add3A_316 = vector.broadcast %add3A_315 : i32 to vector<16xi32>
            %add3A_317 = arith.addi %add3A_316, %iota3A : vector<16xi32>
            %scan3A_318 = arith.constant 0 : i32
            %scan3A_319 = arith.constant 64 : i32
            %scan3A_320 = arith.addi %scan3A_318, %scan3A_319 : i32
            %scan3A_321 = arith.constant 1 : i32
            scf.for %scan3A_323 = %scan3A_318 to %scan3A_320 step %scan3A_321  : i32 {
              %mul3A_324 = arith.constant 1 : i32
              %mul3A_325 = arith.muli %scan3A_323, %mul3A_324 : i32
              %add3A_326 = arith.constant 0 : i32
              %add3A_327 = arith.addi %add3A_326, %mul3A_325 : i32
              %broadcast_in_dim3A_328 = vector.broadcast %add3A_327 : i32 to vector<16xi32>
              tpu.vector_store_idx %arg11[%add3A_317, %broadcast_in_dim3A_328], %broadcast_in_dim3A_5 masked %eq3A_254 : memref<128x64xf32, #tpu.memory_space<vmem>>[vector<16xi32>, vector<16xi32>], vector<16xf32>, vector<16xi1>
            }
            %scan3A_322 = arith.constant 64 : i32
          } else {
          }
          %add3A_269 = arith.constant 96 : i32
          %add3A_270 = arith.addi %mul3A_112, %add3A_269 : i32
          %add3A_271 = vector.broadcast %add3A_270 : i32 to vector<16xi32>
          %add3A_272 = arith.addi %add3A_271, %iota3A : vector<16xi32>
          %div3A_273 = arith.divsi %add3A_272, %broadcast_in_dim3A_3 : vector<16xi32>
          %gather3A_274 = tpu.vector_load_idx %arg6[%div3A_273] : memref<1600xi32, #tpu.memory_space<vmem>>[vector<16xi32>], vector<16xi32>,
          %eq3A_275 = arith.constant 0 : i32
          %eq3A_276 = vector.broadcast %eq3A_275 : i32 to vector<16xi32>
          %eq3A_277 = arith.cmpi eq, %gather3A_274, %eq3A_276 : vector<16xi32>
          %reduce_or3A_278 = arith.constant 1.000000e+00 : f32
          %reduce_or3A_279 = arith.constant 0.000000e+00 : f32
          %reduce_or3A_280 = vector.broadcast %reduce_or3A_278 : f32 to vector<16xf32>
          %reduce_or3A_281 = vector.broadcast %reduce_or3A_279 : f32 to vector<16xf32>
          %reduce_or3A_282 = arith.select %eq3A_277, %reduce_or3A_280, %reduce_or3A_281 : vector<16xi1>, vector<16xf32>
          %reduce_or3A_283 = arith.constant true
          %reduce_or3A_284 = vector.broadcast %reduce_or3A_283 : i1 to vector<16xi1>
          %reduce_or3A_285 = tpu.scan <max>, %reduce_or3A_282 masked %reduce_or3A_284 : vector<16xf32>, vector<16xi1> -> vector<16xf32>
          %reduce_or3A_286 = vector.extract %reduce_or3A_285[15] : f32 from vector<16xf32>
          %reduce_or3A_287 = arith.constant 0.000000e+00 : f32
          %reduce_or3A_288 = arith.cmpf ogt, %reduce_or3A_286, %reduce_or3A_287 : f32
          %convert_element_type3A_289 = arith.extui %reduce_or3A_288 : i1 to i32
          %cond3A_290 = arith.constant 0 : i32
          %cond3A_291 = arith.cmpi ne, %convert_element_type3A_289, %cond3A_290 : i32
          scf.if %cond3A_291 {
            %add3A_315 = arith.constant 96 : i32
            %add3A_316 = vector.broadcast %add3A_315 : i32 to vector<16xi32>
            %add3A_317 = arith.addi %add3A_316, %iota3A : vector<16xi32>
            %scan3A_318 = arith.constant 0 : i32
            %scan3A_319 = arith.constant 64 : i32
            %scan3A_320 = arith.addi %scan3A_318, %scan3A_319 : i32
            %scan3A_321 = arith.constant 1 : i32
            scf.for %scan3A_323 = %scan3A_318 to %scan3A_320 step %scan3A_321  : i32 {
              %mul3A_324 = arith.constant 1 : i32
              %mul3A_325 = arith.muli %scan3A_323, %mul3A_324 : i32
              %add3A_326 = arith.constant 0 : i32
              %add3A_327 = arith.addi %add3A_326, %mul3A_325 : i32
              %broadcast_in_dim3A_328 = vector.broadcast %add3A_327 : i32 to vector<16xi32>
              tpu.vector_store_idx %arg11[%add3A_317, %broadcast_in_dim3A_328], %broadcast_in_dim3A_5 masked %eq3A_277 : memref<128x64xf32, #tpu.memory_space<vmem>>[vector<16xi32>, vector<16xi32>], vector<16xf32>, vector<16xi1>
            }
            %scan3A_322 = arith.constant 64 : i32
          } else {
          }
          %add3A_292 = arith.constant 112 : i32
          %add3A_293 = arith.addi %mul3A_112, %add3A_292 : i32
          %add3A_294 = vector.broadcast %add3A_293 : i32 to vector<16xi32>
          %add3A_295 = arith.addi %add3A_294, %iota3A : vector<16xi32>
          %div3A_296 = arith.divsi %add3A_295, %broadcast_in_dim3A_3 : vector<16xi32>
          %gather3A_297 = tpu.vector_load_idx %arg6[%div3A_296] : memref<1600xi32, #tpu.memory_space<vmem>>[vector<16xi32>], vector<16xi32>,
          %eq3A_298 = arith.constant 0 : i32
          %eq3A_299 = vector.broadcast %eq3A_298 : i32 to vector<16xi32>
          %eq3A_300 = arith.cmpi eq, %gather3A_297, %eq3A_299 : vector<16xi32>
          %reduce_or3A_301 = arith.constant 1.000000e+00 : f32
          %reduce_or3A_302 = arith.constant 0.000000e+00 : f32
          %reduce_or3A_303 = vector.broadcast %reduce_or3A_301 : f32 to vector<16xf32>
          %reduce_or3A_304 = vector.broadcast %reduce_or3A_302 : f32 to vector<16xf32>
          %reduce_or3A_305 = arith.select %eq3A_300, %reduce_or3A_303, %reduce_or3A_304 : vector<16xi1>, vector<16xf32>
          %reduce_or3A_306 = arith.constant true
          %reduce_or3A_307 = vector.broadcast %reduce_or3A_306 : i1 to vector<16xi1>
          %reduce_or3A_308 = tpu.scan <max>, %reduce_or3A_305 masked %reduce_or3A_307 : vector<16xf32>, vector<16xi1> -> vector<16xf32>
          %reduce_or3A_309 = vector.extract %reduce_or3A_308[15] : f32 from vector<16xf32>
          %reduce_or3A_310 = arith.constant 0.000000e+00 : f32
          %reduce_or3A_311 = arith.cmpf ogt, %reduce_or3A_309, %reduce_or3A_310 : f32
          %convert_element_type3A_312 = arith.extui %reduce_or3A_311 : i1 to i32
          %cond3A_313 = arith.constant 0 : i32
          %cond3A_314 = arith.cmpi ne, %convert_element_type3A_312, %cond3A_313 : i32
          scf.if %cond3A_314 {
            %add3A_315 = arith.constant 112 : i32
            %add3A_316 = vector.broadcast %add3A_315 : i32 to vector<16xi32>
            %add3A_317 = arith.addi %add3A_316, %iota3A : vector<16xi32>
            %scan3A_318 = arith.constant 0 : i32
            %scan3A_319 = arith.constant 64 : i32
            %scan3A_320 = arith.addi %scan3A_318, %scan3A_319 : i32
            %scan3A_321 = arith.constant 1 : i32
            scf.for %scan3A_323 = %scan3A_318 to %scan3A_320 step %scan3A_321  : i32 {
              %mul3A_324 = arith.constant 1 : i32
              %mul3A_325 = arith.muli %scan3A_323, %mul3A_324 : i32
              %add3A_326 = arith.constant 0 : i32
              %add3A_327 = arith.addi %add3A_326, %mul3A_325 : i32
              %broadcast_in_dim3A_328 = vector.broadcast %add3A_327 : i32 to vector<16xi32>
              tpu.vector_store_idx %arg11[%add3A_317, %broadcast_in_dim3A_328], %broadcast_in_dim3A_5 masked %eq3A_300 : memref<128x64xf32, #tpu.memory_space<vmem>>[vector<16xi32>, vector<16xi32>], vector<16xf32>, vector<16xi1>
            }
            %scan3A_322 = arith.constant 64 : i32
          } else {
          }
        } else {
        }
        %mul3A_121 = arith.constant 10 : i32
        %mul3A_122 = arith.muli %mul3A_2, %mul3A_121 : i32
        %add3A_123 = arith.addi %mul3A_122, %mul3A_112 : i32
        %dma_start3A_124 = arith.constant 0 : i32
        %dma_start3A_125 = tpu.memref_slice %arg5[%add3A_123, %dma_start3A_124] : memref<512000x64xf32, #tpu.memory_space<hbm>> -> memref<128x64xf32, #tpu.memory_space<hbm>>
        %dma_start3A_126 = arith.constant 0 : i32
        %dma_start3A_127 = tpu.memref_slice %arg5[%add3A_123, %dma_start3A_126] : memref<512000x64xf32, #tpu.memory_space<hbm>> -> memref<128x64xf32, #tpu.memory_space<hbm>>
        tpu.enqueue_dma source(%arg11 : memref<128x64xf32, #tpu.memory_space<vmem>>) target(%dma_start3A_127 : memref<128x64xf32, #tpu.memory_space<hbm>>) target_semaphore(%arg19 : memref<!tpu.dma_semaphore, #tpu.memory_space<semaphore_mem>>)
        %add3A_128 = arith.constant 4 : i32
        %add3A_129 = arith.addi %add3A_96, %add3A_128 : i32
        %lt3A_130 = arith.constant 125 : i32
        %lt3A_131 = arith.cmpi slt, %add3A_129, %lt3A_130 : i32
        %convert_element_type3A_132 = arith.extui %lt3A_131 : i1 to i32
        %cond3A_133 = arith.constant 0 : i32
        %cond3A_134 = arith.cmpi ne, %convert_element_type3A_132, %cond3A_133 : i32
        scf.if %cond3A_134 {
          %mul3A_135 = arith.constant 10 : i32
          %mul3A_136 = arith.muli %mul3A_2, %mul3A_135 : i32
          %dma_wait3A_137 = arith.constant 0 : i32
          %dma_wait3A_138 = tpu.memref_slice %arg5[%mul3A_136, %dma_wait3A_137] : memref<512000x64xf32, #tpu.memory_space<hbm>> -> memref<128x64xf32, #tpu.memory_space<hbm>>
          %dma_wait3A_139 = arith.constant 0 : i32
          %dma_wait3A_140 = tpu.memref_slice %arg5[%mul3A_136, %dma_wait3A_139] : memref<512000x64xf32, #tpu.memory_space<hbm>> -> memref<128x64xf32, #tpu.memory_space<hbm>>
          tpu.wait_dma2 semaphore(%arg19 : memref<!tpu.dma_semaphore, #tpu.memory_space<semaphore_mem>>) src(%arg11 : memref<128x64xf32, #tpu.memory_space<vmem>>) dst(%dma_wait3A_140 : memref<128x64xf32, #tpu.memory_space<hbm>>)
          %add3A_141 = arith.constant 512 : i32
          %add3A_142 = arith.addi %mul3A_112, %add3A_141 : i32
          %dma_start3A_143 = tpu.memref_slice %arg7[%add3A_142] : memref<16000xi32, #tpu.memory_space<vmem>> -> memref<128xi32, #tpu.memory_space<vmem>>
          %dma_start3A_144 = arith.constant 0 : i32
          %dma_start3A_145 = arith.constant 0 : i32
          %dma_start3A_146 = tpu.memref_slice %arg4[%dma_start3A_144, %dma_start3A_145] : memref<1000000x64xf32, #tpu.memory_space<hbm>> -> memref<1000000x64xf32, #tpu.memory_space<hbm>>
          tpu.enqueue_indirect_dma source(%dma_start3A_146 : memref<1000000x64xf32, #tpu.memory_space<hbm>>) target(%arg11 : memref<128x64xf32, #tpu.memory_space<vmem>>) offsets(%dma_start3A_143 : memref<128xi32, #tpu.memory_space<vmem>>) semaphore(%arg15 : memref<!tpu.dma_semaphore, #tpu.memory_space<semaphore_mem>>)
        } else {
        }
      } else {
      }
      %mul3A_102 = arith.constant 4 : i32
      %mul3A_103 = arith.muli %add3A_77, %mul3A_102 : i32
      %add3A_104 = arith.constant 3 : i32
      %add3A_105 = arith.addi %mul3A_103, %add3A_104 : i32
      %lt3A_106 = arith.constant 125 : i32
      %lt3A_107 = arith.cmpi slt, %add3A_105, %lt3A_106 : i32
      %convert_element_type3A_108 = arith.extui %lt3A_107 : i1 to i32
      %cond3A_109 = arith.constant 0 : i32
      %cond3A_110 = arith.cmpi ne, %convert_element_type3A_108, %cond3A_109 : i32
      scf.if %cond3A_110 {
        %mul3A_111 = arith.constant 128 : i32
        %mul3A_112 = arith.muli %add3A_105, %mul3A_111 : i32
        %dma_wait3A_113 = arith.constant 0 : i32
        %dma_wait3A_114 = tpu.memref_slice %arg7[%dma_wait3A_113] : memref<16000xi32, #tpu.memory_space<vmem>> -> memref<128xi32, #tpu.memory_space<vmem>>
        %dma_wait3A_115 = arith.constant 0 : i32
        %dma_wait3A_116 = arith.constant 0 : i32
        %dma_wait3A_117 = tpu.memref_slice %arg4[%dma_wait3A_115, %dma_wait3A_116] : memref<1000000x64xf32, #tpu.memory_space<hbm>> -> memref<1000000x64xf32, #tpu.memory_space<hbm>>
        tpu.wait_indirect_dma semaphore(%arg16 : memref<!tpu.dma_semaphore, #tpu.memory_space<semaphore_mem>>) src(%dma_wait3A_117 : memref<1000000x64xf32, #tpu.memory_space<hbm>>) dst(%arg12 : memref<128x64xf32, #tpu.memory_space<vmem>>)
        %convert_element_type3A_118 = arith.extui %ne3A_25 : i1 to i32
        %cond3A_119 = arith.constant 0 : i32
        %cond3A_120 = arith.cmpi ne, %convert_element_type3A_118, %cond3A_119 : i32
        scf.if %cond3A_120 {
          %add3A_135 = arith.constant 0 : i32
          %add3A_136 = arith.addi %mul3A_112, %add3A_135 : i32
          %add3A_137 = vector.broadcast %add3A_136 : i32 to vector<16xi32>
          %add3A_138 = arith.addi %add3A_137, %iota3A : vector<16xi32>
          %div3A = arith.divsi %add3A_138, %broadcast_in_dim3A_3 : vector<16xi32>
          %gather3A = tpu.vector_load_idx %arg6[%div3A] : memref<1600xi32, #tpu.memory_space<vmem>>[vector<16xi32>], vector<16xi32>,
          %eq3A = arith.constant 0 : i32
          %eq3A_139 = vector.broadcast %eq3A : i32 to vector<16xi32>
          %eq3A_140 = arith.cmpi eq, %gather3A, %eq3A_139 : vector<16xi32>
          %reduce_or3A = arith.constant 1.000000e+00 : f32
          %reduce_or3A_141 = arith.constant 0.000000e+00 : f32
          %reduce_or3A_142 = vector.broadcast %reduce_or3A : f32 to vector<16xf32>
          %reduce_or3A_143 = vector.broadcast %reduce_or3A_141 : f32 to vector<16xf32>
          %reduce_or3A_144 = arith.select %eq3A_140, %reduce_or3A_142, %reduce_or3A_143 : vector<16xi1>, vector<16xf32>
          %reduce_or3A_145 = arith.constant true
          %reduce_or3A_146 = vector.broadcast %reduce_or3A_145 : i1 to vector<16xi1>
          %reduce_or3A_147 = tpu.scan <max>, %reduce_or3A_144 masked %reduce_or3A_146 : vector<16xf32>, vector<16xi1> -> vector<16xf32>
          %reduce_or3A_148 = vector.extract %reduce_or3A_147[15] : f32 from vector<16xf32>
          %reduce_or3A_149 = arith.constant 0.000000e+00 : f32
          %reduce_or3A_150 = arith.cmpf ogt, %reduce_or3A_148, %reduce_or3A_149 : f32
          %convert_element_type3A_151 = arith.extui %reduce_or3A_150 : i1 to i32
          %cond3A_152 = arith.constant 0 : i32
          %cond3A_153 = arith.cmpi ne, %convert_element_type3A_151, %cond3A_152 : i32
          scf.if %cond3A_153 {
            %add3A_315 = arith.constant 0 : i32
            %add3A_316 = vector.broadcast %add3A_315 : i32 to vector<16xi32>
            %add3A_317 = arith.addi %add3A_316, %iota3A : vector<16xi32>
            %scan3A_318 = arith.constant 0 : i32
            %scan3A_319 = arith.constant 64 : i32
            %scan3A_320 = arith.addi %scan3A_318, %scan3A_319 : i32
            %scan3A_321 = arith.constant 1 : i32
            scf.for %scan3A_323 = %scan3A_318 to %scan3A_320 step %scan3A_321  : i32 {
              %mul3A_324 = arith.constant 1 : i32
              %mul3A_325 = arith.muli %scan3A_323, %mul3A_324 : i32
              %add3A_326 = arith.constant 0 : i32
              %add3A_327 = arith.addi %add3A_326, %mul3A_325 : i32
              %broadcast_in_dim3A_328 = vector.broadcast %add3A_327 : i32 to vector<16xi32>
              tpu.vector_store_idx %arg12[%add3A_317, %broadcast_in_dim3A_328], %broadcast_in_dim3A_5 masked %eq3A_140 : memref<128x64xf32, #tpu.memory_space<vmem>>[vector<16xi32>, vector<16xi32>], vector<16xf32>, vector<16xi1>
            }
            %scan3A_322 = arith.constant 64 : i32
          } else {
          }
          %add3A_154 = arith.constant 16 : i32
          %add3A_155 = arith.addi %mul3A_112, %add3A_154 : i32
          %add3A_156 = vector.broadcast %add3A_155 : i32 to vector<16xi32>
          %add3A_157 = arith.addi %add3A_156, %iota3A : vector<16xi32>
          %div3A_158 = arith.divsi %add3A_157, %broadcast_in_dim3A_3 : vector<16xi32>
          %gather3A_159 = tpu.vector_load_idx %arg6[%div3A_158] : memref<1600xi32, #tpu.memory_space<vmem>>[vector<16xi32>], vector<16xi32>,
          %eq3A_160 = arith.constant 0 : i32
          %eq3A_161 = vector.broadcast %eq3A_160 : i32 to vector<16xi32>
          %eq3A_162 = arith.cmpi eq, %gather3A_159, %eq3A_161 : vector<16xi32>
          %reduce_or3A_163 = arith.constant 1.000000e+00 : f32
          %reduce_or3A_164 = arith.constant 0.000000e+00 : f32
          %reduce_or3A_165 = vector.broadcast %reduce_or3A_163 : f32 to vector<16xf32>
          %reduce_or3A_166 = vector.broadcast %reduce_or3A_164 : f32 to vector<16xf32>
          %reduce_or3A_167 = arith.select %eq3A_162, %reduce_or3A_165, %reduce_or3A_166 : vector<16xi1>, vector<16xf32>
          %reduce_or3A_168 = arith.constant true
          %reduce_or3A_169 = vector.broadcast %reduce_or3A_168 : i1 to vector<16xi1>
          %reduce_or3A_170 = tpu.scan <max>, %reduce_or3A_167 masked %reduce_or3A_169 : vector<16xf32>, vector<16xi1> -> vector<16xf32>
          %reduce_or3A_171 = vector.extract %reduce_or3A_170[15] : f32 from vector<16xf32>
          %reduce_or3A_172 = arith.constant 0.000000e+00 : f32
          %reduce_or3A_173 = arith.cmpf ogt, %reduce_or3A_171, %reduce_or3A_172 : f32
          %convert_element_type3A_174 = arith.extui %reduce_or3A_173 : i1 to i32
          %cond3A_175 = arith.constant 0 : i32
          %cond3A_176 = arith.cmpi ne, %convert_element_type3A_174, %cond3A_175 : i32
          scf.if %cond3A_176 {
            %add3A_315 = arith.constant 16 : i32
            %add3A_316 = vector.broadcast %add3A_315 : i32 to vector<16xi32>
            %add3A_317 = arith.addi %add3A_316, %iota3A : vector<16xi32>
            %scan3A_318 = arith.constant 0 : i32
            %scan3A_319 = arith.constant 64 : i32
            %scan3A_320 = arith.addi %scan3A_318, %scan3A_319 : i32
            %scan3A_321 = arith.constant 1 : i32
            scf.for %scan3A_323 = %scan3A_318 to %scan3A_320 step %scan3A_321  : i32 {
              %mul3A_324 = arith.constant 1 : i32
              %mul3A_325 = arith.muli %scan3A_323, %mul3A_324 : i32
              %add3A_326 = arith.constant 0 : i32
              %add3A_327 = arith.addi %add3A_326, %mul3A_325 : i32
              %broadcast_in_dim3A_328 = vector.broadcast %add3A_327 : i32 to vector<16xi32>
              tpu.vector_store_idx %arg12[%add3A_317, %broadcast_in_dim3A_328], %broadcast_in_dim3A_5 masked %eq3A_162 : memref<128x64xf32, #tpu.memory_space<vmem>>[vector<16xi32>, vector<16xi32>], vector<16xf32>, vector<16xi1>
            }
            %scan3A_322 = arith.constant 64 : i32
          } else {
          }
          %add3A_177 = arith.constant 32 : i32
          %add3A_178 = arith.addi %mul3A_112, %add3A_177 : i32
          %add3A_179 = vector.broadcast %add3A_178 : i32 to vector<16xi32>
          %add3A_180 = arith.addi %add3A_179, %iota3A : vector<16xi32>
          %div3A_181 = arith.divsi %add3A_180, %broadcast_in_dim3A_3 : vector<16xi32>
          %gather3A_182 = tpu.vector_load_idx %arg6[%div3A_181] : memref<1600xi32, #tpu.memory_space<vmem>>[vector<16xi32>], vector<16xi32>,
          %eq3A_183 = arith.constant 0 : i32
          %eq3A_184 = vector.broadcast %eq3A_183 : i32 to vector<16xi32>
          %eq3A_185 = arith.cmpi eq, %gather3A_182, %eq3A_184 : vector<16xi32>
          %reduce_or3A_186 = arith.constant 1.000000e+00 : f32
          %reduce_or3A_187 = arith.constant 0.000000e+00 : f32
          %reduce_or3A_188 = vector.broadcast %reduce_or3A_186 : f32 to vector<16xf32>
          %reduce_or3A_189 = vector.broadcast %reduce_or3A_187 : f32 to vector<16xf32>
          %reduce_or3A_190 = arith.select %eq3A_185, %reduce_or3A_188, %reduce_or3A_189 : vector<16xi1>, vector<16xf32>
          %reduce_or3A_191 = arith.constant true
          %reduce_or3A_192 = vector.broadcast %reduce_or3A_191 : i1 to vector<16xi1>
          %reduce_or3A_193 = tpu.scan <max>, %reduce_or3A_190 masked %reduce_or3A_192 : vector<16xf32>, vector<16xi1> -> vector<16xf32>
          %reduce_or3A_194 = vector.extract %reduce_or3A_193[15] : f32 from vector<16xf32>
          %reduce_or3A_195 = arith.constant 0.000000e+00 : f32
          %reduce_or3A_196 = arith.cmpf ogt, %reduce_or3A_194, %reduce_or3A_195 : f32
          %convert_element_type3A_197 = arith.extui %reduce_or3A_196 : i1 to i32
          %cond3A_198 = arith.constant 0 : i32
          %cond3A_199 = arith.cmpi ne, %convert_element_type3A_197, %cond3A_198 : i32
          scf.if %cond3A_199 {
            %add3A_315 = arith.constant 32 : i32
            %add3A_316 = vector.broadcast %add3A_315 : i32 to vector<16xi32>
            %add3A_317 = arith.addi %add3A_316, %iota3A : vector<16xi32>
            %scan3A_318 = arith.constant 0 : i32
            %scan3A_319 = arith.constant 64 : i32
            %scan3A_320 = arith.addi %scan3A_318, %scan3A_319 : i32
            %scan3A_321 = arith.constant 1 : i32
            scf.for %scan3A_323 = %scan3A_318 to %scan3A_320 step %scan3A_321  : i32 {
              %mul3A_324 = arith.constant 1 : i32
              %mul3A_325 = arith.muli %scan3A_323, %mul3A_324 : i32
              %add3A_326 = arith.constant 0 : i32
              %add3A_327 = arith.addi %add3A_326, %mul3A_325 : i32
              %broadcast_in_dim3A_328 = vector.broadcast %add3A_327 : i32 to vector<16xi32>
              tpu.vector_store_idx %arg12[%add3A_317, %broadcast_in_dim3A_328], %broadcast_in_dim3A_5 masked %eq3A_185 : memref<128x64xf32, #tpu.memory_space<vmem>>[vector<16xi32>, vector<16xi32>], vector<16xf32>, vector<16xi1>
            }
            %scan3A_322 = arith.constant 64 : i32
          } else {
          }
          %add3A_200 = arith.constant 48 : i32
          %add3A_201 = arith.addi %mul3A_112, %add3A_200 : i32
          %add3A_202 = vector.broadcast %add3A_201 : i32 to vector<16xi32>
          %add3A_203 = arith.addi %add3A_202, %iota3A : vector<16xi32>
          %div3A_204 = arith.divsi %add3A_203, %broadcast_in_dim3A_3 : vector<16xi32>
          %gather3A_205 = tpu.vector_load_idx %arg6[%div3A_204] : memref<1600xi32, #tpu.memory_space<vmem>>[vector<16xi32>], vector<16xi32>,
          %eq3A_206 = arith.constant 0 : i32
          %eq3A_207 = vector.broadcast %eq3A_206 : i32 to vector<16xi32>
          %eq3A_208 = arith.cmpi eq, %gather3A_205, %eq3A_207 : vector<16xi32>
          %reduce_or3A_209 = arith.constant 1.000000e+00 : f32
          %reduce_or3A_210 = arith.constant 0.000000e+00 : f32
          %reduce_or3A_211 = vector.broadcast %reduce_or3A_209 : f32 to vector<16xf32>
          %reduce_or3A_212 = vector.broadcast %reduce_or3A_210 : f32 to vector<16xf32>
          %reduce_or3A_213 = arith.select %eq3A_208, %reduce_or3A_211, %reduce_or3A_212 : vector<16xi1>, vector<16xf32>
          %reduce_or3A_214 = arith.constant true
          %reduce_or3A_215 = vector.broadcast %reduce_or3A_214 : i1 to vector<16xi1>
          %reduce_or3A_216 = tpu.scan <max>, %reduce_or3A_213 masked %reduce_or3A_215 : vector<16xf32>, vector<16xi1> -> vector<16xf32>
          %reduce_or3A_217 = vector.extract %reduce_or3A_216[15] : f32 from vector<16xf32>
          %reduce_or3A_218 = arith.constant 0.000000e+00 : f32
          %reduce_or3A_219 = arith.cmpf ogt, %reduce_or3A_217, %reduce_or3A_218 : f32
          %convert_element_type3A_220 = arith.extui %reduce_or3A_219 : i1 to i32
          %cond3A_221 = arith.constant 0 : i32
          %cond3A_222 = arith.cmpi ne, %convert_element_type3A_220, %cond3A_221 : i32
          scf.if %cond3A_222 {
            %add3A_315 = arith.constant 48 : i32
            %add3A_316 = vector.broadcast %add3A_315 : i32 to vector<16xi32>
            %add3A_317 = arith.addi %add3A_316, %iota3A : vector<16xi32>
            %scan3A_318 = arith.constant 0 : i32
            %scan3A_319 = arith.constant 64 : i32
            %scan3A_320 = arith.addi %scan3A_318, %scan3A_319 : i32
            %scan3A_321 = arith.constant 1 : i32
            scf.for %scan3A_323 = %scan3A_318 to %scan3A_320 step %scan3A_321  : i32 {
              %mul3A_324 = arith.constant 1 : i32
              %mul3A_325 = arith.muli %scan3A_323, %mul3A_324 : i32
              %add3A_326 = arith.constant 0 : i32
              %add3A_327 = arith.addi %add3A_326, %mul3A_325 : i32
              %broadcast_in_dim3A_328 = vector.broadcast %add3A_327 : i32 to vector<16xi32>
              tpu.vector_store_idx %arg12[%add3A_317, %broadcast_in_dim3A_328], %broadcast_in_dim3A_5 masked %eq3A_208 : memref<128x64xf32, #tpu.memory_space<vmem>>[vector<16xi32>, vector<16xi32>], vector<16xf32>, vector<16xi1>
            }
            %scan3A_322 = arith.constant 64 : i32
          } else {
          }
          %add3A_223 = arith.constant 64 : i32
          %add3A_224 = arith.addi %mul3A_112, %add3A_223 : i32
          %add3A_225 = vector.broadcast %add3A_224 : i32 to vector<16xi32>
          %add3A_226 = arith.addi %add3A_225, %iota3A : vector<16xi32>
          %div3A_227 = arith.divsi %add3A_226, %broadcast_in_dim3A_3 : vector<16xi32>
          %gather3A_228 = tpu.vector_load_idx %arg6[%div3A_227] : memref<1600xi32, #tpu.memory_space<vmem>>[vector<16xi32>], vector<16xi32>,
          %eq3A_229 = arith.constant 0 : i32
          %eq3A_230 = vector.broadcast %eq3A_229 : i32 to vector<16xi32>
          %eq3A_231 = arith.cmpi eq, %gather3A_228, %eq3A_230 : vector<16xi32>
          %reduce_or3A_232 = arith.constant 1.000000e+00 : f32
          %reduce_or3A_233 = arith.constant 0.000000e+00 : f32
          %reduce_or3A_234 = vector.broadcast %reduce_or3A_232 : f32 to vector<16xf32>
          %reduce_or3A_235 = vector.broadcast %reduce_or3A_233 : f32 to vector<16xf32>
          %reduce_or3A_236 = arith.select %eq3A_231, %reduce_or3A_234, %reduce_or3A_235 : vector<16xi1>, vector<16xf32>
          %reduce_or3A_237 = arith.constant true
          %reduce_or3A_238 = vector.broadcast %reduce_or3A_237 : i1 to vector<16xi1>
          %reduce_or3A_239 = tpu.scan <max>, %reduce_or3A_236 masked %reduce_or3A_238 : vector<16xf32>, vector<16xi1> -> vector<16xf32>
          %reduce_or3A_240 = vector.extract %reduce_or3A_239[15] : f32 from vector<16xf32>
          %reduce_or3A_241 = arith.constant 0.000000e+00 : f32
          %reduce_or3A_242 = arith.cmpf ogt, %reduce_or3A_240, %reduce_or3A_241 : f32
          %convert_element_type3A_243 = arith.extui %reduce_or3A_242 : i1 to i32
          %cond3A_244 = arith.constant 0 : i32
          %cond3A_245 = arith.cmpi ne, %convert_element_type3A_243, %cond3A_244 : i32
          scf.if %cond3A_245 {
            %add3A_315 = arith.constant 64 : i32
            %add3A_316 = vector.broadcast %add3A_315 : i32 to vector<16xi32>
            %add3A_317 = arith.addi %add3A_316, %iota3A : vector<16xi32>
            %scan3A_318 = arith.constant 0 : i32
            %scan3A_319 = arith.constant 64 : i32
            %scan3A_320 = arith.addi %scan3A_318, %scan3A_319 : i32
            %scan3A_321 = arith.constant 1 : i32
            scf.for %scan3A_323 = %scan3A_318 to %scan3A_320 step %scan3A_321  : i32 {
              %mul3A_324 = arith.constant 1 : i32
              %mul3A_325 = arith.muli %scan3A_323, %mul3A_324 : i32
              %add3A_326 = arith.constant 0 : i32
              %add3A_327 = arith.addi %add3A_326, %mul3A_325 : i32
              %broadcast_in_dim3A_328 = vector.broadcast %add3A_327 : i32 to vector<16xi32>
              tpu.vector_store_idx %arg12[%add3A_317, %broadcast_in_dim3A_328], %broadcast_in_dim3A_5 masked %eq3A_231 : memref<128x64xf32, #tpu.memory_space<vmem>>[vector<16xi32>, vector<16xi32>], vector<16xf32>, vector<16xi1>
            }
            %scan3A_322 = arith.constant 64 : i32
          } else {
          }
          %add3A_246 = arith.constant 80 : i32
          %add3A_247 = arith.addi %mul3A_112, %add3A_246 : i32
          %add3A_248 = vector.broadcast %add3A_247 : i32 to vector<16xi32>
          %add3A_249 = arith.addi %add3A_248, %iota3A : vector<16xi32>
          %div3A_250 = arith.divsi %add3A_249, %broadcast_in_dim3A_3 : vector<16xi32>
          %gather3A_251 = tpu.vector_load_idx %arg6[%div3A_250] : memref<1600xi32, #tpu.memory_space<vmem>>[vector<16xi32>], vector<16xi32>,
          %eq3A_252 = arith.constant 0 : i32
          %eq3A_253 = vector.broadcast %eq3A_252 : i32 to vector<16xi32>
          %eq3A_254 = arith.cmpi eq, %gather3A_251, %eq3A_253 : vector<16xi32>
          %reduce_or3A_255 = arith.constant 1.000000e+00 : f32
          %reduce_or3A_256 = arith.constant 0.000000e+00 : f32
          %reduce_or3A_257 = vector.broadcast %reduce_or3A_255 : f32 to vector<16xf32>
          %reduce_or3A_258 = vector.broadcast %reduce_or3A_256 : f32 to vector<16xf32>
          %reduce_or3A_259 = arith.select %eq3A_254, %reduce_or3A_257, %reduce_or3A_258 : vector<16xi1>, vector<16xf32>
          %reduce_or3A_260 = arith.constant true
          %reduce_or3A_261 = vector.broadcast %reduce_or3A_260 : i1 to vector<16xi1>
          %reduce_or3A_262 = tpu.scan <max>, %reduce_or3A_259 masked %reduce_or3A_261 : vector<16xf32>, vector<16xi1> -> vector<16xf32>
          %reduce_or3A_263 = vector.extract %reduce_or3A_262[15] : f32 from vector<16xf32>
          %reduce_or3A_264 = arith.constant 0.000000e+00 : f32
          %reduce_or3A_265 = arith.cmpf ogt, %reduce_or3A_263, %reduce_or3A_264 : f32
          %convert_element_type3A_266 = arith.extui %reduce_or3A_265 : i1 to i32
          %cond3A_267 = arith.constant 0 : i32
          %cond3A_268 = arith.cmpi ne, %convert_element_type3A_266, %cond3A_267 : i32
          scf.if %cond3A_268 {
            %add3A_315 = arith.constant 80 : i32
            %add3A_316 = vector.broadcast %add3A_315 : i32 to vector<16xi32>
            %add3A_317 = arith.addi %add3A_316, %iota3A : vector<16xi32>
            %scan3A_318 = arith.constant 0 : i32
            %scan3A_319 = arith.constant 64 : i32
            %scan3A_320 = arith.addi %scan3A_318, %scan3A_319 : i32
            %scan3A_321 = arith.constant 1 : i32
            scf.for %scan3A_323 = %scan3A_318 to %scan3A_320 step %scan3A_321  : i32 {
              %mul3A_324 = arith.constant 1 : i32
              %mul3A_325 = arith.muli %scan3A_323, %mul3A_324 : i32
              %add3A_326 = arith.constant 0 : i32
              %add3A_327 = arith.addi %add3A_326, %mul3A_325 : i32
              %broadcast_in_dim3A_328 = vector.broadcast %add3A_327 : i32 to vector<16xi32>
              tpu.vector_store_idx %arg12[%add3A_317, %broadcast_in_dim3A_328], %broadcast_in_dim3A_5 masked %eq3A_254 : memref<128x64xf32, #tpu.memory_space<vmem>>[vector<16xi32>, vector<16xi32>], vector<16xf32>, vector<16xi1>
            }
            %scan3A_322 = arith.constant 64 : i32
          } else {
          }
          %add3A_269 = arith.constant 96 : i32
          %add3A_270 = arith.addi %mul3A_112, %add3A_269 : i32
          %add3A_271 = vector.broadcast %add3A_270 : i32 to vector<16xi32>
          %add3A_272 = arith.addi %add3A_271, %iota3A : vector<16xi32>
          %div3A_273 = arith.divsi %add3A_272, %broadcast_in_dim3A_3 : vector<16xi32>
          %gather3A_274 = tpu.vector_load_idx %arg6[%div3A_273] : memref<1600xi32, #tpu.memory_space<vmem>>[vector<16xi32>], vector<16xi32>,
          %eq3A_275 = arith.constant 0 : i32
          %eq3A_276 = vector.broadcast %eq3A_275 : i32 to vector<16xi32>
          %eq3A_277 = arith.cmpi eq, %gather3A_274, %eq3A_276 : vector<16xi32>
          %reduce_or3A_278 = arith.constant 1.000000e+00 : f32
          %reduce_or3A_279 = arith.constant 0.000000e+00 : f32
          %reduce_or3A_280 = vector.broadcast %reduce_or3A_278 : f32 to vector<16xf32>
          %reduce_or3A_281 = vector.broadcast %reduce_or3A_279 : f32 to vector<16xf32>
          %reduce_or3A_282 = arith.select %eq3A_277, %reduce_or3A_280, %reduce_or3A_281 : vector<16xi1>, vector<16xf32>
          %reduce_or3A_283 = arith.constant true
          %reduce_or3A_284 = vector.broadcast %reduce_or3A_283 : i1 to vector<16xi1>
          %reduce_or3A_285 = tpu.scan <max>, %reduce_or3A_282 masked %reduce_or3A_284 : vector<16xf32>, vector<16xi1> -> vector<16xf32>
          %reduce_or3A_286 = vector.extract %reduce_or3A_285[15] : f32 from vector<16xf32>
          %reduce_or3A_287 = arith.constant 0.000000e+00 : f32
          %reduce_or3A_288 = arith.cmpf ogt, %reduce_or3A_286, %reduce_or3A_287 : f32
          %convert_element_type3A_289 = arith.extui %reduce_or3A_288 : i1 to i32
          %cond3A_290 = arith.constant 0 : i32
          %cond3A_291 = arith.cmpi ne, %convert_element_type3A_289, %cond3A_290 : i32
          scf.if %cond3A_291 {
            %add3A_315 = arith.constant 96 : i32
            %add3A_316 = vector.broadcast %add3A_315 : i32 to vector<16xi32>
            %add3A_317 = arith.addi %add3A_316, %iota3A : vector<16xi32>
            %scan3A_318 = arith.constant 0 : i32
            %scan3A_319 = arith.constant 64 : i32
            %scan3A_320 = arith.addi %scan3A_318, %scan3A_319 : i32
            %scan3A_321 = arith.constant 1 : i32
            scf.for %scan3A_323 = %scan3A_318 to %scan3A_320 step %scan3A_321  : i32 {
              %mul3A_324 = arith.constant 1 : i32
              %mul3A_325 = arith.muli %scan3A_323, %mul3A_324 : i32
              %add3A_326 = arith.constant 0 : i32
              %add3A_327 = arith.addi %add3A_326, %mul3A_325 : i32
              %broadcast_in_dim3A_328 = vector.broadcast %add3A_327 : i32 to vector<16xi32>
              tpu.vector_store_idx %arg12[%add3A_317, %broadcast_in_dim3A_328], %broadcast_in_dim3A_5 masked %eq3A_277 : memref<128x64xf32, #tpu.memory_space<vmem>>[vector<16xi32>, vector<16xi32>], vector<16xf32>, vector<16xi1>
            }
            %scan3A_322 = arith.constant 64 : i32
          } else {
          }
          %add3A_292 = arith.constant 112 : i32
          %add3A_293 = arith.addi %mul3A_112, %add3A_292 : i32
          %add3A_294 = vector.broadcast %add3A_293 : i32 to vector<16xi32>
          %add3A_295 = arith.addi %add3A_294, %iota3A : vector<16xi32>
          %div3A_296 = arith.divsi %add3A_295, %broadcast_in_dim3A_3 : vector<16xi32>
          %gather3A_297 = tpu.vector_load_idx %arg6[%div3A_296] : memref<1600xi32, #tpu.memory_space<vmem>>[vector<16xi32>], vector<16xi32>,
          %eq3A_298 = arith.constant 0 : i32
          %eq3A_299 = vector.broadcast %eq3A_298 : i32 to vector<16xi32>
          %eq3A_300 = arith.cmpi eq, %gather3A_297, %eq3A_299 : vector<16xi32>
          %reduce_or3A_301 = arith.constant 1.000000e+00 : f32
          %reduce_or3A_302 = arith.constant 0.000000e+00 : f32
          %reduce_or3A_303 = vector.broadcast %reduce_or3A_301 : f32 to vector<16xf32>
          %reduce_or3A_304 = vector.broadcast %reduce_or3A_302 : f32 to vector<16xf32>
          %reduce_or3A_305 = arith.select %eq3A_300, %reduce_or3A_303, %reduce_or3A_304 : vector<16xi1>, vector<16xf32>
          %reduce_or3A_306 = arith.constant true
          %reduce_or3A_307 = vector.broadcast %reduce_or3A_306 : i1 to vector<16xi1>
          %reduce_or3A_308 = tpu.scan <max>, %reduce_or3A_305 masked %reduce_or3A_307 : vector<16xf32>, vector<16xi1> -> vector<16xf32>
          %reduce_or3A_309 = vector.extract %reduce_or3A_308[15] : f32 from vector<16xf32>
          %reduce_or3A_310 = arith.constant 0.000000e+00 : f32
          %reduce_or3A_311 = arith.cmpf ogt, %reduce_or3A_309, %reduce_or3A_310 : f32
          %convert_element_type3A_312 = arith.extui %reduce_or3A_311 : i1 to i32
          %cond3A_313 = arith.constant 0 : i32
          %cond3A_314 = arith.cmpi ne, %convert_element_type3A_312, %cond3A_313 : i32
          scf.if %cond3A_314 {
            %add3A_315 = arith.constant 112 : i32
            %add3A_316 = vector.broadcast %add3A_315 : i32 to vector<16xi32>
            %add3A_317 = arith.addi %add3A_316, %iota3A : vector<16xi32>
            %scan3A_318 = arith.constant 0 : i32
            %scan3A_319 = arith.constant 64 : i32
            %scan3A_320 = arith.addi %scan3A_318, %scan3A_319 : i32
            %scan3A_321 = arith.constant 1 : i32
            scf.for %scan3A_323 = %scan3A_318 to %scan3A_320 step %scan3A_321  : i32 {
              %mul3A_324 = arith.constant 1 : i32
              %mul3A_325 = arith.muli %scan3A_323, %mul3A_324 : i32
              %add3A_326 = arith.constant 0 : i32
              %add3A_327 = arith.addi %add3A_326, %mul3A_325 : i32
              %broadcast_in_dim3A_328 = vector.broadcast %add3A_327 : i32 to vector<16xi32>
              tpu.vector_store_idx %arg12[%add3A_317, %broadcast_in_dim3A_328], %broadcast_in_dim3A_5 masked %eq3A_300 : memref<128x64xf32, #tpu.memory_space<vmem>>[vector<16xi32>, vector<16xi32>], vector<16xf32>, vector<16xi1>
            }
            %scan3A_322 = arith.constant 64 : i32
          } else {
          }
        } else {
        }
        %mul3A_121 = arith.constant 10 : i32
        %mul3A_122 = arith.muli %mul3A_2, %mul3A_121 : i32
        %add3A_123 = arith.addi %mul3A_122, %mul3A_112 : i32
        %dma_start3A_124 = arith.constant 0 : i32
        %dma_start3A_125 = tpu.memref_slice %arg5[%add3A_123, %dma_start3A_124] : memref<512000x64xf32, #tpu.memory_space<hbm>> -> memref<128x64xf32, #tpu.memory_space<hbm>>
        %dma_start3A_126 = arith.constant 0 : i32
        %dma_start3A_127 = tpu.memref_slice %arg5[%add3A_123, %dma_start3A_126] : memref<512000x64xf32, #tpu.memory_space<hbm>> -> memref<128x64xf32, #tpu.memory_space<hbm>>
        tpu.enqueue_dma source(%arg12 : memref<128x64xf32, #tpu.memory_space<vmem>>) target(%dma_start3A_127 : memref<128x64xf32, #tpu.memory_space<hbm>>) target_semaphore(%arg20 : memref<!tpu.dma_semaphore, #tpu.memory_space<semaphore_mem>>)
        %add3A_128 = arith.constant 4 : i32
        %add3A_129 = arith.addi %add3A_105, %add3A_128 : i32
        %lt3A_130 = arith.constant 125 : i32
        %lt3A_131 = arith.cmpi slt, %add3A_129, %lt3A_130 : i32
        %convert_element_type3A_132 = arith.extui %lt3A_131 : i1 to i32
        %cond3A_133 = arith.constant 0 : i32
        %cond3A_134 = arith.cmpi ne, %convert_element_type3A_132, %cond3A_133 : i32
        scf.if %cond3A_134 {
          %mul3A_135 = arith.constant 10 : i32
          %mul3A_136 = arith.muli %mul3A_2, %mul3A_135 : i32
          %dma_wait3A_137 = arith.constant 0 : i32
          %dma_wait3A_138 = tpu.memref_slice %arg5[%mul3A_136, %dma_wait3A_137] : memref<512000x64xf32, #tpu.memory_space<hbm>> -> memref<128x64xf32, #tpu.memory_space<hbm>>
          %dma_wait3A_139 = arith.constant 0 : i32
          %dma_wait3A_140 = tpu.memref_slice %arg5[%mul3A_136, %dma_wait3A_139] : memref<512000x64xf32, #tpu.memory_space<hbm>> -> memref<128x64xf32, #tpu.memory_space<hbm>>
          tpu.wait_dma2 semaphore(%arg20 : memref<!tpu.dma_semaphore, #tpu.memory_space<semaphore_mem>>) src(%arg12 : memref<128x64xf32, #tpu.memory_space<vmem>>) dst(%dma_wait3A_140 : memref<128x64xf32, #tpu.memory_space<hbm>>)
          %add3A_141 = arith.constant 512 : i32
          %add3A_142 = arith.addi %mul3A_112, %add3A_141 : i32
          %dma_start3A_143 = tpu.memref_slice %arg7[%add3A_142] : memref<16000xi32, #tpu.memory_space<vmem>> -> memref<128xi32, #tpu.memory_space<vmem>>
          %dma_start3A_144 = arith.constant 0 : i32
          %dma_start3A_145 = arith.constant 0 : i32
          %dma_start3A_146 = tpu.memref_slice %arg4[%dma_start3A_144, %dma_start3A_145] : memref<1000000x64xf32, #tpu.memory_space<hbm>> -> memref<1000000x64xf32, #tpu.memory_space<hbm>>
          tpu.enqueue_indirect_dma source(%dma_start3A_146 : memref<1000000x64xf32, #tpu.memory_space<hbm>>) target(%arg12 : memref<128x64xf32, #tpu.memory_space<vmem>>) offsets(%dma_start3A_143 : memref<128xi32, #tpu.memory_space<vmem>>) semaphore(%arg16 : memref<!tpu.dma_semaphore, #tpu.memory_space<semaphore_mem>>)
        } else {
        }
      } else {
      }
    }
    %scan3A_49 = arith.constant 32 : i32
    %mul3A_50 = arith.constant 10 : i32
    %mul3A_51 = arith.muli %mul3A_2, %mul3A_50 : i32
    %dma_wait3A = arith.constant 0 : i32
    %dma_wait3A_52 = tpu.memref_slice %arg5[%mul3A_51, %dma_wait3A] : memref<512000x64xf32, #tpu.memory_space<hbm>> -> memref<128x64xf32, #tpu.memory_space<hbm>>
    %dma_wait3A_53 = arith.constant 0 : i32
    %dma_wait3A_54 = tpu.memref_slice %arg5[%mul3A_51, %dma_wait3A_53] : memref<512000x64xf32, #tpu.memory_space<hbm>> -> memref<128x64xf32, #tpu.memory_space<hbm>>
    tpu.wait_dma2 semaphore(%arg17 : memref<!tpu.dma_semaphore, #tpu.memory_space<semaphore_mem>>) src(%arg9 : memref<128x64xf32, #tpu.memory_space<vmem>>) dst(%dma_wait3A_54 : memref<128x64xf32, #tpu.memory_space<hbm>>)
    %mul3A_55 = arith.constant 10 : i32
    %mul3A_56 = arith.muli %mul3A_2, %mul3A_55 : i32
    %dma_wait3A_57 = arith.constant 0 : i32
    %dma_wait3A_58 = tpu.memref_slice %arg5[%mul3A_56, %dma_wait3A_57] : memref<512000x64xf32, #tpu.memory_space<hbm>> -> memref<128x64xf32, #tpu.memory_space<hbm>>
    %dma_wait3A_59 = arith.constant 0 : i32
    %dma_wait3A_60 = tpu.memref_slice %arg5[%mul3A_56, %dma_wait3A_59] : memref<512000x64xf32, #tpu.memory_space<hbm>> -> memref<128x64xf32, #tpu.memory_space<hbm>>
    tpu.wait_dma2 semaphore(%arg18 : memref<!tpu.dma_semaphore, #tpu.memory_space<semaphore_mem>>) src(%arg10 : memref<128x64xf32, #tpu.memory_space<vmem>>) dst(%dma_wait3A_60 : memref<128x64xf32, #tpu.memory_space<hbm>>)
    %mul3A_61 = arith.constant 10 : i32
    %mul3A_62 = arith.muli %mul3A_2, %mul3A_61 : i32
    %dma_wait3A_63 = arith.constant 0 : i32
    %dma_wait3A_64 = tpu.memref_slice %arg5[%mul3A_62, %dma_wait3A_63] : memref<512000x64xf32, #tpu.memory_space<hbm>> -> memref<128x64xf32, #tpu.memory_space<hbm>>
    %dma_wait3A_65 = arith.constant 0 : i32
    %dma_wait3A_66 = tpu.memref_slice %arg5[%mul3A_62, %dma_wait3A_65] : memref<512000x64xf32, #tpu.memory_space<hbm>> -> memref<128x64xf32, #tpu.memory_space<hbm>>
    tpu.wait_dma2 semaphore(%arg19 : memref<!tpu.dma_semaphore, #tpu.memory_space<semaphore_mem>>) src(%arg11 : memref<128x64xf32, #tpu.memory_space<vmem>>) dst(%dma_wait3A_66 : memref<128x64xf32, #tpu.memory_space<hbm>>)
    %mul3A_67 = arith.constant 10 : i32
    %mul3A_68 = arith.muli %mul3A_2, %mul3A_67 : i32
    %dma_wait3A_69 = arith.constant 0 : i32
    %dma_wait3A_70 = tpu.memref_slice %arg5[%mul3A_68, %dma_wait3A_69] : memref<512000x64xf32, #tpu.memory_space<hbm>> -> memref<128x64xf32, #tpu.memory_space<hbm>>
    %dma_wait3A_71 = arith.constant 0 : i32
    %dma_wait3A_72 = tpu.memref_slice %arg5[%mul3A_68, %dma_wait3A_71] : memref<512000x64xf32, #tpu.memory_space<hbm>> -> memref<128x64xf32, #tpu.memory_space<hbm>>
    tpu.wait_dma2 semaphore(%arg20 : memref<!tpu.dma_semaphore, #tpu.memory_space<semaphore_mem>>) src(%arg12 : memref<128x64xf32, #tpu.memory_space<vmem>>) dst(%dma_wait3A_72 : memref<128x64xf32, #tpu.memory_space<hbm>>)
    return
  }
}

</mosaic_0001>

<sc_bundles>
// kernel: _sc_call.4.cloned.1.call-start
scs
__scs_entry_jumppad:
0x0: {  	(pc) =	sbr.rel $0x88, $3  }
0x1: {  	(tag) =	ssettag $0x0;
	lr =	simm.s32 $0x1  }
0x2: {  	[smem:$0x3F9C] =	sst lr;
	_ =	strace $0xD0000000  }
0x3: {  	_ = 	snop  }
0x4: {  	_ = 	snop  }
0x5: {  	_ = 	snop  }
0x6: {  	_ = 	snop  }
0x7: {  	_ = 	snop  }
__scs_overlays_trampoline_lowered:
0x8: {  	[smem:$0x3FAB] =	sst s0  }
0x9: {  	[smem:$0x3FAC] =	sst s1  }
0xa: {  	[smem:$0x3FAD] =	sst s2  }
0xb: {  	[smem:$0x3FAE] =	sst s3  }
0xc: {  	[smem:$0x3FAF] =	sst s4  }
0xd: {  	[smem:$0x3FB0] =	sst s5  }
0xe: {  	[smem:$0x3FB1] =	sst s6  }
0xf: {  	[smem:$0x3FB2] =	sst s7  }
0x10: {  	[smem:$0x3FB3] =	sst s8  }
0x11: {  	[smem:$0x3FB4] =	sst s9;
	s0 =	simm.s32 @!p0 $0x0  }
0x12: {  	s1 =	sld [smem:$0x3F9A];
	s0 =	simm.s32 @p0 $0x1  }
0x13: {  	[smem:$0x3FB5] =	sst s0;
	s0 =	simm.s32 @!p1 $0x0  }
0x14: {  	s2 =	sld [smem:$0x3F99];
	s0 =	simm.s32 @p1 $0x1  }
0x15: {  	[smem:$0x3FB6] =	sst s0;
	s0 =	simm.s32 @!p2 $0x0  }
0x16: {  	s3 =	sld [smem:$0x3FDB];
	s0 =	simm.s32 @p2 $0x1  }
0x17: {  	s4 =	simm.s32 $0x1BF5;
	[smem:$0x3FB8] =	sst s0  }
0x18: {  	s0 =	sld [smem:$0x3F9B];
	_ =	swait.ge [sflag:s4], $0x0  }
0x19: {  	s7 =	sld [smem:$0x3F9C]  }
0x1a: {  	s8 =	sadd.s32 $0xFFFFE003, lr  }
0x1b: {  	s9 =	sadd.s32 $0xFFFFFEF7, lr;
	s5 =	simm.s32 $0xFFFFFFFF;
	p2 =	slt.u32 s8, $0xFFFFF086  }
0x1c: {  	p1 =	slt.u32 s9, $0xF7A;
	s5 =	simm.s32 @!p2 $0x0  }
0x1d: {  	s5 =	simm.s32 @p1 $0x1;
	p0 =	seq.s32 s7, s2  }
0x1e: {  	s7 =	smul.u32 @!p0 $0xF7A, s2;
	p2 =	seq.s32 @!p0 s5, $0x0  }
0x1f: {  	s9 =	smul.u32 $0xF7A, s1;
	s8 =	simm.s32 @!p0 $0x1BF5;
	p2 =	por !p2, p0  }
0x20: {  	[sflag:s8] =	ssyncset.s32 @!p0 $0xFFFFF086;
	s6 =	sadd.s32 @!p0 s3, s7;
	s7 =	simm.s32 @!p0 $0x108  }
0x21: {  	s3 =	sadd.s32 s3, s9;
	s6 =	sadd.s32 @!p0 $0x88, s6;
	s7 =	simm.s32 @p2 $0x1082  }
0x22: {  	[simem:s7], [sflag:s8] =	dma.local @!p0 [hbm:s6], $0xF7A  }
0x23: {  	s9 =	sor.u32 $0xD0000000, s2;
	s6 =	simm.s32 $0x108;
	_ =	swait.ge @!p0 [sflag:s8], $0x0  }
0x24: {  	s3 =	sadd.s32 $0x88, s3;
	s6 =	simm.s32 @!p1 $0x1082;
	[sflag:s4] =	ssyncset.s32 $0xFFFFF086  }
0x25: {  	[simem:s6], [sflag:s4] =	dma.local [hbm:s3], $0xF7A  }
0x26: {  	[smem:$0x3F9C] =	sst s1;
	(tag) =	ssettag s2;
	_ =	strace s9  }
0x27: {  	s1 =	sld [smem:$0x3FAC]  }
0x28: {  	s2 =	sld [smem:$0x3FAD]  }
0x29: {  	s4 =	sld [smem:$0x3FAF]  }
0x2a: {  	p0 =	seq.s32 s5, $0x0;
	s5 =	sld [smem:$0x3FB0]  }
0x2b: {  	s6 =	sld [smem:$0x3FB1]  }
0x2c: {  	s7 =	sld [smem:$0x3FB2]  }
0x2d: {  	s3 =	simm.s32 $0x108;
	s8 =	sld [smem:$0x3FB3]  }
0x2e: {  	s3 =	simm.s32 @!p0 $0x1082;
	s9 =	sld [smem:$0x3FB4]  }
0x2f: {  	lr =	sadd.s32 s0, s3;
	s0 =	sld [smem:$0x3FAB]  }
0x30: {  	s3 =	sld [smem:$0x3FAE]  }
0x31: {  	[smem:$0x3FB7] =	sst s10  }
0x32: {  	s10 =	sld [smem:$0x3FB5];
	_ =	sdelay $0x3  }
0x33: {  	p0 =	seq.s32 s10, $0x1;
	s10 =	sld [smem:$0x3FB7];
	_ =	sdelay $0x3  }
0x34: {  	[smem:$0x3FB7] =	sst s10  }
0x35: {  	s10 =	sld [smem:$0x3FB6];
	_ =	sdelay $0x3  }
0x36: {  	p1 =	seq.s32 s10, $0x1;
	s10 =	sld [smem:$0x3FB7];
	_ =	sdelay $0x3  }
0x37: {  	[smem:$0x3FB7] =	sst s10  }
0x38: {  	s10 =	sld [smem:$0x3FB8]  }
0x39: {  	_ = 	snop;
	(pc) =	sbr.ind lr, $3  }
0x3a: {  	_ = 	snop  }
0x3b: {  	_ = 	snop  }
0x3c: {  	p2 =	seq.s32 s10, $0x1;
	s10 =	sld [smem:$0x3FB7]  }
0x3d: {  	_ =	shalt  }
0x3e: {  	_ =	shalt  }
0x3f: {  	_ =	shalt  }
0x40: {  	_ =	shalt  }
0x41: {  	_ =	shalt  }
0x42: {  	_ =	shalt  }
0x43: {  	_ =	shalt  }
0x44: {  	_ =	shalt  }
0x45: {  	_ =	shalt  }
0x46: {  	_ =	shalt  }
0x47: {  	_ =	shalt  }
0x48: {  	_ =	shalt  }
0x49: {  	_ =	shalt  }
0x4a: {  	_ =	shalt  }
0x4b: {  	_ =	shalt  }
0x4c: {  	_ =	shalt  }
0x4d: {  	_ =	shalt  }
0x4e: {  	_ =	shalt  }
0x4f: {  	_ =	shalt  }
0x50: {  	_ =	shalt  }
0x51: {  	_ =	shalt  }
0x52: {  	_ =	shalt  }
0x53: {  	_ =	shalt  }
0x54: {  	_ =	shalt  }
0x55: {  	_ =	shalt  }
0x56: {  	_ =	shalt  }
0x57: {  	_ =	shalt  }
0x58: {  	_ =	shalt  }
0x59: {  	_ =	shalt  }
0x5a: {  	_ =	shalt  }
0x5b: {  	_ =	shalt  }
0x5c: {  	_ =	shalt  }
0x5d: {  	_ =	shalt  }
0x5e: {  	_ =	shalt  }
0x5f: {  	_ =	shalt  }
0x60: {  	_ =	shalt  }
0x61: {  	_ =	shalt  }
0x62: {  	_ =	shalt  }
0x63: {  	_ =	shalt  }
0x64: {  	_ =	shalt  }
0x65: {  	_ =	shalt  }
0x66: {  	_ =	shalt  }
0x67: {  	_ =	shalt  }
0x68: {  	_ =	shalt  }
0x69: {  	_ =	shalt  }
0x6a: {  	_ =	shalt  }
0x6b: {  	_ =	shalt  }
0x6c: {  	_ =	shalt  }
0x6d: {  	_ =	shalt  }
0x6e: {  	_ =	shalt  }
0x6f: {  	_ =	shalt  }
0x70: {  	_ =	shalt  }
0x71: {  	_ =	shalt  }
0x72: {  	_ =	shalt  }
0x73: {  	_ =	shalt  }
0x74: {  	_ =	shalt  }
0x75: {  	_ =	shalt  }
0x76: {  	_ =	shalt  }
0x77: {  	_ =	shalt  }
0x78: {  	_ =	shalt  }
0x79: {  	_ =	shalt  }
0x7a: {  	_ =	shalt  }
0x7b: {  	_ =	shalt  }
0x7c: {  	_ =	shalt  }
0x7d: {  	_ =	shalt  }
0x7e: {  	_ =	shalt  }
0x7f: {  	_ =	shalt  }
0x80: {  	_ =	shalt  }
0x81: {  	_ =	shalt  }
0x82: {  	_ =	shalt  }
0x83: {  	_ =	shalt  }
0x84: {  	_ =	shalt  }
0x85: {  	_ =	shalt  }
0x86: {  	_ =	shalt  }
0x87: {  	_ =	shalt  }
.Lfunc_end0:
.L_simem_size_0:
called_computation.1_lowered:
.L_overlay_start_0:
0x88: {  	s2 =	sld [smem:$0x3FD9]  }
0x89: {  	s3 =	sld [smem:$0x3FFE];
	_ =	sdelay $0x1  }
0x8a: {  	s1 =	srdreg.scid  }
0x8b: {  	s0 =	sand.u32 $0x1, s1  }
0x8c: {  	s14 =	sshll.u32 s0, $0xA;
	s2 =	sadd.s32 s3, s2  }
0x8d: {  	s2 =	sadd.s32 s2, s14  }
0x8e: {  	[smem:$0x3FC3] =	sst s2  }
0x8f: {  	_ = 	snop  }
0x90: {  	s2 =	sld [smem:$0x3FD0]  }
0x91: {  	s15 =	sld [smem:$0x3FC9]  }
0x92: {  	s4 =	sld [smem:$0x3FC8]  }
0x93: {  	s6 =	simm.s32 $0xA;
	s7 =	simm.s32 $0x10;
	s5 =	sld [smem:$0x3FC7]  }
0x94: {  	[smem:s7], [sflag:s6] =	dma.local [hbm:s2], $0x1  }
0x95: {  	_ =	swait.eq [sflag:s6], $0x1  }
0x96: {  	[sflag:s6] =	ssyncset.done $0x0  }
0x97: {  	s16 =	sld [smem:$0x10];
	[sflag:s6] =	ssyncadd.s32 $0xFFFFFFFF  }
0x98: {  	s17 =	sld [smem:$0x12];
	(tm) =	ssettm $0x1  }
0x99: {  	s18 =	sld [smem:$0x3FFB];
	_ =	sdelay $0x3  }
0x9a: {  	_ =	strace s18  }
0x9b: {  	s7 =	sld [smem:$0x3FFC];
	_ =	sdelay $0x3  }
0x9c: {  	_ =	strace s7  }
0x9d: {  	s7 =	sld [smem:$0x3FFD];
	_ =	sdelay $0x3  }
0x9e: {  	_ =	strace s7  }
0x9f: {  	_ =	strace $0x8FFFFFFF  }
0xa0: {  	s19 =	sld [smem:$0x3FDB];
	_ =	sdelay $0x1  }
0xa1: {  	s8 =	simm.s32 $_scs_section_size  }
0xa2: {  	s9 =	simm.s32 $_size__tile_overlayer_lowered;
	s10 =	simm.s32 $_tile_overlayer_lowered  }
0xa3: {  	s22 =	simm.s32 $0x1BFF;
	s21 =	sshll.u32 s10, $0x1;
	s7 =	sadd.s32 s8, s19  }
0xa4: {  	s11 =	simm.s32 $0x0;
	s20 =	sshll.u32 s9, $0x1;
	s9 =	sadd.s32 s21, s7  }
0xa5: {  	[timem:s11], [sflag:s22] =	dma.local [hbm:s9], s20  }
0xa6: {  	_ =	swait.ge [sflag:s22], s20  }
0xa7: {  	s8 =	ssub.s32 $0x0, s20;
	[sflag:s22] =	ssyncset.done $0x0  }
0xa8: {  	[sflag:s22] =	ssyncadd.s32 s8;
	_ =	sdelay $0x1  }
0xa9: {  	s23 =	simm.s32 $0x1B8B  }
0xaa: {  	_ =	swait.ge [sflag:s23], $0x1  }
0xab: {  	[sflag:s23] =	ssyncset.done $0x0  }
0xac: {  	s25 =	simm.s32 $0x1B8E;
	s24 =	sld [smem:$0x3FFE];
	[sflag:s23] =	ssyncadd.s32 $0xFFFFFFFF  }
0xad: {  	s26 =	simm.s32 $execute0_lowered;
	[smem:$0x3FD2] =	sst s25  }
0xae: {  	s9 =	sshll.u32 s26, $0x1;
	_ =	strace $0x80000046;
	[dreg:$0x1] =	wrdreg $0xFFFFFFFF  }
0xaf: {  	s28 =	simm.s32 $_size_execute0_lowered;
	s7 =	sadd.s32 s7, s9;
	[dreg:$0x0] =	wrdreg $0x0  }
0xb0: {  	s9 =	sshll.u32 s28, $0x1;
	[dreg:$0x2] =	wrdreg s7  }
0xb1: {  	[dreg:$0x3] =	wrdreg s9  }
0xb2: {  	[dreg:$0x4] =	wrdreg $0xC0  }
0xb3: {  	_ =	task [dreg:s11], $0x5FFFF  }
0xb4: {  	[dreg:$0x1] =	wrdreg $0xFFFFFFFF  }
0xb5: {  	[dreg:$0x0] =	wrdreg $0x60  }
0xb6: {  	[dreg:$0x2] =	wrdreg s15  }
0xb7: {  	[dreg:$0x3] =	wrdreg s4  }
0xb8: {  	[dreg:$0x4] =	wrdreg s5  }
0xb9: {  	[dreg:$0x5] =	wrdreg s24  }
0xba: {  	[dreg:$0x6] =	wrdreg s16  }
0xbb: {  	[dreg:$0x7] =	wrdreg s17  }
0xbc: {  	[dreg:$0x8] =	wrdreg $0x9  }
0xbd: {  	_ =	task.clear_ibuf [dreg:s11], $0x9FFFF;
	_ =	strace $0x90000046  }
0xbe: {  	s29 =	simm.s32 $0x9;
	_ =	strace $0x80000048  }
0xbf: {  	_ =	swait.ge [sflag:s29], $0x1  }
0xc0: {  	[sflag:s29] =	ssyncadd.s32 $0xFFFFFFFF  }
0xc1: {  	_ =	strace $0x90000048  }
0xc2: {  	_ =	sfence  }
0xc3: {  	s30 =	sld [smem:$0x0];
	_ =	sdelay $0x2  }
0xc4: {  	s31 =	sshll.u32 s1, $0xD;
	s1 =	sshrl.u32 s1, $0x2  }
0xc5: {  	s3 =	sand.u32 $0x4000, s31;
	s1 =	sadd.s32 s1, s30  }
0xc6: {  	s0 =	sor.u32 s3, s0;
	s1 =	sshll.u32 s1, $0x11  }
0xc7: {  	s0 =	sor.u32 s1, s0  }
0xc8: {  	s0 =	sadd.s32 $0x8F2B, s0  }
0xc9: {  	[sflag:s0] =	ssyncadd.remote.s32 $0x1  }
0xca: {  	_ =	sfence.sel $0xFFFF  }
0xcb: {  	[dreg:$0x0] =	wrdreg $0xFFFFFFFF;
	(pc) =	sbr.abs _section_cstart, $3  }
0xcc: {  	[dreg:$0x1] =	wrdreg $0xFFFFFFFF  }
0xcd: {  	_ =	task.clear_ibuf [dreg:s11], $0x2FFFF;
	_ =	strace $0x9FFFFFFF  }
0xce: {  	(tm) =	ssettm $0x7FFFFFFF  }
0xcf: {  	_ =	shalt  }
tec
execute0_lowered:
.L_overlay_start_1:
0x0: {  	(tag) =	ssettag $0x1  }
0x1: {  	s1 =	rddreg [dreg:$0x0]  }
0x2: {  	s0 =	rddreg [dreg:$0x1]  }
0x3: {  	s2 =	rddreg [dreg:$0x2]  }
0x4: {  	s3 =	rddreg [dreg:$0x3]  }
0x5: {  	s4 =	rddreg [dreg:$0x4];
	s5 =	srdreg.scid  }
0x6: {  	s6 =	stileid.u32;
	s8 =	rddreg [dreg:$0x5];
	s13 =	simm.s32 $0x80  }
0x7: {  	s24 =	simm.s32 $0x640;
	s21 =	simm.s32 $0x1;
	s22 =	simm.s32 $0x50  }
0x8: {  	v0 =	vlaneseq.u32;
	v3 =	vimm.s32 $0x0;
	v4 =	vimm.f32 $0.0e+00;
	s23 =	simm.s32 $0xC810;
	s25 =	simm.s32 $0xDC10;
	s26 =	simm.s32 $0x5  }
0x9: {  	v8 =	vimm.s32 $0x60402;
	v10 =	vimm.s32 $0x1070503;
	v12 =	vimm.s32 $0x2000604;
	s28 =	simm.s32 $0x6;
	s29 =	simm.s32 $0x2;
	s30 =	simm.s32 $0x8980  }
0xa: {  	v14 =	vimm.s32 $0x3010705;
	v17 =	vimm.s32 $0x4020006;
	v19 =	vimm.s32 $0x5030107;
	s15 =	simm.s32 $0x3;
	s7 =	sand.u32 $0x1, s5;
	s6 =	sshll.u32 s6, $0x1  }
0xb: {  	s16 =	simm.s32 $0x4;
	s17 =	simm.s32 $0x0;
	v2 =	vand.u32 $0x3, v0;
	v1 =	vmul.u32 $0xA, v0;
	v8 =	vunpack.c.0.s8.s32 v8;
	s9 =	sor.u32 s7, s6  }
0xc: {  	s31 =	simm.s32 $0x0;
	s5 =	simm.s32 $0x0;
	v10 =	vunpack.c.0.s8.s32 v10;
	v12 =	vunpack.c.0.s8.s32 v12;
	v14 =	vunpack.c.0.s8.s32 v14;
	s6 =	smul.u32 $0x640, s9  }
0xd: {  	v16 =	vmul.u32 $0x40, v0;
	v17 =	vunpack.c.0.s8.s32 v17;
	v19 =	vunpack.c.0.s8.s32 v19;
	[smem:$0x7FF] =	sst s5;
	s10 =	ssub.s32 $0x2, s7;
	s9 =	smul.u32 $0x7D0, s9  }
.Ltmp0:
0xe: {  	s7 =	sadd.s32 $0x1000, s3;
	v2 =	vmul.u32 $0x2, v2;
	s11 =	sshrl.u32 s10, $0x1;
	v5 =	vor.u32 $0x1, v1;
	v7 =	vadd.s32 $0x2, v1;
	(pc) =	sbr.rel .LBB2_1-.Ltmp0, $4  }
0xf: {  	_ =	strace $0x80000047;
	v9 =	vadd.s32 $0x3, v1;
	v11 =	vadd.s32 $0x4, v1;
	v13 =	vadd.s32 $0x5, v1;
	s11 =	ssub.s32 s10, s11;
	s12 =	sshrl.u32 s6, $0x3  }
0x10: {  	v15 =	vadd.s32 $0x6, v1;
	v18 =	vadd.s32 $0x7, v1;
	v20 =	vadd.s32 $0x8, v1;
	s3 =	sadd.s32 s9, s3;
	s9 =	sadd.s32 s8, s9;
	s11 =	smax.u32 s11, $0x1  }
0x11: {  	v21 =	vadd.s32 $0x9, v1;
	v22 =	vor.u32 $0x400, v16;
	v23 =	vor.u32 $0x800, v16;
	s1 =	sadd.s32 s1, s12;
	s10 =	sadd.s32 $0xC4600, s3;
	s12 =	simm.s32 $0x9  }
0x12: {  	v24 =	vor.u32 $0xC00, v16;
	v25 =	vor.u32 $0x1000, v16;
	v6 =	vor.u32 $0x1, v2;
	s3 =	simm.s32 $0x7;
	[dreg:$0x7] =	wrdreg s1;
	s1 =	simm.s32 $0x8  }
.LBB2_54:
0x13: {  	[hbm4b:s9+s5] =	stream.linear.scatter [tilespmem:s30], [sflag:$0x3], $0x3E80, $0x38;
	[tilespmem:$0xF010] =	vst v63  }
0x14: {  	s8 =	simm.s32 $0x4B00  }
0x15: {  	[hbm4b:s10+s5] =	stream.linear.scatter [tilespmem:s8], [sflag:$0x4], $0x3E80, $0x38;
	[tilespmem:$0xF010] =	vst v63  }
0x16: {  	_ =	swait.ge [sflag:s3], $0x1400  }
0x17: {  	[sflag:s3] =	ssyncset.done $0x0  }
0x18: {  	[sflag:s3] =	ssyncadd.s32 $0xFFFFEC00  }
0x19: {  	_ =	swait.ge [sflag:s1], $0x1400  }
0x1a: {  	[sflag:s1] =	ssyncset.done $0x0  }
0x1b: {  	s17 =	sadd.s32 $0x1, s17;
	[sflag:s1] =	ssyncadd.s32 $0xFFFFEC00  }
0x1c: {  	p0 =	sne.s32 s17, s11;
	_ =	swait.ge [sflag:s15], $0x3E80  }
.Ltmp1:
0x1d: {  	[sflag:s15] =	ssyncset.done $0x0;
	(pc) =	sbr.rel @!p0 .LBB2_55-.Ltmp1, $4  }
0x1e: {  	[sflag:s15] =	ssyncadd.s32 $0xFFFFC180  }
0x1f: {  	_ =	swait.ge [sflag:s16], $0x3E80  }
0x20: {  	[sflag:s16] =	ssyncset.done $0x0  }
0x21: {  	[sflag:s16] =	ssyncadd.s32 $0xFFFFC180  }
.LBB2_1:
0x22: {  	s8 =	rddreg [dreg:$0x7]  }
0x23: {  	[tilespmem:s5], [sflag:$0x9] =	stream.linear.gather [hbm4b:s8+s5], $0x640, $0x38;
	[tilespmem:$0xF010] =	vst v63  }
0x24: {  	_ =	swait.ge [sflag:s12], $0x640  }
0x25: {  	[sflag:s12] =	ssyncset.done $0x0  }
0x26: {  	[sflag:s12] =	ssyncadd.s32 $0xFFFFF9C0  }
0x27: {  	[tilespmem:s24], [sflag:$0x1] =	stream.indirect.gather [hbm4b:s0+s13], $0x1, s5, s13, $0xb8;
	[tilespmem:$0xF010] =	vst v63  }
0x28: {  	s20 =	simm.s32 $0x6C0  }
0x29: {  	[tilespmem:s20], [sflag:$0x1] =	stream.indirect.gather [hbm4b:s0+s13], $0x1, s13, s13, $0xb8;
	[tilespmem:$0xF010] =	vst v63  }
0x2a: {  	s14 =	simm.s32 $0x740;
	s24 =	simm.s32 $0x100  }
0x2b: {  	[tilespmem:s14], [sflag:$0x1] =	stream.indirect.gather [hbm4b:s0+s13], $0x1, s24, s13, $0xb8;
	[tilespmem:$0xF010] =	vst v63  }
0x2c: {  	s18 =	simm.s32 $0x180;
	s19 =	simm.s32 $0x7C0  }
0x2d: {  	[tilespmem:s19], [sflag:$0x1] =	stream.indirect.gather [hbm4b:s0+s13], $0x1, s18, s13, $0xb8;
	[tilespmem:$0xF010] =	vst v63  }
0x2e: {  	s20 =	simm.s32 $0x200;
	s24 =	simm.s32 $0x840  }
0x2f: {  	[tilespmem:s24], [sflag:$0x1] =	stream.indirect.gather [hbm4b:s0+s13], $0x1, s20, s13, $0xb8;
	[tilespmem:$0xF010] =	vst v63  }
0x30: {  	s18 =	simm.s32 $0x280;
	s19 =	simm.s32 $0x8C0  }
0x31: {  	[tilespmem:s19], [sflag:$0x1] =	stream.indirect.gather [hbm4b:s0+s13], $0x1, s18, s13, $0xb8;
	[tilespmem:$0xF010] =	vst v63  }
0x32: {  	s20 =	simm.s32 $0x300;
	s24 =	simm.s32 $0x940  }
0x33: {  	[tilespmem:s24], [sflag:$0x1] =	stream.indirect.gather [hbm4b:s0+s13], $0x1, s20, s13, $0xb8;
	[tilespmem:$0xF010] =	vst v63  }
0x34: {  	s14 =	simm.s32 $0x380;
	s18 =	simm.s32 $0x9C0  }
0x35: {  	[tilespmem:s18], [sflag:$0x1] =	stream.indirect.gather [hbm4b:s0+s13], $0x1, s14, s13, $0xb8;
	[tilespmem:$0xF010] =	vst v63  }
0x36: {  	s19 =	simm.s32 $0x400;
	s20 =	simm.s32 $0xA40  }
0x37: {  	[tilespmem:s20], [sflag:$0x1] =	stream.indirect.gather [hbm4b:s0+s13], $0x1, s19, s13, $0xb8;
	[tilespmem:$0xF010] =	vst v63  }
0x38: {  	s24 =	simm.s32 $0x0;
	s18 =	simm.s32 $0xAC0;
	s19 =	simm.s32 $0x480  }
0x39: {  	v26 =	vor.u32 s24, v0;
	[tilespmem:s18], [sflag:$0x1] =	stream.indirect.gather [hbm4b:s0+s13], $0x1, s19, s13, $0xb8;
	[tilespmem:$0xF010] =	vst v63  }
0x3a: {  	s24 =	simm.s32 $0xB40;
	v27 =	vmulhi.u32 $0xCCCCCCCD, v26;
	s20 =	simm.s32 $0x500  }
0x3b: {  	[tilespmem:s24], [sflag:$0x1] =	stream.indirect.gather [hbm4b:s0+s13], $0x1, s20, s13, $0xb8;
	[tilespmem:$0xF010] =	vst v63  }
0x3c: {  	s14 =	simm.s32 $0x580;
	v27 =	vshrl.u32 v27, $0x3;
	s18 =	simm.s32 $0xBC0  }
0x3d: {  	[tilespmem:s18], [sflag:$0x1] =	stream.indirect.gather [hbm4b:s0+s13], $0x1, s14, s13, $0xb8;
	[tilespmem:$0xF010] =	vst v63  }
0x3e: {  	s19 =	simm.s32 $0x40;
	s20 =	simm.s32 $0x600;
	s24 =	simm.s32 $0xC40  }
0x3f: {  	[tilespmem:s24], [sflag:$0x1] =	stream.indirect.gather [hbm4b:s0+s19], $0x1, s20, s19, $0xb8;
	[tilespmem:$0xF010] =	vst v63  }
0x40: {  	[tilespmem:$0xC800] =	vst v3  }
0x41: {  	v28 =	vld.idx.msk [tilespmem:v27+s5+$0x0], $0xffff;
	_ =	sdelay $0x3  }
0x42: {  	v27 =	vmul.u32 $0xFFFFFFF6, v27  }
0x43: {  	v29 =	vmul.u32 $0xA, v28  }
0x44: {  	v26 =	vadd.s32 v26, v27  }
0x45: {  	s18 =	simm.s32 $0xCC0;
	s14 =	simm.s32 $0x10;
	v26 =	vadd.s32 v29, v26  }
0x46: {  	[tilespmem:s18+$0xFFFFFFC0] =	vst v26;
	v26 =	vor.u32 s14, v0  }
0x47: {  	v27 =	vld [tilespmem:$0xC800];
	v29 =	vmulhi.u32 $0xCCCCCCCD, v26;
	_ =	sdelay $0x1  }
0x48: {  	v29 =	vshrl.u32 v29, $0x3  }
0x49: {  	vm0 =	veq.s32 v28, $0x0  }
0x4a: {  	v28 =	vsel vm0, $0x1, v3  }
0x4b: {  	v27 =	vor.u32 v28, v27  }
0x4c: {  	[tilespmem:$0xC800] =	vst v27  }
0x4d: {  	v27 =	vld.idx.msk [tilespmem:v29+s5+$0x0], $0xffff;
	_ =	sdelay $0x3  }
0x4e: {  	v28 =	vmul.u32 $0xFFFFFFF6, v29  }
0x4f: {  	v29 =	vmul.u32 $0xA, v27  }
0x50: {  	v26 =	vadd.s32 v26, v28  }
0x51: {  	s19 =	simm.s32 $0x20;
	v26 =	vadd.s32 v29, v26  }
0x52: {  	[tilespmem:s18+$0xFFFFFFD0] =	vst v26;
	v26 =	vor.u32 s19, v0  }
0x53: {  	v28 =	vld [tilespmem:$0xC800];
	v29 =	vmulhi.u32 $0xCCCCCCCD, v26;
	_ =	sdelay $0x1  }
0x54: {  	v29 =	vshrl.u32 v29, $0x3  }
0x55: {  	vm9 =	veq.s32 v27, $0x0  }
0x56: {  	v27 =	vsel vm9, $0x1, v3  }
0x57: {  	v27 =	vor.u32 v27, v28  }
0x58: {  	[tilespmem:$0xC800] =	vst v27  }
0x59: {  	v27 =	vld.idx.msk [tilespmem:v29+s5+$0x0], $0xffff;
	_ =	sdelay $0x3  }
0x5a: {  	v28 =	vmul.u32 $0xFFFFFFF6, v29  }
0x5b: {  	v29 =	vmul.u32 $0xA, v27  }
0x5c: {  	v26 =	vadd.s32 v26, v28  }
0x5d: {  	s20 =	simm.s32 $0x30;
	v26 =	vadd.s32 v29, v26  }
0x5e: {  	[tilespmem:s18+$0xFFFFFFE0] =	vst v26;
	v26 =	vor.u32 s20, v0  }
0x5f: {  	v28 =	vld [tilespmem:$0xC800];
	v29 =	vmulhi.u32 $0xCCCCCCCD, v26;
	_ =	sdelay $0x1  }
0x60: {  	v29 =	vshrl.u32 v29, $0x3  }
0x61: {  	vm10 =	veq.s32 v27, $0x0  }
0x62: {  	v27 =	vsel vm10, $0x1, v3  }
0x63: {  	v27 =	vor.u32 v27, v28  }
0x64: {  	[tilespmem:$0xC800] =	vst v27  }
0x65: {  	v27 =	vld.idx.msk [tilespmem:v29+s5+$0x0], $0xffff;
	_ =	sdelay $0x3  }
0x66: {  	v28 =	vmul.u32 $0xFFFFFFF6, v29  }
0x67: {  	v29 =	vmul.u32 $0xA, v27  }
0x68: {  	v26 =	vadd.s32 v26, v28  }
0x69: {  	s24 =	simm.s32 $0x40;
	v26 =	vadd.s32 v29, v26  }
0x6a: {  	[tilespmem:s18+$0xFFFFFFF0] =	vst v26;
	v26 =	vor.u32 s24, v0  }
0x6b: {  	v28 =	vld [tilespmem:$0xC800];
	v29 =	vmulhi.u32 $0xCCCCCCCD, v26;
	_ =	sdelay $0x1  }
0x6c: {  	v29 =	vshrl.u32 v29, $0x3  }
0x6d: {  	vm11 =	veq.s32 v27, $0x0  }
0x6e: {  	v27 =	vsel vm11, $0x1, v3  }
0x6f: {  	v27 =	vor.u32 v27, v28  }
0x70: {  	[tilespmem:$0xC800] =	vst v27  }
0x71: {  	v27 =	vld.idx.msk [tilespmem:v29+s5+$0x0], $0xffff;
	_ =	sdelay $0x3  }
0x72: {  	v28 =	vmul.u32 $0xFFFFFFF6, v29  }
0x73: {  	v29 =	vmul.u32 $0xA, v27  }
0x74: {  	v26 =	vadd.s32 v26, v28  }
0x75: {  	s14 =	simm.s32 $0x50;
	v26 =	vadd.s32 v29, v26  }
0x76: {  	[tilespmem:s18+$0x0] =	vst v26;
	v26 =	vor.u32 s14, v0  }
0x77: {  	v28 =	vld [tilespmem:$0xC800];
	v29 =	vmulhi.u32 $0xCCCCCCCD, v26;
	_ =	sdelay $0x1  }
0x78: {  	v29 =	vshrl.u32 v29, $0x3  }
0x79: {  	vm12 =	veq.s32 v27, $0x0  }
0x7a: {  	v27 =	vsel vm12, $0x1, v3  }
0x7b: {  	v27 =	vor.u32 v27, v28  }
0x7c: {  	[tilespmem:$0xC800] =	vst v27  }
0x7d: {  	v27 =	vld.idx.msk [tilespmem:v29+s5+$0x0], $0xffff;
	_ =	sdelay $0x3  }
0x7e: {  	v28 =	vmul.u32 $0xFFFFFFF6, v29  }
0x7f: {  	v29 =	vmul.u32 $0xA, v27  }
0x80: {  	v26 =	vadd.s32 v26, v28  }
0x81: {  	s19 =	simm.s32 $0x60;
	v26 =	vadd.s32 v29, v26  }
0x82: {  	[tilespmem:s18+$0x10] =	vst v26;
	v26 =	vor.u32 s19, v0  }
0x83: {  	v28 =	vld [tilespmem:$0xC800];
	v29 =	vmulhi.u32 $0xCCCCCCCD, v26;
	_ =	sdelay $0x1  }
0x84: {  	v29 =	vshrl.u32 v29, $0x3  }
0x85: {  	vm13 =	veq.s32 v27, $0x0  }
0x86: {  	v27 =	vsel vm13, $0x1, v3  }
0x87: {  	v27 =	vor.u32 v27, v28  }
0x88: {  	[tilespmem:$0xC800] =	vst v27  }
0x89: {  	v27 =	vld.idx.msk [tilespmem:v29+s5+$0x0], $0xffff;
	_ =	sdelay $0x3  }
0x8a: {  	v28 =	vmul.u32 $0xFFFFFFF6, v29  }
0x8b: {  	v29 =	vmul.u32 $0xA, v27  }
0x8c: {  	v26 =	vadd.s32 v26, v28  }
0x8d: {  	s20 =	simm.s32 $0x70;
	v26 =	vadd.s32 v29, v26  }
0x8e: {  	[tilespmem:s18+$0x20] =	vst v26;
	v26 =	vor.u32 s20, v0  }
0x8f: {  	v28 =	vld [tilespmem:$0xC800];
	v29 =	vmulhi.u32 $0xCCCCCCCD, v26;
	_ =	sdelay $0x1  }
0x90: {  	v29 =	vshrl.u32 v29, $0x3  }
0x91: {  	vm14 =	veq.s32 v27, $0x0  }
0x92: {  	v27 =	vsel vm14, $0x1, v3  }
0x93: {  	v27 =	vor.u32 v27, v28  }
0x94: {  	[tilespmem:$0xC800] =	vst v27  }
0x95: {  	v28 =	vld.idx.msk [tilespmem:v29+s5+$0x0], $0xffff;
	_ =	sdelay $0x3  }
0x96: {  	v27 =	vmul.u32 $0xFFFFFFF6, v29  }
0x97: {  	v29 =	vmul.u32 $0xA, v28  }
0x98: {  	v26 =	vadd.s32 v26, v27  }
0x99: {  	s24 =	simm.s32 $0x80;
	v26 =	vadd.s32 v29, v26  }
0x9a: {  	v29 =	vor.u32 s24, v0;
	[tilespmem:s18+$0x30] =	vst v26  }
0x9b: {  	v26 =	vmulhi.u32 $0xCCCCCCCD, v29;
	v30 =	vld [tilespmem:$0xC800];
	_ =	sdelay $0x1  }
0x9c: {  	v27 =	vshrl.u32 v26, $0x3  }
0x9d: {  	vm15 =	veq.s32 v28, $0x0;
	v26 =	vmul.u32 $0xFFFFFFF6, v27  }
0x9e: {  	v28 =	vsel vm15, $0x1, v3  }
0x9f: {  	s19 =	simm.s32 $0x0;
	s20 =	simm.s32 $0xF0;
	s24 =	simm.s32 $0x170;
	v26 =	vadd.s32 v29, v26;
	v28 =	vor.u32 v28, v30  }
.LBB2_2:
0xa0: {  	[tilespmem:$0xC800] =	vst v28;
	s18 =	sadd.s32 $0x80, s18;
	s14 =	smov.u32 s24;
	s8 =	sadd.s32 $0x80, s24  }
0xa1: {  	p0 =	sne.s32 s24, $0x3E70;
	v27 =	vld.idx.msk [tilespmem:v27+s19+$0x0], $0xffff;
	_ =	sdelay $0x5  }
0xa2: {  	v28 =	vmul.u32 $0xA, v27;
	vm0 =	veq.s32 v27, $0x0;
	_ =	sdelay $0x1  }
0xa3: {  	s24 =	sadd.s32 $0xFFFFFFA0, s20;
	v26 =	vadd.s32 v28, v26  }
0xa4: {  	[tilespmem:s18+$0xFFFFFFC0] =	vst v26;
	v26 =	vor.u32 s24, v0  }
0xa5: {  	v27 =	vld [tilespmem:$0xC800];
	v28 =	vmulhi.u32 $0xCCCCCCCD, v26;
	_ =	sdelay $0x1  }
0xa6: {  	v28 =	vshrl.u32 v28, $0x3  }
0xa7: {  	v29 =	vmul.u32 $0xFFFFFFF6, v28  }
0xa8: {  	v30 =	vsel vm0, $0x1, v3  }
0xa9: {  	v27 =	vor.u32 v30, v27;
	v26 =	vadd.s32 v26, v29  }
0xaa: {  	[tilespmem:$0xC800] =	vst v27  }
0xab: {  	v27 =	vld.idx.msk [tilespmem:v28+s19+$0x0], $0xffff;
	_ =	sdelay $0x5  }
0xac: {  	v28 =	vmul.u32 $0xA, v27;
	vm0 =	veq.s32 v27, $0x0;
	_ =	sdelay $0x1  }
0xad: {  	s24 =	sadd.s32 $0xFFFFFFB0, s20;
	v26 =	vadd.s32 v28, v26  }
0xae: {  	[tilespmem:s18+$0xFFFFFFD0] =	vst v26;
	v26 =	vor.u32 s24, v0  }
0xaf: {  	v27 =	vld [tilespmem:$0xC800];
	v28 =	vmulhi.u32 $0xCCCCCCCD, v26;
	_ =	sdelay $0x1  }
0xb0: {  	v28 =	vshrl.u32 v28, $0x3  }
0xb1: {  	v29 =	vmul.u32 $0xFFFFFFF6, v28  }
0xb2: {  	v30 =	vsel vm0, $0x1, v3  }
0xb3: {  	v27 =	vor.u32 v30, v27;
	v26 =	vadd.s32 v26, v29  }
0xb4: {  	[tilespmem:$0xC800] =	vst v27  }
0xb5: {  	v27 =	vld.idx.msk [tilespmem:v28+s19+$0x0], $0xffff;
	_ =	sdelay $0x5  }
0xb6: {  	v28 =	vmul.u32 $0xA, v27;
	vm0 =	veq.s32 v27, $0x0;
	_ =	sdelay $0x1  }
0xb7: {  	s24 =	sadd.s32 $0xFFFFFFC0, s20;
	v26 =	vadd.s32 v28, v26  }
0xb8: {  	[tilespmem:s18+$0xFFFFFFE0] =	vst v26;
	v26 =	vor.u32 s24, v0  }
0xb9: {  	v27 =	vld [tilespmem:$0xC800];
	v28 =	vmulhi.u32 $0xCCCCCCCD, v26;
	_ =	sdelay $0x1  }
0xba: {  	v28 =	vshrl.u32 v28, $0x3  }
0xbb: {  	v29 =	vmul.u32 $0xFFFFFFF6, v28  }
0xbc: {  	v30 =	vsel vm0, $0x1, v3  }
0xbd: {  	v27 =	vor.u32 v30, v27;
	v26 =	vadd.s32 v26, v29  }
0xbe: {  	[tilespmem:$0xC800] =	vst v27  }
0xbf: {  	v27 =	vld.idx.msk [tilespmem:v28+s19+$0x0], $0xffff;
	_ =	sdelay $0x5  }
0xc0: {  	v28 =	vmul.u32 $0xA, v27;
	vm0 =	veq.s32 v27, $0x0;
	_ =	sdelay $0x1  }
0xc1: {  	s24 =	sadd.s32 $0xFFFFFFD0, s20;
	v26 =	vadd.s32 v28, v26  }
0xc2: {  	[tilespmem:s18+$0xFFFFFFF0] =	vst v26;
	v26 =	vor.u32 s24, v0  }
0xc3: {  	v27 =	vld [tilespmem:$0xC800];
	v28 =	vmulhi.u32 $0xCCCCCCCD, v26;
	_ =	sdelay $0x1  }
0xc4: {  	v28 =	vshrl.u32 v28, $0x3  }
0xc5: {  	v29 =	vmul.u32 $0xFFFFFFF6, v28  }
0xc6: {  	v30 =	vsel vm0, $0x1, v3  }
0xc7: {  	v27 =	vor.u32 v30, v27;
	v26 =	vadd.s32 v26, v29  }
0xc8: {  	[tilespmem:$0xC800] =	vst v27  }
0xc9: {  	v27 =	vld.idx.msk [tilespmem:v28+s19+$0x0], $0xffff;
	_ =	sdelay $0x5  }
0xca: {  	v28 =	vmul.u32 $0xA, v27;
	vm0 =	veq.s32 v27, $0x0;
	_ =	sdelay $0x1  }
0xcb: {  	s24 =	sadd.s32 $0xFFFFFFE0, s20;
	v26 =	vadd.s32 v28, v26  }
0xcc: {  	[tilespmem:s18+$0x0] =	vst v26;
	v26 =	vor.u32 s24, v0  }
0xcd: {  	v27 =	vld [tilespmem:$0xC800];
	v28 =	vmulhi.u32 $0xCCCCCCCD, v26;
	_ =	sdelay $0x1  }
0xce: {  	v28 =	vshrl.u32 v28, $0x3  }
0xcf: {  	v29 =	vmul.u32 $0xFFFFFFF6, v28  }
0xd0: {  	v30 =	vsel vm0, $0x1, v3  }
0xd1: {  	v27 =	vor.u32 v30, v27;
	v26 =	vadd.s32 v26, v29  }
0xd2: {  	[tilespmem:$0xC800] =	vst v27  }
0xd3: {  	v27 =	vld.idx.msk [tilespmem:v28+s19+$0x0], $0xffff;
	_ =	sdelay $0x5  }
0xd4: {  	v28 =	vmul.u32 $0xA, v27;
	vm0 =	veq.s32 v27, $0x0;
	_ =	sdelay $0x1  }
0xd5: {  	s24 =	sadd.s32 $0xFFFFFFF0, s20;
	v26 =	vadd.s32 v28, v26  }
0xd6: {  	[tilespmem:s18+$0x10] =	vst v26;
	v26 =	vor.u32 s24, v0  }
0xd7: {  	v27 =	vld [tilespmem:$0xC800];
	v28 =	vmulhi.u32 $0xCCCCCCCD, v26;
	_ =	sdelay $0x1  }
0xd8: {  	v28 =	vshrl.u32 v28, $0x3  }
0xd9: {  	v29 =	vmul.u32 $0xFFFFFFF6, v28  }
0xda: {  	v30 =	vsel vm0, $0x1, v3  }
0xdb: {  	v27 =	vor.u32 v30, v27;
	v26 =	vadd.s32 v26, v29  }
0xdc: {  	[tilespmem:$0xC800] =	vst v27  }
0xdd: {  	v27 =	vld.idx.msk [tilespmem:v28+s19+$0x0], $0xffff;
	_ =	sdelay $0x5  }
0xde: {  	v28 =	vmul.u32 $0xA, v27;
	vm0 =	veq.s32 v27, $0x0;
	_ =	sdelay $0x1  }
0xdf: {  	v26 =	vadd.s32 v28, v26  }
0xe0: {  	[tilespmem:s18+$0x20] =	vst v26;
	v26 =	vor.u32 s20, v0;
	s20 =	smov.u32 s14  }
0xe1: {  	v27 =	vld [tilespmem:$0xC800];
	v28 =	vmulhi.u32 $0xCCCCCCCD, v26;
	_ =	sdelay $0x1  }
0xe2: {  	v28 =	vshrl.u32 v28, $0x3  }
0xe3: {  	v29 =	vmul.u32 $0xFFFFFFF6, v28  }
0xe4: {  	v30 =	vsel vm0, $0x1, v3  }
0xe5: {  	v27 =	vor.u32 v30, v27;
	v26 =	vadd.s32 v26, v29  }
0xe6: {  	[tilespmem:$0xC800] =	vst v27  }
0xe7: {  	v27 =	vld.idx.msk [tilespmem:v28+s19+$0x0], $0xffff;
	s19 =	smov.u32 s31;
	_ =	sdelay $0x5  }
0xe8: {  	v28 =	vmul.u32 $0xA, v27;
	vm0 =	veq.s32 v27, $0x0;
	_ =	sdelay $0x1  }
0xe9: {  	s14 =	sadd.s32 $0xFFFFFF90, s20;
	v26 =	vadd.s32 v28, v26  }
0xea: {  	v28 =	vor.u32 s14, v0;
	[tilespmem:s18+$0x30] =	vst v26  }
0xeb: {  	v26 =	vmulhi.u32 $0xCCCCCCCD, v28;
	v29 =	vld [tilespmem:$0xC800]  }
.Ltmp2:
0xec: {  	(pc) =	sbr.rel @p0 .LBB2_2-.Ltmp2, $4  }
0xed: {  	v27 =	vshrl.u32 v26, $0x3  }
0xee: {  	v26 =	vmul.u32 $0xFFFFFFF6, v27  }
0xef: {  	v30 =	vsel vm0, $0x1, v3  }
0xf0: {  	s24 =	smov.u32 s8;
	v26 =	vadd.s32 v28, v26;
	v28 =	vor.u32 v30, v29  }
0xf1: {  	_ =	sdelay $0x2  }
0xf2: {  	[tilespmem:$0xC800] =	vst v28  }
0xf3: {  	v27 =	vld.idx.msk [tilespmem:v27+s19+$0x0], $0xffff;
	_ =	sdelay $0x4  }
0xf4: {  	v36 =	vmul.u32 $0xA, v27;
	_ =	sdelay $0x1  }
0xf5: {  	s14 =	sadd.s32 $0x80, s18;
	s8 =	sadd.s32 $0xFFFFFFA0, s20;
	v26 =	vadd.s32 v36, v26  }
0xf6: {  	[tilespmem:s14+$0xFFFFFFC0] =	vst v26;
	v26 =	vor.u32 s8, v0  }
0xf7: {  	v37 =	vld [tilespmem:$0xC800];
	v29 =	vmulhi.u32 $0xCCCCCCCD, v26;
	_ =	sdelay $0x1  }
0xf8: {  	v29 =	vshrl.u32 v29, $0x3  }
0xf9: {  	vm0 =	veq.s32 v27, $0x0  }
0xfa: {  	v27 =	vsel vm0, $0x1, v3  }
0xfb: {  	v27 =	vor.u32 v27, v37  }
0xfc: {  	[tilespmem:$0xC800] =	vst v27  }
0xfd: {  	v27 =	vld.idx.msk [tilespmem:v29+s19+$0x0], $0xffff;
	_ =	sdelay $0x3  }
0xfe: {  	v38 =	vmul.u32 $0xFFFFFFF6, v29  }
0xff: {  	v39 =	vmul.u32 $0xA, v27  }
0x100: {  	v26 =	vadd.s32 v26, v38  }
0x101: {  	s24 =	sadd.s32 $0xFFFFFFB0, s20;
	v26 =	vadd.s32 v39, v26  }
0x102: {  	[tilespmem:s14+$0xFFFFFFD0] =	vst v26;
	v26 =	vor.u32 s24, v0  }
0x103: {  	v40 =	vld [tilespmem:$0xC800];
	v41 =	vmulhi.u32 $0xCCCCCCCD, v26;
	_ =	sdelay $0x1  }
0x104: {  	v29 =	vshrl.u32 v41, $0x3  }
0x105: {  	vm9 =	veq.s32 v27, $0x0  }
0x106: {  	v27 =	vsel vm9, $0x1, v3  }
0x107: {  	v27 =	vor.u32 v27, v40  }
0x108: {  	[tilespmem:$0xC800] =	vst v27  }
0x109: {  	v27 =	vld.idx.msk [tilespmem:v29+s19+$0x0], $0xffff;
	_ =	sdelay $0x3  }
0x10a: {  	v42 =	vmul.u32 $0xFFFFFFF6, v29  }
0x10b: {  	v43 =	vmul.u32 $0xA, v27  }
0x10c: {  	v26 =	vadd.s32 v26, v42  }
0x10d: {  	s18 =	sadd.s32 $0xFFFFFFC0, s20;
	v26 =	vadd.s32 v43, v26  }
0x10e: {  	[tilespmem:s14+$0xFFFFFFE0] =	vst v26;
	v26 =	vor.u32 s18, v0  }
0x10f: {  	v44 =	vld [tilespmem:$0xC800];
	v45 =	vmulhi.u32 $0xCCCCCCCD, v26;
	_ =	sdelay $0x1  }
0x110: {  	v29 =	vshrl.u32 v45, $0x3  }
0x111: {  	vm10 =	veq.s32 v27, $0x0  }
0x112: {  	v27 =	vsel vm10, $0x1, v3  }
0x113: {  	v27 =	vor.u32 v27, v44  }
0x114: {  	[tilespmem:$0xC800] =	vst v27  }
0x115: {  	v27 =	vld.idx.msk [tilespmem:v29+s19+$0x0], $0xffff;
	_ =	sdelay $0x3  }
0x116: {  	v46 =	vmul.u32 $0xFFFFFFF6, v29  }
0x117: {  	v47 =	vmul.u32 $0xA, v27  }
0x118: {  	v26 =	vadd.s32 v26, v46  }
0x119: {  	s24 =	sadd.s32 $0xFFFFFFD0, s20;
	v26 =	vadd.s32 v47, v26  }
0x11a: {  	[tilespmem:s14+$0xFFFFFFF0] =	vst v26;
	v26 =	vor.u32 s24, v0  }
0x11b: {  	v48 =	vld [tilespmem:$0xC800];
	v49 =	vmulhi.u32 $0xCCCCCCCD, v26;
	_ =	sdelay $0x1  }
0x11c: {  	v29 =	vshrl.u32 v49, $0x3  }
0x11d: {  	vm11 =	veq.s32 v27, $0x0  }
0x11e: {  	v27 =	vsel vm11, $0x1, v3  }
0x11f: {  	v27 =	vor.u32 v27, v48  }
0x120: {  	[tilespmem:$0xC800] =	vst v27  }
0x121: {  	v27 =	vld.idx.msk [tilespmem:v29+s19+$0x0], $0xffff;
	_ =	sdelay $0x3  }
0x122: {  	v50 =	vmul.u32 $0xFFFFFFF6, v29  }
0x123: {  	v51 =	vmul.u32 $0xA, v27  }
0x124: {  	v26 =	vadd.s32 v26, v50  }
0x125: {  	s18 =	sadd.s32 $0xFFFFFFE0, s20;
	v26 =	vadd.s32 v51, v26  }
0x126: {  	[tilespmem:s14+$0x0] =	vst v26;
	v26 =	vor.u32 s18, v0  }
0x127: {  	v52 =	vld [tilespmem:$0xC800];
	v53 =	vmulhi.u32 $0xCCCCCCCD, v26;
	_ =	sdelay $0x1  }
0x128: {  	v29 =	vshrl.u32 v53, $0x3  }
0x129: {  	vm12 =	veq.s32 v27, $0x0  }
0x12a: {  	v27 =	vsel vm12, $0x1, v3  }
0x12b: {  	v27 =	vor.u32 v27, v52  }
0x12c: {  	[tilespmem:$0xC800] =	vst v27  }
0x12d: {  	v27 =	vld.idx.msk [tilespmem:v29+s19+$0x0], $0xffff;
	_ =	sdelay $0x3  }
0x12e: {  	v54 =	vmul.u32 $0xFFFFFFF6, v29  }
0x12f: {  	v55 =	vmul.u32 $0xA, v27  }
0x130: {  	v26 =	vadd.s32 v26, v54  }
0x131: {  	s24 =	sadd.s32 $0xFFFFFFF0, s20;
	v26 =	vadd.s32 v55, v26  }
0x132: {  	[tilespmem:s14+$0x10] =	vst v26;
	v26 =	vor.u32 s24, v0  }
0x133: {  	v56 =	vld [tilespmem:$0xC800];
	v57 =	vmulhi.u32 $0xCCCCCCCD, v26;
	_ =	sdelay $0x1  }
0x134: {  	v29 =	vshrl.u32 v57, $0x3  }
0x135: {  	vm13 =	veq.s32 v27, $0x0  }
0x136: {  	v27 =	vsel vm13, $0x1, v3  }
0x137: {  	v27 =	vor.u32 v27, v56  }
0x138: {  	[tilespmem:$0xC800] =	vst v27  }
0x139: {  	v27 =	vld.idx.msk [tilespmem:v29+s19+$0x0], $0xffff;
	_ =	sdelay $0x3  }
0x13a: {  	v58 =	vmul.u32 $0xFFFFFFF6, v29  }
0x13b: {  	v59 =	vmul.u32 $0xA, v27  }
0x13c: {  	v26 =	vadd.s32 v26, v58  }
0x13d: {  	v26 =	vadd.s32 v59, v26  }
0x13e: {  	[tilespmem:s14+$0x20] =	vst v26;
	v26 =	vor.u32 s20, v0  }
0x13f: {  	v60 =	vld [tilespmem:$0xC800];
	v61 =	vmulhi.u32 $0xCCCCCCCD, v26;
	_ =	sdelay $0x1  }
0x140: {  	v29 =	vshrl.u32 v61, $0x3  }
0x141: {  	vm14 =	veq.s32 v27, $0x0  }
0x142: {  	v27 =	vsel vm14, $0x1, v3  }
0x143: {  	v27 =	vor.u32 v27, v60  }
0x144: {  	[tilespmem:$0xC800] =	vst v27  }
0x145: {  	v27 =	vld.idx.msk [tilespmem:v29+s19+$0x0], $0xffff;
	_ =	sdelay $0x3  }
0x146: {  	v62 =	vmul.u32 $0xFFFFFFF6, v29  }
0x147: {  	v63 =	vmul.u32 $0xA, v27  }
0x148: {  	v26 =	vadd.s32 v26, v62  }
0x149: {  	v26 =	vadd.s32 v63, v26  }
0x14a: {  	[tilespmem:s14+$0x30] =	vst v26  }
0x14b: {  	v26 =	vld [tilespmem:$0xC800];
	_ =	sdelay $0x2  }
0x14c: {  	vm15 =	veq.s32 v27, $0x0  }
0x14d: {  	v27 =	vsel vm15, $0x1, v3  }
0x14e: {  	v26 =	vor.u32 v27, v26  }
0x14f: {  	s8 =	simm.s32 $0x4B00;
	s18 =	simm.s32 $0xC80;
	s14 =	simm.s32 $0x200;
	[tilespmem:$0xC800] =	vst v26  }
.LBB2_4:
0x150: {  	[tilespmem:s8], [sflag:$0x2] =	stream.indirect.gather [hbm4b:s2+s13], $0x1, s18, s13, $0xb8;
	[tilespmem:$0xF010] =	vst v63  }
0x151: {  	s8 =	smov.u32 s14;
	p0 =	sne.s32 s14, $0xF800  }
.Ltmp3:
0x152: {  	s14 =	sadd.s32 $0x200, s14;
	(pc) =	sbr.rel @p0 .LBB2_4-.Ltmp3, $3  }
0x153: {  	_ =	sdelay $0x1  }
0x154: {  	s18 =	sshra.s32 s8, $0x2  }
0x155: {  	s8 =	sadd.s32 $0x4B00, s18;
	s18 =	sadd.s32 $0xC80, s18  }
0x156: {  	v26 =	vxor.u32 $0x80000000, v26  }
0x157: {  	(xrf0) =	vmax.scan.msk.u32 $0xffff, v26;
	_ =	sdelay $0x5  }
0x158: {  	v26, _, _ =	vpop (xrf0)  }
0x159: {  	(v2sf) =	vpush v26, $0xF;
	_ =	sdelay $0xd  }
0x15a: {  	[tilespmem:s8], [sflag:$0x2] =	stream.indirect.gather [hbm4b:s2+s13], $0x1, s18, s13, $0xb8;
	[tilespmem:$0xF010] =	vst v63  }
0x15b: {  	s20 =	spop (v2sf)  }
0x15c: {  	_ =	swait.ge [sflag:s21], $0x640  }
0x15d: {  	[sflag:s21] =	ssyncset.done $0x0  }
0x15e: {  	s24 =	simm.s32 $0x640;
	[sflag:s21] =	ssyncadd.s32 $0xFFFFF9C0  }
0x15f: {  	[tilespmem:s23], [sflag:$0x5] =	stream.indirect.gather [hbm4b:s7+s22], $0x40, s24, s22, $0xb8;
	[tilespmem:$0xF010] =	vst v63  }
0x160: {  	s14 =	simm.s32 $0x690;
	s18 =	simm.s32 $0x0;
	p0 =	seq.s32 s20, $0x80000000  }
0x161: {  	[tilespmem:s25], [sflag:$0x6] =	stream.indirect.gather [hbm4b:s7+s22], $0x40, s14, s22, $0xb8;
	[tilespmem:$0xF010] =	vst v63  }
.LBB2_6:
.Ltmp4:
0x162: {  	(pc) =	sbr.rel @p0 .LBB2_27-.Ltmp4, $4  }
0x163: {  	_ = 	snop  }
0x164: {  	_ =	swait.ge [sflag:s26], $0x1400  }
0x165: {  	[sflag:s26] =	ssyncset.done $0x0  }
0x166: {  	s14 =	smul.u32 $0xA0, s18;
	[sflag:s26] =	ssyncadd.s32 $0xFFFFEC00  }
0x167: {  	_ = 	snop  }
0x168: {  	v26 =	vld [tilespmem:s14+$0x0];
	_ =	sdelay $0x4  }
0x169: {  	vm0 =	veq.s32 v26, $0x0  }
0x16a: {  	v26 =	vsel vm0, $0x3F800000, v4  }
0x16b: {  	(xrf0) =	vmax.scan.msk.f32 $0xffff, v26;
	_ =	sdelay $0x5  }
0x16c: {  	v26, _, _ =	vpop (xrf0)  }
0x16d: {  	(v2sf) =	vpush v26, $0xF;
	_ =	sdelay $0xe  }
0x16e: {  	s8 =	spop (v2sf)  }
0x16f: {  	p1 =	sgt.f32 s8, $0.0e+00  }
.Ltmp5:
0x170: {  	_ = 	snop;
	(pc) =	sbr.rel @!p1 .LBB2_11-.Ltmp5, $2  }
0x171: {  	_ =	sdelay $0x2  }
0x172: {  	s8 =	simm.s32 $0x0  }
0x173: {  	v26 =	vmov s8  }
0x174: {  	v26 =	vand.u32 $0x3F, v26  }
0x175: {  	v26 =	vbroadcast v26, $0x0;
	_ =	sdelay $0x1  }
0x176: {  	s19 =	sadd.s32 $0x1, s8;
	v26 =	vor.u32 v16, v26  }
.LBB2_9:
0x177: {  	p1 =	sne.s32 s19, $0x3F  }
.Ltmp6:
0x178: {  	v27 =	vmov s19;
	s19 =	sadd.s32 $0x1, s19;
	(pc) =	sbr.rel @p1 .LBB2_9-.Ltmp6, $4  }
0x179: {  	v27 =	vand.u32 $0x3F, v27  }
0x17a: {  	v27 =	vbroadcast v27, $0x0  }
0x17b: {  	[tilespmem:v26+s23+$0x0] =	vst.idx.msk vm0, v4  }
0x17c: {  	v26 =	vor.u32 v16, v27  }
0x17d: {  	_ =	sdelay $0x4  }
0x17e: {  	[tilespmem:v26+s23+$0x0] =	vst.idx.msk vm0, v4  }
.LBB2_11:
0x17f: {  	v26 =	vld [tilespmem:s14+$0x10];
	_ =	sdelay $0x4  }
0x180: {  	vm0 =	veq.s32 v26, $0x0  }
0x181: {  	v26 =	vsel vm0, $0x3F800000, v4  }
0x182: {  	(xrf0) =	vmax.scan.msk.f32 $0xffff, v26;
	_ =	sdelay $0x5  }
0x183: {  	v26, _, _ =	vpop (xrf0)  }
0x184: {  	(v2sf) =	vpush v26, $0xF;
	_ =	sdelay $0xe  }
0x185: {  	s8 =	spop (v2sf)  }
0x186: {  	p1 =	sgt.f32 s8, $0.0e+00  }
.Ltmp7:
0x187: {  	_ = 	snop;
	(pc) =	sbr.rel @!p1 .LBB2_15-.Ltmp7, $2  }
0x188: {  	_ =	sdelay $0x2  }
0x189: {  	s8 =	simm.s32 $0x0  }
0x18a: {  	v26 =	vmov s8  }
0x18b: {  	v26 =	vand.u32 $0x3F, v26  }
0x18c: {  	v26 =	vbroadcast v26, $0x0;
	_ =	sdelay $0x1  }
0x18d: {  	s19 =	sadd.s32 $0x1, s8;
	v26 =	vor.u32 v22, v26  }
.LBB2_13:
0x18e: {  	p1 =	sne.s32 s19, $0x3F  }
.Ltmp8:
0x18f: {  	v27 =	vmov s19;
	s19 =	sadd.s32 $0x1, s19;
	(pc) =	sbr.rel @p1 .LBB2_13-.Ltmp8, $4  }
0x190: {  	v27 =	vand.u32 $0x3F, v27  }
0x191: {  	v27 =	vbroadcast v27, $0x0  }
0x192: {  	[tilespmem:v26+s23+$0x0] =	vst.idx.msk vm0, v4  }
0x193: {  	v26 =	vor.u32 v22, v27  }
0x194: {  	_ =	sdelay $0x4  }
0x195: {  	[tilespmem:v26+s23+$0x0] =	vst.idx.msk vm0, v4  }
.LBB2_15:
0x196: {  	v26 =	vld [tilespmem:s14+$0x20];
	_ =	sdelay $0x4  }
0x197: {  	vm0 =	veq.s32 v26, $0x0  }
0x198: {  	v26 =	vsel vm0, $0x3F800000, v4  }
0x199: {  	(xrf0) =	vmax.scan.msk.f32 $0xffff, v26;
	_ =	sdelay $0x5  }
0x19a: {  	v26, _, _ =	vpop (xrf0)  }
0x19b: {  	(v2sf) =	vpush v26, $0xF;
	_ =	sdelay $0xe  }
0x19c: {  	s8 =	spop (v2sf)  }
0x19d: {  	p1 =	sgt.f32 s8, $0.0e+00  }
.Ltmp9:
0x19e: {  	_ = 	snop;
	(pc) =	sbr.rel @!p1 .LBB2_19-.Ltmp9, $2  }
0x19f: {  	_ =	sdelay $0x2  }
0x1a0: {  	s8 =	simm.s32 $0x0  }
0x1a1: {  	v26 =	vmov s8  }
0x1a2: {  	v26 =	vand.u32 $0x3F, v26  }
0x1a3: {  	v26 =	vbroadcast v26, $0x0;
	_ =	sdelay $0x1  }
0x1a4: {  	s19 =	sadd.s32 $0x1, s8;
	v26 =	vor.u32 v23, v26  }
.LBB2_17:
0x1a5: {  	p1 =	sne.s32 s19, $0x3F  }
.Ltmp10:
0x1a6: {  	v27 =	vmov s19;
	s19 =	sadd.s32 $0x1, s19;
	(pc) =	sbr.rel @p1 .LBB2_17-.Ltmp10, $4  }
0x1a7: {  	v27 =	vand.u32 $0x3F, v27  }
0x1a8: {  	v27 =	vbroadcast v27, $0x0  }
0x1a9: {  	[tilespmem:v26+s23+$0x0] =	vst.idx.msk vm0, v4  }
0x1aa: {  	v26 =	vor.u32 v23, v27  }
0x1ab: {  	_ =	sdelay $0x4  }
0x1ac: {  	[tilespmem:v26+s23+$0x0] =	vst.idx.msk vm0, v4  }
.LBB2_19:
0x1ad: {  	v26 =	vld [tilespmem:s14+$0x30];
	_ =	sdelay $0x4  }
0x1ae: {  	vm0 =	veq.s32 v26, $0x0  }
0x1af: {  	v26 =	vsel vm0, $0x3F800000, v4  }
0x1b0: {  	(xrf0) =	vmax.scan.msk.f32 $0xffff, v26;
	_ =	sdelay $0x5  }
0x1b1: {  	v26, _, _ =	vpop (xrf0)  }
0x1b2: {  	(v2sf) =	vpush v26, $0xF;
	_ =	sdelay $0xe  }
0x1b3: {  	s8 =	spop (v2sf)  }
0x1b4: {  	p1 =	sgt.f32 s8, $0.0e+00  }
.Ltmp11:
0x1b5: {  	_ = 	snop;
	(pc) =	sbr.rel @!p1 .LBB2_23-.Ltmp11, $2  }
0x1b6: {  	_ =	sdelay $0x2  }
0x1b7: {  	s8 =	simm.s32 $0x0  }
0x1b8: {  	v26 =	vmov s8  }
0x1b9: {  	v26 =	vand.u32 $0x3F, v26  }
0x1ba: {  	v26 =	vbroadcast v26, $0x0;
	_ =	sdelay $0x1  }
0x1bb: {  	s19 =	sadd.s32 $0x1, s8;
	v26 =	vor.u32 v24, v26  }
.LBB2_21:
0x1bc: {  	p1 =	sne.s32 s19, $0x3F  }
.Ltmp12:
0x1bd: {  	v27 =	vmov s19;
	s19 =	sadd.s32 $0x1, s19;
	(pc) =	sbr.rel @p1 .LBB2_21-.Ltmp12, $4  }
0x1be: {  	v27 =	vand.u32 $0x3F, v27  }
0x1bf: {  	v27 =	vbroadcast v27, $0x0  }
0x1c0: {  	[tilespmem:v26+s23+$0x0] =	vst.idx.msk vm0, v4  }
0x1c1: {  	v26 =	vor.u32 v24, v27  }
0x1c2: {  	_ =	sdelay $0x4  }
0x1c3: {  	[tilespmem:v26+s23+$0x0] =	vst.idx.msk vm0, v4  }
.LBB2_23:
0x1c4: {  	v26 =	vld [tilespmem:s14+$0x40];
	_ =	sdelay $0x4  }
0x1c5: {  	vm0 =	veq.s32 v26, $0x0  }
0x1c6: {  	v26 =	vsel vm0, $0x3F800000, v4  }
0x1c7: {  	(xrf0) =	vmax.scan.msk.f32 $0xffff, v26;
	_ =	sdelay $0x5  }
0x1c8: {  	v26, _, _ =	vpop (xrf0)  }
0x1c9: {  	(v2sf) =	vpush v26, $0xF;
	_ =	sdelay $0xe  }
0x1ca: {  	s8 =	spop (v2sf)  }
0x1cb: {  	p1 =	sgt.f32 s8, $0.0e+00  }
.Ltmp13:
0x1cc: {  	_ = 	snop;
	(pc) =	sbr.rel @!p1 .LBB2_27-.Ltmp13, $2  }
0x1cd: {  	_ =	sdelay $0x2  }
0x1ce: {  	s8 =	simm.s32 $0x0  }
0x1cf: {  	v26 =	vmov s8  }
0x1d0: {  	v26 =	vand.u32 $0x3F, v26  }
0x1d1: {  	v26 =	vbroadcast v26, $0x0;
	_ =	sdelay $0x1  }
0x1d2: {  	s19 =	sadd.s32 $0x1, s8;
	v26 =	vor.u32 v25, v26  }
.LBB2_25:
0x1d3: {  	p1 =	sne.s32 s19, $0x3F  }
.Ltmp14:
0x1d4: {  	v27 =	vmov s19;
	s19 =	sadd.s32 $0x1, s19;
	(pc) =	sbr.rel @p1 .LBB2_25-.Ltmp14, $4  }
0x1d5: {  	v27 =	vand.u32 $0x3F, v27  }
0x1d6: {  	v27 =	vbroadcast v27, $0x0  }
0x1d7: {  	[tilespmem:v26+s23+$0x0] =	vst.idx.msk vm0, v4  }
0x1d8: {  	v26 =	vor.u32 v25, v27  }
0x1d9: {  	_ =	sdelay $0x4  }
0x1da: {  	[tilespmem:v26+s23+$0x0] =	vst.idx.msk vm0, v4  }
.LBB2_27:
0x1db: {  	_ = 	snop  }
0x1dc: {  	s8 =	sadd.s32 s6, s14  }
0x1dd: {  	s8 =	sshll.u32 s8, $0x3  }
0x1de: {  	p1 =	seq.s32 s18, $0x9;
	s8 =	sadd.s32 s4, s8  }
0x1df: {  	[hbm4b:s8+s5] =	stream.linear.scatter [tilespmem:s23], [sflag:$0x7], $0x1400, $0x38;
	[tilespmem:$0xF010] =	vst v63  }
0x1e0: {  	s8 =	simm.s32 @!p1 $0x7  }
0x1e1: {  	_ =	swait.ge @!p1 [sflag:s8], $0x1400  }
0x1e2: {  	s19 =	simm.s32 @!p1 $0x50;
	s20 =	simm.s32 @!p1 $0xC810;
	[sflag:s8] =	ssyncset.done @!p1 $0x0  }
.Ltmp15:
0x1e3: {  	[sflag:s8] =	ssyncadd.s32 @!p1 $0xFFFFEC00;
	s8 =	sadd.s32 @!p1 $0x6E0, s14;
	(pc) =	sbr.rel @p0 .LBB2_48-.Ltmp15, $4  }
0x1e4: {  	[tilespmem:s20], [sflag:$0x5] =	stream.indirect.gather @!p1 [hbm4b:s7+s19], $0x40, s8, s19, $0xb8;
	[tilespmem:$0xF010] =	vst v63  }
0x1e5: {  	_ =	swait.ge [sflag:s28], $0x1400  }
0x1e6: {  	[sflag:s28] =	ssyncset.done $0x0  }
0x1e7: {  	s19 =	sadd.s32 $0x50, s14;
	[sflag:s28] =	ssyncadd.s32 $0xFFFFEC00  }
0x1e8: {  	v26 =	vld [tilespmem:s14+$0x50];
	_ =	sdelay $0x4  }
0x1e9: {  	vm0 =	veq.s32 v26, $0x0  }
0x1ea: {  	v26 =	vsel vm0, $0x3F800000, v4  }
0x1eb: {  	(xrf0) =	vmax.scan.msk.f32 $0xffff, v26;
	_ =	sdelay $0x5  }
0x1ec: {  	v26, _, _ =	vpop (xrf0)  }
0x1ed: {  	(v2sf) =	vpush v26, $0xF;
	_ =	sdelay $0xe  }
0x1ee: {  	s8 =	spop (v2sf)  }
0x1ef: {  	p2 =	sgt.f32 s8, $0.0e+00  }
.Ltmp16:
0x1f0: {  	_ = 	snop;
	(pc) =	sbr.rel @!p2 .LBB2_32-.Ltmp16, $2  }
0x1f1: {  	_ =	sdelay $0x2  }
0x1f2: {  	s8 =	simm.s32 $0x0  }
0x1f3: {  	v26 =	vmov s8  }
0x1f4: {  	v26 =	vand.u32 $0x3F, v26  }
0x1f5: {  	v26 =	vbroadcast v26, $0x0;
	_ =	sdelay $0x1  }
0x1f6: {  	s14 =	sadd.s32 $0x1, s8;
	v26 =	vor.u32 v16, v26  }
.LBB2_30:
0x1f7: {  	p2 =	sne.s32 s14, $0x3F  }
.Ltmp17:
0x1f8: {  	v27 =	vmov s14;
	s14 =	sadd.s32 $0x1, s14;
	(pc) =	sbr.rel @p2 .LBB2_30-.Ltmp17, $4  }
0x1f9: {  	v27 =	vand.u32 $0x3F, v27  }
0x1fa: {  	v27 =	vbroadcast v27, $0x0  }
0x1fb: {  	[tilespmem:v26+s25+$0x0] =	vst.idx.msk vm0, v4  }
0x1fc: {  	v26 =	vor.u32 v16, v27  }
0x1fd: {  	_ =	sdelay $0x4  }
0x1fe: {  	[tilespmem:v26+s25+$0x0] =	vst.idx.msk vm0, v4  }
.LBB2_32:
0x1ff: {  	v26 =	vld [tilespmem:s19+$0x10];
	_ =	sdelay $0x4  }
0x200: {  	vm0 =	veq.s32 v26, $0x0  }
0x201: {  	v26 =	vsel vm0, $0x3F800000, v4  }
0x202: {  	(xrf0) =	vmax.scan.msk.f32 $0xffff, v26;
	_ =	sdelay $0x5  }
0x203: {  	v26, _, _ =	vpop (xrf0)  }
0x204: {  	(v2sf) =	vpush v26, $0xF;
	_ =	sdelay $0xe  }
0x205: {  	s8 =	spop (v2sf)  }
0x206: {  	p2 =	sgt.f32 s8, $0.0e+00  }
.Ltmp18:
0x207: {  	_ = 	snop;
	(pc) =	sbr.rel @!p2 .LBB2_36-.Ltmp18, $2  }
0x208: {  	_ =	sdelay $0x2  }
0x209: {  	s8 =	simm.s32 $0x0  }
0x20a: {  	v26 =	vmov s8  }
0x20b: {  	v26 =	vand.u32 $0x3F, v26  }
0x20c: {  	v26 =	vbroadcast v26, $0x0;
	_ =	sdelay $0x1  }
0x20d: {  	s14 =	sadd.s32 $0x1, s8;
	v26 =	vor.u32 v22, v26  }
.LBB2_34:
0x20e: {  	p2 =	sne.s32 s14, $0x3F  }
.Ltmp19:
0x20f: {  	v27 =	vmov s14;
	s14 =	sadd.s32 $0x1, s14;
	(pc) =	sbr.rel @p2 .LBB2_34-.Ltmp19, $4  }
0x210: {  	v27 =	vand.u32 $0x3F, v27  }
0x211: {  	v27 =	vbroadcast v27, $0x0  }
0x212: {  	[tilespmem:v26+s25+$0x0] =	vst.idx.msk vm0, v4  }
0x213: {  	v26 =	vor.u32 v22, v27  }
0x214: {  	_ =	sdelay $0x4  }
0x215: {  	[tilespmem:v26+s25+$0x0] =	vst.idx.msk vm0, v4  }
.LBB2_36:
0x216: {  	v26 =	vld [tilespmem:s19+$0x20];
	_ =	sdelay $0x4  }
0x217: {  	vm0 =	veq.s32 v26, $0x0  }
0x218: {  	v26 =	vsel vm0, $0x3F800000, v4  }
0x219: {  	(xrf0) =	vmax.scan.msk.f32 $0xffff, v26;
	_ =	sdelay $0x5  }
0x21a: {  	v26, _, _ =	vpop (xrf0)  }
0x21b: {  	(v2sf) =	vpush v26, $0xF;
	_ =	sdelay $0xe  }
0x21c: {  	s8 =	spop (v2sf)  }
0x21d: {  	p2 =	sgt.f32 s8, $0.0e+00  }
.Ltmp20:
0x21e: {  	_ = 	snop;
	(pc) =	sbr.rel @!p2 .LBB2_40-.Ltmp20, $2  }
0x21f: {  	_ =	sdelay $0x2  }
0x220: {  	s8 =	simm.s32 $0x0  }
0x221: {  	v26 =	vmov s8  }
0x222: {  	v26 =	vand.u32 $0x3F, v26  }
0x223: {  	v26 =	vbroadcast v26, $0x0;
	_ =	sdelay $0x1  }
0x224: {  	s14 =	sadd.s32 $0x1, s8;
	v26 =	vor.u32 v23, v26  }
.LBB2_38:
0x225: {  	p2 =	sne.s32 s14, $0x3F  }
.Ltmp21:
0x226: {  	v27 =	vmov s14;
	s14 =	sadd.s32 $0x1, s14;
	(pc) =	sbr.rel @p2 .LBB2_38-.Ltmp21, $4  }
0x227: {  	v27 =	vand.u32 $0x3F, v27  }
0x228: {  	v27 =	vbroadcast v27, $0x0  }
0x229: {  	[tilespmem:v26+s25+$0x0] =	vst.idx.msk vm0, v4  }
0x22a: {  	v26 =	vor.u32 v23, v27  }
0x22b: {  	_ =	sdelay $0x4  }
0x22c: {  	[tilespmem:v26+s25+$0x0] =	vst.idx.msk vm0, v4  }
.LBB2_40:
0x22d: {  	v26 =	vld [tilespmem:s19+$0x30];
	_ =	sdelay $0x4  }
0x22e: {  	vm0 =	veq.s32 v26, $0x0  }
0x22f: {  	v26 =	vsel vm0, $0x3F800000, v4  }
0x230: {  	(xrf0) =	vmax.scan.msk.f32 $0xffff, v26;
	_ =	sdelay $0x5  }
0x231: {  	v26, _, _ =	vpop (xrf0)  }
0x232: {  	(v2sf) =	vpush v26, $0xF;
	_ =	sdelay $0xe  }
0x233: {  	s8 =	spop (v2sf)  }
0x234: {  	p2 =	sgt.f32 s8, $0.0e+00  }
.Ltmp22:
0x235: {  	_ = 	snop;
	(pc) =	sbr.rel @!p2 .LBB2_44-.Ltmp22, $2  }
0x236: {  	_ =	sdelay $0x2  }
0x237: {  	s8 =	simm.s32 $0x0  }
0x238: {  	v26 =	vmov s8  }
0x239: {  	v26 =	vand.u32 $0x3F, v26  }
0x23a: {  	v26 =	vbroadcast v26, $0x0;
	_ =	sdelay $0x1  }
0x23b: {  	s14 =	sadd.s32 $0x1, s8;
	v26 =	vor.u32 v24, v26  }
.LBB2_42:
0x23c: {  	p2 =	sne.s32 s14, $0x3F  }
.Ltmp23:
0x23d: {  	v27 =	vmov s14;
	s14 =	sadd.s32 $0x1, s14;
	(pc) =	sbr.rel @p2 .LBB2_42-.Ltmp23, $4  }
0x23e: {  	v27 =	vand.u32 $0x3F, v27  }
0x23f: {  	v27 =	vbroadcast v27, $0x0  }
0x240: {  	[tilespmem:v26+s25+$0x0] =	vst.idx.msk vm0, v4  }
0x241: {  	v26 =	vor.u32 v24, v27  }
0x242: {  	_ =	sdelay $0x4  }
0x243: {  	[tilespmem:v26+s25+$0x0] =	vst.idx.msk vm0, v4  }
.LBB2_44:
0x244: {  	v26 =	vld [tilespmem:s19+$0x40];
	_ =	sdelay $0x4  }
0x245: {  	vm0 =	veq.s32 v26, $0x0  }
0x246: {  	v26 =	vsel vm0, $0x3F800000, v4  }
0x247: {  	(xrf0) =	vmax.scan.msk.f32 $0xffff, v26;
	_ =	sdelay $0x5  }
0x248: {  	v26, _, _ =	vpop (xrf0)  }
0x249: {  	(v2sf) =	vpush v26, $0xF;
	_ =	sdelay $0xe  }
0x24a: {  	s8 =	spop (v2sf)  }
0x24b: {  	p2 =	sgt.f32 s8, $0.0e+00  }
.Ltmp24:
0x24c: {  	_ = 	snop;
	(pc) =	sbr.rel @!p2 .LBB2_48-.Ltmp24, $2  }
0x24d: {  	_ =	sdelay $0x2  }
0x24e: {  	s8 =	simm.s32 $0x0  }
0x24f: {  	v26 =	vmov s8  }
0x250: {  	v26 =	vand.u32 $0x3F, v26  }
0x251: {  	v26 =	vbroadcast v26, $0x0;
	_ =	sdelay $0x1  }
0x252: {  	s14 =	sadd.s32 $0x1, s8;
	v26 =	vor.u32 v25, v26  }
.LBB2_46:
0x253: {  	p2 =	sne.s32 s14, $0x3F  }
.Ltmp25:
0x254: {  	v27 =	vmov s14;
	s14 =	sadd.s32 $0x1, s14;
	(pc) =	sbr.rel @p2 .LBB2_46-.Ltmp25, $4  }
0x255: {  	v27 =	vand.u32 $0x3F, v27  }
0x256: {  	v27 =	vbroadcast v27, $0x0  }
0x257: {  	[tilespmem:v26+s25+$0x0] =	vst.idx.msk vm0, v4  }
0x258: {  	v26 =	vor.u32 v25, v27  }
0x259: {  	_ =	sdelay $0x4  }
0x25a: {  	[tilespmem:v26+s25+$0x0] =	vst.idx.msk vm0, v4  }
.LBB2_48:
.Ltmp26:
0x25b: {  	s8 =	sadd.s32 s6, s19;
	(pc) =	sbr.rel @p1 .LBB2_50-.Ltmp26, $4  }
0x25c: {  	s8 =	sshll.u32 s8, $0x3  }
0x25d: {  	s8 =	sand.u32 $0x1FFFFF80, s8  }
0x25e: {  	s8 =	sadd.s32 s4, s8  }
0x25f: {  	[hbm4b:s8+s5] =	stream.linear.scatter [tilespmem:s25], [sflag:$0x8], $0x1400, $0x38;
	[tilespmem:$0xF010] =	vst v63  }
.Ltmp27:
0x260: {  	(pc) =	sbr.rel .LBB2_6-.Ltmp27, $4  }
0x261: {  	_ =	swait.ge [sflag:s1], $0x1400  }
0x262: {  	[sflag:s1] =	ssyncset.done $0x0  }
0x263: {  	s8 =	sadd.s32 $0x6E0, s19;
	s18 =	sadd.s32 $0x1, s18;
	[sflag:s1] =	ssyncadd.s32 $0xFFFFEC00  }
0x264: {  	[tilespmem:s25], [sflag:$0x6] =	stream.indirect.gather [hbm4b:s7+s22], $0x40, s8, s22, $0xb8;
	[tilespmem:$0xF010] =	vst v63  }
.LBB2_50:
0x265: {  	_ =	swait.ge [sflag:s29], $0x3E80  }
0x266: {  	[sflag:s29] =	ssyncset.done $0x0  }
0x267: {  	s14 =	simm.s32 $0x0;
	[sflag:s29] =	ssyncadd.s32 $0xFFFFC180  }
0x268: {  	v26 =	vld [tilespmem:s14+$0x4B00]  }
0x269: {  	s18 =	simm.s32 $0x40  }
.LBB2_51:
0x26a: {  	p1 =	sne.s32 s18, $0xF9C0  }
.Ltmp28:
0x26b: {  	_ = 	snop;
	(pc) =	sbr.rel @p1 .LBB2_51-.Ltmp28, $4  }
0x26c: {  	_ = 	snop  }
0x26d: {  	s8 =	sshra.s32 s18, $0x2;
	s18 =	sadd.s32 $0x40, s18;
	vm0 =	vne.s32 v26, $0x0  }
0x26e: {  	v26 =	vld [tilespmem:s8+$0x4B00];
	v27 =	vsel vm0, $0x1, v3  }
0x26f: {  	[tilespmem:s14+$0x8980] =	vst v27;
	s14 =	smov.u32 s8  }
0x270: {  	_ = 	snop  }
.Ltmp29:
0x271: {  	_ = 	snop;
	(pc) =	sbr.rel @p0 .LBB2_54-.Ltmp29, $4  }
0x272: {  	_ = 	snop  }
0x273: {  	vm0 =	vne.s32 v26, $0x0  }
0x274: {  	v26 =	vsel vm0, $0x1, v3  }
0x275: {  	s18 =	simm.s32 $0x0;
	[tilespmem:s14+$0x8980] =	vst v26;
	s14 =	simm.s32 $0x0  }
.LBB2_53:
0x276: {  	v26 =	vld [tilespmem:s14+$0x0];
	_ =	sdelay $0x4  }
0x277: {  	vm0 =	veq.s32 v26, $0x0  }
0x278: {  	v26 =	vsel vm0, $0x3F800000, v4  }
0x279: {  	(xrf0) =	vmax.scan.msk.f32 $0xffff, v26;
	_ =	sdelay $0x5  }
0x27a: {  	v26, _, _ =	vpop (xrf0)  }
0x27b: {  	(v2sf) =	vpush v26, $0xF;
	_ =	sdelay $0xe  }
0x27c: {  	s8 =	spop (v2sf)  }
0x27d: {  	p0 =	sgt.f32 s8, $0.0e+00;
	_ =	sdelay $0x1  }
0x27e: {  	v26 =	vmov @p0 s18  }
0x27f: {  	v26 =	vmul.u32 @p0 $0xA, v26;
	_ =	sdelay $0x1  }
0x280: {  	v26 =	vbroadcast @p0 v26, $0x0;
	_ =	sdelay $0x1  }
0x281: {  	v27 =	vadd.s32 @p0 v1, v26  }
0x282: {  	v28 =	vadd.s32 @p0 v5, v26;
	v29 =	vadd.s32 @p0 v7, v26;
	v27 =	vand.u32 @p0 $0xFFFFFFF8, v27  }
0x283: {  	v30 =	vadd.s32 @p0 v9, v26;
	v28 =	vand.u32 @p0 $0xFFFFFFF8, v28;
	v27 =	vor.u32 @p0 v2, v27  }
0x284: {  	v31 =	vadd.s32 @p0 v11, v26;
	v32 =	vadd.s32 @p0 v13, v26;
	v28 =	vor.u32 @p0 v6, v28  }
0x285: {  	v33 =	vadd.s32 @p0 v15, v26;
	v29 =	vand.u32 @p0 $0xFFFFFFF8, v29;
	v30 =	vand.u32 @p0 $0xFFFFFFF8, v30  }
0x286: {  	v31 =	vand.u32 @p0 $0xFFFFFFF8, v31;
	v32 =	vand.u32 @p0 $0xFFFFFFF8, v32;
	v29 =	vor.u32 @p0 v8, v29  }
0x287: {  	v30 =	vor.u32 @p0 v10, v30;
	v31 =	vor.u32 @p0 v12, v31  }
0x288: {  	[tilespmem:v27+s30+$0x0] =	vst.idx.msk @p0 vm0, v3;
	v27 =	vor.u32 @p0 v14, v32;
	v32 =	vand.u32 @p0 $0xFFFFFFF8, v33  }
0x289: {  	v33 =	vadd.s32 @p0 v18, v26;
	[tilespmem:v28+s30+$0x0] =	vst.idx.msk @p0 vm0, v3;
	v28 =	vor.u32 @p0 v17, v32  }
0x28a: {  	v32 =	vand.u32 @p0 $0xFFFFFFF8, v33;
	v33 =	vadd.s32 @p0 v20, v26;
	v26 =	vadd.s32 @p0 v21, v26  }
0x28b: {  	[tilespmem:v29+s30+$0x0] =	vst.idx.msk @p0 vm0, v3;
	v29 =	vor.u32 @p0 v19, v32;
	v32 =	vand.u32 @p0 $0xFFFFFFF8, v33  }
0x28c: {  	v26 =	vand.u32 @p0 $0xFFFFFFF8, v26;
	[tilespmem:v30+s30+$0x0] =	vst.idx.msk @p0 vm0, v3;
	v30 =	vor.u32 @p0 v2, v32  }
0x28d: {  	v26 =	vor.u32 @p0 v6, v26;
	[tilespmem:v31+s30+$0x0] =	vst.idx.msk @p0 vm0, v3  }
0x28e: {  	[tilespmem:v27+s30+$0x0] =	vst.idx.msk @p0 vm0, v3  }
0x28f: {  	[tilespmem:v28+s30+$0x0] =	vst.idx.msk @p0 vm0, v3  }
0x290: {  	[tilespmem:v29+s30+$0x0] =	vst.idx.msk @p0 vm0, v3  }
0x291: {  	s18 =	sadd.s32 $0x10, s18;
	[tilespmem:v30+s30+$0x0] =	vst.idx.msk @p0 vm0, v3  }
0x292: {  	[tilespmem:v26+s30+$0x0] =	vst.idx.msk @p0 vm0, v3;
	p0 =	sne.s32 s18, $0x640  }
.Ltmp30:
0x293: {  	_ = 	snop;
	(pc) =	sbr.rel @p0 .LBB2_53-.Ltmp30, $2  }
0x294: {  	_ =	sdelay $0x2  }
0x295: {  	s14 =	sadd.s32 $0x10, s14  }
.Ltmp31:
0x296: {  	_ = 	snop;
	(pc) =	sbr.rel .LBB2_54-.Ltmp31, $1  }
0x297: {  	_ =	sdelay $0x3  }
.LBB2_55:
0x298: {  	_ =	sfence.sel $0x180000  }
0x299: {  	[bflag:$0x0] =	sbarrier.arrive $0xFFFF  }
0x29a: {  	_ =	strace $0x90000047  }
0x29b: {  	s0 =	stileid.u32;
	[bflag:$0x2] =	sbarrier.arrive $0xFFFF  }
0x29c: {  	p0 =	sne.s32 s0, $0x0;
	s0 =	rddreg [dreg:$0x6]  }
0x29d: {  	s0 =	sadd.s32 @!p0 $0x100000, s0  }
0x29e: {  	[sflag:s0] =	ssyncadd.tile.s32 @!p0 $0x1;
	_ =	shalt  }
.Lfunc_end2:
_tile_overlayer_lowered:
.L_overlay_start_2:
0x29f: {  	(tag) =	ssettag $0x2  }
0x2a0: {  	s0 =	rddreg [dreg:$0x0];
	s2 =	stileid.u32  }
0x2a1: {  	s1 =	rddreg [dreg:$0x1];
	p0 =	sne.s32 s2, $0x0  }
0x2a2: {  	s3 =	rddreg [dreg:$0x2];
	[bflag:$0x3] =	sbarrier.arrive $0xFFFF;
	s2 =	simm.s32 @!p0 $0x1C09  }
0x2a3: {  	[timem:s3], [sflag:s2] =	dma.local @!p0 [hbm:s0], s1  }
0x2a4: {  	s0 =	simm.s32 @!p0 $0x9  }
0x2a5: {  	_ =	swait.ge @!p0 [sflag:s0], s1  }
0x2a6: {  	s1 =	ssub.s32 @!p0 $0x0, s1;
	[sflag:s0] =	ssyncset.done @!p0 $0x0  }
0x2a7: {  	[sflag:s0] =	ssyncadd.s32 @!p0 s1  }
0x2a8: {  	[bflag:$0x3] =	sbarrier.arrive $0xFFFF  }
0x2a9: {  	_ =	shalt  }

// kernel: _sc_call.7.cloned.1.call-start
scs
__scs_entry_jumppad:
0x0: {  	(pc) =	sbr.rel $0x88, $3  }
0x1: {  	(tag) =	ssettag $0x0;
	lr =	simm.s32 $0x1  }
0x2: {  	[smem:$0x3F9C] =	sst lr;
	_ =	strace $0xD0000000  }
0x3: {  	_ = 	snop  }
0x4: {  	_ = 	snop  }
0x5: {  	_ = 	snop  }
0x6: {  	_ = 	snop  }
0x7: {  	_ = 	snop  }
__scs_overlays_trampoline_lowered:
0x8: {  	[smem:$0x3FAB] =	sst s0  }
0x9: {  	[smem:$0x3FAC] =	sst s1  }
0xa: {  	[smem:$0x3FAD] =	sst s2  }
0xb: {  	[smem:$0x3FAE] =	sst s3  }
0xc: {  	[smem:$0x3FAF] =	sst s4  }
0xd: {  	[smem:$0x3FB0] =	sst s5  }
0xe: {  	[smem:$0x3FB1] =	sst s6  }
0xf: {  	[smem:$0x3FB2] =	sst s7  }
0x10: {  	[smem:$0x3FB3] =	sst s8  }
0x11: {  	[smem:$0x3FB4] =	sst s9;
	s0 =	simm.s32 @!p0 $0x0  }
0x12: {  	s1 =	sld [smem:$0x3F9A];
	s0 =	simm.s32 @p0 $0x1  }
0x13: {  	[smem:$0x3FB5] =	sst s0;
	s0 =	simm.s32 @!p1 $0x0  }
0x14: {  	s2 =	sld [smem:$0x3F99];
	s0 =	simm.s32 @p1 $0x1  }
0x15: {  	[smem:$0x3FB6] =	sst s0;
	s0 =	simm.s32 @!p2 $0x0  }
0x16: {  	s3 =	sld [smem:$0x3FDB];
	s0 =	simm.s32 @p2 $0x1  }
0x17: {  	s4 =	simm.s32 $0x1BF5;
	[smem:$0x3FB8] =	sst s0  }
0x18: {  	s0 =	sld [smem:$0x3F9B];
	_ =	swait.ge [sflag:s4], $0x0  }
0x19: {  	s7 =	sld [smem:$0x3F9C]  }
0x1a: {  	s8 =	sadd.s32 $0xFFFFE003, lr  }
0x1b: {  	s9 =	sadd.s32 $0xFFFFFEF7, lr;
	s5 =	simm.s32 $0xFFFFFFFF;
	p2 =	slt.u32 s8, $0xFFFFF086  }
0x1c: {  	p1 =	slt.u32 s9, $0xF7A;
	s5 =	simm.s32 @!p2 $0x0  }
0x1d: {  	s5 =	simm.s32 @p1 $0x1;
	p0 =	seq.s32 s7, s2  }
0x1e: {  	s7 =	smul.u32 @!p0 $0xF7A, s2;
	p2 =	seq.s32 @!p0 s5, $0x0  }
0x1f: {  	s9 =	smul.u32 $0xF7A, s1;
	s8 =	simm.s32 @!p0 $0x1BF5;
	p2 =	por !p2, p0  }
0x20: {  	[sflag:s8] =	ssyncset.s32 @!p0 $0xFFFFF086;
	s6 =	sadd.s32 @!p0 s3, s7;
	s7 =	simm.s32 @!p0 $0x108  }
0x21: {  	s3 =	sadd.s32 s3, s9;
	s6 =	sadd.s32 @!p0 $0x88, s6;
	s7 =	simm.s32 @p2 $0x1082  }
0x22: {  	[simem:s7], [sflag:s8] =	dma.local @!p0 [hbm:s6], $0xF7A  }
0x23: {  	s9 =	sor.u32 $0xD0000000, s2;
	s6 =	simm.s32 $0x108;
	_ =	swait.ge @!p0 [sflag:s8], $0x0  }
0x24: {  	s3 =	sadd.s32 $0x88, s3;
	s6 =	simm.s32 @!p1 $0x1082;
	[sflag:s4] =	ssyncset.s32 $0xFFFFF086  }
0x25: {  	[simem:s6], [sflag:s4] =	dma.local [hbm:s3], $0xF7A  }
0x26: {  	[smem:$0x3F9C] =	sst s1;
	(tag) =	ssettag s2;
	_ =	strace s9  }
0x27: {  	s1 =	sld [smem:$0x3FAC]  }
0x28: {  	s2 =	sld [smem:$0x3FAD]  }
0x29: {  	s4 =	sld [smem:$0x3FAF]  }
0x2a: {  	p0 =	seq.s32 s5, $0x0;
	s5 =	sld [smem:$0x3FB0]  }
0x2b: {  	s6 =	sld [smem:$0x3FB1]  }
0x2c: {  	s7 =	sld [smem:$0x3FB2]  }
0x2d: {  	s3 =	simm.s32 $0x108;
	s8 =	sld [smem:$0x3FB3]  }
0x2e: {  	s3 =	simm.s32 @!p0 $0x1082;
	s9 =	sld [smem:$0x3FB4]  }
0x2f: {  	lr =	sadd.s32 s0, s3;
	s0 =	sld [smem:$0x3FAB]  }
0x30: {  	s3 =	sld [smem:$0x3FAE]  }
0x31: {  	[smem:$0x3FB7] =	sst s10  }
0x32: {  	s10 =	sld [smem:$0x3FB5];
	_ =	sdelay $0x3  }
0x33: {  	p0 =	seq.s32 s10, $0x1;
	s10 =	sld [smem:$0x3FB7];
	_ =	sdelay $0x3  }
0x34: {  	[smem:$0x3FB7] =	sst s10  }
0x35: {  	s10 =	sld [smem:$0x3FB6];
	_ =	sdelay $0x3  }
0x36: {  	p1 =	seq.s32 s10, $0x1;
	s10 =	sld [smem:$0x3FB7];
	_ =	sdelay $0x3  }
0x37: {  	[smem:$0x3FB7] =	sst s10  }
0x38: {  	s10 =	sld [smem:$0x3FB8]  }
0x39: {  	_ = 	snop;
	(pc) =	sbr.ind lr, $3  }
0x3a: {  	_ = 	snop  }
0x3b: {  	_ = 	snop  }
0x3c: {  	p2 =	seq.s32 s10, $0x1;
	s10 =	sld [smem:$0x3FB7]  }
0x3d: {  	_ =	shalt  }
0x3e: {  	_ =	shalt  }
0x3f: {  	_ =	shalt  }
0x40: {  	_ =	shalt  }
0x41: {  	_ =	shalt  }
0x42: {  	_ =	shalt  }
0x43: {  	_ =	shalt  }
0x44: {  	_ =	shalt  }
0x45: {  	_ =	shalt  }
0x46: {  	_ =	shalt  }
0x47: {  	_ =	shalt  }
0x48: {  	_ =	shalt  }
0x49: {  	_ =	shalt  }
0x4a: {  	_ =	shalt  }
0x4b: {  	_ =	shalt  }
0x4c: {  	_ =	shalt  }
0x4d: {  	_ =	shalt  }
0x4e: {  	_ =	shalt  }
0x4f: {  	_ =	shalt  }
0x50: {  	_ =	shalt  }
0x51: {  	_ =	shalt  }
0x52: {  	_ =	shalt  }
0x53: {  	_ =	shalt  }
0x54: {  	_ =	shalt  }
0x55: {  	_ =	shalt  }
0x56: {  	_ =	shalt  }
0x57: {  	_ =	shalt  }
0x58: {  	_ =	shalt  }
0x59: {  	_ =	shalt  }
0x5a: {  	_ =	shalt  }
0x5b: {  	_ =	shalt  }
0x5c: {  	_ =	shalt  }
0x5d: {  	_ =	shalt  }
0x5e: {  	_ =	shalt  }
0x5f: {  	_ =	shalt  }
0x60: {  	_ =	shalt  }
0x61: {  	_ =	shalt  }
0x62: {  	_ =	shalt  }
0x63: {  	_ =	shalt  }
0x64: {  	_ =	shalt  }
0x65: {  	_ =	shalt  }
0x66: {  	_ =	shalt  }
0x67: {  	_ =	shalt  }
0x68: {  	_ =	shalt  }
0x69: {  	_ =	shalt  }
0x6a: {  	_ =	shalt  }
0x6b: {  	_ =	shalt  }
0x6c: {  	_ =	shalt  }
0x6d: {  	_ =	shalt  }
0x6e: {  	_ =	shalt  }
0x6f: {  	_ =	shalt  }
0x70: {  	_ =	shalt  }
0x71: {  	_ =	shalt  }
0x72: {  	_ =	shalt  }
0x73: {  	_ =	shalt  }
0x74: {  	_ =	shalt  }
0x75: {  	_ =	shalt  }
0x76: {  	_ =	shalt  }
0x77: {  	_ =	shalt  }
0x78: {  	_ =	shalt  }
0x79: {  	_ =	shalt  }
0x7a: {  	_ =	shalt  }
0x7b: {  	_ =	shalt  }
0x7c: {  	_ =	shalt  }
0x7d: {  	_ =	shalt  }
0x7e: {  	_ =	shalt  }
0x7f: {  	_ =	shalt  }
0x80: {  	_ =	shalt  }
0x81: {  	_ =	shalt  }
0x82: {  	_ =	shalt  }
0x83: {  	_ =	shalt  }
0x84: {  	_ =	shalt  }
0x85: {  	_ =	shalt  }
0x86: {  	_ =	shalt  }
0x87: {  	_ =	shalt  }
.Lfunc_end0:
.L_simem_size_0:
called_computation.2_lowered:
.L_overlay_start_0:
0x88: {  	s2 =	sld [smem:$0x3FD9]  }
0x89: {  	s3 =	sld [smem:$0x3FFE];
	_ =	sdelay $0x1  }
0x8a: {  	s1 =	srdreg.scid  }
0x8b: {  	s0 =	sand.u32 $0x1, s1  }
0x8c: {  	s14 =	sshll.u32 s0, $0xA;
	s2 =	sadd.s32 s3, s2  }
0x8d: {  	s2 =	sadd.s32 s2, s14  }
0x8e: {  	[smem:$0x3FC3] =	sst s2  }
0x8f: {  	_ = 	snop  }
0x90: {  	s2 =	sld [smem:$0x3FD0];
	_ =	sdelay $0x2  }
0x91: {  	s4 =	simm.s32 $0xA;
	s5 =	simm.s32 $0x10;
	s15 =	sld [smem:$0x3FC9]  }
0x92: {  	[smem:s5], [sflag:s4] =	dma.local [hbm:s2], $0x1  }
0x93: {  	_ =	swait.eq [sflag:s4], $0x1  }
0x94: {  	[sflag:s4] =	ssyncset.done $0x0  }
0x95: {  	[sflag:s4] =	ssyncadd.s32 $0xFFFFFFFF  }
0x96: {  	s16 =	sld [smem:$0x11];
	(tm) =	ssettm $0x1  }
0x97: {  	s17 =	sld [smem:$0x3FFB];
	_ =	sdelay $0x3  }
0x98: {  	_ =	strace s17  }
0x99: {  	s4 =	sld [smem:$0x3FFC];
	_ =	sdelay $0x3  }
0x9a: {  	_ =	strace s4  }
0x9b: {  	s4 =	sld [smem:$0x3FFD];
	_ =	sdelay $0x3  }
0x9c: {  	_ =	strace s4  }
0x9d: {  	_ =	strace $0x8FFFFFFF  }
0x9e: {  	s18 =	sld [smem:$0x3FDB];
	_ =	sdelay $0x1  }
0x9f: {  	s19 =	simm.s32 $_scs_section_size  }
0xa0: {  	s6 =	simm.s32 $_size__tile_overlayer_lowered;
	s7 =	simm.s32 $_tile_overlayer_lowered  }
0xa1: {  	s22 =	simm.s32 $0x1BFF;
	s21 =	sshll.u32 s7, $0x1;
	s4 =	sadd.s32 s19, s18  }
0xa2: {  	s8 =	simm.s32 $0x0;
	s20 =	sshll.u32 s6, $0x1;
	s6 =	sadd.s32 s21, s4  }
0xa3: {  	[timem:s8], [sflag:s22] =	dma.local [hbm:s6], s20  }
0xa4: {  	_ =	swait.ge [sflag:s22], s20  }
0xa5: {  	s5 =	ssub.s32 $0x0, s20;
	[sflag:s22] =	ssyncset.done $0x0  }
0xa6: {  	[sflag:s22] =	ssyncadd.s32 s5;
	_ =	sdelay $0x1  }
0xa7: {  	s23 =	simm.s32 $0x1B8B  }
0xa8: {  	_ =	swait.ge [sflag:s23], $0x1  }
0xa9: {  	[sflag:s23] =	ssyncset.done $0x0  }
0xaa: {  	s25 =	simm.s32 $0x1B8E;
	s24 =	sld [smem:$0x3FFE];
	[sflag:s23] =	ssyncadd.s32 $0xFFFFFFFF  }
0xab: {  	s26 =	simm.s32 $execute0_lowered;
	[smem:$0x3FD2] =	sst s25  }
0xac: {  	s6 =	sshll.u32 s26, $0x1;
	_ =	strace $0x80000049;
	[dreg:$0x1] =	wrdreg $0xFFFFFFFF  }
0xad: {  	s28 =	simm.s32 $_size_execute0_lowered;
	s4 =	sadd.s32 s4, s6;
	[dreg:$0x0] =	wrdreg $0x0  }
0xae: {  	s6 =	sshll.u32 s28, $0x1;
	[dreg:$0x2] =	wrdreg s4  }
0xaf: {  	[dreg:$0x3] =	wrdreg s6  }
0xb0: {  	[dreg:$0x4] =	wrdreg $0xC0  }
0xb1: {  	_ =	task [dreg:s8], $0x5FFFF  }
0xb2: {  	[dreg:$0x1] =	wrdreg $0xFFFFFFFF  }
0xb3: {  	[dreg:$0x0] =	wrdreg $0x60  }
0xb4: {  	[dreg:$0x2] =	wrdreg s15  }
0xb5: {  	[dreg:$0x3] =	wrdreg s24  }
0xb6: {  	[dreg:$0x4] =	wrdreg s16  }
0xb7: {  	[dreg:$0x5] =	wrdreg $0x9  }
0xb8: {  	_ =	task.clear_ibuf [dreg:s8], $0x6FFFF;
	_ =	strace $0x90000049  }
0xb9: {  	s29 =	simm.s32 $0x9;
	_ =	strace $0x8000004B  }
0xba: {  	_ =	swait.ge [sflag:s29], $0x1  }
0xbb: {  	[sflag:s29] =	ssyncadd.s32 $0xFFFFFFFF  }
0xbc: {  	_ =	strace $0x9000004B  }
0xbd: {  	_ =	sfence  }
0xbe: {  	s30 =	sld [smem:$0x0];
	_ =	sdelay $0x2  }
0xbf: {  	s31 =	sshll.u32 s1, $0xD;
	s1 =	sshrl.u32 s1, $0x2  }
0xc0: {  	s3 =	sand.u32 $0x4000, s31;
	s1 =	sadd.s32 s1, s30  }
0xc1: {  	s0 =	sor.u32 s3, s0;
	s1 =	sshll.u32 s1, $0x11  }
0xc2: {  	s0 =	sor.u32 s1, s0  }
0xc3: {  	s0 =	sadd.s32 $0x8F2B, s0  }
0xc4: {  	[sflag:s0] =	ssyncadd.remote.s32 $0x1  }
0xc5: {  	_ =	sfence.sel $0xFFFF  }
0xc6: {  	[dreg:$0x0] =	wrdreg $0xFFFFFFFF;
	(pc) =	sbr.abs _section_cstart, $3  }
0xc7: {  	[dreg:$0x1] =	wrdreg $0xFFFFFFFF  }
0xc8: {  	_ =	task.clear_ibuf [dreg:s8], $0x2FFFF;
	_ =	strace $0x9FFFFFFF  }
0xc9: {  	(tm) =	ssettm $0x7FFFFFFF  }
tec
execute0_lowered:
.L_overlay_start_1:
0x0: {  	(tag) =	ssettag $0x1  }
0x1: {  	s1 =	rddreg [dreg:$0x0]  }
0x2: {  	s2 =	srdreg.scid;
	s0 =	stileid.u32  }
0x3: {  	s5 =	rddreg [dreg:$0x1];
	s10 =	simm.s32 $0x640;
	s11 =	simm.s32 $0x80  }
0x4: {  	s12 =	simm.s32 $0x44D0;
	s13 =	simm.s32 $0x6C0;
	s14 =	simm.s32 $0x64D0  }
0x5: {  	s15 =	simm.s32 $0x740;
	s16 =	simm.s32 $0x84D0;
	s17 =	simm.s32 $0x7C0  }
0x6: {  	s18 =	simm.s32 $0xA4D0;
	s19 =	simm.s32 $0x1;
	s20 =	simm.s32 $0x5  }
0x7: {  	s21 =	simm.s32 $0x6;
	s22 =	simm.s32 $0x7;
	s23 =	simm.s32 $0x8  }
0x8: {  	s24 =	simm.s32 $0x2;
	s6 =	sand.u32 $0x1, s2;
	s3 =	sshll.u32 s0, $0x1  }
0x9: {  	s25 =	simm.s32 $0x3;
	s26 =	simm.s32 $0x4;
	s7 =	sor.u32 s6, s3  }
0xa: {  	v0 =	vlaneseq.u32;
	s28 =	simm.s32 $0x0;
	s2 =	rddreg [dreg:$0x2];
	s4 =	smul.u32 $0x3E80, s7  }
.Ltmp0:
0xb: {  	v1 =	vmul.u32 $0x40, v0;
	s3 =	simm.s32 $0x0;
	s6 =	ssub.s32 $0x2, s6;
	(pc) =	sbr.rel .LBB2_1-.Ltmp0, $4  }
0xc: {  	[smem:$0x7FF] =	sst s3;
	s7 =	smul.u32 $0xC8, s7;
	s9 =	sshrl.u32 s6, $0x1  }
0xd: {  	v2 =	vimm.s32 $0x0;
	v3 =	vimm.f32 $0.0e+00;
	v4 =	vor.u32 $0x400, v1;
	_ =	strace $0x8000004A;
	s9 =	ssub.s32 s6, s9;
	s8 =	sshrl.u32 s4, $0x3  }
0xe: {  	v5 =	vor.u32 $0x800, v1;
	v6 =	vor.u32 $0xC00, v1;
	v7 =	vor.u32 $0x1000, v1;
	s6 =	sadd.s32 s1, s7;
	s8 =	sadd.s32 s8, s5;
	s5 =	sadd.s32 $0x1016400, s5  }
0xf: {  	v8 =	vor.u32 $0x1400, v1;
	v9 =	vor.u32 $0x1800, v1;
	v10 =	vor.u32 $0x1C00, v1;
	s7 =	sadd.s32 $0xC4600, s8;
	s8 =	smax.u32 s9, $0x1;
	s9 =	simm.s32 $0x9  }
.LBB2_144:
0x10: {  	_ =	swait.ge [sflag:s20], $0x2000  }
0x11: {  	[sflag:s20] =	ssyncset.done $0x0  }
0x12: {  	[sflag:s20] =	ssyncadd.s32 $0xFFFFE000  }
0x13: {  	_ =	swait.ge [sflag:s21], $0x2000  }
0x14: {  	[sflag:s21] =	ssyncset.done $0x0  }
0x15: {  	s28 =	sadd.s32 $0x1, s28;
	[sflag:s21] =	ssyncadd.s32 $0xFFFFE000  }
0x16: {  	p0 =	sne.s32 s28, s8;
	_ =	swait.ge [sflag:s22], $0x2000  }
.Ltmp1:
0x17: {  	[sflag:s22] =	ssyncset.done $0x0;
	(pc) =	sbr.rel @!p0 .LBB2_145-.Ltmp1, $4  }
0x18: {  	[sflag:s22] =	ssyncadd.s32 $0xFFFFE000  }
0x19: {  	_ =	swait.ge [sflag:s23], $0x2000  }
0x1a: {  	[sflag:s23] =	ssyncset.done $0x0  }
0x1b: {  	[sflag:s23] =	ssyncadd.s32 $0xFFFFE000  }
.LBB2_1:
0x1c: {  	[tilespmem:s3], [sflag:$0x9] =	stream.linear.gather [hbm4b:s6+s3], $0x640, $0x38;
	[tilespmem:$0xC4D0] =	vst v63  }
0x1d: {  	_ =	swait.ge [sflag:s9], $0x640  }
0x1e: {  	[sflag:s9] =	ssyncset.done $0x0  }
0x1f: {  	[sflag:s9] =	ssyncadd.s32 $0xFFFFF9C0  }
0x20: {  	[tilespmem:s10], [sflag:$0x9] =	stream.linear.gather [hbm4b:s7+s3], $0x3E80, $0x38;
	[tilespmem:$0xC4D0] =	vst v63  }
0x21: {  	_ =	swait.ge [sflag:s9], $0x3E80  }
0x22: {  	[sflag:s9] =	ssyncset.done $0x0  }
0x23: {  	[sflag:s9] =	ssyncadd.s32 $0xFFFFC180  }
0x24: {  	s1 =	simm.s32 $0x0;
	s29 =	simm.s32 $0x40;
	v11 =	vimm.s32 $0x0;
	[tilespmem:$0x44C0] =	vst v2  }
.LBB2_2:
0x25: {  	p0 =	sne.s32 s29, $0x18C0;
	v12 =	vld [tilespmem:s1+$0x0];
	_ =	sdelay $0x3  }
.Ltmp2:
0x26: {  	(pc) =	sbr.rel @p0 .LBB2_2-.Ltmp2, $4  }
0x27: {  	vm0 =	veq.s32 v12, $0x0  }
0x28: {  	v12 =	vsel vm0, $0x1, v2  }
0x29: {  	v11 =	vor.u32 v12, v11  }
0x2a: {  	s1 =	sshra.s32 s29, $0x2;
	s29 =	sadd.s32 $0x40, s29;
	[tilespmem:$0x44C0] =	vst v11  }
0x2b: {  	v12 =	vld [tilespmem:s1+$0x0];
	_ =	sdelay $0x4  }
0x2c: {  	vm0 =	veq.s32 v12, $0x0  }
0x2d: {  	v12 =	vsel vm0, $0x1, v2  }
0x2e: {  	v11 =	vor.u32 v12, v11  }
0x2f: {  	v12 =	vxor.u32 $0x80000000, v11  }
0x30: {  	(xrf0) =	vmax.scan.msk.u32 $0xffff, v12;
	_ =	sdelay $0x5  }
0x31: {  	v12, _, _ =	vpop (xrf0)  }
0x32: {  	(v2sf) =	vpush v12, $0xF;
	_ =	sdelay $0x5  }
0x33: {  	[tilespmem:$0x44C0] =	vst v11  }
0x34: {  	[tilespmem:s12], [sflag:$0x1] =	stream.indirect.gather [hbm4b:s5+s11], $0x40, s10, s11, $0xb8;
	[tilespmem:$0xC4D0] =	vst v63  }
0x35: {  	_ = 	snop  }
0x36: {  	[tilespmem:s14], [sflag:$0x2] =	stream.indirect.gather [hbm4b:s5+s11], $0x40, s13, s11, $0xb8;
	[tilespmem:$0xC4D0] =	vst v63  }
0x37: {  	_ = 	snop  }
0x38: {  	[tilespmem:s16], [sflag:$0x3] =	stream.indirect.gather [hbm4b:s5+s11], $0x40, s15, s11, $0xb8;
	[tilespmem:$0xC4D0] =	vst v63  }
.Ltmp3:
0x39: {  	_ = 	snop;
	(pc) =	sbr.rel .LBB2_4-.Ltmp3, $4  }
0x3a: {  	_ = 	snop  }
0x3b: {  	[tilespmem:s18], [sflag:$0x4] =	stream.indirect.gather [hbm4b:s5+s11], $0x40, s17, s11, $0xb8;
	[tilespmem:$0xC4D0] =	vst v63  }
0x3c: {  	s31 =	spop (v2sf)  }
0x3d: {  	s29 =	simm.s32 $0x0;
	p0 =	seq.s32 s31, $0x80000000  }
.LBB2_142:
0x3e: {  	s0 =	sadd.s32 s4, s30  }
0x3f: {  	s0 =	sshll.u32 s0, $0x3  }
0x40: {  	s0 =	sand.u32 $0x1FFFFC00, s0  }
0x41: {  	p1 =	sgt.u32 s29, $0x1D;
	s0 =	sadd.s32 s2, s0  }
0x42: {  	[hbm4b:s0+s3] =	stream.linear.scatter [tilespmem:s18], [sflag:$0x8], $0x2000, $0x38;
	[tilespmem:$0xC4D0] =	vst v63  }
0x43: {  	s0 =	simm.s32 @!p1 $0x8  }
0x44: {  	_ =	swait.ge @!p1 [sflag:s0], $0x2000  }
0x45: {  	s1 =	simm.s32 @!p1 $0x80;
	[sflag:s0] =	ssyncset.done @!p1 $0x0  }
0x46: {  	[sflag:s0] =	ssyncadd.s32 @!p1 $0xFFFFE000;
	s0 =	sadd.s32 @!p1 $0x840, s30;
	s30 =	simm.s32 @!p1 $0xA4D0  }
0x47: {  	[tilespmem:s30], [sflag:$0x4] =	stream.indirect.gather @!p1 [hbm4b:s5+s1], $0x40, s0, s1, $0xb8;
	[tilespmem:$0xC4D0] =	vst v63  }
.LBB2_143:
0x48: {  	s29 =	sadd.s32 $0x1, s29  }
0x49: {  	p1 =	sne.s32 s29, $0x20  }
.Ltmp4:
0x4a: {  	_ = 	snop;
	(pc) =	sbr.rel @!p1 .LBB2_144-.Ltmp4, $1  }
0x4b: {  	_ =	sdelay $0x3  }
.LBB2_4:
.Ltmp5:
0x4c: {  	(pc) =	sbr.rel @p0 .LBB2_37-.Ltmp5, $4  }
0x4d: {  	_ = 	snop  }
0x4e: {  	_ =	swait.ge [sflag:s19], $0x2000  }
0x4f: {  	[sflag:s19] =	ssyncset.done $0x0  }
0x50: {  	s31 =	sshll.u32 s29, $0x9;
	[sflag:s19] =	ssyncadd.s32 $0xFFFFE000  }
0x51: {  	v11 =	vor.u32 s31, v0  }
0x52: {  	v11 =	vmulhi.u32 $0x66666667, v11;
	_ =	sdelay $0x1  }
0x53: {  	v11 =	vshrl.u32 v11, $0x2;
	_ =	sdelay $0x3  }
0x54: {  	s1 =	simm.s32 $0x0  }
0x55: {  	v11 =	vld.idx.msk [tilespmem:v11+s1+$0x0], $0xffff;
	_ =	sdelay $0x4  }
0x56: {  	vm0 =	veq.s32 v11, $0x0  }
0x57: {  	v11 =	vsel vm0, $0x3F800000, v3  }
0x58: {  	(xrf0) =	vmax.scan.msk.f32 $0xffff, v11;
	_ =	sdelay $0x5  }
0x59: {  	v11, _, _ =	vpop (xrf0)  }
0x5a: {  	(v2sf) =	vpush v11, $0xF;
	_ =	sdelay $0xe  }
0x5b: {  	s30 =	spop (v2sf)  }
0x5c: {  	p1 =	sgt.f32 s30, $0.0e+00  }
.Ltmp6:
0x5d: {  	_ = 	snop;
	(pc) =	sbr.rel @!p1 .LBB2_9-.Ltmp6, $1  }
0x5e: {  	_ =	sdelay $0x3  }
0x5f: {  	v11 =	vmov s1  }
0x60: {  	v11 =	vand.u32 $0x3F, v11  }
0x61: {  	v11 =	vbroadcast v11, $0x0;
	_ =	sdelay $0x1  }
0x62: {  	s30 =	sadd.s32 $0x1, s1;
	v11 =	vor.u32 v1, v11  }
.LBB2_7:
0x63: {  	p1 =	sne.s32 s30, $0x3F  }
.Ltmp7:
0x64: {  	v12 =	vmov s30;
	s30 =	sadd.s32 $0x1, s30;
	(pc) =	sbr.rel @p1 .LBB2_7-.Ltmp7, $4  }
0x65: {  	v12 =	vand.u32 $0x3F, v12  }
0x66: {  	v12 =	vbroadcast v12, $0x0  }
0x67: {  	[tilespmem:v11+s12+$0x0] =	vst.idx.msk vm0, v3  }
0x68: {  	v11 =	vor.u32 v1, v12  }
0x69: {  	_ =	sdelay $0x4  }
0x6a: {  	[tilespmem:v11+s12+$0x0] =	vst.idx.msk vm0, v3  }
.LBB2_9:
0x6b: {  	s1 =	sor.u32 $0x10, s31  }
0x6c: {  	v11 =	vor.u32 s1, v0  }
0x6d: {  	v11 =	vmulhi.u32 $0x66666667, v11;
	_ =	sdelay $0x1  }
0x6e: {  	v11 =	vshrl.u32 v11, $0x2;
	_ =	sdelay $0x3  }
0x6f: {  	s1 =	simm.s32 $0x0  }
0x70: {  	v11 =	vld.idx.msk [tilespmem:v11+s1+$0x0], $0xffff;
	_ =	sdelay $0x4  }
0x71: {  	vm0 =	veq.s32 v11, $0x0  }
0x72: {  	v11 =	vsel vm0, $0x3F800000, v3  }
0x73: {  	(xrf0) =	vmax.scan.msk.f32 $0xffff, v11;
	_ =	sdelay $0x5  }
0x74: {  	v11, _, _ =	vpop (xrf0)  }
0x75: {  	(v2sf) =	vpush v11, $0xF;
	_ =	sdelay $0xe  }
0x76: {  	s30 =	spop (v2sf)  }
0x77: {  	p1 =	sgt.f32 s30, $0.0e+00  }
.Ltmp8:
0x78: {  	_ = 	snop;
	(pc) =	sbr.rel @!p1 .LBB2_13-.Ltmp8, $1  }
0x79: {  	_ =	sdelay $0x3  }
0x7a: {  	v11 =	vmov s1  }
0x7b: {  	v11 =	vand.u32 $0x3F, v11  }
0x7c: {  	v11 =	vbroadcast v11, $0x0;
	_ =	sdelay $0x1  }
0x7d: {  	s30 =	sadd.s32 $0x1, s1;
	v11 =	vor.u32 v4, v11  }
.LBB2_11:
0x7e: {  	p1 =	sne.s32 s30, $0x3F  }
.Ltmp9:
0x7f: {  	v12 =	vmov s30;
	s30 =	sadd.s32 $0x1, s30;
	(pc) =	sbr.rel @p1 .LBB2_11-.Ltmp9, $4  }
0x80: {  	v12 =	vand.u32 $0x3F, v12  }
0x81: {  	v12 =	vbroadcast v12, $0x0  }
0x82: {  	[tilespmem:v11+s12+$0x0] =	vst.idx.msk vm0, v3  }
0x83: {  	v11 =	vor.u32 v4, v12  }
0x84: {  	_ =	sdelay $0x4  }
0x85: {  	[tilespmem:v11+s12+$0x0] =	vst.idx.msk vm0, v3  }
.LBB2_13:
0x86: {  	s1 =	sor.u32 $0x20, s31  }
0x87: {  	v11 =	vor.u32 s1, v0  }
0x88: {  	v11 =	vmulhi.u32 $0x66666667, v11;
	_ =	sdelay $0x1  }
0x89: {  	v11 =	vshrl.u32 v11, $0x2;
	_ =	sdelay $0x3  }
0x8a: {  	s1 =	simm.s32 $0x0  }
0x8b: {  	v11 =	vld.idx.msk [tilespmem:v11+s1+$0x0], $0xffff;
	_ =	sdelay $0x4  }
0x8c: {  	vm0 =	veq.s32 v11, $0x0  }
0x8d: {  	v11 =	vsel vm0, $0x3F800000, v3  }
0x8e: {  	(xrf0) =	vmax.scan.msk.f32 $0xffff, v11;
	_ =	sdelay $0x5  }
0x8f: {  	v11, _, _ =	vpop (xrf0)  }
0x90: {  	(v2sf) =	vpush v11, $0xF;
	_ =	sdelay $0xe  }
0x91: {  	s30 =	spop (v2sf)  }
0x92: {  	p1 =	sgt.f32 s30, $0.0e+00  }
.Ltmp10:
0x93: {  	_ = 	snop;
	(pc) =	sbr.rel @!p1 .LBB2_17-.Ltmp10, $1  }
0x94: {  	_ =	sdelay $0x3  }
0x95: {  	v11 =	vmov s1  }
0x96: {  	v11 =	vand.u32 $0x3F, v11  }
0x97: {  	v11 =	vbroadcast v11, $0x0;
	_ =	sdelay $0x1  }
0x98: {  	s30 =	sadd.s32 $0x1, s1;
	v11 =	vor.u32 v5, v11  }
.LBB2_15:
0x99: {  	p1 =	sne.s32 s30, $0x3F  }
.Ltmp11:
0x9a: {  	v12 =	vmov s30;
	s30 =	sadd.s32 $0x1, s30;
	(pc) =	sbr.rel @p1 .LBB2_15-.Ltmp11, $4  }
0x9b: {  	v12 =	vand.u32 $0x3F, v12  }
0x9c: {  	v12 =	vbroadcast v12, $0x0  }
0x9d: {  	[tilespmem:v11+s12+$0x0] =	vst.idx.msk vm0, v3  }
0x9e: {  	v11 =	vor.u32 v5, v12  }
0x9f: {  	_ =	sdelay $0x4  }
0xa0: {  	[tilespmem:v11+s12+$0x0] =	vst.idx.msk vm0, v3  }
.LBB2_17:
0xa1: {  	s1 =	sor.u32 $0x30, s31  }
0xa2: {  	v11 =	vor.u32 s1, v0  }
0xa3: {  	v11 =	vmulhi.u32 $0x66666667, v11;
	_ =	sdelay $0x1  }
0xa4: {  	v11 =	vshrl.u32 v11, $0x2;
	_ =	sdelay $0x3  }
0xa5: {  	s1 =	simm.s32 $0x0  }
0xa6: {  	v11 =	vld.idx.msk [tilespmem:v11+s1+$0x0], $0xffff;
	_ =	sdelay $0x4  }
0xa7: {  	vm0 =	veq.s32 v11, $0x0  }
0xa8: {  	v11 =	vsel vm0, $0x3F800000, v3  }
0xa9: {  	(xrf0) =	vmax.scan.msk.f32 $0xffff, v11;
	_ =	sdelay $0x5  }
0xaa: {  	v11, _, _ =	vpop (xrf0)  }
0xab: {  	(v2sf) =	vpush v11, $0xF;
	_ =	sdelay $0xe  }
0xac: {  	s30 =	spop (v2sf)  }
0xad: {  	p1 =	sgt.f32 s30, $0.0e+00  }
.Ltmp12:
0xae: {  	_ = 	snop;
	(pc) =	sbr.rel @!p1 .LBB2_21-.Ltmp12, $1  }
0xaf: {  	_ =	sdelay $0x3  }
0xb0: {  	v11 =	vmov s1  }
0xb1: {  	v11 =	vand.u32 $0x3F, v11  }
0xb2: {  	v11 =	vbroadcast v11, $0x0;
	_ =	sdelay $0x1  }
0xb3: {  	s30 =	sadd.s32 $0x1, s1;
	v11 =	vor.u32 v6, v11  }
.LBB2_19:
0xb4: {  	p1 =	sne.s32 s30, $0x3F  }
.Ltmp13:
0xb5: {  	v12 =	vmov s30;
	s30 =	sadd.s32 $0x1, s30;
	(pc) =	sbr.rel @p1 .LBB2_19-.Ltmp13, $4  }
0xb6: {  	v12 =	vand.u32 $0x3F, v12  }
0xb7: {  	v12 =	vbroadcast v12, $0x0  }
0xb8: {  	[tilespmem:v11+s12+$0x0] =	vst.idx.msk vm0, v3  }
0xb9: {  	v11 =	vor.u32 v6, v12  }
0xba: {  	_ =	sdelay $0x4  }
0xbb: {  	[tilespmem:v11+s12+$0x0] =	vst.idx.msk vm0, v3  }
.LBB2_21:
0xbc: {  	s1 =	sor.u32 $0x40, s31  }
0xbd: {  	v11 =	vor.u32 s1, v0  }
0xbe: {  	v11 =	vmulhi.u32 $0x66666667, v11;
	_ =	sdelay $0x1  }
0xbf: {  	v11 =	vshrl.u32 v11, $0x2;
	_ =	sdelay $0x3  }
0xc0: {  	s1 =	simm.s32 $0x0  }
0xc1: {  	v11 =	vld.idx.msk [tilespmem:v11+s1+$0x0], $0xffff;
	_ =	sdelay $0x4  }
0xc2: {  	vm0 =	veq.s32 v11, $0x0  }
0xc3: {  	v11 =	vsel vm0, $0x3F800000, v3  }
0xc4: {  	(xrf0) =	vmax.scan.msk.f32 $0xffff, v11;
	_ =	sdelay $0x5  }
0xc5: {  	v11, _, _ =	vpop (xrf0)  }
0xc6: {  	(v2sf) =	vpush v11, $0xF;
	_ =	sdelay $0xe  }
0xc7: {  	s30 =	spop (v2sf)  }
0xc8: {  	p1 =	sgt.f32 s30, $0.0e+00  }
.Ltmp14:
0xc9: {  	_ = 	snop;
	(pc) =	sbr.rel @!p1 .LBB2_25-.Ltmp14, $1  }
0xca: {  	_ =	sdelay $0x3  }
0xcb: {  	v11 =	vmov s1  }
0xcc: {  	v11 =	vand.u32 $0x3F, v11  }
0xcd: {  	v11 =	vbroadcast v11, $0x0;
	_ =	sdelay $0x1  }
0xce: {  	s30 =	sadd.s32 $0x1, s1;
	v11 =	vor.u32 v7, v11  }
.LBB2_23:
0xcf: {  	p1 =	sne.s32 s30, $0x3F  }
.Ltmp15:
0xd0: {  	v12 =	vmov s30;
	s30 =	sadd.s32 $0x1, s30;
	(pc) =	sbr.rel @p1 .LBB2_23-.Ltmp15, $4  }
0xd1: {  	v12 =	vand.u32 $0x3F, v12  }
0xd2: {  	v12 =	vbroadcast v12, $0x0  }
0xd3: {  	[tilespmem:v11+s12+$0x0] =	vst.idx.msk vm0, v3  }
0xd4: {  	v11 =	vor.u32 v7, v12  }
0xd5: {  	_ =	sdelay $0x4  }
0xd6: {  	[tilespmem:v11+s12+$0x0] =	vst.idx.msk vm0, v3  }
.LBB2_25:
0xd7: {  	s1 =	sor.u32 $0x50, s31  }
0xd8: {  	v11 =	vor.u32 s1, v0  }
0xd9: {  	v11 =	vmulhi.u32 $0x66666667, v11;
	_ =	sdelay $0x1  }
0xda: {  	v11 =	vshrl.u32 v11, $0x2;
	_ =	sdelay $0x3  }
0xdb: {  	s1 =	simm.s32 $0x0  }
0xdc: {  	v11 =	vld.idx.msk [tilespmem:v11+s1+$0x0], $0xffff;
	_ =	sdelay $0x4  }
0xdd: {  	vm0 =	veq.s32 v11, $0x0  }
0xde: {  	v11 =	vsel vm0, $0x3F800000, v3  }
0xdf: {  	(xrf0) =	vmax.scan.msk.f32 $0xffff, v11;
	_ =	sdelay $0x5  }
0xe0: {  	v11, _, _ =	vpop (xrf0)  }
0xe1: {  	(v2sf) =	vpush v11, $0xF;
	_ =	sdelay $0xe  }
0xe2: {  	s30 =	spop (v2sf)  }
0xe3: {  	p1 =	sgt.f32 s30, $0.0e+00  }
.Ltmp16:
0xe4: {  	_ = 	snop;
	(pc) =	sbr.rel @!p1 .LBB2_29-.Ltmp16, $1  }
0xe5: {  	_ =	sdelay $0x3  }
0xe6: {  	v11 =	vmov s1  }
0xe7: {  	v11 =	vand.u32 $0x3F, v11  }
0xe8: {  	v11 =	vbroadcast v11, $0x0;
	_ =	sdelay $0x1  }
0xe9: {  	s30 =	sadd.s32 $0x1, s1;
	v11 =	vor.u32 v8, v11  }
.LBB2_27:
0xea: {  	p1 =	sne.s32 s30, $0x3F  }
.Ltmp17:
0xeb: {  	v12 =	vmov s30;
	s30 =	sadd.s32 $0x1, s30;
	(pc) =	sbr.rel @p1 .LBB2_27-.Ltmp17, $4  }
0xec: {  	v12 =	vand.u32 $0x3F, v12  }
0xed: {  	v12 =	vbroadcast v12, $0x0  }
0xee: {  	[tilespmem:v11+s12+$0x0] =	vst.idx.msk vm0, v3  }
0xef: {  	v11 =	vor.u32 v8, v12  }
0xf0: {  	_ =	sdelay $0x4  }
0xf1: {  	[tilespmem:v11+s12+$0x0] =	vst.idx.msk vm0, v3  }
.LBB2_29:
0xf2: {  	s1 =	sor.u32 $0x60, s31  }
0xf3: {  	v11 =	vor.u32 s1, v0  }
0xf4: {  	v11 =	vmulhi.u32 $0x66666667, v11;
	_ =	sdelay $0x1  }
0xf5: {  	v11 =	vshrl.u32 v11, $0x2;
	_ =	sdelay $0x3  }
0xf6: {  	s1 =	simm.s32 $0x0  }
0xf7: {  	v11 =	vld.idx.msk [tilespmem:v11+s1+$0x0], $0xffff;
	_ =	sdelay $0x4  }
0xf8: {  	vm0 =	veq.s32 v11, $0x0  }
0xf9: {  	v11 =	vsel vm0, $0x3F800000, v3  }
0xfa: {  	(xrf0) =	vmax.scan.msk.f32 $0xffff, v11;
	_ =	sdelay $0x5  }
0xfb: {  	v11, _, _ =	vpop (xrf0)  }
0xfc: {  	(v2sf) =	vpush v11, $0xF;
	_ =	sdelay $0xe  }
0xfd: {  	s30 =	spop (v2sf)  }
0xfe: {  	p1 =	sgt.f32 s30, $0.0e+00  }
.Ltmp18:
0xff: {  	_ = 	snop;
	(pc) =	sbr.rel @!p1 .LBB2_33-.Ltmp18, $1  }
0x100: {  	_ =	sdelay $0x3  }
0x101: {  	v11 =	vmov s1  }
0x102: {  	v11 =	vand.u32 $0x3F, v11  }
0x103: {  	v11 =	vbroadcast v11, $0x0;
	_ =	sdelay $0x1  }
0x104: {  	s30 =	sadd.s32 $0x1, s1;
	v11 =	vor.u32 v9, v11  }
.LBB2_31:
0x105: {  	p1 =	sne.s32 s30, $0x3F  }
.Ltmp19:
0x106: {  	v12 =	vmov s30;
	s30 =	sadd.s32 $0x1, s30;
	(pc) =	sbr.rel @p1 .LBB2_31-.Ltmp19, $4  }
0x107: {  	v12 =	vand.u32 $0x3F, v12  }
0x108: {  	v12 =	vbroadcast v12, $0x0  }
0x109: {  	[tilespmem:v11+s12+$0x0] =	vst.idx.msk vm0, v3  }
0x10a: {  	v11 =	vor.u32 v9, v12  }
0x10b: {  	_ =	sdelay $0x4  }
0x10c: {  	[tilespmem:v11+s12+$0x0] =	vst.idx.msk vm0, v3  }
.LBB2_33:
0x10d: {  	s1 =	sor.u32 $0x70, s31  }
0x10e: {  	v11 =	vor.u32 s1, v0  }
0x10f: {  	v11 =	vmulhi.u32 $0x66666667, v11;
	_ =	sdelay $0x1  }
0x110: {  	v11 =	vshrl.u32 v11, $0x2;
	_ =	sdelay $0x3  }
0x111: {  	s1 =	simm.s32 $0x0  }
0x112: {  	v11 =	vld.idx.msk [tilespmem:v11+s1+$0x0], $0xffff;
	_ =	sdelay $0x4  }
0x113: {  	vm0 =	veq.s32 v11, $0x0  }
0x114: {  	v11 =	vsel vm0, $0x3F800000, v3  }
0x115: {  	(xrf0) =	vmax.scan.msk.f32 $0xffff, v11;
	_ =	sdelay $0x5  }
0x116: {  	v11, _, _ =	vpop (xrf0)  }
0x117: {  	(v2sf) =	vpush v11, $0xF;
	_ =	sdelay $0xe  }
0x118: {  	s30 =	spop (v2sf)  }
0x119: {  	p1 =	sgt.f32 s30, $0.0e+00  }
.Ltmp20:
0x11a: {  	_ = 	snop;
	(pc) =	sbr.rel @!p1 .LBB2_37-.Ltmp20, $1  }
0x11b: {  	_ =	sdelay $0x3  }
0x11c: {  	v11 =	vmov s1  }
0x11d: {  	v11 =	vand.u32 $0x3F, v11  }
0x11e: {  	v11 =	vbroadcast v11, $0x0;
	_ =	sdelay $0x1  }
0x11f: {  	s30 =	sadd.s32 $0x1, s1;
	v11 =	vor.u32 v10, v11  }
.LBB2_35:
0x120: {  	p1 =	sne.s32 s30, $0x3F  }
.Ltmp21:
0x121: {  	v12 =	vmov s30;
	s30 =	sadd.s32 $0x1, s30;
	(pc) =	sbr.rel @p1 .LBB2_35-.Ltmp21, $4  }
0x122: {  	v12 =	vand.u32 $0x3F, v12  }
0x123: {  	v12 =	vbroadcast v12, $0x0  }
0x124: {  	[tilespmem:v11+s12+$0x0] =	vst.idx.msk vm0, v3  }
0x125: {  	v11 =	vor.u32 v10, v12  }
0x126: {  	_ =	sdelay $0x4  }
0x127: {  	[tilespmem:v11+s12+$0x0] =	vst.idx.msk vm0, v3  }
.LBB2_37:
0x128: {  	p1 =	seq.s32 s29, $0x1F  }
.Ltmp22:
0x129: {  	_ = 	snop;
	(pc) =	sbr.rel @p1 .LBB2_144-.Ltmp22, $4  }
0x12a: {  	s1 =	sadd.s32 s4, s31  }
0x12b: {  	s1 =	sshll.u32 s1, $0x3  }
0x12c: {  	s1 =	sadd.s32 s2, s1  }
0x12d: {  	[hbm4b:s1+s3] =	stream.linear.scatter [tilespmem:s12], [sflag:$0x5], $0x2000, $0x38;
	[tilespmem:$0xC4D0] =	vst v63  }
0x12e: {  	_ =	swait.ge [sflag:s20], $0x2000  }
0x12f: {  	[sflag:s20] =	ssyncset.done $0x0  }
0x130: {  	s30 =	sshll.u32 s29, $0x2;
	s1 =	sadd.s32 $0x840, s31;
	[sflag:s20] =	ssyncadd.s32 $0xFFFFE000  }
0x131: {  	[tilespmem:s12], [sflag:$0x1] =	stream.indirect.gather [hbm4b:s5+s11], $0x40, s1, s11, $0xb8;
	[tilespmem:$0xC4D0] =	vst v63  }
0x132: {  	s1 =	sor.u32 $0x1, s30  }
0x133: {  	p1 =	sgt.u32 s1, $0x7C  }
.Ltmp23:
0x134: {  	_ = 	snop;
	(pc) =	sbr.rel @p1 .LBB2_73-.Ltmp23, $1  }
0x135: {  	_ =	sdelay $0x3  }
.Ltmp24:
0x136: {  	(pc) =	sbr.rel @p0 .LBB2_72-.Ltmp24, $4  }
0x137: {  	_ = 	snop  }
0x138: {  	_ =	swait.ge [sflag:s24], $0x2000  }
0x139: {  	[sflag:s24] =	ssyncset.done $0x0  }
0x13a: {  	s31 =	sshll.u32 s1, $0x7;
	[sflag:s24] =	ssyncadd.s32 $0xFFFFE000  }
0x13b: {  	v11 =	vor.u32 s31, v0  }
0x13c: {  	v11 =	vmulhi.u32 $0x66666667, v11;
	_ =	sdelay $0x1  }
0x13d: {  	v11 =	vshrl.u32 v11, $0x2;
	_ =	sdelay $0x3  }
0x13e: {  	s1 =	simm.s32 $0x0  }
0x13f: {  	v11 =	vld.idx.msk [tilespmem:v11+s1+$0x0], $0xffff;
	_ =	sdelay $0x4  }
0x140: {  	vm0 =	veq.s32 v11, $0x0  }
0x141: {  	v11 =	vsel vm0, $0x3F800000, v3  }
0x142: {  	(xrf0) =	vmax.scan.msk.f32 $0xffff, v11;
	_ =	sdelay $0x5  }
0x143: {  	v11, _, _ =	vpop (xrf0)  }
0x144: {  	(v2sf) =	vpush v11, $0xF;
	_ =	sdelay $0xe  }
0x145: {  	s0 =	spop (v2sf)  }
0x146: {  	p1 =	sgt.f32 s0, $0.0e+00  }
.Ltmp25:
0x147: {  	_ = 	snop;
	(pc) =	sbr.rel @!p1 .LBB2_44-.Ltmp25, $1  }
0x148: {  	_ =	sdelay $0x3  }
0x149: {  	v11 =	vmov s1  }
0x14a: {  	v11 =	vand.u32 $0x3F, v11  }
0x14b: {  	v11 =	vbroadcast v11, $0x0;
	_ =	sdelay $0x1  }
0x14c: {  	s1 =	sadd.s32 $0x1, s1;
	v11 =	vor.u32 v1, v11  }
.LBB2_42:
0x14d: {  	p1 =	sne.s32 s1, $0x3F  }
.Ltmp26:
0x14e: {  	v12 =	vmov s1;
	s1 =	sadd.s32 $0x1, s1;
	(pc) =	sbr.rel @p1 .LBB2_42-.Ltmp26, $4  }
0x14f: {  	v12 =	vand.u32 $0x3F, v12  }
0x150: {  	v12 =	vbroadcast v12, $0x0  }
0x151: {  	[tilespmem:v11+s14+$0x0] =	vst.idx.msk vm0, v3  }
0x152: {  	v11 =	vor.u32 v1, v12  }
0x153: {  	_ =	sdelay $0x4  }
0x154: {  	[tilespmem:v11+s14+$0x0] =	vst.idx.msk vm0, v3  }
.LBB2_44:
0x155: {  	s0 =	sor.u32 $0x10, s31  }
0x156: {  	v11 =	vor.u32 s0, v0  }
0x157: {  	v11 =	vmulhi.u32 $0x66666667, v11;
	_ =	sdelay $0x1  }
0x158: {  	v11 =	vshrl.u32 v11, $0x2;
	_ =	sdelay $0x3  }
0x159: {  	s1 =	simm.s32 $0x0  }
0x15a: {  	v11 =	vld.idx.msk [tilespmem:v11+s1+$0x0], $0xffff;
	_ =	sdelay $0x4  }
0x15b: {  	vm0 =	veq.s32 v11, $0x0  }
0x15c: {  	v11 =	vsel vm0, $0x3F800000, v3  }
0x15d: {  	(xrf0) =	vmax.scan.msk.f32 $0xffff, v11;
	_ =	sdelay $0x5  }
0x15e: {  	v11, _, _ =	vpop (xrf0)  }
0x15f: {  	(v2sf) =	vpush v11, $0xF;
	_ =	sdelay $0xe  }
0x160: {  	s0 =	spop (v2sf)  }
0x161: {  	p1 =	sgt.f32 s0, $0.0e+00  }
.Ltmp27:
0x162: {  	_ = 	snop;
	(pc) =	sbr.rel @!p1 .LBB2_48-.Ltmp27, $1  }
0x163: {  	_ =	sdelay $0x3  }
0x164: {  	v11 =	vmov s1  }
0x165: {  	v11 =	vand.u32 $0x3F, v11  }
0x166: {  	v11 =	vbroadcast v11, $0x0;
	_ =	sdelay $0x1  }
0x167: {  	s1 =	sadd.s32 $0x1, s1;
	v11 =	vor.u32 v4, v11  }
.LBB2_46:
0x168: {  	p1 =	sne.s32 s1, $0x3F  }
.Ltmp28:
0x169: {  	v12 =	vmov s1;
	s1 =	sadd.s32 $0x1, s1;
	(pc) =	sbr.rel @p1 .LBB2_46-.Ltmp28, $4  }
0x16a: {  	v12 =	vand.u32 $0x3F, v12  }
0x16b: {  	v12 =	vbroadcast v12, $0x0  }
0x16c: {  	[tilespmem:v11+s14+$0x0] =	vst.idx.msk vm0, v3  }
0x16d: {  	v11 =	vor.u32 v4, v12  }
0x16e: {  	_ =	sdelay $0x4  }
0x16f: {  	[tilespmem:v11+s14+$0x0] =	vst.idx.msk vm0, v3  }
.LBB2_48:
0x170: {  	s0 =	sor.u32 $0x20, s31  }
0x171: {  	v11 =	vor.u32 s0, v0  }
0x172: {  	v11 =	vmulhi.u32 $0x66666667, v11;
	_ =	sdelay $0x1  }
0x173: {  	v11 =	vshrl.u32 v11, $0x2;
	_ =	sdelay $0x3  }
0x174: {  	s1 =	simm.s32 $0x0  }
0x175: {  	v11 =	vld.idx.msk [tilespmem:v11+s1+$0x0], $0xffff;
	_ =	sdelay $0x4  }
0x176: {  	vm0 =	veq.s32 v11, $0x0  }
0x177: {  	v11 =	vsel vm0, $0x3F800000, v3  }
0x178: {  	(xrf0) =	vmax.scan.msk.f32 $0xffff, v11;
	_ =	sdelay $0x5  }
0x179: {  	v11, _, _ =	vpop (xrf0)  }
0x17a: {  	(v2sf) =	vpush v11, $0xF;
	_ =	sdelay $0xe  }
0x17b: {  	s0 =	spop (v2sf)  }
0x17c: {  	p1 =	sgt.f32 s0, $0.0e+00  }
.Ltmp29:
0x17d: {  	_ = 	snop;
	(pc) =	sbr.rel @!p1 .LBB2_52-.Ltmp29, $1  }
0x17e: {  	_ =	sdelay $0x3  }
0x17f: {  	v11 =	vmov s1  }
0x180: {  	v11 =	vand.u32 $0x3F, v11  }
0x181: {  	v11 =	vbroadcast v11, $0x0;
	_ =	sdelay $0x1  }
0x182: {  	s1 =	sadd.s32 $0x1, s1;
	v11 =	vor.u32 v5, v11  }
.LBB2_50:
0x183: {  	p1 =	sne.s32 s1, $0x3F  }
.Ltmp30:
0x184: {  	v12 =	vmov s1;
	s1 =	sadd.s32 $0x1, s1;
	(pc) =	sbr.rel @p1 .LBB2_50-.Ltmp30, $4  }
0x185: {  	v12 =	vand.u32 $0x3F, v12  }
0x186: {  	v12 =	vbroadcast v12, $0x0  }
0x187: {  	[tilespmem:v11+s14+$0x0] =	vst.idx.msk vm0, v3  }
0x188: {  	v11 =	vor.u32 v5, v12  }
0x189: {  	_ =	sdelay $0x4  }
0x18a: {  	[tilespmem:v11+s14+$0x0] =	vst.idx.msk vm0, v3  }
.LBB2_52:
0x18b: {  	s0 =	sor.u32 $0x30, s31  }
0x18c: {  	v11 =	vor.u32 s0, v0  }
0x18d: {  	v11 =	vmulhi.u32 $0x66666667, v11;
	_ =	sdelay $0x1  }
0x18e: {  	v11 =	vshrl.u32 v11, $0x2;
	_ =	sdelay $0x3  }
0x18f: {  	s1 =	simm.s32 $0x0  }
0x190: {  	v11 =	vld.idx.msk [tilespmem:v11+s1+$0x0], $0xffff;
	_ =	sdelay $0x4  }
0x191: {  	vm0 =	veq.s32 v11, $0x0  }
0x192: {  	v11 =	vsel vm0, $0x3F800000, v3  }
0x193: {  	(xrf0) =	vmax.scan.msk.f32 $0xffff, v11;
	_ =	sdelay $0x5  }
0x194: {  	v11, _, _ =	vpop (xrf0)  }
0x195: {  	(v2sf) =	vpush v11, $0xF;
	_ =	sdelay $0xe  }
0x196: {  	s0 =	spop (v2sf)  }
0x197: {  	p1 =	sgt.f32 s0, $0.0e+00  }
.Ltmp31:
0x198: {  	_ = 	snop;
	(pc) =	sbr.rel @!p1 .LBB2_56-.Ltmp31, $1  }
0x199: {  	_ =	sdelay $0x3  }
0x19a: {  	v11 =	vmov s1  }
0x19b: {  	v11 =	vand.u32 $0x3F, v11  }
0x19c: {  	v11 =	vbroadcast v11, $0x0;
	_ =	sdelay $0x1  }
0x19d: {  	s1 =	sadd.s32 $0x1, s1;
	v11 =	vor.u32 v6, v11  }
.LBB2_54:
0x19e: {  	p1 =	sne.s32 s1, $0x3F  }
.Ltmp32:
0x19f: {  	v12 =	vmov s1;
	s1 =	sadd.s32 $0x1, s1;
	(pc) =	sbr.rel @p1 .LBB2_54-.Ltmp32, $4  }
0x1a0: {  	v12 =	vand.u32 $0x3F, v12  }
0x1a1: {  	v12 =	vbroadcast v12, $0x0  }
0x1a2: {  	[tilespmem:v11+s14+$0x0] =	vst.idx.msk vm0, v3  }
0x1a3: {  	v11 =	vor.u32 v6, v12  }
0x1a4: {  	_ =	sdelay $0x4  }
0x1a5: {  	[tilespmem:v11+s14+$0x0] =	vst.idx.msk vm0, v3  }
.LBB2_56:
0x1a6: {  	s0 =	sor.u32 $0x40, s31  }
0x1a7: {  	v11 =	vor.u32 s0, v0  }
0x1a8: {  	v11 =	vmulhi.u32 $0x66666667, v11;
	_ =	sdelay $0x1  }
0x1a9: {  	v11 =	vshrl.u32 v11, $0x2;
	_ =	sdelay $0x3  }
0x1aa: {  	s1 =	simm.s32 $0x0  }
0x1ab: {  	v11 =	vld.idx.msk [tilespmem:v11+s1+$0x0], $0xffff;
	_ =	sdelay $0x4  }
0x1ac: {  	vm0 =	veq.s32 v11, $0x0  }
0x1ad: {  	v11 =	vsel vm0, $0x3F800000, v3  }
0x1ae: {  	(xrf0) =	vmax.scan.msk.f32 $0xffff, v11;
	_ =	sdelay $0x5  }
0x1af: {  	v11, _, _ =	vpop (xrf0)  }
0x1b0: {  	(v2sf) =	vpush v11, $0xF;
	_ =	sdelay $0xe  }
0x1b1: {  	s0 =	spop (v2sf)  }
0x1b2: {  	p1 =	sgt.f32 s0, $0.0e+00  }
.Ltmp33:
0x1b3: {  	_ = 	snop;
	(pc) =	sbr.rel @!p1 .LBB2_60-.Ltmp33, $1  }
0x1b4: {  	_ =	sdelay $0x3  }
0x1b5: {  	v11 =	vmov s1  }
0x1b6: {  	v11 =	vand.u32 $0x3F, v11  }
0x1b7: {  	v11 =	vbroadcast v11, $0x0;
	_ =	sdelay $0x1  }
0x1b8: {  	s1 =	sadd.s32 $0x1, s1;
	v11 =	vor.u32 v7, v11  }
.LBB2_58:
0x1b9: {  	p1 =	sne.s32 s1, $0x3F  }
.Ltmp34:
0x1ba: {  	v12 =	vmov s1;
	s1 =	sadd.s32 $0x1, s1;
	(pc) =	sbr.rel @p1 .LBB2_58-.Ltmp34, $4  }
0x1bb: {  	v12 =	vand.u32 $0x3F, v12  }
0x1bc: {  	v12 =	vbroadcast v12, $0x0  }
0x1bd: {  	[tilespmem:v11+s14+$0x0] =	vst.idx.msk vm0, v3  }
0x1be: {  	v11 =	vor.u32 v7, v12  }
0x1bf: {  	_ =	sdelay $0x4  }
0x1c0: {  	[tilespmem:v11+s14+$0x0] =	vst.idx.msk vm0, v3  }
.LBB2_60:
0x1c1: {  	s0 =	sor.u32 $0x50, s31  }
0x1c2: {  	v11 =	vor.u32 s0, v0  }
0x1c3: {  	v11 =	vmulhi.u32 $0x66666667, v11;
	_ =	sdelay $0x1  }
0x1c4: {  	v11 =	vshrl.u32 v11, $0x2;
	_ =	sdelay $0x3  }
0x1c5: {  	s1 =	simm.s32 $0x0  }
0x1c6: {  	v11 =	vld.idx.msk [tilespmem:v11+s1+$0x0], $0xffff;
	_ =	sdelay $0x4  }
0x1c7: {  	vm0 =	veq.s32 v11, $0x0  }
0x1c8: {  	v11 =	vsel vm0, $0x3F800000, v3  }
0x1c9: {  	(xrf0) =	vmax.scan.msk.f32 $0xffff, v11;
	_ =	sdelay $0x5  }
0x1ca: {  	v11, _, _ =	vpop (xrf0)  }
0x1cb: {  	(v2sf) =	vpush v11, $0xF;
	_ =	sdelay $0xe  }
0x1cc: {  	s0 =	spop (v2sf)  }
0x1cd: {  	p1 =	sgt.f32 s0, $0.0e+00  }
.Ltmp35:
0x1ce: {  	_ = 	snop;
	(pc) =	sbr.rel @!p1 .LBB2_64-.Ltmp35, $1  }
0x1cf: {  	_ =	sdelay $0x3  }
0x1d0: {  	v11 =	vmov s1  }
0x1d1: {  	v11 =	vand.u32 $0x3F, v11  }
0x1d2: {  	v11 =	vbroadcast v11, $0x0;
	_ =	sdelay $0x1  }
0x1d3: {  	s1 =	sadd.s32 $0x1, s1;
	v11 =	vor.u32 v8, v11  }
.LBB2_62:
0x1d4: {  	p1 =	sne.s32 s1, $0x3F  }
.Ltmp36:
0x1d5: {  	v12 =	vmov s1;
	s1 =	sadd.s32 $0x1, s1;
	(pc) =	sbr.rel @p1 .LBB2_62-.Ltmp36, $4  }
0x1d6: {  	v12 =	vand.u32 $0x3F, v12  }
0x1d7: {  	v12 =	vbroadcast v12, $0x0  }
0x1d8: {  	[tilespmem:v11+s14+$0x0] =	vst.idx.msk vm0, v3  }
0x1d9: {  	v11 =	vor.u32 v8, v12  }
0x1da: {  	_ =	sdelay $0x4  }
0x1db: {  	[tilespmem:v11+s14+$0x0] =	vst.idx.msk vm0, v3  }
.LBB2_64:
0x1dc: {  	s0 =	sor.u32 $0x60, s31  }
0x1dd: {  	v11 =	vor.u32 s0, v0  }
0x1de: {  	v11 =	vmulhi.u32 $0x66666667, v11;
	_ =	sdelay $0x1  }
0x1df: {  	v11 =	vshrl.u32 v11, $0x2;
	_ =	sdelay $0x3  }
0x1e0: {  	s1 =	simm.s32 $0x0  }
0x1e1: {  	v11 =	vld.idx.msk [tilespmem:v11+s1+$0x0], $0xffff;
	_ =	sdelay $0x4  }
0x1e2: {  	vm0 =	veq.s32 v11, $0x0  }
0x1e3: {  	v11 =	vsel vm0, $0x3F800000, v3  }
0x1e4: {  	(xrf0) =	vmax.scan.msk.f32 $0xffff, v11;
	_ =	sdelay $0x5  }
0x1e5: {  	v11, _, _ =	vpop (xrf0)  }
0x1e6: {  	(v2sf) =	vpush v11, $0xF;
	_ =	sdelay $0xe  }
0x1e7: {  	s0 =	spop (v2sf)  }
0x1e8: {  	p1 =	sgt.f32 s0, $0.0e+00  }
.Ltmp37:
0x1e9: {  	_ = 	snop;
	(pc) =	sbr.rel @!p1 .LBB2_68-.Ltmp37, $1  }
0x1ea: {  	_ =	sdelay $0x3  }
0x1eb: {  	v11 =	vmov s1  }
0x1ec: {  	v11 =	vand.u32 $0x3F, v11  }
0x1ed: {  	v11 =	vbroadcast v11, $0x0;
	_ =	sdelay $0x1  }
0x1ee: {  	s1 =	sadd.s32 $0x1, s1;
	v11 =	vor.u32 v9, v11  }
.LBB2_66:
0x1ef: {  	p1 =	sne.s32 s1, $0x3F  }
.Ltmp38:
0x1f0: {  	v12 =	vmov s1;
	s1 =	sadd.s32 $0x1, s1;
	(pc) =	sbr.rel @p1 .LBB2_66-.Ltmp38, $4  }
0x1f1: {  	v12 =	vand.u32 $0x3F, v12  }
0x1f2: {  	v12 =	vbroadcast v12, $0x0  }
0x1f3: {  	[tilespmem:v11+s14+$0x0] =	vst.idx.msk vm0, v3  }
0x1f4: {  	v11 =	vor.u32 v9, v12  }
0x1f5: {  	_ =	sdelay $0x4  }
0x1f6: {  	[tilespmem:v11+s14+$0x0] =	vst.idx.msk vm0, v3  }
.LBB2_68:
0x1f7: {  	s0 =	sor.u32 $0x70, s31  }
0x1f8: {  	v11 =	vor.u32 s0, v0  }
0x1f9: {  	v11 =	vmulhi.u32 $0x66666667, v11;
	_ =	sdelay $0x1  }
0x1fa: {  	v11 =	vshrl.u32 v11, $0x2;
	_ =	sdelay $0x3  }
0x1fb: {  	s1 =	simm.s32 $0x0  }
0x1fc: {  	v11 =	vld.idx.msk [tilespmem:v11+s1+$0x0], $0xffff;
	_ =	sdelay $0x4  }
0x1fd: {  	vm0 =	veq.s32 v11, $0x0  }
0x1fe: {  	v11 =	vsel vm0, $0x3F800000, v3  }
0x1ff: {  	(xrf0) =	vmax.scan.msk.f32 $0xffff, v11;
	_ =	sdelay $0x5  }
0x200: {  	v11, _, _ =	vpop (xrf0)  }
0x201: {  	(v2sf) =	vpush v11, $0xF;
	_ =	sdelay $0xe  }
0x202: {  	s0 =	spop (v2sf)  }
0x203: {  	p1 =	sgt.f32 s0, $0.0e+00  }
.Ltmp39:
0x204: {  	_ = 	snop;
	(pc) =	sbr.rel @!p1 .LBB2_72-.Ltmp39, $1  }
0x205: {  	_ =	sdelay $0x3  }
0x206: {  	v11 =	vmov s1  }
0x207: {  	v11 =	vand.u32 $0x3F, v11  }
0x208: {  	v11 =	vbroadcast v11, $0x0;
	_ =	sdelay $0x1  }
0x209: {  	s1 =	sadd.s32 $0x1, s1;
	v11 =	vor.u32 v10, v11  }
.LBB2_70:
0x20a: {  	p1 =	sne.s32 s1, $0x3F  }
.Ltmp40:
0x20b: {  	v12 =	vmov s1;
	s1 =	sadd.s32 $0x1, s1;
	(pc) =	sbr.rel @p1 .LBB2_70-.Ltmp40, $4  }
0x20c: {  	v12 =	vand.u32 $0x3F, v12  }
0x20d: {  	v12 =	vbroadcast v12, $0x0  }
0x20e: {  	[tilespmem:v11+s14+$0x0] =	vst.idx.msk vm0, v3  }
0x20f: {  	v11 =	vor.u32 v10, v12  }
0x210: {  	_ =	sdelay $0x4  }
0x211: {  	[tilespmem:v11+s14+$0x0] =	vst.idx.msk vm0, v3  }
.LBB2_72:
0x212: {  	s0 =	sadd.s32 s4, s31  }
0x213: {  	s0 =	sshll.u32 s0, $0x3  }
0x214: {  	s0 =	sand.u32 $0x1FFFFC00, s0  }
0x215: {  	p1 =	sgt.u32 s29, $0x1D;
	s0 =	sadd.s32 s2, s0  }
0x216: {  	[hbm4b:s0+s3] =	stream.linear.scatter [tilespmem:s14], [sflag:$0x6], $0x2000, $0x38;
	[tilespmem:$0xC4D0] =	vst v63  }
0x217: {  	s0 =	simm.s32 @!p1 $0x6  }
0x218: {  	_ =	swait.ge @!p1 [sflag:s0], $0x2000  }
0x219: {  	s1 =	simm.s32 @!p1 $0x80;
	[sflag:s0] =	ssyncset.done @!p1 $0x0  }
0x21a: {  	[sflag:s0] =	ssyncadd.s32 @!p1 $0xFFFFE000;
	s0 =	sadd.s32 @!p1 $0x840, s31;
	s31 =	simm.s32 @!p1 $0x64D0  }
0x21b: {  	[tilespmem:s31], [sflag:$0x2] =	stream.indirect.gather @!p1 [hbm4b:s5+s1], $0x40, s0, s1, $0xb8;
	[tilespmem:$0xC4D0] =	vst v63  }
.LBB2_73:
0x21c: {  	s1 =	sor.u32 $0x2, s30  }
0x21d: {  	p1 =	sgt.u32 s1, $0x7C  }
.Ltmp41:
0x21e: {  	_ = 	snop;
	(pc) =	sbr.rel @p1 .LBB2_108-.Ltmp41, $1  }
0x21f: {  	_ =	sdelay $0x3  }
.Ltmp42:
0x220: {  	(pc) =	sbr.rel @p0 .LBB2_107-.Ltmp42, $4  }
0x221: {  	_ = 	snop  }
0x222: {  	_ =	swait.ge [sflag:s25], $0x2000  }
0x223: {  	[sflag:s25] =	ssyncset.done $0x0  }
0x224: {  	s31 =	sshll.u32 s1, $0x7;
	[sflag:s25] =	ssyncadd.s32 $0xFFFFE000  }
0x225: {  	v11 =	vor.u32 s31, v0  }
0x226: {  	v11 =	vmulhi.u32 $0x66666667, v11;
	_ =	sdelay $0x1  }
0x227: {  	v11 =	vshrl.u32 v11, $0x2;
	_ =	sdelay $0x3  }
0x228: {  	s1 =	simm.s32 $0x0  }
0x229: {  	v11 =	vld.idx.msk [tilespmem:v11+s1+$0x0], $0xffff;
	_ =	sdelay $0x4  }
0x22a: {  	vm0 =	veq.s32 v11, $0x0  }
0x22b: {  	v11 =	vsel vm0, $0x3F800000, v3  }
0x22c: {  	(xrf0) =	vmax.scan.msk.f32 $0xffff, v11;
	_ =	sdelay $0x5  }
0x22d: {  	v11, _, _ =	vpop (xrf0)  }
0x22e: {  	(v2sf) =	vpush v11, $0xF;
	_ =	sdelay $0xe  }
0x22f: {  	s0 =	spop (v2sf)  }
0x230: {  	p1 =	sgt.f32 s0, $0.0e+00  }
.Ltmp43:
0x231: {  	_ = 	snop;
	(pc) =	sbr.rel @!p1 .LBB2_79-.Ltmp43, $1  }
0x232: {  	_ =	sdelay $0x3  }
0x233: {  	v11 =	vmov s1  }
0x234: {  	v11 =	vand.u32 $0x3F, v11  }
0x235: {  	v11 =	vbroadcast v11, $0x0;
	_ =	sdelay $0x1  }
0x236: {  	s1 =	sadd.s32 $0x1, s1;
	v11 =	vor.u32 v1, v11  }
.LBB2_77:
0x237: {  	p1 =	sne.s32 s1, $0x3F  }
.Ltmp44:
0x238: {  	v12 =	vmov s1;
	s1 =	sadd.s32 $0x1, s1;
	(pc) =	sbr.rel @p1 .LBB2_77-.Ltmp44, $4  }
0x239: {  	v12 =	vand.u32 $0x3F, v12  }
0x23a: {  	v12 =	vbroadcast v12, $0x0  }
0x23b: {  	[tilespmem:v11+s16+$0x0] =	vst.idx.msk vm0, v3  }
0x23c: {  	v11 =	vor.u32 v1, v12  }
0x23d: {  	_ =	sdelay $0x4  }
0x23e: {  	[tilespmem:v11+s16+$0x0] =	vst.idx.msk vm0, v3  }
.LBB2_79:
0x23f: {  	s0 =	sor.u32 $0x10, s31  }
0x240: {  	v11 =	vor.u32 s0, v0  }
0x241: {  	v11 =	vmulhi.u32 $0x66666667, v11;
	_ =	sdelay $0x1  }
0x242: {  	v11 =	vshrl.u32 v11, $0x2;
	_ =	sdelay $0x3  }
0x243: {  	s1 =	simm.s32 $0x0  }
0x244: {  	v11 =	vld.idx.msk [tilespmem:v11+s1+$0x0], $0xffff;
	_ =	sdelay $0x4  }
0x245: {  	vm0 =	veq.s32 v11, $0x0  }
0x246: {  	v11 =	vsel vm0, $0x3F800000, v3  }
0x247: {  	(xrf0) =	vmax.scan.msk.f32 $0xffff, v11;
	_ =	sdelay $0x5  }
0x248: {  	v11, _, _ =	vpop (xrf0)  }
0x249: {  	(v2sf) =	vpush v11, $0xF;
	_ =	sdelay $0xe  }
0x24a: {  	s0 =	spop (v2sf)  }
0x24b: {  	p1 =	sgt.f32 s0, $0.0e+00  }
.Ltmp45:
0x24c: {  	_ = 	snop;
	(pc) =	sbr.rel @!p1 .LBB2_83-.Ltmp45, $1  }
0x24d: {  	_ =	sdelay $0x3  }
0x24e: {  	v11 =	vmov s1  }
0x24f: {  	v11 =	vand.u32 $0x3F, v11  }
0x250: {  	v11 =	vbroadcast v11, $0x0;
	_ =	sdelay $0x1  }
0x251: {  	s1 =	sadd.s32 $0x1, s1;
	v11 =	vor.u32 v4, v11  }
.LBB2_81:
0x252: {  	p1 =	sne.s32 s1, $0x3F  }
.Ltmp46:
0x253: {  	v12 =	vmov s1;
	s1 =	sadd.s32 $0x1, s1;
	(pc) =	sbr.rel @p1 .LBB2_81-.Ltmp46, $4  }
0x254: {  	v12 =	vand.u32 $0x3F, v12  }
0x255: {  	v12 =	vbroadcast v12, $0x0  }
0x256: {  	[tilespmem:v11+s16+$0x0] =	vst.idx.msk vm0, v3  }
0x257: {  	v11 =	vor.u32 v4, v12  }
0x258: {  	_ =	sdelay $0x4  }
0x259: {  	[tilespmem:v11+s16+$0x0] =	vst.idx.msk vm0, v3  }
.LBB2_83:
0x25a: {  	s0 =	sor.u32 $0x20, s31  }
0x25b: {  	v11 =	vor.u32 s0, v0  }
0x25c: {  	v11 =	vmulhi.u32 $0x66666667, v11;
	_ =	sdelay $0x1  }
0x25d: {  	v11 =	vshrl.u32 v11, $0x2;
	_ =	sdelay $0x3  }
0x25e: {  	s1 =	simm.s32 $0x0  }
0x25f: {  	v11 =	vld.idx.msk [tilespmem:v11+s1+$0x0], $0xffff;
	_ =	sdelay $0x4  }
0x260: {  	vm0 =	veq.s32 v11, $0x0  }
0x261: {  	v11 =	vsel vm0, $0x3F800000, v3  }
0x262: {  	(xrf0) =	vmax.scan.msk.f32 $0xffff, v11;
	_ =	sdelay $0x5  }
0x263: {  	v11, _, _ =	vpop (xrf0)  }
0x264: {  	(v2sf) =	vpush v11, $0xF;
	_ =	sdelay $0xe  }
0x265: {  	s0 =	spop (v2sf)  }
0x266: {  	p1 =	sgt.f32 s0, $0.0e+00  }
.Ltmp47:
0x267: {  	_ = 	snop;
	(pc) =	sbr.rel @!p1 .LBB2_87-.Ltmp47, $1  }
0x268: {  	_ =	sdelay $0x3  }
0x269: {  	v11 =	vmov s1  }
0x26a: {  	v11 =	vand.u32 $0x3F, v11  }
0x26b: {  	v11 =	vbroadcast v11, $0x0;
	_ =	sdelay $0x1  }
0x26c: {  	s1 =	sadd.s32 $0x1, s1;
	v11 =	vor.u32 v5, v11  }
.LBB2_85:
0x26d: {  	p1 =	sne.s32 s1, $0x3F  }
.Ltmp48:
0x26e: {  	v12 =	vmov s1;
	s1 =	sadd.s32 $0x1, s1;
	(pc) =	sbr.rel @p1 .LBB2_85-.Ltmp48, $4  }
0x26f: {  	v12 =	vand.u32 $0x3F, v12  }
0x270: {  	v12 =	vbroadcast v12, $0x0  }
0x271: {  	[tilespmem:v11+s16+$0x0] =	vst.idx.msk vm0, v3  }
0x272: {  	v11 =	vor.u32 v5, v12  }
0x273: {  	_ =	sdelay $0x4  }
0x274: {  	[tilespmem:v11+s16+$0x0] =	vst.idx.msk vm0, v3  }
.LBB2_87:
0x275: {  	s0 =	sor.u32 $0x30, s31  }
0x276: {  	v11 =	vor.u32 s0, v0  }
0x277: {  	v11 =	vmulhi.u32 $0x66666667, v11;
	_ =	sdelay $0x1  }
0x278: {  	v11 =	vshrl.u32 v11, $0x2;
	_ =	sdelay $0x3  }
0x279: {  	s1 =	simm.s32 $0x0  }
0x27a: {  	v11 =	vld.idx.msk [tilespmem:v11+s1+$0x0], $0xffff;
	_ =	sdelay $0x4  }
0x27b: {  	vm0 =	veq.s32 v11, $0x0  }
0x27c: {  	v11 =	vsel vm0, $0x3F800000, v3  }
0x27d: {  	(xrf0) =	vmax.scan.msk.f32 $0xffff, v11;
	_ =	sdelay $0x5  }
0x27e: {  	v11, _, _ =	vpop (xrf0)  }
0x27f: {  	(v2sf) =	vpush v11, $0xF;
	_ =	sdelay $0xe  }
0x280: {  	s0 =	spop (v2sf)  }
0x281: {  	p1 =	sgt.f32 s0, $0.0e+00  }
.Ltmp49:
0x282: {  	_ = 	snop;
	(pc) =	sbr.rel @!p1 .LBB2_91-.Ltmp49, $1  }
0x283: {  	_ =	sdelay $0x3  }
0x284: {  	v11 =	vmov s1  }
0x285: {  	v11 =	vand.u32 $0x3F, v11  }
0x286: {  	v11 =	vbroadcast v11, $0x0;
	_ =	sdelay $0x1  }
0x287: {  	s1 =	sadd.s32 $0x1, s1;
	v11 =	vor.u32 v6, v11  }
.LBB2_89:
0x288: {  	p1 =	sne.s32 s1, $0x3F  }
.Ltmp50:
0x289: {  	v12 =	vmov s1;
	s1 =	sadd.s32 $0x1, s1;
	(pc) =	sbr.rel @p1 .LBB2_89-.Ltmp50, $4  }
0x28a: {  	v12 =	vand.u32 $0x3F, v12  }
0x28b: {  	v12 =	vbroadcast v12, $0x0  }
0x28c: {  	[tilespmem:v11+s16+$0x0] =	vst.idx.msk vm0, v3  }
0x28d: {  	v11 =	vor.u32 v6, v12  }
0x28e: {  	_ =	sdelay $0x4  }
0x28f: {  	[tilespmem:v11+s16+$0x0] =	vst.idx.msk vm0, v3  }
.LBB2_91:
0x290: {  	s0 =	sor.u32 $0x40, s31  }
0x291: {  	v11 =	vor.u32 s0, v0  }
0x292: {  	v11 =	vmulhi.u32 $0x66666667, v11;
	_ =	sdelay $0x1  }
0x293: {  	v11 =	vshrl.u32 v11, $0x2;
	_ =	sdelay $0x3  }
0x294: {  	s1 =	simm.s32 $0x0  }
0x295: {  	v11 =	vld.idx.msk [tilespmem:v11+s1+$0x0], $0xffff;
	_ =	sdelay $0x4  }
0x296: {  	vm0 =	veq.s32 v11, $0x0  }
0x297: {  	v11 =	vsel vm0, $0x3F800000, v3  }
0x298: {  	(xrf0) =	vmax.scan.msk.f32 $0xffff, v11;
	_ =	sdelay $0x5  }
0x299: {  	v11, _, _ =	vpop (xrf0)  }
0x29a: {  	(v2sf) =	vpush v11, $0xF;
	_ =	sdelay $0xe  }
0x29b: {  	s0 =	spop (v2sf)  }
0x29c: {  	p1 =	sgt.f32 s0, $0.0e+00  }
.Ltmp51:
0x29d: {  	_ = 	snop;
	(pc) =	sbr.rel @!p1 .LBB2_95-.Ltmp51, $1  }
0x29e: {  	_ =	sdelay $0x3  }
0x29f: {  	v11 =	vmov s1  }
0x2a0: {  	v11 =	vand.u32 $0x3F, v11  }
0x2a1: {  	v11 =	vbroadcast v11, $0x0;
	_ =	sdelay $0x1  }
0x2a2: {  	s1 =	sadd.s32 $0x1, s1;
	v11 =	vor.u32 v7, v11  }
.LBB2_93:
0x2a3: {  	p1 =	sne.s32 s1, $0x3F  }
.Ltmp52:
0x2a4: {  	v12 =	vmov s1;
	s1 =	sadd.s32 $0x1, s1;
	(pc) =	sbr.rel @p1 .LBB2_93-.Ltmp52, $4  }
0x2a5: {  	v12 =	vand.u32 $0x3F, v12  }
0x2a6: {  	v12 =	vbroadcast v12, $0x0  }
0x2a7: {  	[tilespmem:v11+s16+$0x0] =	vst.idx.msk vm0, v3  }
0x2a8: {  	v11 =	vor.u32 v7, v12  }
0x2a9: {  	_ =	sdelay $0x4  }
0x2aa: {  	[tilespmem:v11+s16+$0x0] =	vst.idx.msk vm0, v3  }
.LBB2_95:
0x2ab: {  	s0 =	sor.u32 $0x50, s31  }
0x2ac: {  	v11 =	vor.u32 s0, v0  }
0x2ad: {  	v11 =	vmulhi.u32 $0x66666667, v11;
	_ =	sdelay $0x1  }
0x2ae: {  	v11 =	vshrl.u32 v11, $0x2;
	_ =	sdelay $0x3  }
0x2af: {  	s1 =	simm.s32 $0x0  }
0x2b0: {  	v11 =	vld.idx.msk [tilespmem:v11+s1+$0x0], $0xffff;
	_ =	sdelay $0x4  }
0x2b1: {  	vm0 =	veq.s32 v11, $0x0  }
0x2b2: {  	v11 =	vsel vm0, $0x3F800000, v3  }
0x2b3: {  	(xrf0) =	vmax.scan.msk.f32 $0xffff, v11;
	_ =	sdelay $0x5  }
0x2b4: {  	v11, _, _ =	vpop (xrf0)  }
0x2b5: {  	(v2sf) =	vpush v11, $0xF;
	_ =	sdelay $0xe  }
0x2b6: {  	s0 =	spop (v2sf)  }
0x2b7: {  	p1 =	sgt.f32 s0, $0.0e+00  }
.Ltmp53:
0x2b8: {  	_ = 	snop;
	(pc) =	sbr.rel @!p1 .LBB2_99-.Ltmp53, $1  }
0x2b9: {  	_ =	sdelay $0x3  }
0x2ba: {  	v11 =	vmov s1  }
0x2bb: {  	v11 =	vand.u32 $0x3F, v11  }
0x2bc: {  	v11 =	vbroadcast v11, $0x0;
	_ =	sdelay $0x1  }
0x2bd: {  	s1 =	sadd.s32 $0x1, s1;
	v11 =	vor.u32 v8, v11  }
.LBB2_97:
0x2be: {  	p1 =	sne.s32 s1, $0x3F  }
.Ltmp54:
0x2bf: {  	v12 =	vmov s1;
	s1 =	sadd.s32 $0x1, s1;
	(pc) =	sbr.rel @p1 .LBB2_97-.Ltmp54, $4  }
0x2c0: {  	v12 =	vand.u32 $0x3F, v12  }
0x2c1: {  	v12 =	vbroadcast v12, $0x0  }
0x2c2: {  	[tilespmem:v11+s16+$0x0] =	vst.idx.msk vm0, v3  }
0x2c3: {  	v11 =	vor.u32 v8, v12  }
0x2c4: {  	_ =	sdelay $0x4  }
0x2c5: {  	[tilespmem:v11+s16+$0x0] =	vst.idx.msk vm0, v3  }
.LBB2_99:
0x2c6: {  	s0 =	sor.u32 $0x60, s31  }
0x2c7: {  	v11 =	vor.u32 s0, v0  }
0x2c8: {  	v11 =	vmulhi.u32 $0x66666667, v11;
	_ =	sdelay $0x1  }
0x2c9: {  	v11 =	vshrl.u32 v11, $0x2;
	_ =	sdelay $0x3  }
0x2ca: {  	s1 =	simm.s32 $0x0  }
0x2cb: {  	v11 =	vld.idx.msk [tilespmem:v11+s1+$0x0], $0xffff;
	_ =	sdelay $0x4  }
0x2cc: {  	vm0 =	veq.s32 v11, $0x0  }
0x2cd: {  	v11 =	vsel vm0, $0x3F800000, v3  }
0x2ce: {  	(xrf0) =	vmax.scan.msk.f32 $0xffff, v11;
	_ =	sdelay $0x5  }
0x2cf: {  	v11, _, _ =	vpop (xrf0)  }
0x2d0: {  	(v2sf) =	vpush v11, $0xF;
	_ =	sdelay $0xe  }
0x2d1: {  	s0 =	spop (v2sf)  }
0x2d2: {  	p1 =	sgt.f32 s0, $0.0e+00  }
.Ltmp55:
0x2d3: {  	_ = 	snop;
	(pc) =	sbr.rel @!p1 .LBB2_103-.Ltmp55, $1  }
0x2d4: {  	_ =	sdelay $0x3  }
0x2d5: {  	v11 =	vmov s1  }
0x2d6: {  	v11 =	vand.u32 $0x3F, v11  }
0x2d7: {  	v11 =	vbroadcast v11, $0x0;
	_ =	sdelay $0x1  }
0x2d8: {  	s1 =	sadd.s32 $0x1, s1;
	v11 =	vor.u32 v9, v11  }
.LBB2_101:
0x2d9: {  	p1 =	sne.s32 s1, $0x3F  }
.Ltmp56:
0x2da: {  	v12 =	vmov s1;
	s1 =	sadd.s32 $0x1, s1;
	(pc) =	sbr.rel @p1 .LBB2_101-.Ltmp56, $4  }
0x2db: {  	v12 =	vand.u32 $0x3F, v12  }
0x2dc: {  	v12 =	vbroadcast v12, $0x0  }
0x2dd: {  	[tilespmem:v11+s16+$0x0] =	vst.idx.msk vm0, v3  }
0x2de: {  	v11 =	vor.u32 v9, v12  }
0x2df: {  	_ =	sdelay $0x4  }
0x2e0: {  	[tilespmem:v11+s16+$0x0] =	vst.idx.msk vm0, v3  }
.LBB2_103:
0x2e1: {  	s0 =	sor.u32 $0x70, s31  }
0x2e2: {  	v11 =	vor.u32 s0, v0  }
0x2e3: {  	v11 =	vmulhi.u32 $0x66666667, v11;
	_ =	sdelay $0x1  }
0x2e4: {  	v11 =	vshrl.u32 v11, $0x2;
	_ =	sdelay $0x3  }
0x2e5: {  	s1 =	simm.s32 $0x0  }
0x2e6: {  	v11 =	vld.idx.msk [tilespmem:v11+s1+$0x0], $0xffff;
	_ =	sdelay $0x4  }
0x2e7: {  	vm0 =	veq.s32 v11, $0x0  }
0x2e8: {  	v11 =	vsel vm0, $0x3F800000, v3  }
0x2e9: {  	(xrf0) =	vmax.scan.msk.f32 $0xffff, v11;
	_ =	sdelay $0x5  }
0x2ea: {  	v11, _, _ =	vpop (xrf0)  }
0x2eb: {  	(v2sf) =	vpush v11, $0xF;
	_ =	sdelay $0xe  }
0x2ec: {  	s0 =	spop (v2sf)  }
0x2ed: {  	p1 =	sgt.f32 s0, $0.0e+00  }
.Ltmp57:
0x2ee: {  	_ = 	snop;
	(pc) =	sbr.rel @!p1 .LBB2_107-.Ltmp57, $1  }
0x2ef: {  	_ =	sdelay $0x3  }
0x2f0: {  	v11 =	vmov s1  }
0x2f1: {  	v11 =	vand.u32 $0x3F, v11  }
0x2f2: {  	v11 =	vbroadcast v11, $0x0;
	_ =	sdelay $0x1  }
0x2f3: {  	s1 =	sadd.s32 $0x1, s1;
	v11 =	vor.u32 v10, v11  }
.LBB2_105:
0x2f4: {  	p1 =	sne.s32 s1, $0x3F  }
.Ltmp58:
0x2f5: {  	v12 =	vmov s1;
	s1 =	sadd.s32 $0x1, s1;
	(pc) =	sbr.rel @p1 .LBB2_105-.Ltmp58, $4  }
0x2f6: {  	v12 =	vand.u32 $0x3F, v12  }
0x2f7: {  	v12 =	vbroadcast v12, $0x0  }
0x2f8: {  	[tilespmem:v11+s16+$0x0] =	vst.idx.msk vm0, v3  }
0x2f9: {  	v11 =	vor.u32 v10, v12  }
0x2fa: {  	_ =	sdelay $0x4  }
0x2fb: {  	[tilespmem:v11+s16+$0x0] =	vst.idx.msk vm0, v3  }
.LBB2_107:
0x2fc: {  	s0 =	sadd.s32 s4, s31  }
0x2fd: {  	s0 =	sshll.u32 s0, $0x3  }
0x2fe: {  	s0 =	sand.u32 $0x1FFFFC00, s0  }
0x2ff: {  	p1 =	sgt.u32 s29, $0x1D;
	s0 =	sadd.s32 s2, s0  }
0x300: {  	[hbm4b:s0+s3] =	stream.linear.scatter [tilespmem:s16], [sflag:$0x7], $0x2000, $0x38;
	[tilespmem:$0xC4D0] =	vst v63  }
0x301: {  	s0 =	simm.s32 @!p1 $0x7  }
0x302: {  	_ =	swait.ge @!p1 [sflag:s0], $0x2000  }
0x303: {  	s1 =	simm.s32 @!p1 $0x80;
	[sflag:s0] =	ssyncset.done @!p1 $0x0  }
0x304: {  	[sflag:s0] =	ssyncadd.s32 @!p1 $0xFFFFE000;
	s0 =	sadd.s32 @!p1 $0x840, s31;
	s31 =	simm.s32 @!p1 $0x84D0  }
0x305: {  	[tilespmem:s31], [sflag:$0x3] =	stream.indirect.gather @!p1 [hbm4b:s5+s1], $0x40, s0, s1, $0xb8;
	[tilespmem:$0xC4D0] =	vst v63  }
.LBB2_108:
0x306: {  	s1 =	sor.u32 $0x3, s30  }
0x307: {  	p1 =	sgt.u32 s1, $0x7C  }
.Ltmp59:
0x308: {  	_ = 	snop;
	(pc) =	sbr.rel @p1 .LBB2_143-.Ltmp59, $1  }
0x309: {  	_ =	sdelay $0x3  }
.Ltmp60:
0x30a: {  	(pc) =	sbr.rel @p0 .LBB2_142-.Ltmp60, $4  }
0x30b: {  	_ = 	snop  }
0x30c: {  	_ =	swait.ge [sflag:s26], $0x2000  }
0x30d: {  	[sflag:s26] =	ssyncset.done $0x0  }
0x30e: {  	s30 =	sshll.u32 s1, $0x7;
	[sflag:s26] =	ssyncadd.s32 $0xFFFFE000  }
0x30f: {  	v11 =	vor.u32 s30, v0  }
0x310: {  	v11 =	vmulhi.u32 $0x66666667, v11;
	_ =	sdelay $0x1  }
0x311: {  	v11 =	vshrl.u32 v11, $0x2;
	_ =	sdelay $0x3  }
0x312: {  	s1 =	simm.s32 $0x0  }
0x313: {  	v11 =	vld.idx.msk [tilespmem:v11+s1+$0x0], $0xffff;
	_ =	sdelay $0x4  }
0x314: {  	vm0 =	veq.s32 v11, $0x0  }
0x315: {  	v11 =	vsel vm0, $0x3F800000, v3  }
0x316: {  	(xrf0) =	vmax.scan.msk.f32 $0xffff, v11;
	_ =	sdelay $0x5  }
0x317: {  	v11, _, _ =	vpop (xrf0)  }
0x318: {  	(v2sf) =	vpush v11, $0xF;
	_ =	sdelay $0xe  }
0x319: {  	s0 =	spop (v2sf)  }
0x31a: {  	p1 =	sgt.f32 s0, $0.0e+00  }
.Ltmp61:
0x31b: {  	_ = 	snop;
	(pc) =	sbr.rel @!p1 .LBB2_114-.Ltmp61, $1  }
0x31c: {  	_ =	sdelay $0x3  }
0x31d: {  	v11 =	vmov s1  }
0x31e: {  	v11 =	vand.u32 $0x3F, v11  }
0x31f: {  	v11 =	vbroadcast v11, $0x0;
	_ =	sdelay $0x1  }
0x320: {  	s1 =	sadd.s32 $0x1, s1;
	v11 =	vor.u32 v1, v11  }
.LBB2_112:
0x321: {  	p1 =	sne.s32 s1, $0x3F  }
.Ltmp62:
0x322: {  	v12 =	vmov s1;
	s1 =	sadd.s32 $0x1, s1;
	(pc) =	sbr.rel @p1 .LBB2_112-.Ltmp62, $4  }
0x323: {  	v12 =	vand.u32 $0x3F, v12  }
0x324: {  	v12 =	vbroadcast v12, $0x0  }
0x325: {  	[tilespmem:v11+s18+$0x0] =	vst.idx.msk vm0, v3  }
0x326: {  	v11 =	vor.u32 v1, v12  }
0x327: {  	_ =	sdelay $0x4  }
0x328: {  	[tilespmem:v11+s18+$0x0] =	vst.idx.msk vm0, v3  }
.LBB2_114:
0x329: {  	s0 =	sor.u32 $0x10, s30  }
0x32a: {  	v11 =	vor.u32 s0, v0  }
0x32b: {  	v11 =	vmulhi.u32 $0x66666667, v11;
	_ =	sdelay $0x1  }
0x32c: {  	v11 =	vshrl.u32 v11, $0x2;
	_ =	sdelay $0x3  }
0x32d: {  	s1 =	simm.s32 $0x0  }
0x32e: {  	v11 =	vld.idx.msk [tilespmem:v11+s1+$0x0], $0xffff;
	_ =	sdelay $0x4  }
0x32f: {  	vm0 =	veq.s32 v11, $0x0  }
0x330: {  	v11 =	vsel vm0, $0x3F800000, v3  }
0x331: {  	(xrf0) =	vmax.scan.msk.f32 $0xffff, v11;
	_ =	sdelay $0x5  }
0x332: {  	v11, _, _ =	vpop (xrf0)  }
0x333: {  	(v2sf) =	vpush v11, $0xF;
	_ =	sdelay $0xe  }
0x334: {  	s31 =	spop (v2sf)  }
0x335: {  	p1 =	sgt.f32 s31, $0.0e+00  }
.Ltmp63:
0x336: {  	_ = 	snop;
	(pc) =	sbr.rel @!p1 .LBB2_118-.Ltmp63, $1  }
0x337: {  	_ =	sdelay $0x3  }
0x338: {  	v11 =	vmov s1  }
0x339: {  	v11 =	vand.u32 $0x3F, v11  }
0x33a: {  	v11 =	vbroadcast v11, $0x0;
	_ =	sdelay $0x1  }
0x33b: {  	s1 =	sadd.s32 $0x1, s1;
	v11 =	vor.u32 v4, v11  }
.LBB2_116:
0x33c: {  	p1 =	sne.s32 s1, $0x3F  }
.Ltmp64:
0x33d: {  	v12 =	vmov s1;
	s1 =	sadd.s32 $0x1, s1;
	(pc) =	sbr.rel @p1 .LBB2_116-.Ltmp64, $4  }
0x33e: {  	v12 =	vand.u32 $0x3F, v12  }
0x33f: {  	v12 =	vbroadcast v12, $0x0  }
0x340: {  	[tilespmem:v11+s18+$0x0] =	vst.idx.msk vm0, v3  }
0x341: {  	v11 =	vor.u32 v4, v12  }
0x342: {  	_ =	sdelay $0x4  }
0x343: {  	[tilespmem:v11+s18+$0x0] =	vst.idx.msk vm0, v3  }
.LBB2_118:
0x344: {  	s0 =	sor.u32 $0x20, s30  }
0x345: {  	v11 =	vor.u32 s0, v0  }
0x346: {  	v11 =	vmulhi.u32 $0x66666667, v11;
	_ =	sdelay $0x1  }
0x347: {  	v11 =	vshrl.u32 v11, $0x2;
	_ =	sdelay $0x3  }
0x348: {  	s1 =	simm.s32 $0x0  }
0x349: {  	v11 =	vld.idx.msk [tilespmem:v11+s1+$0x0], $0xffff;
	_ =	sdelay $0x4  }
0x34a: {  	vm0 =	veq.s32 v11, $0x0  }
0x34b: {  	v11 =	vsel vm0, $0x3F800000, v3  }
0x34c: {  	(xrf0) =	vmax.scan.msk.f32 $0xffff, v11;
	_ =	sdelay $0x5  }
0x34d: {  	v11, _, _ =	vpop (xrf0)  }
0x34e: {  	(v2sf) =	vpush v11, $0xF;
	_ =	sdelay $0xe  }
0x34f: {  	s31 =	spop (v2sf)  }
0x350: {  	p1 =	sgt.f32 s31, $0.0e+00  }
.Ltmp65:
0x351: {  	_ = 	snop;
	(pc) =	sbr.rel @!p1 .LBB2_122-.Ltmp65, $1  }
0x352: {  	_ =	sdelay $0x3  }
0x353: {  	v11 =	vmov s1  }
0x354: {  	v11 =	vand.u32 $0x3F, v11  }
0x355: {  	v11 =	vbroadcast v11, $0x0;
	_ =	sdelay $0x1  }
0x356: {  	s1 =	sadd.s32 $0x1, s1;
	v11 =	vor.u32 v5, v11  }
.LBB2_120:
0x357: {  	p1 =	sne.s32 s1, $0x3F  }
.Ltmp66:
0x358: {  	v12 =	vmov s1;
	s1 =	sadd.s32 $0x1, s1;
	(pc) =	sbr.rel @p1 .LBB2_120-.Ltmp66, $4  }
0x359: {  	v12 =	vand.u32 $0x3F, v12  }
0x35a: {  	v12 =	vbroadcast v12, $0x0  }
0x35b: {  	[tilespmem:v11+s18+$0x0] =	vst.idx.msk vm0, v3  }
0x35c: {  	v11 =	vor.u32 v5, v12  }
0x35d: {  	_ =	sdelay $0x4  }
0x35e: {  	[tilespmem:v11+s18+$0x0] =	vst.idx.msk vm0, v3  }
.LBB2_122:
0x35f: {  	s0 =	sor.u32 $0x30, s30  }
0x360: {  	v11 =	vor.u32 s0, v0  }
0x361: {  	v11 =	vmulhi.u32 $0x66666667, v11;
	_ =	sdelay $0x1  }
0x362: {  	v11 =	vshrl.u32 v11, $0x2;
	_ =	sdelay $0x3  }
0x363: {  	s1 =	simm.s32 $0x0  }
0x364: {  	v11 =	vld.idx.msk [tilespmem:v11+s1+$0x0], $0xffff;
	_ =	sdelay $0x4  }
0x365: {  	vm0 =	veq.s32 v11, $0x0  }
0x366: {  	v11 =	vsel vm0, $0x3F800000, v3  }
0x367: {  	(xrf0) =	vmax.scan.msk.f32 $0xffff, v11;
	_ =	sdelay $0x5  }
0x368: {  	v11, _, _ =	vpop (xrf0)  }
0x369: {  	(v2sf) =	vpush v11, $0xF;
	_ =	sdelay $0xe  }
0x36a: {  	s31 =	spop (v2sf)  }
0x36b: {  	p1 =	sgt.f32 s31, $0.0e+00  }
.Ltmp67:
0x36c: {  	_ = 	snop;
	(pc) =	sbr.rel @!p1 .LBB2_126-.Ltmp67, $1  }
0x36d: {  	_ =	sdelay $0x3  }
0x36e: {  	v11 =	vmov s1  }
0x36f: {  	v11 =	vand.u32 $0x3F, v11  }
0x370: {  	v11 =	vbroadcast v11, $0x0;
	_ =	sdelay $0x1  }
0x371: {  	s1 =	sadd.s32 $0x1, s1;
	v11 =	vor.u32 v6, v11  }
.LBB2_124:
0x372: {  	p1 =	sne.s32 s1, $0x3F  }
.Ltmp68:
0x373: {  	v12 =	vmov s1;
	s1 =	sadd.s32 $0x1, s1;
	(pc) =	sbr.rel @p1 .LBB2_124-.Ltmp68, $4  }
0x374: {  	v12 =	vand.u32 $0x3F, v12  }
0x375: {  	v12 =	vbroadcast v12, $0x0  }
0x376: {  	[tilespmem:v11+s18+$0x0] =	vst.idx.msk vm0, v3  }
0x377: {  	v11 =	vor.u32 v6, v12  }
0x378: {  	_ =	sdelay $0x4  }
0x379: {  	[tilespmem:v11+s18+$0x0] =	vst.idx.msk vm0, v3  }
.LBB2_126:
0x37a: {  	s0 =	sor.u32 $0x40, s30  }
0x37b: {  	v11 =	vor.u32 s0, v0  }
0x37c: {  	v11 =	vmulhi.u32 $0x66666667, v11;
	_ =	sdelay $0x1  }
0x37d: {  	v11 =	vshrl.u32 v11, $0x2;
	_ =	sdelay $0x3  }
0x37e: {  	s1 =	simm.s32 $0x0  }
0x37f: {  	v11 =	vld.idx.msk [tilespmem:v11+s1+$0x0], $0xffff;
	_ =	sdelay $0x4  }
0x380: {  	vm0 =	veq.s32 v11, $0x0  }
0x381: {  	v11 =	vsel vm0, $0x3F800000, v3  }
0x382: {  	(xrf0) =	vmax.scan.msk.f32 $0xffff, v11;
	_ =	sdelay $0x5  }
0x383: {  	v11, _, _ =	vpop (xrf0)  }
0x384: {  	(v2sf) =	vpush v11, $0xF;
	_ =	sdelay $0xe  }
0x385: {  	s31 =	spop (v2sf)  }
0x386: {  	p1 =	sgt.f32 s31, $0.0e+00  }
.Ltmp69:
0x387: {  	_ = 	snop;
	(pc) =	sbr.rel @!p1 .LBB2_130-.Ltmp69, $1  }
0x388: {  	_ =	sdelay $0x3  }
0x389: {  	v11 =	vmov s1  }
0x38a: {  	v11 =	vand.u32 $0x3F, v11  }
0x38b: {  	v11 =	vbroadcast v11, $0x0;
	_ =	sdelay $0x1  }
0x38c: {  	s1 =	sadd.s32 $0x1, s1;
	v11 =	vor.u32 v7, v11  }
.LBB2_128:
0x38d: {  	p1 =	sne.s32 s1, $0x3F  }
.Ltmp70:
0x38e: {  	v12 =	vmov s1;
	s1 =	sadd.s32 $0x1, s1;
	(pc) =	sbr.rel @p1 .LBB2_128-.Ltmp70, $4  }
0x38f: {  	v12 =	vand.u32 $0x3F, v12  }
0x390: {  	v12 =	vbroadcast v12, $0x0  }
0x391: {  	[tilespmem:v11+s18+$0x0] =	vst.idx.msk vm0, v3  }
0x392: {  	v11 =	vor.u32 v7, v12  }
0x393: {  	_ =	sdelay $0x4  }
0x394: {  	[tilespmem:v11+s18+$0x0] =	vst.idx.msk vm0, v3  }
.LBB2_130:
0x395: {  	s0 =	sor.u32 $0x50, s30  }
0x396: {  	v11 =	vor.u32 s0, v0  }
0x397: {  	v11 =	vmulhi.u32 $0x66666667, v11;
	_ =	sdelay $0x1  }
0x398: {  	v11 =	vshrl.u32 v11, $0x2;
	_ =	sdelay $0x3  }
0x399: {  	s1 =	simm.s32 $0x0  }
0x39a: {  	v11 =	vld.idx.msk [tilespmem:v11+s1+$0x0], $0xffff;
	_ =	sdelay $0x4  }
0x39b: {  	vm0 =	veq.s32 v11, $0x0  }
0x39c: {  	v11 =	vsel vm0, $0x3F800000, v3  }
0x39d: {  	(xrf0) =	vmax.scan.msk.f32 $0xffff, v11;
	_ =	sdelay $0x5  }
0x39e: {  	v11, _, _ =	vpop (xrf0)  }
0x39f: {  	(v2sf) =	vpush v11, $0xF;
	_ =	sdelay $0xe  }
0x3a0: {  	s31 =	spop (v2sf)  }
0x3a1: {  	p1 =	sgt.f32 s31, $0.0e+00  }
.Ltmp71:
0x3a2: {  	_ = 	snop;
	(pc) =	sbr.rel @!p1 .LBB2_134-.Ltmp71, $1  }
0x3a3: {  	_ =	sdelay $0x3  }
0x3a4: {  	v11 =	vmov s1  }
0x3a5: {  	v11 =	vand.u32 $0x3F, v11  }
0x3a6: {  	v11 =	vbroadcast v11, $0x0;
	_ =	sdelay $0x1  }
0x3a7: {  	s1 =	sadd.s32 $0x1, s1;
	v11 =	vor.u32 v8, v11  }
.LBB2_132:
0x3a8: {  	p1 =	sne.s32 s1, $0x3F  }
.Ltmp72:
0x3a9: {  	v12 =	vmov s1;
	s1 =	sadd.s32 $0x1, s1;
	(pc) =	sbr.rel @p1 .LBB2_132-.Ltmp72, $4  }
0x3aa: {  	v12 =	vand.u32 $0x3F, v12  }
0x3ab: {  	v12 =	vbroadcast v12, $0x0  }
0x3ac: {  	[tilespmem:v11+s18+$0x0] =	vst.idx.msk vm0, v3  }
0x3ad: {  	v11 =	vor.u32 v8, v12  }
0x3ae: {  	_ =	sdelay $0x4  }
0x3af: {  	[tilespmem:v11+s18+$0x0] =	vst.idx.msk vm0, v3  }
.LBB2_134:
0x3b0: {  	s0 =	sor.u32 $0x60, s30  }
0x3b1: {  	v11 =	vor.u32 s0, v0  }
0x3b2: {  	v11 =	vmulhi.u32 $0x66666667, v11;
	_ =	sdelay $0x1  }
0x3b3: {  	v11 =	vshrl.u32 v11, $0x2;
	_ =	sdelay $0x3  }
0x3b4: {  	s1 =	simm.s32 $0x0  }
0x3b5: {  	v11 =	vld.idx.msk [tilespmem:v11+s1+$0x0], $0xffff;
	_ =	sdelay $0x4  }
0x3b6: {  	vm0 =	veq.s32 v11, $0x0  }
0x3b7: {  	v11 =	vsel vm0, $0x3F800000, v3  }
0x3b8: {  	(xrf0) =	vmax.scan.msk.f32 $0xffff, v11;
	_ =	sdelay $0x5  }
0x3b9: {  	v11, _, _ =	vpop (xrf0)  }
0x3ba: {  	(v2sf) =	vpush v11, $0xF;
	_ =	sdelay $0xe  }
0x3bb: {  	s31 =	spop (v2sf)  }
0x3bc: {  	p1 =	sgt.f32 s31, $0.0e+00  }
.Ltmp73:
0x3bd: {  	_ = 	snop;
	(pc) =	sbr.rel @!p1 .LBB2_138-.Ltmp73, $1  }
0x3be: {  	_ =	sdelay $0x3  }
0x3bf: {  	v11 =	vmov s1  }
0x3c0: {  	v11 =	vand.u32 $0x3F, v11  }
0x3c1: {  	v11 =	vbroadcast v11, $0x0;
	_ =	sdelay $0x1  }
0x3c2: {  	s1 =	sadd.s32 $0x1, s1;
	v11 =	vor.u32 v9, v11  }
.LBB2_136:
0x3c3: {  	p1 =	sne.s32 s1, $0x3F  }
.Ltmp74:
0x3c4: {  	v12 =	vmov s1;
	s1 =	sadd.s32 $0x1, s1;
	(pc) =	sbr.rel @p1 .LBB2_136-.Ltmp74, $4  }
0x3c5: {  	v12 =	vand.u32 $0x3F, v12  }
0x3c6: {  	v12 =	vbroadcast v12, $0x0  }
0x3c7: {  	[tilespmem:v11+s18+$0x0] =	vst.idx.msk vm0, v3  }
0x3c8: {  	v11 =	vor.u32 v9, v12  }
0x3c9: {  	_ =	sdelay $0x4  }
0x3ca: {  	[tilespmem:v11+s18+$0x0] =	vst.idx.msk vm0, v3  }
.LBB2_138:
0x3cb: {  	s0 =	sor.u32 $0x70, s30  }
0x3cc: {  	v11 =	vor.u32 s0, v0  }
0x3cd: {  	v11 =	vmulhi.u32 $0x66666667, v11;
	_ =	sdelay $0x1  }
0x3ce: {  	v11 =	vshrl.u32 v11, $0x2;
	_ =	sdelay $0x3  }
0x3cf: {  	s1 =	simm.s32 $0x0  }
0x3d0: {  	v11 =	vld.idx.msk [tilespmem:v11+s1+$0x0], $0xffff;
	_ =	sdelay $0x4  }
0x3d1: {  	vm0 =	veq.s32 v11, $0x0  }
0x3d2: {  	v11 =	vsel vm0, $0x3F800000, v3  }
0x3d3: {  	(xrf0) =	vmax.scan.msk.f32 $0xffff, v11;
	_ =	sdelay $0x5  }
0x3d4: {  	v11, _, _ =	vpop (xrf0)  }
0x3d5: {  	(v2sf) =	vpush v11, $0xF;
	_ =	sdelay $0xe  }
0x3d6: {  	s31 =	spop (v2sf)  }
0x3d7: {  	p1 =	sgt.f32 s31, $0.0e+00  }
.Ltmp75:
0x3d8: {  	_ = 	snop;
	(pc) =	sbr.rel @!p1 .LBB2_142-.Ltmp75, $1  }
0x3d9: {  	_ =	sdelay $0x3  }
0x3da: {  	v11 =	vmov s1  }
0x3db: {  	v11 =	vand.u32 $0x3F, v11  }
0x3dc: {  	v11 =	vbroadcast v11, $0x0;
	_ =	sdelay $0x1  }
0x3dd: {  	s1 =	sadd.s32 $0x1, s1;
	v11 =	vor.u32 v10, v11  }
.LBB2_140:
0x3de: {  	p1 =	sne.s32 s1, $0x3F  }
.Ltmp76:
0x3df: {  	v12 =	vmov s1;
	s1 =	sadd.s32 $0x1, s1;
	(pc) =	sbr.rel @p1 .LBB2_140-.Ltmp76, $4  }
0x3e0: {  	v12 =	vand.u32 $0x3F, v12  }
0x3e1: {  	v12 =	vbroadcast v12, $0x0  }
0x3e2: {  	[tilespmem:v11+s18+$0x0] =	vst.idx.msk vm0, v3  }
0x3e3: {  	v11 =	vor.u32 v10, v12  }
0x3e4: {  	_ = 	snop  }
.Ltmp77:
0x3e5: {  	_ = 	snop;
	(pc) =	sbr.rel .LBB2_142-.Ltmp77, $2  }
0x3e6: {  	_ =	sdelay $0x2  }
0x3e7: {  	[tilespmem:v11+s18+$0x0] =	vst.idx.msk vm0, v3  }
.LBB2_145:
0x3e8: {  	_ =	sfence.sel $0x180000  }
0x3e9: {  	[bflag:$0x0] =	sbarrier.arrive $0xFFFF  }
0x3ea: {  	_ =	strace $0x9000004A  }
0x3eb: {  	s0 =	stileid.u32;
	[bflag:$0x2] =	sbarrier.arrive $0xFFFF  }
0x3ec: {  	p0 =	sne.s32 s0, $0x0;
	s0 =	rddreg [dreg:$0x3]  }
0x3ed: {  	s0 =	sadd.s32 @!p0 $0x100000, s0  }
0x3ee: {  	[sflag:s0] =	ssyncadd.tile.s32 @!p0 $0x1;
	_ =	shalt  }
.Lfunc_end2:
_tile_overlayer_lowered:
.L_overlay_start_2:
0x3ef: {  	(tag) =	ssettag $0x2  }
0x3f0: {  	s0 =	rddreg [dreg:$0x0];
	s2 =	stileid.u32  }
0x3f1: {  	s1 =	rddreg [dreg:$0x1];
	p0 =	sne.s32 s2, $0x0  }
0x3f2: {  	s3 =	rddreg [dreg:$0x2];
	[bflag:$0x3] =	sbarrier.arrive $0xFFFF;
	s2 =	simm.s32 @!p0 $0x1C09  }
0x3f3: {  	[timem:s3], [sflag:s2] =	dma.local @!p0 [hbm:s0], s1  }
0x3f4: {  	s0 =	simm.s32 @!p0 $0x9  }
0x3f5: {  	_ =	swait.ge @!p0 [sflag:s0], s1  }
0x3f6: {  	s1 =	ssub.s32 @!p0 $0x0, s1;
	[sflag:s0] =	ssyncset.done @!p0 $0x0  }
0x3f7: {  	[sflag:s0] =	ssyncadd.s32 @!p0 s1  }
0x3f8: {  	[bflag:$0x3] =	sbarrier.arrive $0xFFFF  }
0x3f9: {  	_ =	shalt  }

// kernel: sparse-core-data-format-call.cloned.1.call-start
scs
called_computation_lowered:
.L_overlay_start_0:
0x0: {  	s2 =	sld [smem:$0x3FD9]  }
0x1: {  	s3 =	sld [smem:$0x3FFE];
	_ =	sdelay $0x1  }
0x2: {  	s1 =	srdreg.scid  }
0x3: {  	s0 =	sand.u32 $0x1, s1  }
0x4: {  	s15 =	sshll.u32 s0, $0xA;
	s2 =	sadd.s32 s3, s2  }
0x5: {  	s2 =	sadd.s32 s2, s15  }
0x6: {  	[smem:$0x3FC3] =	sst s2  }
0x7: {  	_ = 	snop  }
0x8: {  	s2 =	sld [smem:$0x3FD0];
	_ =	sdelay $0x2  }
0x9: {  	s16 =	simm.s32 $0xA;
	s4 =	simm.s32 $0x10  }
0xa: {  	[smem:s4], [sflag:s16] =	dma.local [hbm:s2], $0x1  }
0xb: {  	_ =	swait.eq [sflag:s16], $0x1  }
0xc: {  	[sflag:s16] =	ssyncset.done $0x0  }
0xd: {  	[sflag:s16] =	ssyncadd.s32 $0xFFFFFFFF  }
0xe: {  	s17 =	sld [smem:$0x11];
	(tm) =	ssettm $0x1  }
0xf: {  	s18 =	sld [smem:$0x3FFB];
	_ =	sdelay $0x3  }
0x10: {  	_ =	strace s18  }
0x11: {  	s3 =	sld [smem:$0x3FFC];
	_ =	sdelay $0x3  }
0x12: {  	_ =	strace s3  }
0x13: {  	s3 =	sld [smem:$0x3FFD];
	_ =	sdelay $0x3  }
0x14: {  	_ =	strace s3  }
0x15: {  	_ =	strace $0x8FFFFFFF  }
0x16: {  	s19 =	sld [smem:$0x3FDB];
	_ =	sdelay $0x1  }
0x17: {  	s20 =	simm.s32 $_scs_section_size  }
0x18: {  	s5 =	simm.s32 $_size__tile_overlayer_lowered;
	s6 =	simm.s32 $_tile_overlayer_lowered  }
0x19: {  	s23 =	simm.s32 $0x1BFF;
	s22 =	sshll.u32 s6, $0x1;
	s3 =	sadd.s32 s20, s19  }
0x1a: {  	s7 =	simm.s32 $0x0;
	s21 =	sshll.u32 s5, $0x1;
	s5 =	sadd.s32 s22, s3  }
0x1b: {  	[timem:s7], [sflag:s23] =	dma.local [hbm:s5], s21  }
0x1c: {  	_ =	swait.ge [sflag:s23], s21  }
0x1d: {  	s4 =	ssub.s32 $0x0, s21;
	[sflag:s23] =	ssyncset.done $0x0  }
0x1e: {  	[sflag:s23] =	ssyncadd.s32 s4;
	_ =	sdelay $0x1  }
0x1f: {  	s24 =	simm.s32 $0x1B8B  }
0x20: {  	_ =	swait.ge [sflag:s24], $0x1  }
0x21: {  	[sflag:s24] =	ssyncset.done $0x0  }
0x22: {  	s26 =	simm.s32 $0x1B8E;
	s25 =	sld [smem:$0x3FFE];
	[sflag:s24] =	ssyncadd.s32 $0xFFFFFFFF  }
0x23: {  	s27 =	simm.s32 $execute0_lowered;
	[smem:$0x3FD2] =	sst s26  }
0x24: {  	s5 =	sshll.u32 s27, $0x1;
	_ =	strace $0x8000004C;
	[dreg:$0x1] =	wrdreg $0xFFFFFFFF  }
0x25: {  	s28 =	simm.s32 $_size_execute0_lowered;
	s3 =	sadd.s32 s3, s5;
	[dreg:$0x0] =	wrdreg $0x0  }
0x26: {  	s5 =	sshll.u32 s28, $0x1;
	[dreg:$0x2] =	wrdreg s3  }
0x27: {  	[dreg:$0x3] =	wrdreg s5  }
0x28: {  	[dreg:$0x4] =	wrdreg $0xC0  }
0x29: {  	_ =	task [dreg:s7], $0x5FFFF  }
0x2a: {  	[dreg:$0x1] =	wrdreg $0xFFFFFFFF  }
0x2b: {  	[dreg:$0x0] =	wrdreg $0x60  }
0x2c: {  	[dreg:$0x2] =	wrdreg s25  }
0x2d: {  	[dreg:$0x3] =	wrdreg s17  }
0x2e: {  	[dreg:$0x4] =	wrdreg $0x9  }
0x2f: {  	_ =	task.clear_ibuf [dreg:s7], $0x5FFFF;
	_ =	strace $0x9000004C  }
0x30: {  	s29 =	simm.s32 $0x9;
	_ =	strace $0x8000004E  }
0x31: {  	_ =	swait.ge [sflag:s29], $0x1  }
0x32: {  	[sflag:s29] =	ssyncadd.s32 $0xFFFFFFFF  }
0x33: {  	_ =	strace $0x9000004E  }
0x34: {  	_ =	sfence  }
0x35: {  	s30 =	sld [smem:$0x0];
	_ =	sdelay $0x2  }
0x36: {  	s31 =	sshll.u32 s1, $0xD;
	s1 =	sshrl.u32 s1, $0x2  }
0x37: {  	s3 =	sand.u32 $0x4000, s31;
	s1 =	sadd.s32 s1, s30  }
0x38: {  	s0 =	sor.u32 s3, s0;
	s1 =	sshll.u32 s1, $0x11  }
0x39: {  	s0 =	sor.u32 s1, s0  }
0x3a: {  	s0 =	sadd.s32 $0x8F2B, s0  }
0x3b: {  	[sflag:s0] =	ssyncadd.remote.s32 $0x1  }
0x3c: {  	_ =	sfence.sel $0xFFFF  }
0x3d: {  	[dreg:$0x0] =	wrdreg $0xFFFFFFFF;
	(pc) =	sbr.abs _section_cstart, $3  }
0x3e: {  	[dreg:$0x1] =	wrdreg $0xFFFFFFFF  }
0x3f: {  	_ =	task.clear_ibuf [dreg:s7], $0x2FFFF;
	_ =	strace $0x9FFFFFFF  }
0x40: {  	(tm) =	ssettm $0x7FFFFFFF  }
0x41: {  	_ =	shalt  }
tec
execute0_lowered:
.L_overlay_start_1:
0x0: {  	(tag) =	ssettag $0x1  }
0x1: {  	s0 =	srdreg.scid  }
0x2: {  	s1 =	sshll.u32 s0, $0x4  }
0x3: {  	s4 =	rddreg [dreg:$0x0];
	s0 =	stileid.u32;
	s1 =	sand.u32 $0x10, s1  }
0x4: {  	s2 =	rddreg [dreg:$0x1];
	s7 =	simm.s32 $0x1;
	s1 =	sor.u32 s0, s1  }
0x5: {  	s8 =	simm.s32 $0x2;
	s11 =	simm.s32 $0x0;
	s3 =	sshll.u32 s1, $0x7  }
0x6: {  	s10 =	simm.s32 $0x0;
	s4 =	sadd.s32 $0x1000, s4;
	s6 =	ssub.s32 $0x7D000, s3  }
.Ltmp0:
0x7: {  	s1 =	rddreg [dreg:$0x2];
	s5 =	sand.u32 $0xF80, s6;
	(pc) =	sbr.rel .LBB1_1-.Ltmp0, $4  }
0x8: {  	_ =	strace $0x8000004D;
	s9 =	smov.u32 s3;
	p0 =	sne.s32 s5, $0x0  }
0x9: {  	s6 =	sshrl.u32 s6, $0xC;
	s5 =	simm.s32 $0x1;
	s7 =	simm.s32 @!p0 $0x0  }
0xa: {  	[sflag:s5] =	ssyncpa.u1 $0x0;
	p0 =	por $0x0, $0x0;
	s6 =	sadd.s32 s7, s6  }
0xb: {  	[sflag:s8] =	ssyncpa.u1 $0x0;
	s8 =	simm.s32 $0x3E8000;
	s7 =	sadd.s32 $0x1, s6  }
.LBB1_4:
0xc: {  	s14 =	sshll.u32 s11, $0x3  }
0xd: {  	s30 =	sand.u32 $0x7F, s11;
	s15 =	sand.u32 $0xFFFFFC00, s14  }
0xe: {  	s11 =	sor.u32 s30, s15  }
0xf: {  	s15 =	smulhi.u32 $0x10624DD3, s11  }
0x10: {  	s14 =	smulhi.u32 $0x10624DD3, s14  }
0x11: {  	s15 =	sshrl.u32 s15, $0xF  }
0x12: {  	s14 =	sshrl.u32 s14, $0xF;
	s15 =	smul.u32 $0x7D000, s15  }
0x13: {  	s14 =	sand.u32 $0x3F, s14  }
0x14: {  	s14 =	smul.u32 $0xFA00, s14;
	s11 =	ssub.s32 s11, s15  }
0x15: {  	[tilespmem:s13+$0x810 ss:$0x81] =	vst.msk $0xffff, v2;
	s15 =	sand.u32 $0x7, s11  }
0x16: {  	[tilespmem:s13+$0x1020 ss:$0x81] =	vst.msk $0xffff, v0;
	s14 =	sadd.s32 s2, s14;
	s11 =	sshrl.u32 s11, $0x3;
	s15 =	sshll.u32 s15, $0x12  }
0x17: {  	[tilespmem:s13+$0x0 ss:$0x81] =	vst.msk $0xffff, v1;
	s11 =	sadd.s32 s11, s14;
	s31 =	sor.u32 $0x400, s15  }
0x18: {  	[hbm4b:s11+s31] =	stream.strided.scatter [tilespmem:s12], [sflag:$0x2], $0x2000, s8, s31, $0x20;
	[tilespmem:$0x8080] =	vst v63  }
.LBB1_5:
0x19: {  	s13 =	sadd.s32 $0x1000, s9  }
0x1a: {  	p2 =	sgt.s32 s13, $0x7CFFF  }
0x1b: {  	s13 =	smov.u32 @p2 s3;
	p2 =	sne.s32 s10, s7  }
.Ltmp1:
0x1c: {  	p1 =	slt.u32 s10, $0x2;
	(pc) =	sbr.rel @!p2 .LBB1_6-.Ltmp1, $4  }
0x1d: {  	s12 =	simm.s32 @!p1 $0x2  }
0x1e: {  	s14 =	sadd.s32 $0x1, s10;
	_ =	swait.ge @!p1 [sflag:s12], $0x2000  }
0x1f: {  	s11 =	smov.u32 s9;
	p0 =	por !p0, !p0;
	[sflag:s12] =	ssyncset.done @!p1 $0x0  }
0x20: {  	s10 =	smov.u32 s14;
	s9 =	smov.u32 s13;
	[sflag:s12] =	ssyncadd.s32 @!p1 $0xFFFFE000  }
.LBB1_1:
0x21: {  	p1 =	sge.u32 s10, s6  }
0x22: {  	s12 =	sand.u32 @!p1 $0x1FFFFFF, s9  }
0x23: {  	s13 =	smulhi.u32 @!p1 $0x20C49BB, s12;
	_ =	sdelay $0x1  }
0x24: {  	s13 =	sshrl.u32 @!p1 s13, $0xC  }
0x25: {  	s13 =	smul.u32 @!p1 $0x7D000, s13;
	_ =	sdelay $0x1  }
0x26: {  	s31 =	sadd.s32 $0xFFFFFFFF, s10;
	s14 =	sxor.u32 @!p1 $0xFFFFFFFF, s10;
	s12 =	ssub.s32 @!p1 s12, s13  }
0x27: {  	s15 =	simm.s32 @!p1 $0x80;
	s14 =	sshll.u32 @!p1 s14, $0xD;
	s12 =	sshll.u32 @!p1 s12, $0x4  }
0x28: {  	s13 =	sand.u32 @!p1 $0x2000, s14;
	s14 =	simm.s32 @!p1 $0x40;
	s12 =	sadd.s32 @!p1 s4, s12  }
0x29: {  	[tilespmem:s13], [sflag:$0x1] =	stream.strided.gather @!p1 [hbm4b:s12+s14], $0x2000, s15, s14, $0x38;
	[tilespmem:$0x8080] =	vst v63  }
0x2a: {  	p1 =	sge.u32 s31, s6  }
.Ltmp2:
0x2b: {  	_ = 	snop;
	(pc) =	sbr.rel @p1 .LBB1_5-.Ltmp2, $1  }
0x2c: {  	_ =	sdelay $0x3  }
0x2d: {  	s12 =	simm.s32 $0x1  }
0x2e: {  	_ =	swait.ge [sflag:s5], $0x2000;
	s12 =	simm.s32 @!p0 $0x0  }
0x2f: {  	[sflag:s5] =	ssyncset.done $0x0;
	s13 =	sshll.u32 s12, $0xD  }
0x30: {  	[sflag:s5] =	ssyncadd.s32 $0xFFFFE000;
	s16 =	sor.u32 $0x20, s13  }
0x31: {  	s12 =	smul.u32 $0x8100, s12;
	v3 =	vld [tilespmem:s16+$0x10]  }
0x32: {  	s30 =	sand.u32 $0x1, s10;
	v2 =	vld [tilespmem:s16+$0xFFFFFFF0]  }
0x33: {  	s13 =	smul.u32 $0x8100, s30;
	s12 =	sshrl.u32 s12, $0x2;
	v0 =	vld [tilespmem:s16+$0x0]  }
0x34: {  	v1 =	vld [tilespmem:s16+$0xFFFFFFE0];
	s14 =	sor.u32 $0x4000, s12  }
0x35: {  	s31 =	sshrl.u32 s13, $0x2;
	s13 =	sadd.s32 $0x0, s14  }
0x36: {  	s15 =	simm.s32 $0x4;
	s16 =	sadd.s32 $0x40, s16;
	s12 =	sor.u32 $0x4000, s31;
	[tilespmem:s13+$0x1830 ss:$0x81] =	vst.msk $0xffff, v3  }
.LBB1_3:
0x37: {  	v3 =	vld [tilespmem:s16+$0x10];
	p1 =	sne.s32 s15, $0x1FC;
	[tilespmem:s13+$0x810 ss:$0x81] =	vst.msk $0xffff, v2;
	s17 =	smov.u32 s15;
	s15 =	sadd.s32 $0x4, s15  }
.Ltmp3:
0x38: {  	v2 =	vld [tilespmem:s16+$0xFFFFFFF0];
	[tilespmem:s13+$0x1020 ss:$0x81] =	vst.msk $0xffff, v0;
	(pc) =	sbr.rel @p1 .LBB1_3-.Ltmp3, $4  }
0x39: {  	v0 =	vld [tilespmem:s16+$0x0];
	[tilespmem:s13+$0x0 ss:$0x81] =	vst.msk $0xffff, v1  }
0x3a: {  	s13 =	sshra.s32 s17, $0x2;
	v1 =	vld [tilespmem:s16+$0xFFFFFFE0]  }
0x3b: {  	s13 =	sadd.s32 s13, s14  }
0x3c: {  	s16 =	sadd.s32 $0x40, s16;
	[tilespmem:s13+$0x1830 ss:$0x81] =	vst.msk $0xffff, v3  }
.Ltmp4:
0x3d: {  	_ = 	snop;
	(pc) =	sbr.rel .LBB1_4-.Ltmp4, $1  }
0x3e: {  	_ =	sdelay $0x3  }
.LBB1_6:
0x3f: {  	_ =	sfence.sel $0x180000  }
0x40: {  	s2 =	simm.s32 $0x1;
	[bflag:$0x0] =	sbarrier.arrive $0xFFFF  }
0x41: {  	s31 =	simm.s32 $0x2;
	[sflag:s2] =	ssyncpa.u1 $0x1  }
0x42: {  	[sflag:s31] =	ssyncpa.u1 $0x1  }
0x43: {  	p0 =	sne.s32 s0, $0x0;
	_ =	strace $0x9000004D  }
0x44: {  	s0 =	sadd.s32 @!p0 $0x100000, s1;
	[bflag:$0x2] =	sbarrier.arrive $0xFFFF  }
0x45: {  	[sflag:s0] =	ssyncadd.tile.s32 @!p0 $0x1;
	_ =	shalt  }
.Lfunc_end1:
_tile_overlayer_lowered:
.L_overlay_start_2:
0x46: {  	(tag) =	ssettag $0x2  }
0x47: {  	s0 =	rddreg [dreg:$0x0];
	s2 =	stileid.u32  }
0x48: {  	s1 =	rddreg [dreg:$0x1];
	p0 =	sne.s32 s2, $0x0  }
0x49: {  	s3 =	rddreg [dreg:$0x2];
	[bflag:$0x3] =	sbarrier.arrive $0xFFFF;
	s2 =	simm.s32 @!p0 $0x1C01  }
0x4a: {  	[timem:s3], [sflag:s2] =	dma.local @!p0 [hbm:s0], s1  }
0x4b: {  	s0 =	simm.s32 @!p0 $0x1  }
0x4c: {  	_ =	swait.ge @!p0 [sflag:s0], s1  }
0x4d: {  	s1 =	ssub.s32 @!p0 $0x0, s1;
	[sflag:s0] =	ssyncset.done @!p0 $0x0  }
0x4e: {  	[sflag:s0] =	ssyncadd.s32 @!p0 s1  }
0x4f: {  	[bflag:$0x3] =	sbarrier.arrive $0xFFFF  }
0x50: {  	_ =	shalt  }

</sc_bundles>
